<compile_context>
chip_gen: v7x
topology: tpu7x:2x2x1
jax: 0.10.2.dev20260603
libtpu: 0.0.44.dev20260713+nightly
codegen_flags: <defaults>
</compile_context>

<pallas_src>
import functools

import jax
import jax.numpy as jnp
from jax import lax
from jax.experimental import pallas as pl
from jax.experimental.pallas import tpu as pltpu
from jax.experimental.pallas import tpu_sc as plsc

D_IN = 128
D_HALF = 64
D_SC = 80
CHUNK = 64
NSLOT = 4
NIDX = 8
NC = 2
NS = 16
NW = NC * NS


def _chunk_sizes(total, step):
    out = [step] * (total // step)
    if total % step:
        out.append(total % step)
    return out


def _sc_aggregate(chunks_per_tile, n_tab, n_pad):
    mesh = plsc.VectorSubcoreMesh(core_axis_name="c", subcore_axis_name="s")
    cw = chunks_per_tile
    assert cw % NIDX == 0 and cw >= 2 * NIDX
    tab_rows = _chunk_sizes(n_tab // NS, CHUNK)
    acc_rows = _chunk_sizes(n_pad // NS, CHUNK)

    scratch = ([pltpu.VMEM((CHUNK,), jnp.int32)] * (2 * NIDX)
               + [pltpu.VMEM((CHUNK, D_SC), jnp.float32)] * NSLOT
               + [pltpu.VMEM_SHARED((n_tab, D_SC), jnp.float32)]
               + [pltpu.VMEM_SHARED((n_pad, D_SC), jnp.float32)]
               + [pltpu.SemaphoreType.DMA] * (NIDX + 2 * NSLOT))

    @functools.partial(
        pl.kernel,
        mesh=mesh,
        compiler_params=pltpu.CompilerParams(use_tc_tiling_on_sc=False),
        out_type=jax.ShapeDtypeStruct((NC, n_pad, D_SC), jnp.float32),
        scratch_types=scratch,
    )
    def sc_agg(x_hbm, src_hbm, dst_hbm, out_hbm, *refs):
        idx_refs = refs[:2 * NIDX]
        bufs = refs[2 * NIDX:2 * NIDX + NSLOT]
        tab_sh = refs[2 * NIDX + NSLOT]
        acc_sh = refs[2 * NIDX + NSLOT + 1]
        isems = refs[2 * NIDX + NSLOT + 2:2 * NIDX + NSLOT + 2 + NIDX]
        gsems = refs[2 * NIDX + NSLOT + 2 + NIDX:
                     2 * NIDX + NSLOT + 2 + NIDX + NSLOT]
        ssems = refs[2 * NIDX + NSLOT + 2 + NIDX + NSLOT:]
        c = lax.axis_index("c")
        s = lax.axis_index("s")
        row0 = s * cw

        def init_row(i, carry):
            for j in range(D_SC // 16):
                bufs[0][i, pl.ds(j * 16, 16)] = jnp.zeros((16,), jnp.float32)
            bufs[1][i, pl.ds(D_HALF, D_SC - D_HALF)] = jnp.ones(
                (D_SC - D_HALF,), jnp.float32)
            return carry

        lax.fori_loop(0, CHUNK, init_row, 0)
        r0 = s * (n_pad // NS)
        for sz in acc_rows:
            pltpu.sync_copy(bufs[0].at[pl.ds(0, sz)],
                            acc_sh.at[pl.ds(r0, sz)])
            r0 += sz
        r0 = s * (n_tab // NS)
        for sz in tab_rows:
            pltpu.sync_copy(
                x_hbm.at[pl.ds(r0, sz), pl.ds(c * D_HALF, D_HALF)],
                bufs[1].at[pl.ds(0, sz), pl.ds(0, D_HALF)])
            pltpu.sync_copy(bufs[1].at[pl.ds(0, sz)],
                            tab_sh.at[pl.ds(r0, sz)])
            r0 += sz
        plsc.subcore_barrier()

        def idx_start(j, q):
            base = (row0 + j) * CHUNK
            pltpu.make_async_copy(src_hbm.at[pl.ds(base, CHUNK)],
                                  idx_refs[2 * q], isems[q]).start()
            pltpu.make_async_copy(dst_hbm.at[pl.ds(base, CHUNK)],
                                  idx_refs[2 * q + 1], isems[q]).start()

        def idx_wait(j, q):
            base = (row0 + j) * CHUNK
            pltpu.make_async_copy(src_hbm.at[pl.ds(base, CHUNK)],
                                  idx_refs[2 * q], isems[q]).wait()
            pltpu.make_async_copy(dst_hbm.at[pl.ds(base, CHUNK)],
                                  idx_refs[2 * q + 1], isems[q]).wait()

        def gather_start(k, q):
            pltpu.make_async_copy(tab_sh.at[idx_refs[2 * q]], bufs[k],
                                  gsems[k]).start()

        def gather_wait(k, q):
            pltpu.make_async_copy(tab_sh.at[idx_refs[2 * q]], bufs[k],
                                  gsems[k]).wait()

        def scatter_start(k, q):
            pltpu.async_copy(bufs[k], acc_sh.at[idx_refs[2 * q + 1]],
                             ssems[k], add=True)

        def scatter_wait(k, q):
            pltpu.make_async_copy(bufs[k], acc_sh.at[idx_refs[2 * q + 1]],
                                  ssems[k]).wait()

        def step(j, t, first):
            k, q = t % NSLOT, t % NIDX
            kn, qn = (t + 1) % NSLOT, (t + 1) % NIDX
            tf = t + 1 - NSLOT
            if not first or tf >= 0:
                scatter_wait((tf) % NSLOT, (tf) % NIDX)
            idx_start(j + 1 - NSLOT + NIDX, (tf) % NIDX)
            idx_wait(j + 1, qn)
            gather_start(kn, qn)
            gather_wait(k, q)
            scatter_start(k, q)

        for m in range(NIDX - NSLOT + 1):
            idx_start(m, m)
        idx_wait(0, 0)
        gather_start(0, 0)
        for t in range(NIDX):
            step(t, t, first=True)

        def body(i, carry):
            for t in range(NIDX):
                step(NIDX * i + t, t, first=False)
            return carry

        lax.fori_loop(1, cw // NIDX, body, 0)

        for j in range(cw - NSLOT + 1, cw):
            scatter_wait(j % NSLOT, j % NIDX)
        gather_wait(cw % NSLOT, cw % NIDX)
        for j in range(cw + 1, cw + 1 + NIDX - NSLOT):
            idx_wait(j, j % NIDX)
        plsc.subcore_barrier()

        r0 = s * (n_pad // NS)
        for sz in acc_rows:
            pltpu.sync_copy(acc_sh.at[pl.ds(r0, sz)],
                            bufs[0].at[pl.ds(0, sz)])
            pltpu.sync_copy(bufs[0].at[pl.ds(0, sz)],
                            out_hbm.at[c, pl.ds(r0, sz)])
            r0 += sz

    return sc_agg


def _tc_combine(x, agg2, W, b, n_nodes):
    blk = 2000

    def body(x_ref, a_ref, w_ref, b_ref, o_ref):
        s0 = a_ref[0]
        s1 = a_ref[1]
        cnt = s0[:, D_HALF:D_HALF + 1]
        ssum = jnp.concatenate([s0[:, :D_HALF], s1[:, :D_HALF]], axis=1)
        agg = ssum / (cnt + 1e-8)
        h = x_ref[...] + agg
        o_ref[...] = lax.dot_general(
            h, w_ref[...], (((1,), (1,)), ((), ())),
            preferred_element_type=jnp.float32) + b_ref[...]

    return pl.pallas_call(
        body,
        grid=(n_nodes // blk,),
        in_specs=[
            pl.BlockSpec((blk, D_IN), lambda i: (i, 0)),
            pl.BlockSpec((NC, blk, D_SC), lambda i: (0, i, 0)),
            pl.BlockSpec((D_IN, D_IN), lambda i: (0, 0)),
            pl.BlockSpec((1, D_IN), lambda i: (0, 0)),
        ],
        out_specs=pl.BlockSpec((blk, D_IN), lambda i: (i, 0)),
        out_shape=jax.ShapeDtypeStruct((n_nodes, D_IN), jnp.float32),
    )(x, agg2, W, b.reshape(1, D_IN))


def kernel(x, edge_index, W, b):
    n = x.shape[0]
    e = edge_index.shape[1]
    grain = NS * CHUNK * NIDX
    e_pad = ((e + grain - 1) // grain) * grain
    chunks_per_tile = e_pad // (NS * CHUNK)
    n_pad = ((n + NS - 1) // NS + 1) * NS

    src = edge_index[0].astype(jnp.int32)
    dst = edge_index[1].astype(jnp.int32)
    pad = e_pad - e
    if pad:
        fill = jnp.arange(pad, dtype=jnp.int32)
        src = jnp.concatenate([src, fill % n])
        dst = jnp.concatenate([dst, n + fill % (n_pad - n)])
    over = jnp.zeros((NIDX * CHUNK,), jnp.int32)
    src = jnp.concatenate([src, over])
    dst = jnp.concatenate([dst, over])

    agg2 = _sc_aggregate(chunks_per_tile, n, n_pad)(x, src, dst)
    return _tc_combine(x, agg2, W, b, n)

# --- scband reference (transcript-rebuilt; emitter-appended) ---
"""Pipeline reference for scband-fallback-gatconv-73186242723982 (READ-ONLY COPY).

The authoritative reference and input builder live on the scoring server;
editing this copy changes nothing except your own understanding.
"""

import jax, jax.numpy as jnp
import numpy as np

N_NODES = 10000
N_EDGES = 320000
D_IN = 128
D_OUT = 128
HEADS = 1


def setup_inputs(seed: int = 0) -> dict:
    key = jax.random.key(seed)
    k1, k2, k3, k4 = jax.random.split(key, 4)
    x = jax.random.normal(k1, (N_NODES, D_IN), dtype=jnp.float32)
    edge_index = jax.random.randint(k2, (2, N_EDGES), 0, N_NODES, dtype=jnp.int64)
    # nn.Linear(in_channels, out_channels*heads): weight [out, in], bias [out]
    bound = 1.0 / np.sqrt(D_IN)
    W = jax.random.uniform(k3, (D_OUT * HEADS, D_IN), dtype=jnp.float32, minval=-bound, maxval=bound)
    b = jax.random.uniform(k4, (D_OUT * HEADS,), dtype=jnp.float32, minval=-bound, maxval=bound)
    return {"x": x, "edge_index": edge_index, "W": W, "b": b}


def reference(x, edge_index, W, b):
    N = x.shape[0]
    src = edge_index[0]
    dst = edge_index[1]
    # mean aggregation of neighbor features via scatter-add
    agg = jnp.zeros((N, x.shape[1]), dtype=x.dtype).at[dst].add(x[src])
    count = jnp.zeros((N, 1), dtype=x.dtype).at[dst].add(jnp.ones((dst.shape[0], 1), dtype=x.dtype))
    agg = agg / (count + 1e-08)
    out = (x + agg) @ W.T + b
    return out.reshape(N, HEADS * D_OUT)

if __name__ == "__main__":
    import jax
    _d = setup_inputs()
    print(jax.jit(kernel)(*tuple(_d.values())))

</pallas_src>

<mosaic_0001>
#map = affine_map<(d0, d1) -> (0, 0)>
#map1 = affine_map<(d0, d1) -> (0)>
#map2 = affine_map<(d0, d1) -> (0, 0, 0)>
module attributes {stable_mosaic.version = 14 : i64} {
  func.func @sc_agg(%arg0: i32, %arg1: i32, %arg2: memref<10000x128xf32, #tpu.memory_space<hbm>>, %arg3: memref<328192xi32, #tpu.memory_space<hbm>>, %arg4: memref<328192xi32, #tpu.memory_space<hbm>>, %arg5: memref<2x10016x80xf32, #tpu.memory_space<hbm>>, %arg6: memref<64xi32, #tpu.memory_space<vmem>>, %arg7: memref<64xi32, #tpu.memory_space<vmem>>, %arg8: memref<64xi32, #tpu.memory_space<vmem>>, %arg9: memref<64xi32, #tpu.memory_space<vmem>>, %arg10: memref<64xi32, #tpu.memory_space<vmem>>, %arg11: memref<64xi32, #tpu.memory_space<vmem>>, %arg12: memref<64xi32, #tpu.memory_space<vmem>>, %arg13: memref<64xi32, #tpu.memory_space<vmem>>, %arg14: memref<64xi32, #tpu.memory_space<vmem>>, %arg15: memref<64xi32, #tpu.memory_space<vmem>>, %arg16: memref<64xi32, #tpu.memory_space<vmem>>, %arg17: memref<64xi32, #tpu.memory_space<vmem>>, %arg18: memref<64xi32, #tpu.memory_space<vmem>>, %arg19: memref<64xi32, #tpu.memory_space<vmem>>, %arg20: memref<64xi32, #tpu.memory_space<vmem>>, %arg21: memref<64xi32, #tpu.memory_space<vmem>>, %arg22: memref<64x80xf32, #tpu.memory_space<vmem>>, %arg23: memref<64x80xf32, #tpu.memory_space<vmem>>, %arg24: memref<64x80xf32, #tpu.memory_space<vmem>>, %arg25: memref<64x80xf32, #tpu.memory_space<vmem>>, %arg26: memref<10000x80xf32, #tpu.memory_space<vmem_shared>>, %arg27: memref<10016x80xf32, #tpu.memory_space<vmem_shared>>, %arg28: memref<!tpu.dma_semaphore, #tpu.memory_space<semaphore_mem>>, %arg29: memref<!tpu.dma_semaphore, #tpu.memory_space<semaphore_mem>>, %arg30: memref<!tpu.dma_semaphore, #tpu.memory_space<semaphore_mem>>, %arg31: memref<!tpu.dma_semaphore, #tpu.memory_space<semaphore_mem>>, %arg32: memref<!tpu.dma_semaphore, #tpu.memory_space<semaphore_mem>>, %arg33: memref<!tpu.dma_semaphore, #tpu.memory_space<semaphore_mem>>, %arg34: memref<!tpu.dma_semaphore, #tpu.memory_space<semaphore_mem>>, %arg35: memref<!tpu.dma_semaphore, #tpu.memory_space<semaphore_mem>>, %arg36: memref<!tpu.dma_semaphore, #tpu.memory_space<semaphore_mem>>, %arg37: memref<!tpu.dma_semaphore, #tpu.memory_space<semaphore_mem>>, %arg38: memref<!tpu.dma_semaphore, #tpu.memory_space<semaphore_mem>>, %arg39: memref<!tpu.dma_semaphore, #tpu.memory_space<semaphore_mem>>, %arg40: memref<!tpu.dma_semaphore, #tpu.memory_space<semaphore_mem>>, %arg41: memref<!tpu.dma_semaphore, #tpu.memory_space<semaphore_mem>>, %arg42: memref<!tpu.dma_semaphore, #tpu.memory_space<semaphore_mem>>, %arg43: memref<!tpu.dma_semaphore, #tpu.memory_space<semaphore_mem>>) attributes {dimension_semantics = [#tpu.dimension_semantics<core_parallel>, #tpu.dimension_semantics<subcore_parallel>], iteration_bounds = array<i64: 2, 16>, scalar_prefetch = 0 : i64, scratch_operands = 38 : i64, tpu.core_type = #tpu.core_type<sc_vector_subcore>, window_params = [{transform_indices = #map}, {transform_indices = #map1}, {transform_indices = #map1}, {transform_indices = #map2}]} {
    %mul3A = arith.constant 320 : i32
    %mul3A_0 = arith.muli %arg1, %mul3A : i32
    %scan3A = arith.constant 0 : i32
    %scan3A_1 = arith.constant 0 : i32
    %scan3A_2 = arith.constant 64 : i32
    %scan3A_3 = arith.addi %scan3A_1, %scan3A_2 : i32
    %scan3A_4 = arith.constant 1 : i32
    scf.for %scan3A_406 = %scan3A_1 to %scan3A_3 step %scan3A_4  : i32 {
      %broadcast_in_dim3A = arith.constant 0.000000e+00 : f32
      %broadcast_in_dim3A_407 = vector.broadcast %broadcast_in_dim3A : f32 to vector<16xf32>
      %swap3A = arith.index_cast %scan3A_406 : i32 to index
      %swap3A_408 = arith.constant 0 : index
      %swap3A_409 = tpu.vector_load %arg22[%swap3A, %swap3A_408] {strides = array<i32>} : memref<64x80xf32, #tpu.memory_space<vmem>>, vector<1x16xf32>,
      %swap3A_410 = vector.shape_cast %swap3A_409 : vector<1x16xf32> to vector<16xf32>
      %swap3A_411 = vector.shape_cast %broadcast_in_dim3A_407 : vector<16xf32> to vector<1x16xf32>
      tpu.vector_store %arg22[%swap3A, %swap3A_408], %swap3A_411 {strides = array<i32>} : memref<64x80xf32, #tpu.memory_space<vmem>>, vector<1x16xf32>,
      %broadcast_in_dim3A_412 = arith.constant 0.000000e+00 : f32
      %broadcast_in_dim3A_413 = vector.broadcast %broadcast_in_dim3A_412 : f32 to vector<16xf32>
      %swap3A_414 = arith.index_cast %scan3A_406 : i32 to index
      %swap3A_415 = arith.constant 16 : index
      %swap3A_416 = tpu.vector_load %arg22[%swap3A_414, %swap3A_415] {strides = array<i32>} : memref<64x80xf32, #tpu.memory_space<vmem>>, vector<1x16xf32>,
      %swap3A_417 = vector.shape_cast %swap3A_416 : vector<1x16xf32> to vector<16xf32>
      %swap3A_418 = vector.shape_cast %broadcast_in_dim3A_413 : vector<16xf32> to vector<1x16xf32>
      tpu.vector_store %arg22[%swap3A_414, %swap3A_415], %swap3A_418 {strides = array<i32>} : memref<64x80xf32, #tpu.memory_space<vmem>>, vector<1x16xf32>,
      %broadcast_in_dim3A_419 = arith.constant 0.000000e+00 : f32
      %broadcast_in_dim3A_420 = vector.broadcast %broadcast_in_dim3A_419 : f32 to vector<16xf32>
      %swap3A_421 = arith.index_cast %scan3A_406 : i32 to index
      %swap3A_422 = arith.constant 32 : index
      %swap3A_423 = tpu.vector_load %arg22[%swap3A_421, %swap3A_422] {strides = array<i32>} : memref<64x80xf32, #tpu.memory_space<vmem>>, vector<1x16xf32>,
      %swap3A_424 = vector.shape_cast %swap3A_423 : vector<1x16xf32> to vector<16xf32>
      %swap3A_425 = vector.shape_cast %broadcast_in_dim3A_420 : vector<16xf32> to vector<1x16xf32>
      tpu.vector_store %arg22[%swap3A_421, %swap3A_422], %swap3A_425 {strides = array<i32>} : memref<64x80xf32, #tpu.memory_space<vmem>>, vector<1x16xf32>,
      %broadcast_in_dim3A_426 = arith.constant 0.000000e+00 : f32
      %broadcast_in_dim3A_427 = vector.broadcast %broadcast_in_dim3A_426 : f32 to vector<16xf32>
      %swap3A_428 = arith.index_cast %scan3A_406 : i32 to index
      %swap3A_429 = arith.constant 48 : index
      %swap3A_430 = tpu.vector_load %arg22[%swap3A_428, %swap3A_429] {strides = array<i32>} : memref<64x80xf32, #tpu.memory_space<vmem>>, vector<1x16xf32>,
      %swap3A_431 = vector.shape_cast %swap3A_430 : vector<1x16xf32> to vector<16xf32>
      %swap3A_432 = vector.shape_cast %broadcast_in_dim3A_427 : vector<16xf32> to vector<1x16xf32>
      tpu.vector_store %arg22[%swap3A_428, %swap3A_429], %swap3A_432 {strides = array<i32>} : memref<64x80xf32, #tpu.memory_space<vmem>>, vector<1x16xf32>,
      %broadcast_in_dim3A_433 = arith.constant 0.000000e+00 : f32
      %broadcast_in_dim3A_434 = vector.broadcast %broadcast_in_dim3A_433 : f32 to vector<16xf32>
      %swap3A_435 = arith.index_cast %scan3A_406 : i32 to index
      %swap3A_436 = arith.constant 64 : index
      %swap3A_437 = tpu.vector_load %arg22[%swap3A_435, %swap3A_436] {strides = array<i32>} : memref<64x80xf32, #tpu.memory_space<vmem>>, vector<1x16xf32>,
      %swap3A_438 = vector.shape_cast %swap3A_437 : vector<1x16xf32> to vector<16xf32>
      %swap3A_439 = vector.shape_cast %broadcast_in_dim3A_434 : vector<16xf32> to vector<1x16xf32>
      tpu.vector_store %arg22[%swap3A_435, %swap3A_436], %swap3A_439 {strides = array<i32>} : memref<64x80xf32, #tpu.memory_space<vmem>>, vector<1x16xf32>,
      %broadcast_in_dim3A_440 = arith.constant 1.000000e+00 : f32
      %broadcast_in_dim3A_441 = vector.broadcast %broadcast_in_dim3A_440 : f32 to vector<16xf32>
      %swap3A_442 = arith.index_cast %scan3A_406 : i32 to index
      %swap3A_443 = arith.constant 64 : index
      %swap3A_444 = tpu.vector_load %arg23[%swap3A_442, %swap3A_443] {strides = array<i32>} : memref<64x80xf32, #tpu.memory_space<vmem>>, vector<1x16xf32>,
      %swap3A_445 = vector.shape_cast %swap3A_444 : vector<1x16xf32> to vector<16xf32>
      %swap3A_446 = vector.shape_cast %broadcast_in_dim3A_441 : vector<16xf32> to vector<1x16xf32>
      tpu.vector_store %arg23[%swap3A_442, %swap3A_443], %swap3A_446 {strides = array<i32>} : memref<64x80xf32, #tpu.memory_space<vmem>>, vector<1x16xf32>,
    }
    %scan3A_5 = arith.constant 64 : i32
    %mul3A_6 = arith.constant 626 : i32
    %mul3A_7 = arith.muli %arg1, %mul3A_6 : i32
    "tpu.region"() ({
      %run_scoped3A = tpu.sem_alloc : memref<!tpu.dma_semaphore, #tpu.memory_space<semaphore_mem>>
      %dma_start3A_406 = arith.constant 0 : i32
      %dma_start3A_407 = arith.constant 0 : i32
      %dma_start3A_408 = tpu.memref_slice %arg22[%dma_start3A_406, %dma_start3A_407] : memref<64x80xf32, #tpu.memory_space<vmem>> -> memref<64x80xf32, #tpu.memory_space<vmem>>
      %dma_start3A_409 = arith.constant 0 : i32
      %dma_start3A_410 = tpu.memref_slice %arg27[%mul3A_7, %dma_start3A_409] : memref<10016x80xf32, #tpu.memory_space<vmem_shared>> -> memref<64x80xf32, #tpu.memory_space<vmem_shared>>
      %dma_start3A_411 = arith.constant 0 : i32
      %dma_start3A_412 = tpu.memref_slice %arg27[%mul3A_7, %dma_start3A_411] : memref<10016x80xf32, #tpu.memory_space<vmem_shared>> -> memref<64x80xf32, #tpu.memory_space<vmem_shared>>
      %dma_start3A_413 = arith.constant 0 : i32
      %dma_start3A_414 = arith.constant 0 : i32
      %dma_start3A_415 = tpu.memref_slice %arg22[%dma_start3A_413, %dma_start3A_414] : memref<64x80xf32, #tpu.memory_space<vmem>> -> memref<64x80xf32, #tpu.memory_space<vmem>>
      tpu.enqueue_dma source(%dma_start3A_415 : memref<64x80xf32, #tpu.memory_space<vmem>>) target(%dma_start3A_412 : memref<64x80xf32, #tpu.memory_space<vmem_shared>>) target_semaphore(%run_scoped3A : memref<!tpu.dma_semaphore, #tpu.memory_space<semaphore_mem>>)
      %dma_wait3A_416 = arith.constant 0 : i32
      %dma_wait3A_417 = arith.constant 0 : i32
      %dma_wait3A_418 = tpu.memref_slice %arg22[%dma_wait3A_416, %dma_wait3A_417] : memref<64x80xf32, #tpu.memory_space<vmem>> -> memref<64x80xf32, #tpu.memory_space<vmem>>
      %dma_wait3A_419 = arith.constant 0 : i32
      %dma_wait3A_420 = tpu.memref_slice %arg27[%mul3A_7, %dma_wait3A_419] : memref<10016x80xf32, #tpu.memory_space<vmem_shared>> -> memref<64x80xf32, #tpu.memory_space<vmem_shared>>
      %dma_wait3A_421 = arith.constant 0 : i32
      %dma_wait3A_422 = tpu.memref_slice %arg27[%mul3A_7, %dma_wait3A_421] : memref<10016x80xf32, #tpu.memory_space<vmem_shared>> -> memref<64x80xf32, #tpu.memory_space<vmem_shared>>
      %dma_wait3A_423 = arith.constant 0 : i32
      %dma_wait3A_424 = arith.constant 0 : i32
      %dma_wait3A_425 = tpu.memref_slice %arg22[%dma_wait3A_423, %dma_wait3A_424] : memref<64x80xf32, #tpu.memory_space<vmem>> -> memref<64x80xf32, #tpu.memory_space<vmem>>
      tpu.wait_dma2 semaphore(%run_scoped3A : memref<!tpu.dma_semaphore, #tpu.memory_space<semaphore_mem>>) src(%dma_wait3A_425 : memref<64x80xf32, #tpu.memory_space<vmem>>) dst(%dma_wait3A_422 : memref<64x80xf32, #tpu.memory_space<vmem_shared>>)
      tpu.yield
    }) : () -> ()
    %add3A = arith.constant 64 : i32
    %add3A_8 = arith.addi %mul3A_7, %add3A : i32
    "tpu.region"() ({
      %run_scoped3A = tpu.sem_alloc : memref<!tpu.dma_semaphore, #tpu.memory_space<semaphore_mem>>
      %dma_start3A_406 = arith.constant 0 : i32
      %dma_start3A_407 = arith.constant 0 : i32
      %dma_start3A_408 = tpu.memref_slice %arg22[%dma_start3A_406, %dma_start3A_407] : memref<64x80xf32, #tpu.memory_space<vmem>> -> memref<64x80xf32, #tpu.memory_space<vmem>>
      %dma_start3A_409 = arith.constant 0 : i32
      %dma_start3A_410 = tpu.memref_slice %arg27[%add3A_8, %dma_start3A_409] : memref<10016x80xf32, #tpu.memory_space<vmem_shared>> -> memref<64x80xf32, #tpu.memory_space<vmem_shared>>
      %dma_start3A_411 = arith.constant 0 : i32
      %dma_start3A_412 = tpu.memref_slice %arg27[%add3A_8, %dma_start3A_411] : memref<10016x80xf32, #tpu.memory_space<vmem_shared>> -> memref<64x80xf32, #tpu.memory_space<vmem_shared>>
      %dma_start3A_413 = arith.constant 0 : i32
      %dma_start3A_414 = arith.constant 0 : i32
      %dma_start3A_415 = tpu.memref_slice %arg22[%dma_start3A_413, %dma_start3A_414] : memref<64x80xf32, #tpu.memory_space<vmem>> -> memref<64x80xf32, #tpu.memory_space<vmem>>
      tpu.enqueue_dma source(%dma_start3A_415 : memref<64x80xf32, #tpu.memory_space<vmem>>) target(%dma_start3A_412 : memref<64x80xf32, #tpu.memory_space<vmem_shared>>) target_semaphore(%run_scoped3A : memref<!tpu.dma_semaphore, #tpu.memory_space<semaphore_mem>>)
      %dma_wait3A_416 = arith.constant 0 : i32
      %dma_wait3A_417 = arith.constant 0 : i32
      %dma_wait3A_418 = tpu.memref_slice %arg22[%dma_wait3A_416, %dma_wait3A_417] : memref<64x80xf32, #tpu.memory_space<vmem>> -> memref<64x80xf32, #tpu.memory_space<vmem>>
      %dma_wait3A_419 = arith.constant 0 : i32
      %dma_wait3A_420 = tpu.memref_slice %arg27[%add3A_8, %dma_wait3A_419] : memref<10016x80xf32, #tpu.memory_space<vmem_shared>> -> memref<64x80xf32, #tpu.memory_space<vmem_shared>>
      %dma_wait3A_421 = arith.constant 0 : i32
      %dma_wait3A_422 = tpu.memref_slice %arg27[%add3A_8, %dma_wait3A_421] : memref<10016x80xf32, #tpu.memory_space<vmem_shared>> -> memref<64x80xf32, #tpu.memory_space<vmem_shared>>
      %dma_wait3A_423 = arith.constant 0 : i32
      %dma_wait3A_424 = arith.constant 0 : i32
      %dma_wait3A_425 = tpu.memref_slice %arg22[%dma_wait3A_423, %dma_wait3A_424] : memref<64x80xf32, #tpu.memory_space<vmem>> -> memref<64x80xf32, #tpu.memory_space<vmem>>
      tpu.wait_dma2 semaphore(%run_scoped3A : memref<!tpu.dma_semaphore, #tpu.memory_space<semaphore_mem>>) src(%dma_wait3A_425 : memref<64x80xf32, #tpu.memory_space<vmem>>) dst(%dma_wait3A_422 : memref<64x80xf32, #tpu.memory_space<vmem_shared>>)
      tpu.yield
    }) : () -> ()
    %add3A_9 = arith.constant 64 : i32
    %add3A_10 = arith.addi %add3A_8, %add3A_9 : i32
    "tpu.region"() ({
      %run_scoped3A = tpu.sem_alloc : memref<!tpu.dma_semaphore, #tpu.memory_space<semaphore_mem>>
      %dma_start3A_406 = arith.constant 0 : i32
      %dma_start3A_407 = arith.constant 0 : i32
      %dma_start3A_408 = tpu.memref_slice %arg22[%dma_start3A_406, %dma_start3A_407] : memref<64x80xf32, #tpu.memory_space<vmem>> -> memref<64x80xf32, #tpu.memory_space<vmem>>
      %dma_start3A_409 = arith.constant 0 : i32
      %dma_start3A_410 = tpu.memref_slice %arg27[%add3A_10, %dma_start3A_409] : memref<10016x80xf32, #tpu.memory_space<vmem_shared>> -> memref<64x80xf32, #tpu.memory_space<vmem_shared>>
      %dma_start3A_411 = arith.constant 0 : i32
      %dma_start3A_412 = tpu.memref_slice %arg27[%add3A_10, %dma_start3A_411] : memref<10016x80xf32, #tpu.memory_space<vmem_shared>> -> memref<64x80xf32, #tpu.memory_space<vmem_shared>>
      %dma_start3A_413 = arith.constant 0 : i32
      %dma_start3A_414 = arith.constant 0 : i32
      %dma_start3A_415 = tpu.memref_slice %arg22[%dma_start3A_413, %dma_start3A_414] : memref<64x80xf32, #tpu.memory_space<vmem>> -> memref<64x80xf32, #tpu.memory_space<vmem>>
      tpu.enqueue_dma source(%dma_start3A_415 : memref<64x80xf32, #tpu.memory_space<vmem>>) target(%dma_start3A_412 : memref<64x80xf32, #tpu.memory_space<vmem_shared>>) target_semaphore(%run_scoped3A : memref<!tpu.dma_semaphore, #tpu.memory_space<semaphore_mem>>)
      %dma_wait3A_416 = arith.constant 0 : i32
      %dma_wait3A_417 = arith.constant 0 : i32
      %dma_wait3A_418 = tpu.memref_slice %arg22[%dma_wait3A_416, %dma_wait3A_417] : memref<64x80xf32, #tpu.memory_space<vmem>> -> memref<64x80xf32, #tpu.memory_space<vmem>>
      %dma_wait3A_419 = arith.constant 0 : i32
      %dma_wait3A_420 = tpu.memref_slice %arg27[%add3A_10, %dma_wait3A_419] : memref<10016x80xf32, #tpu.memory_space<vmem_shared>> -> memref<64x80xf32, #tpu.memory_space<vmem_shared>>
      %dma_wait3A_421 = arith.constant 0 : i32
      %dma_wait3A_422 = tpu.memref_slice %arg27[%add3A_10, %dma_wait3A_421] : memref<10016x80xf32, #tpu.memory_space<vmem_shared>> -> memref<64x80xf32, #tpu.memory_space<vmem_shared>>
      %dma_wait3A_423 = arith.constant 0 : i32
      %dma_wait3A_424 = arith.constant 0 : i32
      %dma_wait3A_425 = tpu.memref_slice %arg22[%dma_wait3A_423, %dma_wait3A_424] : memref<64x80xf32, #tpu.memory_space<vmem>> -> memref<64x80xf32, #tpu.memory_space<vmem>>
      tpu.wait_dma2 semaphore(%run_scoped3A : memref<!tpu.dma_semaphore, #tpu.memory_space<semaphore_mem>>) src(%dma_wait3A_425 : memref<64x80xf32, #tpu.memory_space<vmem>>) dst(%dma_wait3A_422 : memref<64x80xf32, #tpu.memory_space<vmem_shared>>)
      tpu.yield
    }) : () -> ()
    %add3A_11 = arith.constant 64 : i32
    %add3A_12 = arith.addi %add3A_10, %add3A_11 : i32
    "tpu.region"() ({
      %run_scoped3A = tpu.sem_alloc : memref<!tpu.dma_semaphore, #tpu.memory_space<semaphore_mem>>
      %dma_start3A_406 = arith.constant 0 : i32
      %dma_start3A_407 = arith.constant 0 : i32
      %dma_start3A_408 = tpu.memref_slice %arg22[%dma_start3A_406, %dma_start3A_407] : memref<64x80xf32, #tpu.memory_space<vmem>> -> memref<64x80xf32, #tpu.memory_space<vmem>>
      %dma_start3A_409 = arith.constant 0 : i32
      %dma_start3A_410 = tpu.memref_slice %arg27[%add3A_12, %dma_start3A_409] : memref<10016x80xf32, #tpu.memory_space<vmem_shared>> -> memref<64x80xf32, #tpu.memory_space<vmem_shared>>
      %dma_start3A_411 = arith.constant 0 : i32
      %dma_start3A_412 = tpu.memref_slice %arg27[%add3A_12, %dma_start3A_411] : memref<10016x80xf32, #tpu.memory_space<vmem_shared>> -> memref<64x80xf32, #tpu.memory_space<vmem_shared>>
      %dma_start3A_413 = arith.constant 0 : i32
      %dma_start3A_414 = arith.constant 0 : i32
      %dma_start3A_415 = tpu.memref_slice %arg22[%dma_start3A_413, %dma_start3A_414] : memref<64x80xf32, #tpu.memory_space<vmem>> -> memref<64x80xf32, #tpu.memory_space<vmem>>
      tpu.enqueue_dma source(%dma_start3A_415 : memref<64x80xf32, #tpu.memory_space<vmem>>) target(%dma_start3A_412 : memref<64x80xf32, #tpu.memory_space<vmem_shared>>) target_semaphore(%run_scoped3A : memref<!tpu.dma_semaphore, #tpu.memory_space<semaphore_mem>>)
      %dma_wait3A_416 = arith.constant 0 : i32
      %dma_wait3A_417 = arith.constant 0 : i32
      %dma_wait3A_418 = tpu.memref_slice %arg22[%dma_wait3A_416, %dma_wait3A_417] : memref<64x80xf32, #tpu.memory_space<vmem>> -> memref<64x80xf32, #tpu.memory_space<vmem>>
      %dma_wait3A_419 = arith.constant 0 : i32
      %dma_wait3A_420 = tpu.memref_slice %arg27[%add3A_12, %dma_wait3A_419] : memref<10016x80xf32, #tpu.memory_space<vmem_shared>> -> memref<64x80xf32, #tpu.memory_space<vmem_shared>>
      %dma_wait3A_421 = arith.constant 0 : i32
      %dma_wait3A_422 = tpu.memref_slice %arg27[%add3A_12, %dma_wait3A_421] : memref<10016x80xf32, #tpu.memory_space<vmem_shared>> -> memref<64x80xf32, #tpu.memory_space<vmem_shared>>
      %dma_wait3A_423 = arith.constant 0 : i32
      %dma_wait3A_424 = arith.constant 0 : i32
      %dma_wait3A_425 = tpu.memref_slice %arg22[%dma_wait3A_423, %dma_wait3A_424] : memref<64x80xf32, #tpu.memory_space<vmem>> -> memref<64x80xf32, #tpu.memory_space<vmem>>
      tpu.wait_dma2 semaphore(%run_scoped3A : memref<!tpu.dma_semaphore, #tpu.memory_space<semaphore_mem>>) src(%dma_wait3A_425 : memref<64x80xf32, #tpu.memory_space<vmem>>) dst(%dma_wait3A_422 : memref<64x80xf32, #tpu.memory_space<vmem_shared>>)
      tpu.yield
    }) : () -> ()
    %add3A_13 = arith.constant 64 : i32
    %add3A_14 = arith.addi %add3A_12, %add3A_13 : i32
    "tpu.region"() ({
      %run_scoped3A = tpu.sem_alloc : memref<!tpu.dma_semaphore, #tpu.memory_space<semaphore_mem>>
      %dma_start3A_406 = arith.constant 0 : i32
      %dma_start3A_407 = arith.constant 0 : i32
      %dma_start3A_408 = tpu.memref_slice %arg22[%dma_start3A_406, %dma_start3A_407] : memref<64x80xf32, #tpu.memory_space<vmem>> -> memref<64x80xf32, #tpu.memory_space<vmem>>
      %dma_start3A_409 = arith.constant 0 : i32
      %dma_start3A_410 = tpu.memref_slice %arg27[%add3A_14, %dma_start3A_409] : memref<10016x80xf32, #tpu.memory_space<vmem_shared>> -> memref<64x80xf32, #tpu.memory_space<vmem_shared>>
      %dma_start3A_411 = arith.constant 0 : i32
      %dma_start3A_412 = tpu.memref_slice %arg27[%add3A_14, %dma_start3A_411] : memref<10016x80xf32, #tpu.memory_space<vmem_shared>> -> memref<64x80xf32, #tpu.memory_space<vmem_shared>>
      %dma_start3A_413 = arith.constant 0 : i32
      %dma_start3A_414 = arith.constant 0 : i32
      %dma_start3A_415 = tpu.memref_slice %arg22[%dma_start3A_413, %dma_start3A_414] : memref<64x80xf32, #tpu.memory_space<vmem>> -> memref<64x80xf32, #tpu.memory_space<vmem>>
      tpu.enqueue_dma source(%dma_start3A_415 : memref<64x80xf32, #tpu.memory_space<vmem>>) target(%dma_start3A_412 : memref<64x80xf32, #tpu.memory_space<vmem_shared>>) target_semaphore(%run_scoped3A : memref<!tpu.dma_semaphore, #tpu.memory_space<semaphore_mem>>)
      %dma_wait3A_416 = arith.constant 0 : i32
      %dma_wait3A_417 = arith.constant 0 : i32
      %dma_wait3A_418 = tpu.memref_slice %arg22[%dma_wait3A_416, %dma_wait3A_417] : memref<64x80xf32, #tpu.memory_space<vmem>> -> memref<64x80xf32, #tpu.memory_space<vmem>>
      %dma_wait3A_419 = arith.constant 0 : i32
      %dma_wait3A_420 = tpu.memref_slice %arg27[%add3A_14, %dma_wait3A_419] : memref<10016x80xf32, #tpu.memory_space<vmem_shared>> -> memref<64x80xf32, #tpu.memory_space<vmem_shared>>
      %dma_wait3A_421 = arith.constant 0 : i32
      %dma_wait3A_422 = tpu.memref_slice %arg27[%add3A_14, %dma_wait3A_421] : memref<10016x80xf32, #tpu.memory_space<vmem_shared>> -> memref<64x80xf32, #tpu.memory_space<vmem_shared>>
      %dma_wait3A_423 = arith.constant 0 : i32
      %dma_wait3A_424 = arith.constant 0 : i32
      %dma_wait3A_425 = tpu.memref_slice %arg22[%dma_wait3A_423, %dma_wait3A_424] : memref<64x80xf32, #tpu.memory_space<vmem>> -> memref<64x80xf32, #tpu.memory_space<vmem>>
      tpu.wait_dma2 semaphore(%run_scoped3A : memref<!tpu.dma_semaphore, #tpu.memory_space<semaphore_mem>>) src(%dma_wait3A_425 : memref<64x80xf32, #tpu.memory_space<vmem>>) dst(%dma_wait3A_422 : memref<64x80xf32, #tpu.memory_space<vmem_shared>>)
      tpu.yield
    }) : () -> ()
    %add3A_15 = arith.constant 64 : i32
    %add3A_16 = arith.addi %add3A_14, %add3A_15 : i32
    "tpu.region"() ({
      %run_scoped3A = tpu.sem_alloc : memref<!tpu.dma_semaphore, #tpu.memory_space<semaphore_mem>>
      %dma_start3A_406 = arith.constant 0 : i32
      %dma_start3A_407 = arith.constant 0 : i32
      %dma_start3A_408 = tpu.memref_slice %arg22[%dma_start3A_406, %dma_start3A_407] : memref<64x80xf32, #tpu.memory_space<vmem>> -> memref<64x80xf32, #tpu.memory_space<vmem>>
      %dma_start3A_409 = arith.constant 0 : i32
      %dma_start3A_410 = tpu.memref_slice %arg27[%add3A_16, %dma_start3A_409] : memref<10016x80xf32, #tpu.memory_space<vmem_shared>> -> memref<64x80xf32, #tpu.memory_space<vmem_shared>>
      %dma_start3A_411 = arith.constant 0 : i32
      %dma_start3A_412 = tpu.memref_slice %arg27[%add3A_16, %dma_start3A_411] : memref<10016x80xf32, #tpu.memory_space<vmem_shared>> -> memref<64x80xf32, #tpu.memory_space<vmem_shared>>
      %dma_start3A_413 = arith.constant 0 : i32
      %dma_start3A_414 = arith.constant 0 : i32
      %dma_start3A_415 = tpu.memref_slice %arg22[%dma_start3A_413, %dma_start3A_414] : memref<64x80xf32, #tpu.memory_space<vmem>> -> memref<64x80xf32, #tpu.memory_space<vmem>>
      tpu.enqueue_dma source(%dma_start3A_415 : memref<64x80xf32, #tpu.memory_space<vmem>>) target(%dma_start3A_412 : memref<64x80xf32, #tpu.memory_space<vmem_shared>>) target_semaphore(%run_scoped3A : memref<!tpu.dma_semaphore, #tpu.memory_space<semaphore_mem>>)
      %dma_wait3A_416 = arith.constant 0 : i32
      %dma_wait3A_417 = arith.constant 0 : i32
      %dma_wait3A_418 = tpu.memref_slice %arg22[%dma_wait3A_416, %dma_wait3A_417] : memref<64x80xf32, #tpu.memory_space<vmem>> -> memref<64x80xf32, #tpu.memory_space<vmem>>
      %dma_wait3A_419 = arith.constant 0 : i32
      %dma_wait3A_420 = tpu.memref_slice %arg27[%add3A_16, %dma_wait3A_419] : memref<10016x80xf32, #tpu.memory_space<vmem_shared>> -> memref<64x80xf32, #tpu.memory_space<vmem_shared>>
      %dma_wait3A_421 = arith.constant 0 : i32
      %dma_wait3A_422 = tpu.memref_slice %arg27[%add3A_16, %dma_wait3A_421] : memref<10016x80xf32, #tpu.memory_space<vmem_shared>> -> memref<64x80xf32, #tpu.memory_space<vmem_shared>>
      %dma_wait3A_423 = arith.constant 0 : i32
      %dma_wait3A_424 = arith.constant 0 : i32
      %dma_wait3A_425 = tpu.memref_slice %arg22[%dma_wait3A_423, %dma_wait3A_424] : memref<64x80xf32, #tpu.memory_space<vmem>> -> memref<64x80xf32, #tpu.memory_space<vmem>>
      tpu.wait_dma2 semaphore(%run_scoped3A : memref<!tpu.dma_semaphore, #tpu.memory_space<semaphore_mem>>) src(%dma_wait3A_425 : memref<64x80xf32, #tpu.memory_space<vmem>>) dst(%dma_wait3A_422 : memref<64x80xf32, #tpu.memory_space<vmem_shared>>)
      tpu.yield
    }) : () -> ()
    %add3A_17 = arith.constant 64 : i32
    %add3A_18 = arith.addi %add3A_16, %add3A_17 : i32
    "tpu.region"() ({
      %run_scoped3A = tpu.sem_alloc : memref<!tpu.dma_semaphore, #tpu.memory_space<semaphore_mem>>
      %dma_start3A_406 = arith.constant 0 : i32
      %dma_start3A_407 = arith.constant 0 : i32
      %dma_start3A_408 = tpu.memref_slice %arg22[%dma_start3A_406, %dma_start3A_407] : memref<64x80xf32, #tpu.memory_space<vmem>> -> memref<64x80xf32, #tpu.memory_space<vmem>>
      %dma_start3A_409 = arith.constant 0 : i32
      %dma_start3A_410 = tpu.memref_slice %arg27[%add3A_18, %dma_start3A_409] : memref<10016x80xf32, #tpu.memory_space<vmem_shared>> -> memref<64x80xf32, #tpu.memory_space<vmem_shared>>
      %dma_start3A_411 = arith.constant 0 : i32
      %dma_start3A_412 = tpu.memref_slice %arg27[%add3A_18, %dma_start3A_411] : memref<10016x80xf32, #tpu.memory_space<vmem_shared>> -> memref<64x80xf32, #tpu.memory_space<vmem_shared>>
      %dma_start3A_413 = arith.constant 0 : i32
      %dma_start3A_414 = arith.constant 0 : i32
      %dma_start3A_415 = tpu.memref_slice %arg22[%dma_start3A_413, %dma_start3A_414] : memref<64x80xf32, #tpu.memory_space<vmem>> -> memref<64x80xf32, #tpu.memory_space<vmem>>
      tpu.enqueue_dma source(%dma_start3A_415 : memref<64x80xf32, #tpu.memory_space<vmem>>) target(%dma_start3A_412 : memref<64x80xf32, #tpu.memory_space<vmem_shared>>) target_semaphore(%run_scoped3A : memref<!tpu.dma_semaphore, #tpu.memory_space<semaphore_mem>>)
      %dma_wait3A_416 = arith.constant 0 : i32
      %dma_wait3A_417 = arith.constant 0 : i32
      %dma_wait3A_418 = tpu.memref_slice %arg22[%dma_wait3A_416, %dma_wait3A_417] : memref<64x80xf32, #tpu.memory_space<vmem>> -> memref<64x80xf32, #tpu.memory_space<vmem>>
      %dma_wait3A_419 = arith.constant 0 : i32
      %dma_wait3A_420 = tpu.memref_slice %arg27[%add3A_18, %dma_wait3A_419] : memref<10016x80xf32, #tpu.memory_space<vmem_shared>> -> memref<64x80xf32, #tpu.memory_space<vmem_shared>>
      %dma_wait3A_421 = arith.constant 0 : i32
      %dma_wait3A_422 = tpu.memref_slice %arg27[%add3A_18, %dma_wait3A_421] : memref<10016x80xf32, #tpu.memory_space<vmem_shared>> -> memref<64x80xf32, #tpu.memory_space<vmem_shared>>
      %dma_wait3A_423 = arith.constant 0 : i32
      %dma_wait3A_424 = arith.constant 0 : i32
      %dma_wait3A_425 = tpu.memref_slice %arg22[%dma_wait3A_423, %dma_wait3A_424] : memref<64x80xf32, #tpu.memory_space<vmem>> -> memref<64x80xf32, #tpu.memory_space<vmem>>
      tpu.wait_dma2 semaphore(%run_scoped3A : memref<!tpu.dma_semaphore, #tpu.memory_space<semaphore_mem>>) src(%dma_wait3A_425 : memref<64x80xf32, #tpu.memory_space<vmem>>) dst(%dma_wait3A_422 : memref<64x80xf32, #tpu.memory_space<vmem_shared>>)
      tpu.yield
    }) : () -> ()
    %add3A_19 = arith.constant 64 : i32
    %add3A_20 = arith.addi %add3A_18, %add3A_19 : i32
    "tpu.region"() ({
      %run_scoped3A = tpu.sem_alloc : memref<!tpu.dma_semaphore, #tpu.memory_space<semaphore_mem>>
      %dma_start3A_406 = arith.constant 0 : i32
      %dma_start3A_407 = arith.constant 0 : i32
      %dma_start3A_408 = tpu.memref_slice %arg22[%dma_start3A_406, %dma_start3A_407] : memref<64x80xf32, #tpu.memory_space<vmem>> -> memref<64x80xf32, #tpu.memory_space<vmem>>
      %dma_start3A_409 = arith.constant 0 : i32
      %dma_start3A_410 = tpu.memref_slice %arg27[%add3A_20, %dma_start3A_409] : memref<10016x80xf32, #tpu.memory_space<vmem_shared>> -> memref<64x80xf32, #tpu.memory_space<vmem_shared>>
      %dma_start3A_411 = arith.constant 0 : i32
      %dma_start3A_412 = tpu.memref_slice %arg27[%add3A_20, %dma_start3A_411] : memref<10016x80xf32, #tpu.memory_space<vmem_shared>> -> memref<64x80xf32, #tpu.memory_space<vmem_shared>>
      %dma_start3A_413 = arith.constant 0 : i32
      %dma_start3A_414 = arith.constant 0 : i32
      %dma_start3A_415 = tpu.memref_slice %arg22[%dma_start3A_413, %dma_start3A_414] : memref<64x80xf32, #tpu.memory_space<vmem>> -> memref<64x80xf32, #tpu.memory_space<vmem>>
      tpu.enqueue_dma source(%dma_start3A_415 : memref<64x80xf32, #tpu.memory_space<vmem>>) target(%dma_start3A_412 : memref<64x80xf32, #tpu.memory_space<vmem_shared>>) target_semaphore(%run_scoped3A : memref<!tpu.dma_semaphore, #tpu.memory_space<semaphore_mem>>)
      %dma_wait3A_416 = arith.constant 0 : i32
      %dma_wait3A_417 = arith.constant 0 : i32
      %dma_wait3A_418 = tpu.memref_slice %arg22[%dma_wait3A_416, %dma_wait3A_417] : memref<64x80xf32, #tpu.memory_space<vmem>> -> memref<64x80xf32, #tpu.memory_space<vmem>>
      %dma_wait3A_419 = arith.constant 0 : i32
      %dma_wait3A_420 = tpu.memref_slice %arg27[%add3A_20, %dma_wait3A_419] : memref<10016x80xf32, #tpu.memory_space<vmem_shared>> -> memref<64x80xf32, #tpu.memory_space<vmem_shared>>
      %dma_wait3A_421 = arith.constant 0 : i32
      %dma_wait3A_422 = tpu.memref_slice %arg27[%add3A_20, %dma_wait3A_421] : memref<10016x80xf32, #tpu.memory_space<vmem_shared>> -> memref<64x80xf32, #tpu.memory_space<vmem_shared>>
      %dma_wait3A_423 = arith.constant 0 : i32
      %dma_wait3A_424 = arith.constant 0 : i32
      %dma_wait3A_425 = tpu.memref_slice %arg22[%dma_wait3A_423, %dma_wait3A_424] : memref<64x80xf32, #tpu.memory_space<vmem>> -> memref<64x80xf32, #tpu.memory_space<vmem>>
      tpu.wait_dma2 semaphore(%run_scoped3A : memref<!tpu.dma_semaphore, #tpu.memory_space<semaphore_mem>>) src(%dma_wait3A_425 : memref<64x80xf32, #tpu.memory_space<vmem>>) dst(%dma_wait3A_422 : memref<64x80xf32, #tpu.memory_space<vmem_shared>>)
      tpu.yield
    }) : () -> ()
    %add3A_21 = arith.constant 64 : i32
    %add3A_22 = arith.addi %add3A_20, %add3A_21 : i32
    "tpu.region"() ({
      %run_scoped3A = tpu.sem_alloc : memref<!tpu.dma_semaphore, #tpu.memory_space<semaphore_mem>>
      %dma_start3A_406 = arith.constant 0 : i32
      %dma_start3A_407 = arith.constant 0 : i32
      %dma_start3A_408 = tpu.memref_slice %arg22[%dma_start3A_406, %dma_start3A_407] : memref<64x80xf32, #tpu.memory_space<vmem>> -> memref<64x80xf32, #tpu.memory_space<vmem>>
      %dma_start3A_409 = arith.constant 0 : i32
      %dma_start3A_410 = tpu.memref_slice %arg27[%add3A_22, %dma_start3A_409] : memref<10016x80xf32, #tpu.memory_space<vmem_shared>> -> memref<64x80xf32, #tpu.memory_space<vmem_shared>>
      %dma_start3A_411 = arith.constant 0 : i32
      %dma_start3A_412 = tpu.memref_slice %arg27[%add3A_22, %dma_start3A_411] : memref<10016x80xf32, #tpu.memory_space<vmem_shared>> -> memref<64x80xf32, #tpu.memory_space<vmem_shared>>
      %dma_start3A_413 = arith.constant 0 : i32
      %dma_start3A_414 = arith.constant 0 : i32
      %dma_start3A_415 = tpu.memref_slice %arg22[%dma_start3A_413, %dma_start3A_414] : memref<64x80xf32, #tpu.memory_space<vmem>> -> memref<64x80xf32, #tpu.memory_space<vmem>>
      tpu.enqueue_dma source(%dma_start3A_415 : memref<64x80xf32, #tpu.memory_space<vmem>>) target(%dma_start3A_412 : memref<64x80xf32, #tpu.memory_space<vmem_shared>>) target_semaphore(%run_scoped3A : memref<!tpu.dma_semaphore, #tpu.memory_space<semaphore_mem>>)
      %dma_wait3A_416 = arith.constant 0 : i32
      %dma_wait3A_417 = arith.constant 0 : i32
      %dma_wait3A_418 = tpu.memref_slice %arg22[%dma_wait3A_416, %dma_wait3A_417] : memref<64x80xf32, #tpu.memory_space<vmem>> -> memref<64x80xf32, #tpu.memory_space<vmem>>
      %dma_wait3A_419 = arith.constant 0 : i32
      %dma_wait3A_420 = tpu.memref_slice %arg27[%add3A_22, %dma_wait3A_419] : memref<10016x80xf32, #tpu.memory_space<vmem_shared>> -> memref<64x80xf32, #tpu.memory_space<vmem_shared>>
      %dma_wait3A_421 = arith.constant 0 : i32
      %dma_wait3A_422 = tpu.memref_slice %arg27[%add3A_22, %dma_wait3A_421] : memref<10016x80xf32, #tpu.memory_space<vmem_shared>> -> memref<64x80xf32, #tpu.memory_space<vmem_shared>>
      %dma_wait3A_423 = arith.constant 0 : i32
      %dma_wait3A_424 = arith.constant 0 : i32
      %dma_wait3A_425 = tpu.memref_slice %arg22[%dma_wait3A_423, %dma_wait3A_424] : memref<64x80xf32, #tpu.memory_space<vmem>> -> memref<64x80xf32, #tpu.memory_space<vmem>>
      tpu.wait_dma2 semaphore(%run_scoped3A : memref<!tpu.dma_semaphore, #tpu.memory_space<semaphore_mem>>) src(%dma_wait3A_425 : memref<64x80xf32, #tpu.memory_space<vmem>>) dst(%dma_wait3A_422 : memref<64x80xf32, #tpu.memory_space<vmem_shared>>)
      tpu.yield
    }) : () -> ()
    %add3A_23 = arith.constant 64 : i32
    %add3A_24 = arith.addi %add3A_22, %add3A_23 : i32
    "tpu.region"() ({
      %run_scoped3A = tpu.sem_alloc : memref<!tpu.dma_semaphore, #tpu.memory_space<semaphore_mem>>
      %dma_start3A_406 = arith.constant 0 : i32
      %dma_start3A_407 = arith.constant 0 : i32
      %dma_start3A_408 = tpu.memref_slice %arg22[%dma_start3A_406, %dma_start3A_407] : memref<64x80xf32, #tpu.memory_space<vmem>> -> memref<50x80xf32, #tpu.memory_space<vmem>>
      %dma_start3A_409 = arith.constant 0 : i32
      %dma_start3A_410 = tpu.memref_slice %arg27[%add3A_24, %dma_start3A_409] : memref<10016x80xf32, #tpu.memory_space<vmem_shared>> -> memref<50x80xf32, #tpu.memory_space<vmem_shared>>
      %dma_start3A_411 = arith.constant 0 : i32
      %dma_start3A_412 = tpu.memref_slice %arg27[%add3A_24, %dma_start3A_411] : memref<10016x80xf32, #tpu.memory_space<vmem_shared>> -> memref<50x80xf32, #tpu.memory_space<vmem_shared>>
      %dma_start3A_413 = arith.constant 0 : i32
      %dma_start3A_414 = arith.constant 0 : i32
      %dma_start3A_415 = tpu.memref_slice %arg22[%dma_start3A_413, %dma_start3A_414] : memref<64x80xf32, #tpu.memory_space<vmem>> -> memref<50x80xf32, #tpu.memory_space<vmem>>
      tpu.enqueue_dma source(%dma_start3A_415 : memref<50x80xf32, #tpu.memory_space<vmem>>) target(%dma_start3A_412 : memref<50x80xf32, #tpu.memory_space<vmem_shared>>) target_semaphore(%run_scoped3A : memref<!tpu.dma_semaphore, #tpu.memory_space<semaphore_mem>>)
      %dma_wait3A_416 = arith.constant 0 : i32
      %dma_wait3A_417 = arith.constant 0 : i32
      %dma_wait3A_418 = tpu.memref_slice %arg22[%dma_wait3A_416, %dma_wait3A_417] : memref<64x80xf32, #tpu.memory_space<vmem>> -> memref<50x80xf32, #tpu.memory_space<vmem>>
      %dma_wait3A_419 = arith.constant 0 : i32
      %dma_wait3A_420 = tpu.memref_slice %arg27[%add3A_24, %dma_wait3A_419] : memref<10016x80xf32, #tpu.memory_space<vmem_shared>> -> memref<50x80xf32, #tpu.memory_space<vmem_shared>>
      %dma_wait3A_421 = arith.constant 0 : i32
      %dma_wait3A_422 = tpu.memref_slice %arg27[%add3A_24, %dma_wait3A_421] : memref<10016x80xf32, #tpu.memory_space<vmem_shared>> -> memref<50x80xf32, #tpu.memory_space<vmem_shared>>
      %dma_wait3A_423 = arith.constant 0 : i32
      %dma_wait3A_424 = arith.constant 0 : i32
      %dma_wait3A_425 = tpu.memref_slice %arg22[%dma_wait3A_423, %dma_wait3A_424] : memref<64x80xf32, #tpu.memory_space<vmem>> -> memref<50x80xf32, #tpu.memory_space<vmem>>
      tpu.wait_dma2 semaphore(%run_scoped3A : memref<!tpu.dma_semaphore, #tpu.memory_space<semaphore_mem>>) src(%dma_wait3A_425 : memref<50x80xf32, #tpu.memory_space<vmem>>) dst(%dma_wait3A_422 : memref<50x80xf32, #tpu.memory_space<vmem_shared>>)
      tpu.yield
    }) : () -> ()
    %add3A_25 = arith.constant 50 : i32
    %add3A_26 = arith.addi %add3A_24, %add3A_25 : i32
    %mul3A_27 = arith.constant 625 : i32
    %mul3A_28 = arith.muli %arg1, %mul3A_27 : i32
    %mul3A_29 = arith.constant 64 : i32
    %mul3A_30 = arith.muli %arg0, %mul3A_29 : i32
    "tpu.region"() ({
      %run_scoped3A = tpu.sem_alloc : memref<!tpu.dma_semaphore, #tpu.memory_space<semaphore_mem>>
      %dma_start3A_406 = arith.constant 0 : i32
      %dma_start3A_407 = arith.constant 0 : i32
      %dma_start3A_408 = tpu.memref_slice %arg23[%dma_start3A_406, %dma_start3A_407] : memref<64x80xf32, #tpu.memory_space<vmem>> -> memref<64x64xf32, #tpu.memory_space<vmem>>
      %dma_start3A_409 = tpu.memref_slice %arg2[%mul3A_28, %mul3A_30] : memref<10000x128xf32, #tpu.memory_space<hbm>> -> memref<64x64xf32, #tpu.memory_space<hbm>>
      %dma_start3A_410 = arith.constant 0 : i32
      %dma_start3A_411 = arith.constant 0 : i32
      %dma_start3A_412 = tpu.memref_slice %arg23[%dma_start3A_410, %dma_start3A_411] : memref<64x80xf32, #tpu.memory_space<vmem>> -> memref<64x64xf32, #tpu.memory_space<vmem>>
      %dma_start3A_413 = tpu.memref_slice %arg2[%mul3A_28, %mul3A_30] : memref<10000x128xf32, #tpu.memory_space<hbm>> -> memref<64x64xf32, #tpu.memory_space<hbm>>
      tpu.enqueue_dma source(%dma_start3A_413 : memref<64x64xf32, #tpu.memory_space<hbm>>) target(%dma_start3A_412 : memref<64x64xf32, #tpu.memory_space<vmem>>) target_semaphore(%run_scoped3A : memref<!tpu.dma_semaphore, #tpu.memory_space<semaphore_mem>>)
      %dma_wait3A_414 = arith.constant 0 : i32
      %dma_wait3A_415 = arith.constant 0 : i32
      %dma_wait3A_416 = tpu.memref_slice %arg23[%dma_wait3A_414, %dma_wait3A_415] : memref<64x80xf32, #tpu.memory_space<vmem>> -> memref<64x64xf32, #tpu.memory_space<vmem>>
      %dma_wait3A_417 = tpu.memref_slice %arg2[%mul3A_28, %mul3A_30] : memref<10000x128xf32, #tpu.memory_space<hbm>> -> memref<64x64xf32, #tpu.memory_space<hbm>>
      %dma_wait3A_418 = arith.constant 0 : i32
      %dma_wait3A_419 = arith.constant 0 : i32
      %dma_wait3A_420 = tpu.memref_slice %arg23[%dma_wait3A_418, %dma_wait3A_419] : memref<64x80xf32, #tpu.memory_space<vmem>> -> memref<64x64xf32, #tpu.memory_space<vmem>>
      %dma_wait3A_421 = tpu.memref_slice %arg2[%mul3A_28, %mul3A_30] : memref<10000x128xf32, #tpu.memory_space<hbm>> -> memref<64x64xf32, #tpu.memory_space<hbm>>
      tpu.wait_dma2 semaphore(%run_scoped3A : memref<!tpu.dma_semaphore, #tpu.memory_space<semaphore_mem>>) src(%dma_wait3A_421 : memref<64x64xf32, #tpu.memory_space<hbm>>) dst(%dma_wait3A_420 : memref<64x64xf32, #tpu.memory_space<vmem>>)
      tpu.yield
    }) : () -> ()
    "tpu.region"() ({
      %run_scoped3A = tpu.sem_alloc : memref<!tpu.dma_semaphore, #tpu.memory_space<semaphore_mem>>
      %dma_start3A_406 = arith.constant 0 : i32
      %dma_start3A_407 = arith.constant 0 : i32
      %dma_start3A_408 = tpu.memref_slice %arg23[%dma_start3A_406, %dma_start3A_407] : memref<64x80xf32, #tpu.memory_space<vmem>> -> memref<64x80xf32, #tpu.memory_space<vmem>>
      %dma_start3A_409 = arith.constant 0 : i32
      %dma_start3A_410 = tpu.memref_slice %arg26[%mul3A_28, %dma_start3A_409] : memref<10000x80xf32, #tpu.memory_space<vmem_shared>> -> memref<64x80xf32, #tpu.memory_space<vmem_shared>>
      %dma_start3A_411 = arith.constant 0 : i32
      %dma_start3A_412 = tpu.memref_slice %arg26[%mul3A_28, %dma_start3A_411] : memref<10000x80xf32, #tpu.memory_space<vmem_shared>> -> memref<64x80xf32, #tpu.memory_space<vmem_shared>>
      %dma_start3A_413 = arith.constant 0 : i32
      %dma_start3A_414 = arith.constant 0 : i32
      %dma_start3A_415 = tpu.memref_slice %arg23[%dma_start3A_413, %dma_start3A_414] : memref<64x80xf32, #tpu.memory_space<vmem>> -> memref<64x80xf32, #tpu.memory_space<vmem>>
      tpu.enqueue_dma source(%dma_start3A_415 : memref<64x80xf32, #tpu.memory_space<vmem>>) target(%dma_start3A_412 : memref<64x80xf32, #tpu.memory_space<vmem_shared>>) target_semaphore(%run_scoped3A : memref<!tpu.dma_semaphore, #tpu.memory_space<semaphore_mem>>)
      %dma_wait3A_416 = arith.constant 0 : i32
      %dma_wait3A_417 = arith.constant 0 : i32
      %dma_wait3A_418 = tpu.memref_slice %arg23[%dma_wait3A_416, %dma_wait3A_417] : memref<64x80xf32, #tpu.memory_space<vmem>> -> memref<64x80xf32, #tpu.memory_space<vmem>>
      %dma_wait3A_419 = arith.constant 0 : i32
      %dma_wait3A_420 = tpu.memref_slice %arg26[%mul3A_28, %dma_wait3A_419] : memref<10000x80xf32, #tpu.memory_space<vmem_shared>> -> memref<64x80xf32, #tpu.memory_space<vmem_shared>>
      %dma_wait3A_421 = arith.constant 0 : i32
      %dma_wait3A_422 = tpu.memref_slice %arg26[%mul3A_28, %dma_wait3A_421] : memref<10000x80xf32, #tpu.memory_space<vmem_shared>> -> memref<64x80xf32, #tpu.memory_space<vmem_shared>>
      %dma_wait3A_423 = arith.constant 0 : i32
      %dma_wait3A_424 = arith.constant 0 : i32
      %dma_wait3A_425 = tpu.memref_slice %arg23[%dma_wait3A_423, %dma_wait3A_424] : memref<64x80xf32, #tpu.memory_space<vmem>> -> memref<64x80xf32, #tpu.memory_space<vmem>>
      tpu.wait_dma2 semaphore(%run_scoped3A : memref<!tpu.dma_semaphore, #tpu.memory_space<semaphore_mem>>) src(%dma_wait3A_425 : memref<64x80xf32, #tpu.memory_space<vmem>>) dst(%dma_wait3A_422 : memref<64x80xf32, #tpu.memory_space<vmem_shared>>)
      tpu.yield
    }) : () -> ()
    %add3A_31 = arith.constant 64 : i32
    %add3A_32 = arith.addi %mul3A_28, %add3A_31 : i32
    %mul3A_33 = arith.constant 64 : i32
    %mul3A_34 = arith.muli %arg0, %mul3A_33 : i32
    "tpu.region"() ({
      %run_scoped3A = tpu.sem_alloc : memref<!tpu.dma_semaphore, #tpu.memory_space<semaphore_mem>>
      %dma_start3A_406 = arith.constant 0 : i32
      %dma_start3A_407 = arith.constant 0 : i32
      %dma_start3A_408 = tpu.memref_slice %arg23[%dma_start3A_406, %dma_start3A_407] : memref<64x80xf32, #tpu.memory_space<vmem>> -> memref<64x64xf32, #tpu.memory_space<vmem>>
      %dma_start3A_409 = tpu.memref_slice %arg2[%add3A_32, %mul3A_34] : memref<10000x128xf32, #tpu.memory_space<hbm>> -> memref<64x64xf32, #tpu.memory_space<hbm>>
      %dma_start3A_410 = arith.constant 0 : i32
      %dma_start3A_411 = arith.constant 0 : i32
      %dma_start3A_412 = tpu.memref_slice %arg23[%dma_start3A_410, %dma_start3A_411] : memref<64x80xf32, #tpu.memory_space<vmem>> -> memref<64x64xf32, #tpu.memory_space<vmem>>
      %dma_start3A_413 = tpu.memref_slice %arg2[%add3A_32, %mul3A_34] : memref<10000x128xf32, #tpu.memory_space<hbm>> -> memref<64x64xf32, #tpu.memory_space<hbm>>
      tpu.enqueue_dma source(%dma_start3A_413 : memref<64x64xf32, #tpu.memory_space<hbm>>) target(%dma_start3A_412 : memref<64x64xf32, #tpu.memory_space<vmem>>) target_semaphore(%run_scoped3A : memref<!tpu.dma_semaphore, #tpu.memory_space<semaphore_mem>>)
      %dma_wait3A_414 = arith.constant 0 : i32
      %dma_wait3A_415 = arith.constant 0 : i32
      %dma_wait3A_416 = tpu.memref_slice %arg23[%dma_wait3A_414, %dma_wait3A_415] : memref<64x80xf32, #tpu.memory_space<vmem>> -> memref<64x64xf32, #tpu.memory_space<vmem>>
      %dma_wait3A_417 = tpu.memref_slice %arg2[%add3A_32, %mul3A_34] : memref<10000x128xf32, #tpu.memory_space<hbm>> -> memref<64x64xf32, #tpu.memory_space<hbm>>
      %dma_wait3A_418 = arith.constant 0 : i32
      %dma_wait3A_419 = arith.constant 0 : i32
      %dma_wait3A_420 = tpu.memref_slice %arg23[%dma_wait3A_418, %dma_wait3A_419] : memref<64x80xf32, #tpu.memory_space<vmem>> -> memref<64x64xf32, #tpu.memory_space<vmem>>
      %dma_wait3A_421 = tpu.memref_slice %arg2[%add3A_32, %mul3A_34] : memref<10000x128xf32, #tpu.memory_space<hbm>> -> memref<64x64xf32, #tpu.memory_space<hbm>>
      tpu.wait_dma2 semaphore(%run_scoped3A : memref<!tpu.dma_semaphore, #tpu.memory_space<semaphore_mem>>) src(%dma_wait3A_421 : memref<64x64xf32, #tpu.memory_space<hbm>>) dst(%dma_wait3A_420 : memref<64x64xf32, #tpu.memory_space<vmem>>)
      tpu.yield
    }) : () -> ()
    "tpu.region"() ({
      %run_scoped3A = tpu.sem_alloc : memref<!tpu.dma_semaphore, #tpu.memory_space<semaphore_mem>>
      %dma_start3A_406 = arith.constant 0 : i32
      %dma_start3A_407 = arith.constant 0 : i32
      %dma_start3A_408 = tpu.memref_slice %arg23[%dma_start3A_406, %dma_start3A_407] : memref<64x80xf32, #tpu.memory_space<vmem>> -> memref<64x80xf32, #tpu.memory_space<vmem>>
      %dma_start3A_409 = arith.constant 0 : i32
      %dma_start3A_410 = tpu.memref_slice %arg26[%add3A_32, %dma_start3A_409] : memref<10000x80xf32, #tpu.memory_space<vmem_shared>> -> memref<64x80xf32, #tpu.memory_space<vmem_shared>>
      %dma_start3A_411 = arith.constant 0 : i32
      %dma_start3A_412 = tpu.memref_slice %arg26[%add3A_32, %dma_start3A_411] : memref<10000x80xf32, #tpu.memory_space<vmem_shared>> -> memref<64x80xf32, #tpu.memory_space<vmem_shared>>
      %dma_start3A_413 = arith.constant 0 : i32
      %dma_start3A_414 = arith.constant 0 : i32
      %dma_start3A_415 = tpu.memref_slice %arg23[%dma_start3A_413, %dma_start3A_414] : memref<64x80xf32, #tpu.memory_space<vmem>> -> memref<64x80xf32, #tpu.memory_space<vmem>>
      tpu.enqueue_dma source(%dma_start3A_415 : memref<64x80xf32, #tpu.memory_space<vmem>>) target(%dma_start3A_412 : memref<64x80xf32, #tpu.memory_space<vmem_shared>>) target_semaphore(%run_scoped3A : memref<!tpu.dma_semaphore, #tpu.memory_space<semaphore_mem>>)
      %dma_wait3A_416 = arith.constant 0 : i32
      %dma_wait3A_417 = arith.constant 0 : i32
      %dma_wait3A_418 = tpu.memref_slice %arg23[%dma_wait3A_416, %dma_wait3A_417] : memref<64x80xf32, #tpu.memory_space<vmem>> -> memref<64x80xf32, #tpu.memory_space<vmem>>
      %dma_wait3A_419 = arith.constant 0 : i32
      %dma_wait3A_420 = tpu.memref_slice %arg26[%add3A_32, %dma_wait3A_419] : memref<10000x80xf32, #tpu.memory_space<vmem_shared>> -> memref<64x80xf32, #tpu.memory_space<vmem_shared>>
      %dma_wait3A_421 = arith.constant 0 : i32
      %dma_wait3A_422 = tpu.memref_slice %arg26[%add3A_32, %dma_wait3A_421] : memref<10000x80xf32, #tpu.memory_space<vmem_shared>> -> memref<64x80xf32, #tpu.memory_space<vmem_shared>>
      %dma_wait3A_423 = arith.constant 0 : i32
      %dma_wait3A_424 = arith.constant 0 : i32
      %dma_wait3A_425 = tpu.memref_slice %arg23[%dma_wait3A_423, %dma_wait3A_424] : memref<64x80xf32, #tpu.memory_space<vmem>> -> memref<64x80xf32, #tpu.memory_space<vmem>>
      tpu.wait_dma2 semaphore(%run_scoped3A : memref<!tpu.dma_semaphore, #tpu.memory_space<semaphore_mem>>) src(%dma_wait3A_425 : memref<64x80xf32, #tpu.memory_space<vmem>>) dst(%dma_wait3A_422 : memref<64x80xf32, #tpu.memory_space<vmem_shared>>)
      tpu.yield
    }) : () -> ()
    %add3A_35 = arith.constant 64 : i32
    %add3A_36 = arith.addi %add3A_32, %add3A_35 : i32
    %mul3A_37 = arith.constant 64 : i32
    %mul3A_38 = arith.muli %arg0, %mul3A_37 : i32
    "tpu.region"() ({
      %run_scoped3A = tpu.sem_alloc : memref<!tpu.dma_semaphore, #tpu.memory_space<semaphore_mem>>
      %dma_start3A_406 = arith.constant 0 : i32
      %dma_start3A_407 = arith.constant 0 : i32
      %dma_start3A_408 = tpu.memref_slice %arg23[%dma_start3A_406, %dma_start3A_407] : memref<64x80xf32, #tpu.memory_space<vmem>> -> memref<64x64xf32, #tpu.memory_space<vmem>>
      %dma_start3A_409 = tpu.memref_slice %arg2[%add3A_36, %mul3A_38] : memref<10000x128xf32, #tpu.memory_space<hbm>> -> memref<64x64xf32, #tpu.memory_space<hbm>>
      %dma_start3A_410 = arith.constant 0 : i32
      %dma_start3A_411 = arith.constant 0 : i32
      %dma_start3A_412 = tpu.memref_slice %arg23[%dma_start3A_410, %dma_start3A_411] : memref<64x80xf32, #tpu.memory_space<vmem>> -> memref<64x64xf32, #tpu.memory_space<vmem>>
      %dma_start3A_413 = tpu.memref_slice %arg2[%add3A_36, %mul3A_38] : memref<10000x128xf32, #tpu.memory_space<hbm>> -> memref<64x64xf32, #tpu.memory_space<hbm>>
      tpu.enqueue_dma source(%dma_start3A_413 : memref<64x64xf32, #tpu.memory_space<hbm>>) target(%dma_start3A_412 : memref<64x64xf32, #tpu.memory_space<vmem>>) target_semaphore(%run_scoped3A : memref<!tpu.dma_semaphore, #tpu.memory_space<semaphore_mem>>)
      %dma_wait3A_414 = arith.constant 0 : i32
      %dma_wait3A_415 = arith.constant 0 : i32
      %dma_wait3A_416 = tpu.memref_slice %arg23[%dma_wait3A_414, %dma_wait3A_415] : memref<64x80xf32, #tpu.memory_space<vmem>> -> memref<64x64xf32, #tpu.memory_space<vmem>>
      %dma_wait3A_417 = tpu.memref_slice %arg2[%add3A_36, %mul3A_38] : memref<10000x128xf32, #tpu.memory_space<hbm>> -> memref<64x64xf32, #tpu.memory_space<hbm>>
      %dma_wait3A_418 = arith.constant 0 : i32
      %dma_wait3A_419 = arith.constant 0 : i32
      %dma_wait3A_420 = tpu.memref_slice %arg23[%dma_wait3A_418, %dma_wait3A_419] : memref<64x80xf32, #tpu.memory_space<vmem>> -> memref<64x64xf32, #tpu.memory_space<vmem>>
      %dma_wait3A_421 = tpu.memref_slice %arg2[%add3A_36, %mul3A_38] : memref<10000x128xf32, #tpu.memory_space<hbm>> -> memref<64x64xf32, #tpu.memory_space<hbm>>
      tpu.wait_dma2 semaphore(%run_scoped3A : memref<!tpu.dma_semaphore, #tpu.memory_space<semaphore_mem>>) src(%dma_wait3A_421 : memref<64x64xf32, #tpu.memory_space<hbm>>) dst(%dma_wait3A_420 : memref<64x64xf32, #tpu.memory_space<vmem>>)
      tpu.yield
    }) : () -> ()
    "tpu.region"() ({
      %run_scoped3A = tpu.sem_alloc : memref<!tpu.dma_semaphore, #tpu.memory_space<semaphore_mem>>
      %dma_start3A_406 = arith.constant 0 : i32
      %dma_start3A_407 = arith.constant 0 : i32
      %dma_start3A_408 = tpu.memref_slice %arg23[%dma_start3A_406, %dma_start3A_407] : memref<64x80xf32, #tpu.memory_space<vmem>> -> memref<64x80xf32, #tpu.memory_space<vmem>>
      %dma_start3A_409 = arith.constant 0 : i32
      %dma_start3A_410 = tpu.memref_slice %arg26[%add3A_36, %dma_start3A_409] : memref<10000x80xf32, #tpu.memory_space<vmem_shared>> -> memref<64x80xf32, #tpu.memory_space<vmem_shared>>
      %dma_start3A_411 = arith.constant 0 : i32
      %dma_start3A_412 = tpu.memref_slice %arg26[%add3A_36, %dma_start3A_411] : memref<10000x80xf32, #tpu.memory_space<vmem_shared>> -> memref<64x80xf32, #tpu.memory_space<vmem_shared>>
      %dma_start3A_413 = arith.constant 0 : i32
      %dma_start3A_414 = arith.constant 0 : i32
      %dma_start3A_415 = tpu.memref_slice %arg23[%dma_start3A_413, %dma_start3A_414] : memref<64x80xf32, #tpu.memory_space<vmem>> -> memref<64x80xf32, #tpu.memory_space<vmem>>
      tpu.enqueue_dma source(%dma_start3A_415 : memref<64x80xf32, #tpu.memory_space<vmem>>) target(%dma_start3A_412 : memref<64x80xf32, #tpu.memory_space<vmem_shared>>) target_semaphore(%run_scoped3A : memref<!tpu.dma_semaphore, #tpu.memory_space<semaphore_mem>>)
      %dma_wait3A_416 = arith.constant 0 : i32
      %dma_wait3A_417 = arith.constant 0 : i32
      %dma_wait3A_418 = tpu.memref_slice %arg23[%dma_wait3A_416, %dma_wait3A_417] : memref<64x80xf32, #tpu.memory_space<vmem>> -> memref<64x80xf32, #tpu.memory_space<vmem>>
      %dma_wait3A_419 = arith.constant 0 : i32
      %dma_wait3A_420 = tpu.memref_slice %arg26[%add3A_36, %dma_wait3A_419] : memref<10000x80xf32, #tpu.memory_space<vmem_shared>> -> memref<64x80xf32, #tpu.memory_space<vmem_shared>>
      %dma_wait3A_421 = arith.constant 0 : i32
      %dma_wait3A_422 = tpu.memref_slice %arg26[%add3A_36, %dma_wait3A_421] : memref<10000x80xf32, #tpu.memory_space<vmem_shared>> -> memref<64x80xf32, #tpu.memory_space<vmem_shared>>
      %dma_wait3A_423 = arith.constant 0 : i32
      %dma_wait3A_424 = arith.constant 0 : i32
      %dma_wait3A_425 = tpu.memref_slice %arg23[%dma_wait3A_423, %dma_wait3A_424] : memref<64x80xf32, #tpu.memory_space<vmem>> -> memref<64x80xf32, #tpu.memory_space<vmem>>
      tpu.wait_dma2 semaphore(%run_scoped3A : memref<!tpu.dma_semaphore, #tpu.memory_space<semaphore_mem>>) src(%dma_wait3A_425 : memref<64x80xf32, #tpu.memory_space<vmem>>) dst(%dma_wait3A_422 : memref<64x80xf32, #tpu.memory_space<vmem_shared>>)
      tpu.yield
    }) : () -> ()
    %add3A_39 = arith.constant 64 : i32
    %add3A_40 = arith.addi %add3A_36, %add3A_39 : i32
    %mul3A_41 = arith.constant 64 : i32
    %mul3A_42 = arith.muli %arg0, %mul3A_41 : i32
    "tpu.region"() ({
      %run_scoped3A = tpu.sem_alloc : memref<!tpu.dma_semaphore, #tpu.memory_space<semaphore_mem>>
      %dma_start3A_406 = arith.constant 0 : i32
      %dma_start3A_407 = arith.constant 0 : i32
      %dma_start3A_408 = tpu.memref_slice %arg23[%dma_start3A_406, %dma_start3A_407] : memref<64x80xf32, #tpu.memory_space<vmem>> -> memref<64x64xf32, #tpu.memory_space<vmem>>
      %dma_start3A_409 = tpu.memref_slice %arg2[%add3A_40, %mul3A_42] : memref<10000x128xf32, #tpu.memory_space<hbm>> -> memref<64x64xf32, #tpu.memory_space<hbm>>
      %dma_start3A_410 = arith.constant 0 : i32
      %dma_start3A_411 = arith.constant 0 : i32
      %dma_start3A_412 = tpu.memref_slice %arg23[%dma_start3A_410, %dma_start3A_411] : memref<64x80xf32, #tpu.memory_space<vmem>> -> memref<64x64xf32, #tpu.memory_space<vmem>>
      %dma_start3A_413 = tpu.memref_slice %arg2[%add3A_40, %mul3A_42] : memref<10000x128xf32, #tpu.memory_space<hbm>> -> memref<64x64xf32, #tpu.memory_space<hbm>>
      tpu.enqueue_dma source(%dma_start3A_413 : memref<64x64xf32, #tpu.memory_space<hbm>>) target(%dma_start3A_412 : memref<64x64xf32, #tpu.memory_space<vmem>>) target_semaphore(%run_scoped3A : memref<!tpu.dma_semaphore, #tpu.memory_space<semaphore_mem>>)
      %dma_wait3A_414 = arith.constant 0 : i32
      %dma_wait3A_415 = arith.constant 0 : i32
      %dma_wait3A_416 = tpu.memref_slice %arg23[%dma_wait3A_414, %dma_wait3A_415] : memref<64x80xf32, #tpu.memory_space<vmem>> -> memref<64x64xf32, #tpu.memory_space<vmem>>
      %dma_wait3A_417 = tpu.memref_slice %arg2[%add3A_40, %mul3A_42] : memref<10000x128xf32, #tpu.memory_space<hbm>> -> memref<64x64xf32, #tpu.memory_space<hbm>>
      %dma_wait3A_418 = arith.constant 0 : i32
      %dma_wait3A_419 = arith.constant 0 : i32
      %dma_wait3A_420 = tpu.memref_slice %arg23[%dma_wait3A_418, %dma_wait3A_419] : memref<64x80xf32, #tpu.memory_space<vmem>> -> memref<64x64xf32, #tpu.memory_space<vmem>>
      %dma_wait3A_421 = tpu.memref_slice %arg2[%add3A_40, %mul3A_42] : memref<10000x128xf32, #tpu.memory_space<hbm>> -> memref<64x64xf32, #tpu.memory_space<hbm>>
      tpu.wait_dma2 semaphore(%run_scoped3A : memref<!tpu.dma_semaphore, #tpu.memory_space<semaphore_mem>>) src(%dma_wait3A_421 : memref<64x64xf32, #tpu.memory_space<hbm>>) dst(%dma_wait3A_420 : memref<64x64xf32, #tpu.memory_space<vmem>>)
      tpu.yield
    }) : () -> ()
    "tpu.region"() ({
      %run_scoped3A = tpu.sem_alloc : memref<!tpu.dma_semaphore, #tpu.memory_space<semaphore_mem>>
      %dma_start3A_406 = arith.constant 0 : i32
      %dma_start3A_407 = arith.constant 0 : i32
      %dma_start3A_408 = tpu.memref_slice %arg23[%dma_start3A_406, %dma_start3A_407] : memref<64x80xf32, #tpu.memory_space<vmem>> -> memref<64x80xf32, #tpu.memory_space<vmem>>
      %dma_start3A_409 = arith.constant 0 : i32
      %dma_start3A_410 = tpu.memref_slice %arg26[%add3A_40, %dma_start3A_409] : memref<10000x80xf32, #tpu.memory_space<vmem_shared>> -> memref<64x80xf32, #tpu.memory_space<vmem_shared>>
      %dma_start3A_411 = arith.constant 0 : i32
      %dma_start3A_412 = tpu.memref_slice %arg26[%add3A_40, %dma_start3A_411] : memref<10000x80xf32, #tpu.memory_space<vmem_shared>> -> memref<64x80xf32, #tpu.memory_space<vmem_shared>>
      %dma_start3A_413 = arith.constant 0 : i32
      %dma_start3A_414 = arith.constant 0 : i32
      %dma_start3A_415 = tpu.memref_slice %arg23[%dma_start3A_413, %dma_start3A_414] : memref<64x80xf32, #tpu.memory_space<vmem>> -> memref<64x80xf32, #tpu.memory_space<vmem>>
      tpu.enqueue_dma source(%dma_start3A_415 : memref<64x80xf32, #tpu.memory_space<vmem>>) target(%dma_start3A_412 : memref<64x80xf32, #tpu.memory_space<vmem_shared>>) target_semaphore(%run_scoped3A : memref<!tpu.dma_semaphore, #tpu.memory_space<semaphore_mem>>)
      %dma_wait3A_416 = arith.constant 0 : i32
      %dma_wait3A_417 = arith.constant 0 : i32
      %dma_wait3A_418 = tpu.memref_slice %arg23[%dma_wait3A_416, %dma_wait3A_417] : memref<64x80xf32, #tpu.memory_space<vmem>> -> memref<64x80xf32, #tpu.memory_space<vmem>>
      %dma_wait3A_419 = arith.constant 0 : i32
      %dma_wait3A_420 = tpu.memref_slice %arg26[%add3A_40, %dma_wait3A_419] : memref<10000x80xf32, #tpu.memory_space<vmem_shared>> -> memref<64x80xf32, #tpu.memory_space<vmem_shared>>
      %dma_wait3A_421 = arith.constant 0 : i32
      %dma_wait3A_422 = tpu.memref_slice %arg26[%add3A_40, %dma_wait3A_421] : memref<10000x80xf32, #tpu.memory_space<vmem_shared>> -> memref<64x80xf32, #tpu.memory_space<vmem_shared>>
      %dma_wait3A_423 = arith.constant 0 : i32
      %dma_wait3A_424 = arith.constant 0 : i32
      %dma_wait3A_425 = tpu.memref_slice %arg23[%dma_wait3A_423, %dma_wait3A_424] : memref<64x80xf32, #tpu.memory_space<vmem>> -> memref<64x80xf32, #tpu.memory_space<vmem>>
      tpu.wait_dma2 semaphore(%run_scoped3A : memref<!tpu.dma_semaphore, #tpu.memory_space<semaphore_mem>>) src(%dma_wait3A_425 : memref<64x80xf32, #tpu.memory_space<vmem>>) dst(%dma_wait3A_422 : memref<64x80xf32, #tpu.memory_space<vmem_shared>>)
      tpu.yield
    }) : () -> ()
    %add3A_43 = arith.constant 64 : i32
    %add3A_44 = arith.addi %add3A_40, %add3A_43 : i32
    %mul3A_45 = arith.constant 64 : i32
    %mul3A_46 = arith.muli %arg0, %mul3A_45 : i32
    "tpu.region"() ({
      %run_scoped3A = tpu.sem_alloc : memref<!tpu.dma_semaphore, #tpu.memory_space<semaphore_mem>>
      %dma_start3A_406 = arith.constant 0 : i32
      %dma_start3A_407 = arith.constant 0 : i32
      %dma_start3A_408 = tpu.memref_slice %arg23[%dma_start3A_406, %dma_start3A_407] : memref<64x80xf32, #tpu.memory_space<vmem>> -> memref<64x64xf32, #tpu.memory_space<vmem>>
      %dma_start3A_409 = tpu.memref_slice %arg2[%add3A_44, %mul3A_46] : memref<10000x128xf32, #tpu.memory_space<hbm>> -> memref<64x64xf32, #tpu.memory_space<hbm>>
      %dma_start3A_410 = arith.constant 0 : i32
      %dma_start3A_411 = arith.constant 0 : i32
      %dma_start3A_412 = tpu.memref_slice %arg23[%dma_start3A_410, %dma_start3A_411] : memref<64x80xf32, #tpu.memory_space<vmem>> -> memref<64x64xf32, #tpu.memory_space<vmem>>
      %dma_start3A_413 = tpu.memref_slice %arg2[%add3A_44, %mul3A_46] : memref<10000x128xf32, #tpu.memory_space<hbm>> -> memref<64x64xf32, #tpu.memory_space<hbm>>
      tpu.enqueue_dma source(%dma_start3A_413 : memref<64x64xf32, #tpu.memory_space<hbm>>) target(%dma_start3A_412 : memref<64x64xf32, #tpu.memory_space<vmem>>) target_semaphore(%run_scoped3A : memref<!tpu.dma_semaphore, #tpu.memory_space<semaphore_mem>>)
      %dma_wait3A_414 = arith.constant 0 : i32
      %dma_wait3A_415 = arith.constant 0 : i32
      %dma_wait3A_416 = tpu.memref_slice %arg23[%dma_wait3A_414, %dma_wait3A_415] : memref<64x80xf32, #tpu.memory_space<vmem>> -> memref<64x64xf32, #tpu.memory_space<vmem>>
      %dma_wait3A_417 = tpu.memref_slice %arg2[%add3A_44, %mul3A_46] : memref<10000x128xf32, #tpu.memory_space<hbm>> -> memref<64x64xf32, #tpu.memory_space<hbm>>
      %dma_wait3A_418 = arith.constant 0 : i32
      %dma_wait3A_419 = arith.constant 0 : i32
      %dma_wait3A_420 = tpu.memref_slice %arg23[%dma_wait3A_418, %dma_wait3A_419] : memref<64x80xf32, #tpu.memory_space<vmem>> -> memref<64x64xf32, #tpu.memory_space<vmem>>
      %dma_wait3A_421 = tpu.memref_slice %arg2[%add3A_44, %mul3A_46] : memref<10000x128xf32, #tpu.memory_space<hbm>> -> memref<64x64xf32, #tpu.memory_space<hbm>>
      tpu.wait_dma2 semaphore(%run_scoped3A : memref<!tpu.dma_semaphore, #tpu.memory_space<semaphore_mem>>) src(%dma_wait3A_421 : memref<64x64xf32, #tpu.memory_space<hbm>>) dst(%dma_wait3A_420 : memref<64x64xf32, #tpu.memory_space<vmem>>)
      tpu.yield
    }) : () -> ()
    "tpu.region"() ({
      %run_scoped3A = tpu.sem_alloc : memref<!tpu.dma_semaphore, #tpu.memory_space<semaphore_mem>>
      %dma_start3A_406 = arith.constant 0 : i32
      %dma_start3A_407 = arith.constant 0 : i32
      %dma_start3A_408 = tpu.memref_slice %arg23[%dma_start3A_406, %dma_start3A_407] : memref<64x80xf32, #tpu.memory_space<vmem>> -> memref<64x80xf32, #tpu.memory_space<vmem>>
      %dma_start3A_409 = arith.constant 0 : i32
      %dma_start3A_410 = tpu.memref_slice %arg26[%add3A_44, %dma_start3A_409] : memref<10000x80xf32, #tpu.memory_space<vmem_shared>> -> memref<64x80xf32, #tpu.memory_space<vmem_shared>>
      %dma_start3A_411 = arith.constant 0 : i32
      %dma_start3A_412 = tpu.memref_slice %arg26[%add3A_44, %dma_start3A_411] : memref<10000x80xf32, #tpu.memory_space<vmem_shared>> -> memref<64x80xf32, #tpu.memory_space<vmem_shared>>
      %dma_start3A_413 = arith.constant 0 : i32
      %dma_start3A_414 = arith.constant 0 : i32
      %dma_start3A_415 = tpu.memref_slice %arg23[%dma_start3A_413, %dma_start3A_414] : memref<64x80xf32, #tpu.memory_space<vmem>> -> memref<64x80xf32, #tpu.memory_space<vmem>>
      tpu.enqueue_dma source(%dma_start3A_415 : memref<64x80xf32, #tpu.memory_space<vmem>>) target(%dma_start3A_412 : memref<64x80xf32, #tpu.memory_space<vmem_shared>>) target_semaphore(%run_scoped3A : memref<!tpu.dma_semaphore, #tpu.memory_space<semaphore_mem>>)
      %dma_wait3A_416 = arith.constant 0 : i32
      %dma_wait3A_417 = arith.constant 0 : i32
      %dma_wait3A_418 = tpu.memref_slice %arg23[%dma_wait3A_416, %dma_wait3A_417] : memref<64x80xf32, #tpu.memory_space<vmem>> -> memref<64x80xf32, #tpu.memory_space<vmem>>
      %dma_wait3A_419 = arith.constant 0 : i32
      %dma_wait3A_420 = tpu.memref_slice %arg26[%add3A_44, %dma_wait3A_419] : memref<10000x80xf32, #tpu.memory_space<vmem_shared>> -> memref<64x80xf32, #tpu.memory_space<vmem_shared>>
      %dma_wait3A_421 = arith.constant 0 : i32
      %dma_wait3A_422 = tpu.memref_slice %arg26[%add3A_44, %dma_wait3A_421] : memref<10000x80xf32, #tpu.memory_space<vmem_shared>> -> memref<64x80xf32, #tpu.memory_space<vmem_shared>>
      %dma_wait3A_423 = arith.constant 0 : i32
      %dma_wait3A_424 = arith.constant 0 : i32
      %dma_wait3A_425 = tpu.memref_slice %arg23[%dma_wait3A_423, %dma_wait3A_424] : memref<64x80xf32, #tpu.memory_space<vmem>> -> memref<64x80xf32, #tpu.memory_space<vmem>>
      tpu.wait_dma2 semaphore(%run_scoped3A : memref<!tpu.dma_semaphore, #tpu.memory_space<semaphore_mem>>) src(%dma_wait3A_425 : memref<64x80xf32, #tpu.memory_space<vmem>>) dst(%dma_wait3A_422 : memref<64x80xf32, #tpu.memory_space<vmem_shared>>)
      tpu.yield
    }) : () -> ()
    %add3A_47 = arith.constant 64 : i32
    %add3A_48 = arith.addi %add3A_44, %add3A_47 : i32
    %mul3A_49 = arith.constant 64 : i32
    %mul3A_50 = arith.muli %arg0, %mul3A_49 : i32
    "tpu.region"() ({
      %run_scoped3A = tpu.sem_alloc : memref<!tpu.dma_semaphore, #tpu.memory_space<semaphore_mem>>
      %dma_start3A_406 = arith.constant 0 : i32
      %dma_start3A_407 = arith.constant 0 : i32
      %dma_start3A_408 = tpu.memref_slice %arg23[%dma_start3A_406, %dma_start3A_407] : memref<64x80xf32, #tpu.memory_space<vmem>> -> memref<64x64xf32, #tpu.memory_space<vmem>>
      %dma_start3A_409 = tpu.memref_slice %arg2[%add3A_48, %mul3A_50] : memref<10000x128xf32, #tpu.memory_space<hbm>> -> memref<64x64xf32, #tpu.memory_space<hbm>>
      %dma_start3A_410 = arith.constant 0 : i32
      %dma_start3A_411 = arith.constant 0 : i32
      %dma_start3A_412 = tpu.memref_slice %arg23[%dma_start3A_410, %dma_start3A_411] : memref<64x80xf32, #tpu.memory_space<vmem>> -> memref<64x64xf32, #tpu.memory_space<vmem>>
      %dma_start3A_413 = tpu.memref_slice %arg2[%add3A_48, %mul3A_50] : memref<10000x128xf32, #tpu.memory_space<hbm>> -> memref<64x64xf32, #tpu.memory_space<hbm>>
      tpu.enqueue_dma source(%dma_start3A_413 : memref<64x64xf32, #tpu.memory_space<hbm>>) target(%dma_start3A_412 : memref<64x64xf32, #tpu.memory_space<vmem>>) target_semaphore(%run_scoped3A : memref<!tpu.dma_semaphore, #tpu.memory_space<semaphore_mem>>)
      %dma_wait3A_414 = arith.constant 0 : i32
      %dma_wait3A_415 = arith.constant 0 : i32
      %dma_wait3A_416 = tpu.memref_slice %arg23[%dma_wait3A_414, %dma_wait3A_415] : memref<64x80xf32, #tpu.memory_space<vmem>> -> memref<64x64xf32, #tpu.memory_space<vmem>>
      %dma_wait3A_417 = tpu.memref_slice %arg2[%add3A_48, %mul3A_50] : memref<10000x128xf32, #tpu.memory_space<hbm>> -> memref<64x64xf32, #tpu.memory_space<hbm>>
      %dma_wait3A_418 = arith.constant 0 : i32
      %dma_wait3A_419 = arith.constant 0 : i32
      %dma_wait3A_420 = tpu.memref_slice %arg23[%dma_wait3A_418, %dma_wait3A_419] : memref<64x80xf32, #tpu.memory_space<vmem>> -> memref<64x64xf32, #tpu.memory_space<vmem>>
      %dma_wait3A_421 = tpu.memref_slice %arg2[%add3A_48, %mul3A_50] : memref<10000x128xf32, #tpu.memory_space<hbm>> -> memref<64x64xf32, #tpu.memory_space<hbm>>
      tpu.wait_dma2 semaphore(%run_scoped3A : memref<!tpu.dma_semaphore, #tpu.memory_space<semaphore_mem>>) src(%dma_wait3A_421 : memref<64x64xf32, #tpu.memory_space<hbm>>) dst(%dma_wait3A_420 : memref<64x64xf32, #tpu.memory_space<vmem>>)
      tpu.yield
    }) : () -> ()
    "tpu.region"() ({
      %run_scoped3A = tpu.sem_alloc : memref<!tpu.dma_semaphore, #tpu.memory_space<semaphore_mem>>
      %dma_start3A_406 = arith.constant 0 : i32
      %dma_start3A_407 = arith.constant 0 : i32
      %dma_start3A_408 = tpu.memref_slice %arg23[%dma_start3A_406, %dma_start3A_407] : memref<64x80xf32, #tpu.memory_space<vmem>> -> memref<64x80xf32, #tpu.memory_space<vmem>>
      %dma_start3A_409 = arith.constant 0 : i32
      %dma_start3A_410 = tpu.memref_slice %arg26[%add3A_48, %dma_start3A_409] : memref<10000x80xf32, #tpu.memory_space<vmem_shared>> -> memref<64x80xf32, #tpu.memory_space<vmem_shared>>
      %dma_start3A_411 = arith.constant 0 : i32
      %dma_start3A_412 = tpu.memref_slice %arg26[%add3A_48, %dma_start3A_411] : memref<10000x80xf32, #tpu.memory_space<vmem_shared>> -> memref<64x80xf32, #tpu.memory_space<vmem_shared>>
      %dma_start3A_413 = arith.constant 0 : i32
      %dma_start3A_414 = arith.constant 0 : i32
      %dma_start3A_415 = tpu.memref_slice %arg23[%dma_start3A_413, %dma_start3A_414] : memref<64x80xf32, #tpu.memory_space<vmem>> -> memref<64x80xf32, #tpu.memory_space<vmem>>
      tpu.enqueue_dma source(%dma_start3A_415 : memref<64x80xf32, #tpu.memory_space<vmem>>) target(%dma_start3A_412 : memref<64x80xf32, #tpu.memory_space<vmem_shared>>) target_semaphore(%run_scoped3A : memref<!tpu.dma_semaphore, #tpu.memory_space<semaphore_mem>>)
      %dma_wait3A_416 = arith.constant 0 : i32
      %dma_wait3A_417 = arith.constant 0 : i32
      %dma_wait3A_418 = tpu.memref_slice %arg23[%dma_wait3A_416, %dma_wait3A_417] : memref<64x80xf32, #tpu.memory_space<vmem>> -> memref<64x80xf32, #tpu.memory_space<vmem>>
      %dma_wait3A_419 = arith.constant 0 : i32
      %dma_wait3A_420 = tpu.memref_slice %arg26[%add3A_48, %dma_wait3A_419] : memref<10000x80xf32, #tpu.memory_space<vmem_shared>> -> memref<64x80xf32, #tpu.memory_space<vmem_shared>>
      %dma_wait3A_421 = arith.constant 0 : i32
      %dma_wait3A_422 = tpu.memref_slice %arg26[%add3A_48, %dma_wait3A_421] : memref<10000x80xf32, #tpu.memory_space<vmem_shared>> -> memref<64x80xf32, #tpu.memory_space<vmem_shared>>
      %dma_wait3A_423 = arith.constant 0 : i32
      %dma_wait3A_424 = arith.constant 0 : i32
      %dma_wait3A_425 = tpu.memref_slice %arg23[%dma_wait3A_423, %dma_wait3A_424] : memref<64x80xf32, #tpu.memory_space<vmem>> -> memref<64x80xf32, #tpu.memory_space<vmem>>
      tpu.wait_dma2 semaphore(%run_scoped3A : memref<!tpu.dma_semaphore, #tpu.memory_space<semaphore_mem>>) src(%dma_wait3A_425 : memref<64x80xf32, #tpu.memory_space<vmem>>) dst(%dma_wait3A_422 : memref<64x80xf32, #tpu.memory_space<vmem_shared>>)
      tpu.yield
    }) : () -> ()
    %add3A_51 = arith.constant 64 : i32
    %add3A_52 = arith.addi %add3A_48, %add3A_51 : i32
    %mul3A_53 = arith.constant 64 : i32
    %mul3A_54 = arith.muli %arg0, %mul3A_53 : i32
    "tpu.region"() ({
      %run_scoped3A = tpu.sem_alloc : memref<!tpu.dma_semaphore, #tpu.memory_space<semaphore_mem>>
      %dma_start3A_406 = arith.constant 0 : i32
      %dma_start3A_407 = arith.constant 0 : i32
      %dma_start3A_408 = tpu.memref_slice %arg23[%dma_start3A_406, %dma_start3A_407] : memref<64x80xf32, #tpu.memory_space<vmem>> -> memref<64x64xf32, #tpu.memory_space<vmem>>
      %dma_start3A_409 = tpu.memref_slice %arg2[%add3A_52, %mul3A_54] : memref<10000x128xf32, #tpu.memory_space<hbm>> -> memref<64x64xf32, #tpu.memory_space<hbm>>
      %dma_start3A_410 = arith.constant 0 : i32
      %dma_start3A_411 = arith.constant 0 : i32
      %dma_start3A_412 = tpu.memref_slice %arg23[%dma_start3A_410, %dma_start3A_411] : memref<64x80xf32, #tpu.memory_space<vmem>> -> memref<64x64xf32, #tpu.memory_space<vmem>>
      %dma_start3A_413 = tpu.memref_slice %arg2[%add3A_52, %mul3A_54] : memref<10000x128xf32, #tpu.memory_space<hbm>> -> memref<64x64xf32, #tpu.memory_space<hbm>>
      tpu.enqueue_dma source(%dma_start3A_413 : memref<64x64xf32, #tpu.memory_space<hbm>>) target(%dma_start3A_412 : memref<64x64xf32, #tpu.memory_space<vmem>>) target_semaphore(%run_scoped3A : memref<!tpu.dma_semaphore, #tpu.memory_space<semaphore_mem>>)
      %dma_wait3A_414 = arith.constant 0 : i32
      %dma_wait3A_415 = arith.constant 0 : i32
      %dma_wait3A_416 = tpu.memref_slice %arg23[%dma_wait3A_414, %dma_wait3A_415] : memref<64x80xf32, #tpu.memory_space<vmem>> -> memref<64x64xf32, #tpu.memory_space<vmem>>
      %dma_wait3A_417 = tpu.memref_slice %arg2[%add3A_52, %mul3A_54] : memref<10000x128xf32, #tpu.memory_space<hbm>> -> memref<64x64xf32, #tpu.memory_space<hbm>>
      %dma_wait3A_418 = arith.constant 0 : i32
      %dma_wait3A_419 = arith.constant 0 : i32
      %dma_wait3A_420 = tpu.memref_slice %arg23[%dma_wait3A_418, %dma_wait3A_419] : memref<64x80xf32, #tpu.memory_space<vmem>> -> memref<64x64xf32, #tpu.memory_space<vmem>>
      %dma_wait3A_421 = tpu.memref_slice %arg2[%add3A_52, %mul3A_54] : memref<10000x128xf32, #tpu.memory_space<hbm>> -> memref<64x64xf32, #tpu.memory_space<hbm>>
      tpu.wait_dma2 semaphore(%run_scoped3A : memref<!tpu.dma_semaphore, #tpu.memory_space<semaphore_mem>>) src(%dma_wait3A_421 : memref<64x64xf32, #tpu.memory_space<hbm>>) dst(%dma_wait3A_420 : memref<64x64xf32, #tpu.memory_space<vmem>>)
      tpu.yield
    }) : () -> ()
    "tpu.region"() ({
      %run_scoped3A = tpu.sem_alloc : memref<!tpu.dma_semaphore, #tpu.memory_space<semaphore_mem>>
      %dma_start3A_406 = arith.constant 0 : i32
      %dma_start3A_407 = arith.constant 0 : i32
      %dma_start3A_408 = tpu.memref_slice %arg23[%dma_start3A_406, %dma_start3A_407] : memref<64x80xf32, #tpu.memory_space<vmem>> -> memref<64x80xf32, #tpu.memory_space<vmem>>
      %dma_start3A_409 = arith.constant 0 : i32
      %dma_start3A_410 = tpu.memref_slice %arg26[%add3A_52, %dma_start3A_409] : memref<10000x80xf32, #tpu.memory_space<vmem_shared>> -> memref<64x80xf32, #tpu.memory_space<vmem_shared>>
      %dma_start3A_411 = arith.constant 0 : i32
      %dma_start3A_412 = tpu.memref_slice %arg26[%add3A_52, %dma_start3A_411] : memref<10000x80xf32, #tpu.memory_space<vmem_shared>> -> memref<64x80xf32, #tpu.memory_space<vmem_shared>>
      %dma_start3A_413 = arith.constant 0 : i32
      %dma_start3A_414 = arith.constant 0 : i32
      %dma_start3A_415 = tpu.memref_slice %arg23[%dma_start3A_413, %dma_start3A_414] : memref<64x80xf32, #tpu.memory_space<vmem>> -> memref<64x80xf32, #tpu.memory_space<vmem>>
      tpu.enqueue_dma source(%dma_start3A_415 : memref<64x80xf32, #tpu.memory_space<vmem>>) target(%dma_start3A_412 : memref<64x80xf32, #tpu.memory_space<vmem_shared>>) target_semaphore(%run_scoped3A : memref<!tpu.dma_semaphore, #tpu.memory_space<semaphore_mem>>)
      %dma_wait3A_416 = arith.constant 0 : i32
      %dma_wait3A_417 = arith.constant 0 : i32
      %dma_wait3A_418 = tpu.memref_slice %arg23[%dma_wait3A_416, %dma_wait3A_417] : memref<64x80xf32, #tpu.memory_space<vmem>> -> memref<64x80xf32, #tpu.memory_space<vmem>>
      %dma_wait3A_419 = arith.constant 0 : i32
      %dma_wait3A_420 = tpu.memref_slice %arg26[%add3A_52, %dma_wait3A_419] : memref<10000x80xf32, #tpu.memory_space<vmem_shared>> -> memref<64x80xf32, #tpu.memory_space<vmem_shared>>
      %dma_wait3A_421 = arith.constant 0 : i32
      %dma_wait3A_422 = tpu.memref_slice %arg26[%add3A_52, %dma_wait3A_421] : memref<10000x80xf32, #tpu.memory_space<vmem_shared>> -> memref<64x80xf32, #tpu.memory_space<vmem_shared>>
      %dma_wait3A_423 = arith.constant 0 : i32
      %dma_wait3A_424 = arith.constant 0 : i32
      %dma_wait3A_425 = tpu.memref_slice %arg23[%dma_wait3A_423, %dma_wait3A_424] : memref<64x80xf32, #tpu.memory_space<vmem>> -> memref<64x80xf32, #tpu.memory_space<vmem>>
      tpu.wait_dma2 semaphore(%run_scoped3A : memref<!tpu.dma_semaphore, #tpu.memory_space<semaphore_mem>>) src(%dma_wait3A_425 : memref<64x80xf32, #tpu.memory_space<vmem>>) dst(%dma_wait3A_422 : memref<64x80xf32, #tpu.memory_space<vmem_shared>>)
      tpu.yield
    }) : () -> ()
    %add3A_55 = arith.constant 64 : i32
    %add3A_56 = arith.addi %add3A_52, %add3A_55 : i32
    %mul3A_57 = arith.constant 64 : i32
    %mul3A_58 = arith.muli %arg0, %mul3A_57 : i32
    "tpu.region"() ({
      %run_scoped3A = tpu.sem_alloc : memref<!tpu.dma_semaphore, #tpu.memory_space<semaphore_mem>>
      %dma_start3A_406 = arith.constant 0 : i32
      %dma_start3A_407 = arith.constant 0 : i32
      %dma_start3A_408 = tpu.memref_slice %arg23[%dma_start3A_406, %dma_start3A_407] : memref<64x80xf32, #tpu.memory_space<vmem>> -> memref<64x64xf32, #tpu.memory_space<vmem>>
      %dma_start3A_409 = tpu.memref_slice %arg2[%add3A_56, %mul3A_58] : memref<10000x128xf32, #tpu.memory_space<hbm>> -> memref<64x64xf32, #tpu.memory_space<hbm>>
      %dma_start3A_410 = arith.constant 0 : i32
      %dma_start3A_411 = arith.constant 0 : i32
      %dma_start3A_412 = tpu.memref_slice %arg23[%dma_start3A_410, %dma_start3A_411] : memref<64x80xf32, #tpu.memory_space<vmem>> -> memref<64x64xf32, #tpu.memory_space<vmem>>
      %dma_start3A_413 = tpu.memref_slice %arg2[%add3A_56, %mul3A_58] : memref<10000x128xf32, #tpu.memory_space<hbm>> -> memref<64x64xf32, #tpu.memory_space<hbm>>
      tpu.enqueue_dma source(%dma_start3A_413 : memref<64x64xf32, #tpu.memory_space<hbm>>) target(%dma_start3A_412 : memref<64x64xf32, #tpu.memory_space<vmem>>) target_semaphore(%run_scoped3A : memref<!tpu.dma_semaphore, #tpu.memory_space<semaphore_mem>>)
      %dma_wait3A_414 = arith.constant 0 : i32
      %dma_wait3A_415 = arith.constant 0 : i32
      %dma_wait3A_416 = tpu.memref_slice %arg23[%dma_wait3A_414, %dma_wait3A_415] : memref<64x80xf32, #tpu.memory_space<vmem>> -> memref<64x64xf32, #tpu.memory_space<vmem>>
      %dma_wait3A_417 = tpu.memref_slice %arg2[%add3A_56, %mul3A_58] : memref<10000x128xf32, #tpu.memory_space<hbm>> -> memref<64x64xf32, #tpu.memory_space<hbm>>
      %dma_wait3A_418 = arith.constant 0 : i32
      %dma_wait3A_419 = arith.constant 0 : i32
      %dma_wait3A_420 = tpu.memref_slice %arg23[%dma_wait3A_418, %dma_wait3A_419] : memref<64x80xf32, #tpu.memory_space<vmem>> -> memref<64x64xf32, #tpu.memory_space<vmem>>
      %dma_wait3A_421 = tpu.memref_slice %arg2[%add3A_56, %mul3A_58] : memref<10000x128xf32, #tpu.memory_space<hbm>> -> memref<64x64xf32, #tpu.memory_space<hbm>>
      tpu.wait_dma2 semaphore(%run_scoped3A : memref<!tpu.dma_semaphore, #tpu.memory_space<semaphore_mem>>) src(%dma_wait3A_421 : memref<64x64xf32, #tpu.memory_space<hbm>>) dst(%dma_wait3A_420 : memref<64x64xf32, #tpu.memory_space<vmem>>)
      tpu.yield
    }) : () -> ()
    "tpu.region"() ({
      %run_scoped3A = tpu.sem_alloc : memref<!tpu.dma_semaphore, #tpu.memory_space<semaphore_mem>>
      %dma_start3A_406 = arith.constant 0 : i32
      %dma_start3A_407 = arith.constant 0 : i32
      %dma_start3A_408 = tpu.memref_slice %arg23[%dma_start3A_406, %dma_start3A_407] : memref<64x80xf32, #tpu.memory_space<vmem>> -> memref<64x80xf32, #tpu.memory_space<vmem>>
      %dma_start3A_409 = arith.constant 0 : i32
      %dma_start3A_410 = tpu.memref_slice %arg26[%add3A_56, %dma_start3A_409] : memref<10000x80xf32, #tpu.memory_space<vmem_shared>> -> memref<64x80xf32, #tpu.memory_space<vmem_shared>>
      %dma_start3A_411 = arith.constant 0 : i32
      %dma_start3A_412 = tpu.memref_slice %arg26[%add3A_56, %dma_start3A_411] : memref<10000x80xf32, #tpu.memory_space<vmem_shared>> -> memref<64x80xf32, #tpu.memory_space<vmem_shared>>
      %dma_start3A_413 = arith.constant 0 : i32
      %dma_start3A_414 = arith.constant 0 : i32
      %dma_start3A_415 = tpu.memref_slice %arg23[%dma_start3A_413, %dma_start3A_414] : memref<64x80xf32, #tpu.memory_space<vmem>> -> memref<64x80xf32, #tpu.memory_space<vmem>>
      tpu.enqueue_dma source(%dma_start3A_415 : memref<64x80xf32, #tpu.memory_space<vmem>>) target(%dma_start3A_412 : memref<64x80xf32, #tpu.memory_space<vmem_shared>>) target_semaphore(%run_scoped3A : memref<!tpu.dma_semaphore, #tpu.memory_space<semaphore_mem>>)
      %dma_wait3A_416 = arith.constant 0 : i32
      %dma_wait3A_417 = arith.constant 0 : i32
      %dma_wait3A_418 = tpu.memref_slice %arg23[%dma_wait3A_416, %dma_wait3A_417] : memref<64x80xf32, #tpu.memory_space<vmem>> -> memref<64x80xf32, #tpu.memory_space<vmem>>
      %dma_wait3A_419 = arith.constant 0 : i32
      %dma_wait3A_420 = tpu.memref_slice %arg26[%add3A_56, %dma_wait3A_419] : memref<10000x80xf32, #tpu.memory_space<vmem_shared>> -> memref<64x80xf32, #tpu.memory_space<vmem_shared>>
      %dma_wait3A_421 = arith.constant 0 : i32
      %dma_wait3A_422 = tpu.memref_slice %arg26[%add3A_56, %dma_wait3A_421] : memref<10000x80xf32, #tpu.memory_space<vmem_shared>> -> memref<64x80xf32, #tpu.memory_space<vmem_shared>>
      %dma_wait3A_423 = arith.constant 0 : i32
      %dma_wait3A_424 = arith.constant 0 : i32
      %dma_wait3A_425 = tpu.memref_slice %arg23[%dma_wait3A_423, %dma_wait3A_424] : memref<64x80xf32, #tpu.memory_space<vmem>> -> memref<64x80xf32, #tpu.memory_space<vmem>>
      tpu.wait_dma2 semaphore(%run_scoped3A : memref<!tpu.dma_semaphore, #tpu.memory_space<semaphore_mem>>) src(%dma_wait3A_425 : memref<64x80xf32, #tpu.memory_space<vmem>>) dst(%dma_wait3A_422 : memref<64x80xf32, #tpu.memory_space<vmem_shared>>)
      tpu.yield
    }) : () -> ()
    %add3A_59 = arith.constant 64 : i32
    %add3A_60 = arith.addi %add3A_56, %add3A_59 : i32
    %mul3A_61 = arith.constant 64 : i32
    %mul3A_62 = arith.muli %arg0, %mul3A_61 : i32
    "tpu.region"() ({
      %run_scoped3A = tpu.sem_alloc : memref<!tpu.dma_semaphore, #tpu.memory_space<semaphore_mem>>
      %dma_start3A_406 = arith.constant 0 : i32
      %dma_start3A_407 = arith.constant 0 : i32
      %dma_start3A_408 = tpu.memref_slice %arg23[%dma_start3A_406, %dma_start3A_407] : memref<64x80xf32, #tpu.memory_space<vmem>> -> memref<64x64xf32, #tpu.memory_space<vmem>>
      %dma_start3A_409 = tpu.memref_slice %arg2[%add3A_60, %mul3A_62] : memref<10000x128xf32, #tpu.memory_space<hbm>> -> memref<64x64xf32, #tpu.memory_space<hbm>>
      %dma_start3A_410 = arith.constant 0 : i32
      %dma_start3A_411 = arith.constant 0 : i32
      %dma_start3A_412 = tpu.memref_slice %arg23[%dma_start3A_410, %dma_start3A_411] : memref<64x80xf32, #tpu.memory_space<vmem>> -> memref<64x64xf32, #tpu.memory_space<vmem>>
      %dma_start3A_413 = tpu.memref_slice %arg2[%add3A_60, %mul3A_62] : memref<10000x128xf32, #tpu.memory_space<hbm>> -> memref<64x64xf32, #tpu.memory_space<hbm>>
      tpu.enqueue_dma source(%dma_start3A_413 : memref<64x64xf32, #tpu.memory_space<hbm>>) target(%dma_start3A_412 : memref<64x64xf32, #tpu.memory_space<vmem>>) target_semaphore(%run_scoped3A : memref<!tpu.dma_semaphore, #tpu.memory_space<semaphore_mem>>)
      %dma_wait3A_414 = arith.constant 0 : i32
      %dma_wait3A_415 = arith.constant 0 : i32
      %dma_wait3A_416 = tpu.memref_slice %arg23[%dma_wait3A_414, %dma_wait3A_415] : memref<64x80xf32, #tpu.memory_space<vmem>> -> memref<64x64xf32, #tpu.memory_space<vmem>>
      %dma_wait3A_417 = tpu.memref_slice %arg2[%add3A_60, %mul3A_62] : memref<10000x128xf32, #tpu.memory_space<hbm>> -> memref<64x64xf32, #tpu.memory_space<hbm>>
      %dma_wait3A_418 = arith.constant 0 : i32
      %dma_wait3A_419 = arith.constant 0 : i32
      %dma_wait3A_420 = tpu.memref_slice %arg23[%dma_wait3A_418, %dma_wait3A_419] : memref<64x80xf32, #tpu.memory_space<vmem>> -> memref<64x64xf32, #tpu.memory_space<vmem>>
      %dma_wait3A_421 = tpu.memref_slice %arg2[%add3A_60, %mul3A_62] : memref<10000x128xf32, #tpu.memory_space<hbm>> -> memref<64x64xf32, #tpu.memory_space<hbm>>
      tpu.wait_dma2 semaphore(%run_scoped3A : memref<!tpu.dma_semaphore, #tpu.memory_space<semaphore_mem>>) src(%dma_wait3A_421 : memref<64x64xf32, #tpu.memory_space<hbm>>) dst(%dma_wait3A_420 : memref<64x64xf32, #tpu.memory_space<vmem>>)
      tpu.yield
    }) : () -> ()
    "tpu.region"() ({
      %run_scoped3A = tpu.sem_alloc : memref<!tpu.dma_semaphore, #tpu.memory_space<semaphore_mem>>
      %dma_start3A_406 = arith.constant 0 : i32
      %dma_start3A_407 = arith.constant 0 : i32
      %dma_start3A_408 = tpu.memref_slice %arg23[%dma_start3A_406, %dma_start3A_407] : memref<64x80xf32, #tpu.memory_space<vmem>> -> memref<64x80xf32, #tpu.memory_space<vmem>>
      %dma_start3A_409 = arith.constant 0 : i32
      %dma_start3A_410 = tpu.memref_slice %arg26[%add3A_60, %dma_start3A_409] : memref<10000x80xf32, #tpu.memory_space<vmem_shared>> -> memref<64x80xf32, #tpu.memory_space<vmem_shared>>
      %dma_start3A_411 = arith.constant 0 : i32
      %dma_start3A_412 = tpu.memref_slice %arg26[%add3A_60, %dma_start3A_411] : memref<10000x80xf32, #tpu.memory_space<vmem_shared>> -> memref<64x80xf32, #tpu.memory_space<vmem_shared>>
      %dma_start3A_413 = arith.constant 0 : i32
      %dma_start3A_414 = arith.constant 0 : i32
      %dma_start3A_415 = tpu.memref_slice %arg23[%dma_start3A_413, %dma_start3A_414] : memref<64x80xf32, #tpu.memory_space<vmem>> -> memref<64x80xf32, #tpu.memory_space<vmem>>
      tpu.enqueue_dma source(%dma_start3A_415 : memref<64x80xf32, #tpu.memory_space<vmem>>) target(%dma_start3A_412 : memref<64x80xf32, #tpu.memory_space<vmem_shared>>) target_semaphore(%run_scoped3A : memref<!tpu.dma_semaphore, #tpu.memory_space<semaphore_mem>>)
      %dma_wait3A_416 = arith.constant 0 : i32
      %dma_wait3A_417 = arith.constant 0 : i32
      %dma_wait3A_418 = tpu.memref_slice %arg23[%dma_wait3A_416, %dma_wait3A_417] : memref<64x80xf32, #tpu.memory_space<vmem>> -> memref<64x80xf32, #tpu.memory_space<vmem>>
      %dma_wait3A_419 = arith.constant 0 : i32
      %dma_wait3A_420 = tpu.memref_slice %arg26[%add3A_60, %dma_wait3A_419] : memref<10000x80xf32, #tpu.memory_space<vmem_shared>> -> memref<64x80xf32, #tpu.memory_space<vmem_shared>>
      %dma_wait3A_421 = arith.constant 0 : i32
      %dma_wait3A_422 = tpu.memref_slice %arg26[%add3A_60, %dma_wait3A_421] : memref<10000x80xf32, #tpu.memory_space<vmem_shared>> -> memref<64x80xf32, #tpu.memory_space<vmem_shared>>
      %dma_wait3A_423 = arith.constant 0 : i32
      %dma_wait3A_424 = arith.constant 0 : i32
      %dma_wait3A_425 = tpu.memref_slice %arg23[%dma_wait3A_423, %dma_wait3A_424] : memref<64x80xf32, #tpu.memory_space<vmem>> -> memref<64x80xf32, #tpu.memory_space<vmem>>
      tpu.wait_dma2 semaphore(%run_scoped3A : memref<!tpu.dma_semaphore, #tpu.memory_space<semaphore_mem>>) src(%dma_wait3A_425 : memref<64x80xf32, #tpu.memory_space<vmem>>) dst(%dma_wait3A_422 : memref<64x80xf32, #tpu.memory_space<vmem_shared>>)
      tpu.yield
    }) : () -> ()
    %add3A_63 = arith.constant 64 : i32
    %add3A_64 = arith.addi %add3A_60, %add3A_63 : i32
    %mul3A_65 = arith.constant 64 : i32
    %mul3A_66 = arith.muli %arg0, %mul3A_65 : i32
    "tpu.region"() ({
      %run_scoped3A = tpu.sem_alloc : memref<!tpu.dma_semaphore, #tpu.memory_space<semaphore_mem>>
      %dma_start3A_406 = arith.constant 0 : i32
      %dma_start3A_407 = arith.constant 0 : i32
      %dma_start3A_408 = tpu.memref_slice %arg23[%dma_start3A_406, %dma_start3A_407] : memref<64x80xf32, #tpu.memory_space<vmem>> -> memref<49x64xf32, #tpu.memory_space<vmem>>
      %dma_start3A_409 = tpu.memref_slice %arg2[%add3A_64, %mul3A_66] : memref<10000x128xf32, #tpu.memory_space<hbm>> -> memref<49x64xf32, #tpu.memory_space<hbm>>
      %dma_start3A_410 = arith.constant 0 : i32
      %dma_start3A_411 = arith.constant 0 : i32
      %dma_start3A_412 = tpu.memref_slice %arg23[%dma_start3A_410, %dma_start3A_411] : memref<64x80xf32, #tpu.memory_space<vmem>> -> memref<49x64xf32, #tpu.memory_space<vmem>>
      %dma_start3A_413 = tpu.memref_slice %arg2[%add3A_64, %mul3A_66] : memref<10000x128xf32, #tpu.memory_space<hbm>> -> memref<49x64xf32, #tpu.memory_space<hbm>>
      tpu.enqueue_dma source(%dma_start3A_413 : memref<49x64xf32, #tpu.memory_space<hbm>>) target(%dma_start3A_412 : memref<49x64xf32, #tpu.memory_space<vmem>>) target_semaphore(%run_scoped3A : memref<!tpu.dma_semaphore, #tpu.memory_space<semaphore_mem>>)
      %dma_wait3A_414 = arith.constant 0 : i32
      %dma_wait3A_415 = arith.constant 0 : i32
      %dma_wait3A_416 = tpu.memref_slice %arg23[%dma_wait3A_414, %dma_wait3A_415] : memref<64x80xf32, #tpu.memory_space<vmem>> -> memref<49x64xf32, #tpu.memory_space<vmem>>
      %dma_wait3A_417 = tpu.memref_slice %arg2[%add3A_64, %mul3A_66] : memref<10000x128xf32, #tpu.memory_space<hbm>> -> memref<49x64xf32, #tpu.memory_space<hbm>>
      %dma_wait3A_418 = arith.constant 0 : i32
      %dma_wait3A_419 = arith.constant 0 : i32
      %dma_wait3A_420 = tpu.memref_slice %arg23[%dma_wait3A_418, %dma_wait3A_419] : memref<64x80xf32, #tpu.memory_space<vmem>> -> memref<49x64xf32, #tpu.memory_space<vmem>>
      %dma_wait3A_421 = tpu.memref_slice %arg2[%add3A_64, %mul3A_66] : memref<10000x128xf32, #tpu.memory_space<hbm>> -> memref<49x64xf32, #tpu.memory_space<hbm>>
      tpu.wait_dma2 semaphore(%run_scoped3A : memref<!tpu.dma_semaphore, #tpu.memory_space<semaphore_mem>>) src(%dma_wait3A_421 : memref<49x64xf32, #tpu.memory_space<hbm>>) dst(%dma_wait3A_420 : memref<49x64xf32, #tpu.memory_space<vmem>>)
      tpu.yield
    }) : () -> ()
    "tpu.region"() ({
      %run_scoped3A = tpu.sem_alloc : memref<!tpu.dma_semaphore, #tpu.memory_space<semaphore_mem>>
      %dma_start3A_406 = arith.constant 0 : i32
      %dma_start3A_407 = arith.constant 0 : i32
      %dma_start3A_408 = tpu.memref_slice %arg23[%dma_start3A_406, %dma_start3A_407] : memref<64x80xf32, #tpu.memory_space<vmem>> -> memref<49x80xf32, #tpu.memory_space<vmem>>
      %dma_start3A_409 = arith.constant 0 : i32
      %dma_start3A_410 = tpu.memref_slice %arg26[%add3A_64, %dma_start3A_409] : memref<10000x80xf32, #tpu.memory_space<vmem_shared>> -> memref<49x80xf32, #tpu.memory_space<vmem_shared>>
      %dma_start3A_411 = arith.constant 0 : i32
      %dma_start3A_412 = tpu.memref_slice %arg26[%add3A_64, %dma_start3A_411] : memref<10000x80xf32, #tpu.memory_space<vmem_shared>> -> memref<49x80xf32, #tpu.memory_space<vmem_shared>>
      %dma_start3A_413 = arith.constant 0 : i32
      %dma_start3A_414 = arith.constant 0 : i32
      %dma_start3A_415 = tpu.memref_slice %arg23[%dma_start3A_413, %dma_start3A_414] : memref<64x80xf32, #tpu.memory_space<vmem>> -> memref<49x80xf32, #tpu.memory_space<vmem>>
      tpu.enqueue_dma source(%dma_start3A_415 : memref<49x80xf32, #tpu.memory_space<vmem>>) target(%dma_start3A_412 : memref<49x80xf32, #tpu.memory_space<vmem_shared>>) target_semaphore(%run_scoped3A : memref<!tpu.dma_semaphore, #tpu.memory_space<semaphore_mem>>)
      %dma_wait3A_416 = arith.constant 0 : i32
      %dma_wait3A_417 = arith.constant 0 : i32
      %dma_wait3A_418 = tpu.memref_slice %arg23[%dma_wait3A_416, %dma_wait3A_417] : memref<64x80xf32, #tpu.memory_space<vmem>> -> memref<49x80xf32, #tpu.memory_space<vmem>>
      %dma_wait3A_419 = arith.constant 0 : i32
      %dma_wait3A_420 = tpu.memref_slice %arg26[%add3A_64, %dma_wait3A_419] : memref<10000x80xf32, #tpu.memory_space<vmem_shared>> -> memref<49x80xf32, #tpu.memory_space<vmem_shared>>
      %dma_wait3A_421 = arith.constant 0 : i32
      %dma_wait3A_422 = tpu.memref_slice %arg26[%add3A_64, %dma_wait3A_421] : memref<10000x80xf32, #tpu.memory_space<vmem_shared>> -> memref<49x80xf32, #tpu.memory_space<vmem_shared>>
      %dma_wait3A_423 = arith.constant 0 : i32
      %dma_wait3A_424 = arith.constant 0 : i32
      %dma_wait3A_425 = tpu.memref_slice %arg23[%dma_wait3A_423, %dma_wait3A_424] : memref<64x80xf32, #tpu.memory_space<vmem>> -> memref<49x80xf32, #tpu.memory_space<vmem>>
      tpu.wait_dma2 semaphore(%run_scoped3A : memref<!tpu.dma_semaphore, #tpu.memory_space<semaphore_mem>>) src(%dma_wait3A_425 : memref<49x80xf32, #tpu.memory_space<vmem>>) dst(%dma_wait3A_422 : memref<49x80xf32, #tpu.memory_space<vmem_shared>>)
      tpu.yield
    }) : () -> ()
    %add3A_67 = arith.constant 49 : i32
    %add3A_68 = arith.addi %add3A_64, %add3A_67 : i32
    %barrier3A = arith.constant 0 : index
    tpu.barrier barrier_id(%barrier3A)
    %add3A_69 = arith.constant 0 : i32
    %add3A_70 = arith.addi %mul3A_0, %add3A_69 : i32
    %mul3A_71 = arith.constant 64 : i32
    %mul3A_72 = arith.muli %add3A_70, %mul3A_71 : i32
    %dma_start3A = tpu.memref_slice %arg3[%mul3A_72] : memref<328192xi32, #tpu.memory_space<hbm>> -> memref<64xi32, #tpu.memory_space<hbm>>
    %dma_start3A_73 = tpu.memref_slice %arg3[%mul3A_72] : memref<328192xi32, #tpu.memory_space<hbm>> -> memref<64xi32, #tpu.memory_space<hbm>>
    tpu.enqueue_dma source(%dma_start3A_73 : memref<64xi32, #tpu.memory_space<hbm>>) target(%arg6 : memref<64xi32, #tpu.memory_space<vmem>>) target_semaphore(%arg28 : memref<!tpu.dma_semaphore, #tpu.memory_space<semaphore_mem>>)
    %dma_start3A_74 = tpu.memref_slice %arg4[%mul3A_72] : memref<328192xi32, #tpu.memory_space<hbm>> -> memref<64xi32, #tpu.memory_space<hbm>>
    %dma_start3A_75 = tpu.memref_slice %arg4[%mul3A_72] : memref<328192xi32, #tpu.memory_space<hbm>> -> memref<64xi32, #tpu.memory_space<hbm>>
    tpu.enqueue_dma source(%dma_start3A_75 : memref<64xi32, #tpu.memory_space<hbm>>) target(%arg7 : memref<64xi32, #tpu.memory_space<vmem>>) target_semaphore(%arg28 : memref<!tpu.dma_semaphore, #tpu.memory_space<semaphore_mem>>)
    %add3A_76 = arith.constant 1 : i32
    %add3A_77 = arith.addi %mul3A_0, %add3A_76 : i32
    %mul3A_78 = arith.constant 64 : i32
    %mul3A_79 = arith.muli %add3A_77, %mul3A_78 : i32
    %dma_start3A_80 = tpu.memref_slice %arg3[%mul3A_79] : memref<328192xi32, #tpu.memory_space<hbm>> -> memref<64xi32, #tpu.memory_space<hbm>>
    %dma_start3A_81 = tpu.memref_slice %arg3[%mul3A_79] : memref<328192xi32, #tpu.memory_space<hbm>> -> memref<64xi32, #tpu.memory_space<hbm>>
    tpu.enqueue_dma source(%dma_start3A_81 : memref<64xi32, #tpu.memory_space<hbm>>) target(%arg8 : memref<64xi32, #tpu.memory_space<vmem>>) target_semaphore(%arg29 : memref<!tpu.dma_semaphore, #tpu.memory_space<semaphore_mem>>)
    %dma_start3A_82 = tpu.memref_slice %arg4[%mul3A_79] : memref<328192xi32, #tpu.memory_space<hbm>> -> memref<64xi32, #tpu.memory_space<hbm>>
    %dma_start3A_83 = tpu.memref_slice %arg4[%mul3A_79] : memref<328192xi32, #tpu.memory_space<hbm>> -> memref<64xi32, #tpu.memory_space<hbm>>
    tpu.enqueue_dma source(%dma_start3A_83 : memref<64xi32, #tpu.memory_space<hbm>>) target(%arg9 : memref<64xi32, #tpu.memory_space<vmem>>) target_semaphore(%arg29 : memref<!tpu.dma_semaphore, #tpu.memory_space<semaphore_mem>>)
    %add3A_84 = arith.constant 2 : i32
    %add3A_85 = arith.addi %mul3A_0, %add3A_84 : i32
    %mul3A_86 = arith.constant 64 : i32
    %mul3A_87 = arith.muli %add3A_85, %mul3A_86 : i32
    %dma_start3A_88 = tpu.memref_slice %arg3[%mul3A_87] : memref<328192xi32, #tpu.memory_space<hbm>> -> memref<64xi32, #tpu.memory_space<hbm>>
    %dma_start3A_89 = tpu.memref_slice %arg3[%mul3A_87] : memref<328192xi32, #tpu.memory_space<hbm>> -> memref<64xi32, #tpu.memory_space<hbm>>
    tpu.enqueue_dma source(%dma_start3A_89 : memref<64xi32, #tpu.memory_space<hbm>>) target(%arg10 : memref<64xi32, #tpu.memory_space<vmem>>) target_semaphore(%arg30 : memref<!tpu.dma_semaphore, #tpu.memory_space<semaphore_mem>>)
    %dma_start3A_90 = tpu.memref_slice %arg4[%mul3A_87] : memref<328192xi32, #tpu.memory_space<hbm>> -> memref<64xi32, #tpu.memory_space<hbm>>
    %dma_start3A_91 = tpu.memref_slice %arg4[%mul3A_87] : memref<328192xi32, #tpu.memory_space<hbm>> -> memref<64xi32, #tpu.memory_space<hbm>>
    tpu.enqueue_dma source(%dma_start3A_91 : memref<64xi32, #tpu.memory_space<hbm>>) target(%arg11 : memref<64xi32, #tpu.memory_space<vmem>>) target_semaphore(%arg30 : memref<!tpu.dma_semaphore, #tpu.memory_space<semaphore_mem>>)
    %add3A_92 = arith.constant 3 : i32
    %add3A_93 = arith.addi %mul3A_0, %add3A_92 : i32
    %mul3A_94 = arith.constant 64 : i32
    %mul3A_95 = arith.muli %add3A_93, %mul3A_94 : i32
    %dma_start3A_96 = tpu.memref_slice %arg3[%mul3A_95] : memref<328192xi32, #tpu.memory_space<hbm>> -> memref<64xi32, #tpu.memory_space<hbm>>
    %dma_start3A_97 = tpu.memref_slice %arg3[%mul3A_95] : memref<328192xi32, #tpu.memory_space<hbm>> -> memref<64xi32, #tpu.memory_space<hbm>>
    tpu.enqueue_dma source(%dma_start3A_97 : memref<64xi32, #tpu.memory_space<hbm>>) target(%arg12 : memref<64xi32, #tpu.memory_space<vmem>>) target_semaphore(%arg31 : memref<!tpu.dma_semaphore, #tpu.memory_space<semaphore_mem>>)
    %dma_start3A_98 = tpu.memref_slice %arg4[%mul3A_95] : memref<328192xi32, #tpu.memory_space<hbm>> -> memref<64xi32, #tpu.memory_space<hbm>>
    %dma_start3A_99 = tpu.memref_slice %arg4[%mul3A_95] : memref<328192xi32, #tpu.memory_space<hbm>> -> memref<64xi32, #tpu.memory_space<hbm>>
    tpu.enqueue_dma source(%dma_start3A_99 : memref<64xi32, #tpu.memory_space<hbm>>) target(%arg13 : memref<64xi32, #tpu.memory_space<vmem>>) target_semaphore(%arg31 : memref<!tpu.dma_semaphore, #tpu.memory_space<semaphore_mem>>)
    %add3A_100 = arith.constant 4 : i32
    %add3A_101 = arith.addi %mul3A_0, %add3A_100 : i32
    %mul3A_102 = arith.constant 64 : i32
    %mul3A_103 = arith.muli %add3A_101, %mul3A_102 : i32
    %dma_start3A_104 = tpu.memref_slice %arg3[%mul3A_103] : memref<328192xi32, #tpu.memory_space<hbm>> -> memref<64xi32, #tpu.memory_space<hbm>>
    %dma_start3A_105 = tpu.memref_slice %arg3[%mul3A_103] : memref<328192xi32, #tpu.memory_space<hbm>> -> memref<64xi32, #tpu.memory_space<hbm>>
    tpu.enqueue_dma source(%dma_start3A_105 : memref<64xi32, #tpu.memory_space<hbm>>) target(%arg14 : memref<64xi32, #tpu.memory_space<vmem>>) target_semaphore(%arg32 : memref<!tpu.dma_semaphore, #tpu.memory_space<semaphore_mem>>)
    %dma_start3A_106 = tpu.memref_slice %arg4[%mul3A_103] : memref<328192xi32, #tpu.memory_space<hbm>> -> memref<64xi32, #tpu.memory_space<hbm>>
    %dma_start3A_107 = tpu.memref_slice %arg4[%mul3A_103] : memref<328192xi32, #tpu.memory_space<hbm>> -> memref<64xi32, #tpu.memory_space<hbm>>
    tpu.enqueue_dma source(%dma_start3A_107 : memref<64xi32, #tpu.memory_space<hbm>>) target(%arg15 : memref<64xi32, #tpu.memory_space<vmem>>) target_semaphore(%arg32 : memref<!tpu.dma_semaphore, #tpu.memory_space<semaphore_mem>>)
    %add3A_108 = arith.constant 0 : i32
    %add3A_109 = arith.addi %mul3A_0, %add3A_108 : i32
    %mul3A_110 = arith.constant 64 : i32
    %mul3A_111 = arith.muli %add3A_109, %mul3A_110 : i32
    %dma_wait3A = tpu.memref_slice %arg3[%mul3A_111] : memref<328192xi32, #tpu.memory_space<hbm>> -> memref<64xi32, #tpu.memory_space<hbm>>
    %dma_wait3A_112 = tpu.memref_slice %arg3[%mul3A_111] : memref<328192xi32, #tpu.memory_space<hbm>> -> memref<64xi32, #tpu.memory_space<hbm>>
    tpu.wait_dma2 semaphore(%arg28 : memref<!tpu.dma_semaphore, #tpu.memory_space<semaphore_mem>>) src(%dma_wait3A_112 : memref<64xi32, #tpu.memory_space<hbm>>) dst(%arg6 : memref<64xi32, #tpu.memory_space<vmem>>)
    %dma_wait3A_113 = tpu.memref_slice %arg4[%mul3A_111] : memref<328192xi32, #tpu.memory_space<hbm>> -> memref<64xi32, #tpu.memory_space<hbm>>
    %dma_wait3A_114 = tpu.memref_slice %arg4[%mul3A_111] : memref<328192xi32, #tpu.memory_space<hbm>> -> memref<64xi32, #tpu.memory_space<hbm>>
    tpu.wait_dma2 semaphore(%arg28 : memref<!tpu.dma_semaphore, #tpu.memory_space<semaphore_mem>>) src(%dma_wait3A_114 : memref<64xi32, #tpu.memory_space<hbm>>) dst(%arg7 : memref<64xi32, #tpu.memory_space<vmem>>)
    %dma_start3A_115 = arith.constant 0 : i32
    %dma_start3A_116 = arith.constant 0 : i32
    %dma_start3A_117 = tpu.memref_slice %arg26[%dma_start3A_115, %dma_start3A_116] : memref<10000x80xf32, #tpu.memory_space<vmem_shared>> -> memref<10000x80xf32, #tpu.memory_space<vmem_shared>>
    tpu.enqueue_indirect_dma source(%dma_start3A_117 : memref<10000x80xf32, #tpu.memory_space<vmem_shared>>) target(%arg22 : memref<64x80xf32, #tpu.memory_space<vmem>>) offsets(%arg6 : memref<64xi32, #tpu.memory_space<vmem>>) semaphore(%arg36 : memref<!tpu.dma_semaphore, #tpu.memory_space<semaphore_mem>>)
    %add3A_118 = arith.constant 5 : i32
    %add3A_119 = arith.addi %mul3A_0, %add3A_118 : i32
    %mul3A_120 = arith.constant 64 : i32
    %mul3A_121 = arith.muli %add3A_119, %mul3A_120 : i32
    %dma_start3A_122 = tpu.memref_slice %arg3[%mul3A_121] : memref<328192xi32, #tpu.memory_space<hbm>> -> memref<64xi32, #tpu.memory_space<hbm>>
    %dma_start3A_123 = tpu.memref_slice %arg3[%mul3A_121] : memref<328192xi32, #tpu.memory_space<hbm>> -> memref<64xi32, #tpu.memory_space<hbm>>
    tpu.enqueue_dma source(%dma_start3A_123 : memref<64xi32, #tpu.memory_space<hbm>>) target(%arg16 : memref<64xi32, #tpu.memory_space<vmem>>) target_semaphore(%arg33 : memref<!tpu.dma_semaphore, #tpu.memory_space<semaphore_mem>>)
    %dma_start3A_124 = tpu.memref_slice %arg4[%mul3A_121] : memref<328192xi32, #tpu.memory_space<hbm>> -> memref<64xi32, #tpu.memory_space<hbm>>
    %dma_start3A_125 = tpu.memref_slice %arg4[%mul3A_121] : memref<328192xi32, #tpu.memory_space<hbm>> -> memref<64xi32, #tpu.memory_space<hbm>>
    tpu.enqueue_dma source(%dma_start3A_125 : memref<64xi32, #tpu.memory_space<hbm>>) target(%arg17 : memref<64xi32, #tpu.memory_space<vmem>>) target_semaphore(%arg33 : memref<!tpu.dma_semaphore, #tpu.memory_space<semaphore_mem>>)
    %add3A_126 = arith.constant 1 : i32
    %add3A_127 = arith.addi %mul3A_0, %add3A_126 : i32
    %mul3A_128 = arith.constant 64 : i32
    %mul3A_129 = arith.muli %add3A_127, %mul3A_128 : i32
    %dma_wait3A_130 = tpu.memref_slice %arg3[%mul3A_129] : memref<328192xi32, #tpu.memory_space<hbm>> -> memref<64xi32, #tpu.memory_space<hbm>>
    %dma_wait3A_131 = tpu.memref_slice %arg3[%mul3A_129] : memref<328192xi32, #tpu.memory_space<hbm>> -> memref<64xi32, #tpu.memory_space<hbm>>
    tpu.wait_dma2 semaphore(%arg29 : memref<!tpu.dma_semaphore, #tpu.memory_space<semaphore_mem>>) src(%dma_wait3A_131 : memref<64xi32, #tpu.memory_space<hbm>>) dst(%arg8 : memref<64xi32, #tpu.memory_space<vmem>>)
    %dma_wait3A_132 = tpu.memref_slice %arg4[%mul3A_129] : memref<328192xi32, #tpu.memory_space<hbm>> -> memref<64xi32, #tpu.memory_space<hbm>>
    %dma_wait3A_133 = tpu.memref_slice %arg4[%mul3A_129] : memref<328192xi32, #tpu.memory_space<hbm>> -> memref<64xi32, #tpu.memory_space<hbm>>
    tpu.wait_dma2 semaphore(%arg29 : memref<!tpu.dma_semaphore, #tpu.memory_space<semaphore_mem>>) src(%dma_wait3A_133 : memref<64xi32, #tpu.memory_space<hbm>>) dst(%arg9 : memref<64xi32, #tpu.memory_space<vmem>>)
    %dma_start3A_134 = arith.constant 0 : i32
    %dma_start3A_135 = arith.constant 0 : i32
    %dma_start3A_136 = tpu.memref_slice %arg26[%dma_start3A_134, %dma_start3A_135] : memref<10000x80xf32, #tpu.memory_space<vmem_shared>> -> memref<10000x80xf32, #tpu.memory_space<vmem_shared>>
    tpu.enqueue_indirect_dma source(%dma_start3A_136 : memref<10000x80xf32, #tpu.memory_space<vmem_shared>>) target(%arg23 : memref<64x80xf32, #tpu.memory_space<vmem>>) offsets(%arg8 : memref<64xi32, #tpu.memory_space<vmem>>) semaphore(%arg37 : memref<!tpu.dma_semaphore, #tpu.memory_space<semaphore_mem>>)
    %dma_wait3A_137 = arith.constant 0 : i32
    %dma_wait3A_138 = arith.constant 0 : i32
    %dma_wait3A_139 = tpu.memref_slice %arg26[%dma_wait3A_137, %dma_wait3A_138] : memref<10000x80xf32, #tpu.memory_space<vmem_shared>> -> memref<10000x80xf32, #tpu.memory_space<vmem_shared>>
    tpu.wait_indirect_dma semaphore(%arg36 : memref<!tpu.dma_semaphore, #tpu.memory_space<semaphore_mem>>) src(%dma_wait3A_139 : memref<10000x80xf32, #tpu.memory_space<vmem_shared>>) dst(%arg22 : memref<64x80xf32, #tpu.memory_space<vmem>>)
    %dma_start3A_140 = arith.constant 0 : i32
    %dma_start3A_141 = arith.constant 0 : i32
    %dma_start3A_142 = tpu.memref_slice %arg27[%dma_start3A_140, %dma_start3A_141] : memref<10016x80xf32, #tpu.memory_space<vmem_shared>> -> memref<10016x80xf32, #tpu.memory_space<vmem_shared>>
    tpu.enqueue_indirect_dma source(%arg22 : memref<64x80xf32, #tpu.memory_space<vmem>>) target(%dma_start3A_142 : memref<10016x80xf32, #tpu.memory_space<vmem_shared>>) offsets(%arg7 : memref<64xi32, #tpu.memory_space<vmem>>) semaphore(%arg40 : memref<!tpu.dma_semaphore, #tpu.memory_space<semaphore_mem>>) {add = true}
    %add3A_143 = arith.constant 6 : i32
    %add3A_144 = arith.addi %mul3A_0, %add3A_143 : i32
    %mul3A_145 = arith.constant 64 : i32
    %mul3A_146 = arith.muli %add3A_144, %mul3A_145 : i32
    %dma_start3A_147 = tpu.memref_slice %arg3[%mul3A_146] : memref<328192xi32, #tpu.memory_space<hbm>> -> memref<64xi32, #tpu.memory_space<hbm>>
    %dma_start3A_148 = tpu.memref_slice %arg3[%mul3A_146] : memref<328192xi32, #tpu.memory_space<hbm>> -> memref<64xi32, #tpu.memory_space<hbm>>
    tpu.enqueue_dma source(%dma_start3A_148 : memref<64xi32, #tpu.memory_space<hbm>>) target(%arg18 : memref<64xi32, #tpu.memory_space<vmem>>) target_semaphore(%arg34 : memref<!tpu.dma_semaphore, #tpu.memory_space<semaphore_mem>>)
    %dma_start3A_149 = tpu.memref_slice %arg4[%mul3A_146] : memref<328192xi32, #tpu.memory_space<hbm>> -> memref<64xi32, #tpu.memory_space<hbm>>
    %dma_start3A_150 = tpu.memref_slice %arg4[%mul3A_146] : memref<328192xi32, #tpu.memory_space<hbm>> -> memref<64xi32, #tpu.memory_space<hbm>>
    tpu.enqueue_dma source(%dma_start3A_150 : memref<64xi32, #tpu.memory_space<hbm>>) target(%arg19 : memref<64xi32, #tpu.memory_space<vmem>>) target_semaphore(%arg34 : memref<!tpu.dma_semaphore, #tpu.memory_space<semaphore_mem>>)
    %add3A_151 = arith.constant 2 : i32
    %add3A_152 = arith.addi %mul3A_0, %add3A_151 : i32
    %mul3A_153 = arith.constant 64 : i32
    %mul3A_154 = arith.muli %add3A_152, %mul3A_153 : i32
    %dma_wait3A_155 = tpu.memref_slice %arg3[%mul3A_154] : memref<328192xi32, #tpu.memory_space<hbm>> -> memref<64xi32, #tpu.memory_space<hbm>>
    %dma_wait3A_156 = tpu.memref_slice %arg3[%mul3A_154] : memref<328192xi32, #tpu.memory_space<hbm>> -> memref<64xi32, #tpu.memory_space<hbm>>
    tpu.wait_dma2 semaphore(%arg30 : memref<!tpu.dma_semaphore, #tpu.memory_space<semaphore_mem>>) src(%dma_wait3A_156 : memref<64xi32, #tpu.memory_space<hbm>>) dst(%arg10 : memref<64xi32, #tpu.memory_space<vmem>>)
    %dma_wait3A_157 = tpu.memref_slice %arg4[%mul3A_154] : memref<328192xi32, #tpu.memory_space<hbm>> -> memref<64xi32, #tpu.memory_space<hbm>>
    %dma_wait3A_158 = tpu.memref_slice %arg4[%mul3A_154] : memref<328192xi32, #tpu.memory_space<hbm>> -> memref<64xi32, #tpu.memory_space<hbm>>
    tpu.wait_dma2 semaphore(%arg30 : memref<!tpu.dma_semaphore, #tpu.memory_space<semaphore_mem>>) src(%dma_wait3A_158 : memref<64xi32, #tpu.memory_space<hbm>>) dst(%arg11 : memref<64xi32, #tpu.memory_space<vmem>>)
    %dma_start3A_159 = arith.constant 0 : i32
    %dma_start3A_160 = arith.constant 0 : i32
    %dma_start3A_161 = tpu.memref_slice %arg26[%dma_start3A_159, %dma_start3A_160] : memref<10000x80xf32, #tpu.memory_space<vmem_shared>> -> memref<10000x80xf32, #tpu.memory_space<vmem_shared>>
    tpu.enqueue_indirect_dma source(%dma_start3A_161 : memref<10000x80xf32, #tpu.memory_space<vmem_shared>>) target(%arg24 : memref<64x80xf32, #tpu.memory_space<vmem>>) offsets(%arg10 : memref<64xi32, #tpu.memory_space<vmem>>) semaphore(%arg38 : memref<!tpu.dma_semaphore, #tpu.memory_space<semaphore_mem>>)
    %dma_wait3A_162 = arith.constant 0 : i32
    %dma_wait3A_163 = arith.constant 0 : i32
    %dma_wait3A_164 = tpu.memref_slice %arg26[%dma_wait3A_162, %dma_wait3A_163] : memref<10000x80xf32, #tpu.memory_space<vmem_shared>> -> memref<10000x80xf32, #tpu.memory_space<vmem_shared>>
    tpu.wait_indirect_dma semaphore(%arg37 : memref<!tpu.dma_semaphore, #tpu.memory_space<semaphore_mem>>) src(%dma_wait3A_164 : memref<10000x80xf32, #tpu.memory_space<vmem_shared>>) dst(%arg23 : memref<64x80xf32, #tpu.memory_space<vmem>>)
    %dma_start3A_165 = arith.constant 0 : i32
    %dma_start3A_166 = arith.constant 0 : i32
    %dma_start3A_167 = tpu.memref_slice %arg27[%dma_start3A_165, %dma_start3A_166] : memref<10016x80xf32, #tpu.memory_space<vmem_shared>> -> memref<10016x80xf32, #tpu.memory_space<vmem_shared>>
    tpu.enqueue_indirect_dma source(%arg23 : memref<64x80xf32, #tpu.memory_space<vmem>>) target(%dma_start3A_167 : memref<10016x80xf32, #tpu.memory_space<vmem_shared>>) offsets(%arg9 : memref<64xi32, #tpu.memory_space<vmem>>) semaphore(%arg41 : memref<!tpu.dma_semaphore, #tpu.memory_space<semaphore_mem>>) {add = true}
    %add3A_168 = arith.constant 7 : i32
    %add3A_169 = arith.addi %mul3A_0, %add3A_168 : i32
    %mul3A_170 = arith.constant 64 : i32
    %mul3A_171 = arith.muli %add3A_169, %mul3A_170 : i32
    %dma_start3A_172 = tpu.memref_slice %arg3[%mul3A_171] : memref<328192xi32, #tpu.memory_space<hbm>> -> memref<64xi32, #tpu.memory_space<hbm>>
    %dma_start3A_173 = tpu.memref_slice %arg3[%mul3A_171] : memref<328192xi32, #tpu.memory_space<hbm>> -> memref<64xi32, #tpu.memory_space<hbm>>
    tpu.enqueue_dma source(%dma_start3A_173 : memref<64xi32, #tpu.memory_space<hbm>>) target(%arg20 : memref<64xi32, #tpu.memory_space<vmem>>) target_semaphore(%arg35 : memref<!tpu.dma_semaphore, #tpu.memory_space<semaphore_mem>>)
    %dma_start3A_174 = tpu.memref_slice %arg4[%mul3A_171] : memref<328192xi32, #tpu.memory_space<hbm>> -> memref<64xi32, #tpu.memory_space<hbm>>
    %dma_start3A_175 = tpu.memref_slice %arg4[%mul3A_171] : memref<328192xi32, #tpu.memory_space<hbm>> -> memref<64xi32, #tpu.memory_space<hbm>>
    tpu.enqueue_dma source(%dma_start3A_175 : memref<64xi32, #tpu.memory_space<hbm>>) target(%arg21 : memref<64xi32, #tpu.memory_space<vmem>>) target_semaphore(%arg35 : memref<!tpu.dma_semaphore, #tpu.memory_space<semaphore_mem>>)
    %add3A_176 = arith.constant 3 : i32
    %add3A_177 = arith.addi %mul3A_0, %add3A_176 : i32
    %mul3A_178 = arith.constant 64 : i32
    %mul3A_179 = arith.muli %add3A_177, %mul3A_178 : i32
    %dma_wait3A_180 = tpu.memref_slice %arg3[%mul3A_179] : memref<328192xi32, #tpu.memory_space<hbm>> -> memref<64xi32, #tpu.memory_space<hbm>>
    %dma_wait3A_181 = tpu.memref_slice %arg3[%mul3A_179] : memref<328192xi32, #tpu.memory_space<hbm>> -> memref<64xi32, #tpu.memory_space<hbm>>
    tpu.wait_dma2 semaphore(%arg31 : memref<!tpu.dma_semaphore, #tpu.memory_space<semaphore_mem>>) src(%dma_wait3A_181 : memref<64xi32, #tpu.memory_space<hbm>>) dst(%arg12 : memref<64xi32, #tpu.memory_space<vmem>>)
    %dma_wait3A_182 = tpu.memref_slice %arg4[%mul3A_179] : memref<328192xi32, #tpu.memory_space<hbm>> -> memref<64xi32, #tpu.memory_space<hbm>>
    %dma_wait3A_183 = tpu.memref_slice %arg4[%mul3A_179] : memref<328192xi32, #tpu.memory_space<hbm>> -> memref<64xi32, #tpu.memory_space<hbm>>
    tpu.wait_dma2 semaphore(%arg31 : memref<!tpu.dma_semaphore, #tpu.memory_space<semaphore_mem>>) src(%dma_wait3A_183 : memref<64xi32, #tpu.memory_space<hbm>>) dst(%arg13 : memref<64xi32, #tpu.memory_space<vmem>>)
    %dma_start3A_184 = arith.constant 0 : i32
    %dma_start3A_185 = arith.constant 0 : i32
    %dma_start3A_186 = tpu.memref_slice %arg26[%dma_start3A_184, %dma_start3A_185] : memref<10000x80xf32, #tpu.memory_space<vmem_shared>> -> memref<10000x80xf32, #tpu.memory_space<vmem_shared>>
    tpu.enqueue_indirect_dma source(%dma_start3A_186 : memref<10000x80xf32, #tpu.memory_space<vmem_shared>>) target(%arg25 : memref<64x80xf32, #tpu.memory_space<vmem>>) offsets(%arg12 : memref<64xi32, #tpu.memory_space<vmem>>) semaphore(%arg39 : memref<!tpu.dma_semaphore, #tpu.memory_space<semaphore_mem>>)
    %dma_wait3A_187 = arith.constant 0 : i32
    %dma_wait3A_188 = arith.constant 0 : i32
    %dma_wait3A_189 = tpu.memref_slice %arg26[%dma_wait3A_187, %dma_wait3A_188] : memref<10000x80xf32, #tpu.memory_space<vmem_shared>> -> memref<10000x80xf32, #tpu.memory_space<vmem_shared>>
    tpu.wait_indirect_dma semaphore(%arg38 : memref<!tpu.dma_semaphore, #tpu.memory_space<semaphore_mem>>) src(%dma_wait3A_189 : memref<10000x80xf32, #tpu.memory_space<vmem_shared>>) dst(%arg24 : memref<64x80xf32, #tpu.memory_space<vmem>>)
    %dma_start3A_190 = arith.constant 0 : i32
    %dma_start3A_191 = arith.constant 0 : i32
    %dma_start3A_192 = tpu.memref_slice %arg27[%dma_start3A_190, %dma_start3A_191] : memref<10016x80xf32, #tpu.memory_space<vmem_shared>> -> memref<10016x80xf32, #tpu.memory_space<vmem_shared>>
    tpu.enqueue_indirect_dma source(%arg24 : memref<64x80xf32, #tpu.memory_space<vmem>>) target(%dma_start3A_192 : memref<10016x80xf32, #tpu.memory_space<vmem_shared>>) offsets(%arg11 : memref<64xi32, #tpu.memory_space<vmem>>) semaphore(%arg42 : memref<!tpu.dma_semaphore, #tpu.memory_space<semaphore_mem>>) {add = true}
    %dma_wait3A_193 = arith.constant 0 : i32
    %dma_wait3A_194 = arith.constant 0 : i32
    %dma_wait3A_195 = tpu.memref_slice %arg27[%dma_wait3A_193, %dma_wait3A_194] : memref<10016x80xf32, #tpu.memory_space<vmem_shared>> -> memref<10016x80xf32, #tpu.memory_space<vmem_shared>>
    tpu.wait_indirect_dma semaphore(%arg40 : memref<!tpu.dma_semaphore, #tpu.memory_space<semaphore_mem>>) src(%arg22 : memref<64x80xf32, #tpu.memory_space<vmem>>) dst(%dma_wait3A_195 : memref<10016x80xf32, #tpu.memory_space<vmem_shared>>)
    %add3A_196 = arith.constant 8 : i32
    %add3A_197 = arith.addi %mul3A_0, %add3A_196 : i32
    %mul3A_198 = arith.constant 64 : i32
    %mul3A_199 = arith.muli %add3A_197, %mul3A_198 : i32
    %dma_start3A_200 = tpu.memref_slice %arg3[%mul3A_199] : memref<328192xi32, #tpu.memory_space<hbm>> -> memref<64xi32, #tpu.memory_space<hbm>>
    %dma_start3A_201 = tpu.memref_slice %arg3[%mul3A_199] : memref<328192xi32, #tpu.memory_space<hbm>> -> memref<64xi32, #tpu.memory_space<hbm>>
    tpu.enqueue_dma source(%dma_start3A_201 : memref<64xi32, #tpu.memory_space<hbm>>) target(%arg6 : memref<64xi32, #tpu.memory_space<vmem>>) target_semaphore(%arg28 : memref<!tpu.dma_semaphore, #tpu.memory_space<semaphore_mem>>)
    %dma_start3A_202 = tpu.memref_slice %arg4[%mul3A_199] : memref<328192xi32, #tpu.memory_space<hbm>> -> memref<64xi32, #tpu.memory_space<hbm>>
    %dma_start3A_203 = tpu.memref_slice %arg4[%mul3A_199] : memref<328192xi32, #tpu.memory_space<hbm>> -> memref<64xi32, #tpu.memory_space<hbm>>
    tpu.enqueue_dma source(%dma_start3A_203 : memref<64xi32, #tpu.memory_space<hbm>>) target(%arg7 : memref<64xi32, #tpu.memory_space<vmem>>) target_semaphore(%arg28 : memref<!tpu.dma_semaphore, #tpu.memory_space<semaphore_mem>>)
    %add3A_204 = arith.constant 4 : i32
    %add3A_205 = arith.addi %mul3A_0, %add3A_204 : i32
    %mul3A_206 = arith.constant 64 : i32
    %mul3A_207 = arith.muli %add3A_205, %mul3A_206 : i32
    %dma_wait3A_208 = tpu.memref_slice %arg3[%mul3A_207] : memref<328192xi32, #tpu.memory_space<hbm>> -> memref<64xi32, #tpu.memory_space<hbm>>
    %dma_wait3A_209 = tpu.memref_slice %arg3[%mul3A_207] : memref<328192xi32, #tpu.memory_space<hbm>> -> memref<64xi32, #tpu.memory_space<hbm>>
    tpu.wait_dma2 semaphore(%arg32 : memref<!tpu.dma_semaphore, #tpu.memory_space<semaphore_mem>>) src(%dma_wait3A_209 : memref<64xi32, #tpu.memory_space<hbm>>) dst(%arg14 : memref<64xi32, #tpu.memory_space<vmem>>)
    %dma_wait3A_210 = tpu.memref_slice %arg4[%mul3A_207] : memref<328192xi32, #tpu.memory_space<hbm>> -> memref<64xi32, #tpu.memory_space<hbm>>
    %dma_wait3A_211 = tpu.memref_slice %arg4[%mul3A_207] : memref<328192xi32, #tpu.memory_space<hbm>> -> memref<64xi32, #tpu.memory_space<hbm>>
    tpu.wait_dma2 semaphore(%arg32 : memref<!tpu.dma_semaphore, #tpu.memory_space<semaphore_mem>>) src(%dma_wait3A_211 : memref<64xi32, #tpu.memory_space<hbm>>) dst(%arg15 : memref<64xi32, #tpu.memory_space<vmem>>)
    %dma_start3A_212 = arith.constant 0 : i32
    %dma_start3A_213 = arith.constant 0 : i32
    %dma_start3A_214 = tpu.memref_slice %arg26[%dma_start3A_212, %dma_start3A_213] : memref<10000x80xf32, #tpu.memory_space<vmem_shared>> -> memref<10000x80xf32, #tpu.memory_space<vmem_shared>>
    tpu.enqueue_indirect_dma source(%dma_start3A_214 : memref<10000x80xf32, #tpu.memory_space<vmem_shared>>) target(%arg22 : memref<64x80xf32, #tpu.memory_space<vmem>>) offsets(%arg14 : memref<64xi32, #tpu.memory_space<vmem>>) semaphore(%arg36 : memref<!tpu.dma_semaphore, #tpu.memory_space<semaphore_mem>>)
    %dma_wait3A_215 = arith.constant 0 : i32
    %dma_wait3A_216 = arith.constant 0 : i32
    %dma_wait3A_217 = tpu.memref_slice %arg26[%dma_wait3A_215, %dma_wait3A_216] : memref<10000x80xf32, #tpu.memory_space<vmem_shared>> -> memref<10000x80xf32, #tpu.memory_space<vmem_shared>>
    tpu.wait_indirect_dma semaphore(%arg39 : memref<!tpu.dma_semaphore, #tpu.memory_space<semaphore_mem>>) src(%dma_wait3A_217 : memref<10000x80xf32, #tpu.memory_space<vmem_shared>>) dst(%arg25 : memref<64x80xf32, #tpu.memory_space<vmem>>)
    %dma_start3A_218 = arith.constant 0 : i32
    %dma_start3A_219 = arith.constant 0 : i32
    %dma_start3A_220 = tpu.memref_slice %arg27[%dma_start3A_218, %dma_start3A_219] : memref<10016x80xf32, #tpu.memory_space<vmem_shared>> -> memref<10016x80xf32, #tpu.memory_space<vmem_shared>>
    tpu.enqueue_indirect_dma source(%arg25 : memref<64x80xf32, #tpu.memory_space<vmem>>) target(%dma_start3A_220 : memref<10016x80xf32, #tpu.memory_space<vmem_shared>>) offsets(%arg13 : memref<64xi32, #tpu.memory_space<vmem>>) semaphore(%arg43 : memref<!tpu.dma_semaphore, #tpu.memory_space<semaphore_mem>>) {add = true}
    %dma_wait3A_221 = arith.constant 0 : i32
    %dma_wait3A_222 = arith.constant 0 : i32
    %dma_wait3A_223 = tpu.memref_slice %arg27[%dma_wait3A_221, %dma_wait3A_222] : memref<10016x80xf32, #tpu.memory_space<vmem_shared>> -> memref<10016x80xf32, #tpu.memory_space<vmem_shared>>
    tpu.wait_indirect_dma semaphore(%arg41 : memref<!tpu.dma_semaphore, #tpu.memory_space<semaphore_mem>>) src(%arg23 : memref<64x80xf32, #tpu.memory_space<vmem>>) dst(%dma_wait3A_223 : memref<10016x80xf32, #tpu.memory_space<vmem_shared>>)
    %add3A_224 = arith.constant 9 : i32
    %add3A_225 = arith.addi %mul3A_0, %add3A_224 : i32
    %mul3A_226 = arith.constant 64 : i32
    %mul3A_227 = arith.muli %add3A_225, %mul3A_226 : i32
    %dma_start3A_228 = tpu.memref_slice %arg3[%mul3A_227] : memref<328192xi32, #tpu.memory_space<hbm>> -> memref<64xi32, #tpu.memory_space<hbm>>
    %dma_start3A_229 = tpu.memref_slice %arg3[%mul3A_227] : memref<328192xi32, #tpu.memory_space<hbm>> -> memref<64xi32, #tpu.memory_space<hbm>>
    tpu.enqueue_dma source(%dma_start3A_229 : memref<64xi32, #tpu.memory_space<hbm>>) target(%arg8 : memref<64xi32, #tpu.memory_space<vmem>>) target_semaphore(%arg29 : memref<!tpu.dma_semaphore, #tpu.memory_space<semaphore_mem>>)
    %dma_start3A_230 = tpu.memref_slice %arg4[%mul3A_227] : memref<328192xi32, #tpu.memory_space<hbm>> -> memref<64xi32, #tpu.memory_space<hbm>>
    %dma_start3A_231 = tpu.memref_slice %arg4[%mul3A_227] : memref<328192xi32, #tpu.memory_space<hbm>> -> memref<64xi32, #tpu.memory_space<hbm>>
    tpu.enqueue_dma source(%dma_start3A_231 : memref<64xi32, #tpu.memory_space<hbm>>) target(%arg9 : memref<64xi32, #tpu.memory_space<vmem>>) target_semaphore(%arg29 : memref<!tpu.dma_semaphore, #tpu.memory_space<semaphore_mem>>)
    %add3A_232 = arith.constant 5 : i32
    %add3A_233 = arith.addi %mul3A_0, %add3A_232 : i32
    %mul3A_234 = arith.constant 64 : i32
    %mul3A_235 = arith.muli %add3A_233, %mul3A_234 : i32
    %dma_wait3A_236 = tpu.memref_slice %arg3[%mul3A_235] : memref<328192xi32, #tpu.memory_space<hbm>> -> memref<64xi32, #tpu.memory_space<hbm>>
    %dma_wait3A_237 = tpu.memref_slice %arg3[%mul3A_235] : memref<328192xi32, #tpu.memory_space<hbm>> -> memref<64xi32, #tpu.memory_space<hbm>>
    tpu.wait_dma2 semaphore(%arg33 : memref<!tpu.dma_semaphore, #tpu.memory_space<semaphore_mem>>) src(%dma_wait3A_237 : memref<64xi32, #tpu.memory_space<hbm>>) dst(%arg16 : memref<64xi32, #tpu.memory_space<vmem>>)
    %dma_wait3A_238 = tpu.memref_slice %arg4[%mul3A_235] : memref<328192xi32, #tpu.memory_space<hbm>> -> memref<64xi32, #tpu.memory_space<hbm>>
    %dma_wait3A_239 = tpu.memref_slice %arg4[%mul3A_235] : memref<328192xi32, #tpu.memory_space<hbm>> -> memref<64xi32, #tpu.memory_space<hbm>>
    tpu.wait_dma2 semaphore(%arg33 : memref<!tpu.dma_semaphore, #tpu.memory_space<semaphore_mem>>) src(%dma_wait3A_239 : memref<64xi32, #tpu.memory_space<hbm>>) dst(%arg17 : memref<64xi32, #tpu.memory_space<vmem>>)
    %dma_start3A_240 = arith.constant 0 : i32
    %dma_start3A_241 = arith.constant 0 : i32
    %dma_start3A_242 = tpu.memref_slice %arg26[%dma_start3A_240, %dma_start3A_241] : memref<10000x80xf32, #tpu.memory_space<vmem_shared>> -> memref<10000x80xf32, #tpu.memory_space<vmem_shared>>
    tpu.enqueue_indirect_dma source(%dma_start3A_242 : memref<10000x80xf32, #tpu.memory_space<vmem_shared>>) target(%arg23 : memref<64x80xf32, #tpu.memory_space<vmem>>) offsets(%arg16 : memref<64xi32, #tpu.memory_space<vmem>>) semaphore(%arg37 : memref<!tpu.dma_semaphore, #tpu.memory_space<semaphore_mem>>)
    %dma_wait3A_243 = arith.constant 0 : i32
    %dma_wait3A_244 = arith.constant 0 : i32
    %dma_wait3A_245 = tpu.memref_slice %arg26[%dma_wait3A_243, %dma_wait3A_244] : memref<10000x80xf32, #tpu.memory_space<vmem_shared>> -> memref<10000x80xf32, #tpu.memory_space<vmem_shared>>
    tpu.wait_indirect_dma semaphore(%arg36 : memref<!tpu.dma_semaphore, #tpu.memory_space<semaphore_mem>>) src(%dma_wait3A_245 : memref<10000x80xf32, #tpu.memory_space<vmem_shared>>) dst(%arg22 : memref<64x80xf32, #tpu.memory_space<vmem>>)
    %dma_start3A_246 = arith.constant 0 : i32
    %dma_start3A_247 = arith.constant 0 : i32
    %dma_start3A_248 = tpu.memref_slice %arg27[%dma_start3A_246, %dma_start3A_247] : memref<10016x80xf32, #tpu.memory_space<vmem_shared>> -> memref<10016x80xf32, #tpu.memory_space<vmem_shared>>
    tpu.enqueue_indirect_dma source(%arg22 : memref<64x80xf32, #tpu.memory_space<vmem>>) target(%dma_start3A_248 : memref<10016x80xf32, #tpu.memory_space<vmem_shared>>) offsets(%arg15 : memref<64xi32, #tpu.memory_space<vmem>>) semaphore(%arg40 : memref<!tpu.dma_semaphore, #tpu.memory_space<semaphore_mem>>) {add = true}
    %dma_wait3A_249 = arith.constant 0 : i32
    %dma_wait3A_250 = arith.constant 0 : i32
    %dma_wait3A_251 = tpu.memref_slice %arg27[%dma_wait3A_249, %dma_wait3A_250] : memref<10016x80xf32, #tpu.memory_space<vmem_shared>> -> memref<10016x80xf32, #tpu.memory_space<vmem_shared>>
    tpu.wait_indirect_dma semaphore(%arg42 : memref<!tpu.dma_semaphore, #tpu.memory_space<semaphore_mem>>) src(%arg24 : memref<64x80xf32, #tpu.memory_space<vmem>>) dst(%dma_wait3A_251 : memref<10016x80xf32, #tpu.memory_space<vmem_shared>>)
    %add3A_252 = arith.constant 10 : i32
    %add3A_253 = arith.addi %mul3A_0, %add3A_252 : i32
    %mul3A_254 = arith.constant 64 : i32
    %mul3A_255 = arith.muli %add3A_253, %mul3A_254 : i32
    %dma_start3A_256 = tpu.memref_slice %arg3[%mul3A_255] : memref<328192xi32, #tpu.memory_space<hbm>> -> memref<64xi32, #tpu.memory_space<hbm>>
    %dma_start3A_257 = tpu.memref_slice %arg3[%mul3A_255] : memref<328192xi32, #tpu.memory_space<hbm>> -> memref<64xi32, #tpu.memory_space<hbm>>
    tpu.enqueue_dma source(%dma_start3A_257 : memref<64xi32, #tpu.memory_space<hbm>>) target(%arg10 : memref<64xi32, #tpu.memory_space<vmem>>) target_semaphore(%arg30 : memref<!tpu.dma_semaphore, #tpu.memory_space<semaphore_mem>>)
    %dma_start3A_258 = tpu.memref_slice %arg4[%mul3A_255] : memref<328192xi32, #tpu.memory_space<hbm>> -> memref<64xi32, #tpu.memory_space<hbm>>
    %dma_start3A_259 = tpu.memref_slice %arg4[%mul3A_255] : memref<328192xi32, #tpu.memory_space<hbm>> -> memref<64xi32, #tpu.memory_space<hbm>>
    tpu.enqueue_dma source(%dma_start3A_259 : memref<64xi32, #tpu.memory_space<hbm>>) target(%arg11 : memref<64xi32, #tpu.memory_space<vmem>>) target_semaphore(%arg30 : memref<!tpu.dma_semaphore, #tpu.memory_space<semaphore_mem>>)
    %add3A_260 = arith.constant 6 : i32
    %add3A_261 = arith.addi %mul3A_0, %add3A_260 : i32
    %mul3A_262 = arith.constant 64 : i32
    %mul3A_263 = arith.muli %add3A_261, %mul3A_262 : i32
    %dma_wait3A_264 = tpu.memref_slice %arg3[%mul3A_263] : memref<328192xi32, #tpu.memory_space<hbm>> -> memref<64xi32, #tpu.memory_space<hbm>>
    %dma_wait3A_265 = tpu.memref_slice %arg3[%mul3A_263] : memref<328192xi32, #tpu.memory_space<hbm>> -> memref<64xi32, #tpu.memory_space<hbm>>
    tpu.wait_dma2 semaphore(%arg34 : memref<!tpu.dma_semaphore, #tpu.memory_space<semaphore_mem>>) src(%dma_wait3A_265 : memref<64xi32, #tpu.memory_space<hbm>>) dst(%arg18 : memref<64xi32, #tpu.memory_space<vmem>>)
    %dma_wait3A_266 = tpu.memref_slice %arg4[%mul3A_263] : memref<328192xi32, #tpu.memory_space<hbm>> -> memref<64xi32, #tpu.memory_space<hbm>>
    %dma_wait3A_267 = tpu.memref_slice %arg4[%mul3A_263] : memref<328192xi32, #tpu.memory_space<hbm>> -> memref<64xi32, #tpu.memory_space<hbm>>
    tpu.wait_dma2 semaphore(%arg34 : memref<!tpu.dma_semaphore, #tpu.memory_space<semaphore_mem>>) src(%dma_wait3A_267 : memref<64xi32, #tpu.memory_space<hbm>>) dst(%arg19 : memref<64xi32, #tpu.memory_space<vmem>>)
    %dma_start3A_268 = arith.constant 0 : i32
    %dma_start3A_269 = arith.constant 0 : i32
    %dma_start3A_270 = tpu.memref_slice %arg26[%dma_start3A_268, %dma_start3A_269] : memref<10000x80xf32, #tpu.memory_space<vmem_shared>> -> memref<10000x80xf32, #tpu.memory_space<vmem_shared>>
    tpu.enqueue_indirect_dma source(%dma_start3A_270 : memref<10000x80xf32, #tpu.memory_space<vmem_shared>>) target(%arg24 : memref<64x80xf32, #tpu.memory_space<vmem>>) offsets(%arg18 : memref<64xi32, #tpu.memory_space<vmem>>) semaphore(%arg38 : memref<!tpu.dma_semaphore, #tpu.memory_space<semaphore_mem>>)
    %dma_wait3A_271 = arith.constant 0 : i32
    %dma_wait3A_272 = arith.constant 0 : i32
    %dma_wait3A_273 = tpu.memref_slice %arg26[%dma_wait3A_271, %dma_wait3A_272] : memref<10000x80xf32, #tpu.memory_space<vmem_shared>> -> memref<10000x80xf32, #tpu.memory_space<vmem_shared>>
    tpu.wait_indirect_dma semaphore(%arg37 : memref<!tpu.dma_semaphore, #tpu.memory_space<semaphore_mem>>) src(%dma_wait3A_273 : memref<10000x80xf32, #tpu.memory_space<vmem_shared>>) dst(%arg23 : memref<64x80xf32, #tpu.memory_space<vmem>>)
    %dma_start3A_274 = arith.constant 0 : i32
    %dma_start3A_275 = arith.constant 0 : i32
    %dma_start3A_276 = tpu.memref_slice %arg27[%dma_start3A_274, %dma_start3A_275] : memref<10016x80xf32, #tpu.memory_space<vmem_shared>> -> memref<10016x80xf32, #tpu.memory_space<vmem_shared>>
    tpu.enqueue_indirect_dma source(%arg23 : memref<64x80xf32, #tpu.memory_space<vmem>>) target(%dma_start3A_276 : memref<10016x80xf32, #tpu.memory_space<vmem_shared>>) offsets(%arg17 : memref<64xi32, #tpu.memory_space<vmem>>) semaphore(%arg41 : memref<!tpu.dma_semaphore, #tpu.memory_space<semaphore_mem>>) {add = true}
    %dma_wait3A_277 = arith.constant 0 : i32
    %dma_wait3A_278 = arith.constant 0 : i32
    %dma_wait3A_279 = tpu.memref_slice %arg27[%dma_wait3A_277, %dma_wait3A_278] : memref<10016x80xf32, #tpu.memory_space<vmem_shared>> -> memref<10016x80xf32, #tpu.memory_space<vmem_shared>>
    tpu.wait_indirect_dma semaphore(%arg43 : memref<!tpu.dma_semaphore, #tpu.memory_space<semaphore_mem>>) src(%arg25 : memref<64x80xf32, #tpu.memory_space<vmem>>) dst(%dma_wait3A_279 : memref<10016x80xf32, #tpu.memory_space<vmem_shared>>)
    %add3A_280 = arith.constant 11 : i32
    %add3A_281 = arith.addi %mul3A_0, %add3A_280 : i32
    %mul3A_282 = arith.constant 64 : i32
    %mul3A_283 = arith.muli %add3A_281, %mul3A_282 : i32
    %dma_start3A_284 = tpu.memref_slice %arg3[%mul3A_283] : memref<328192xi32, #tpu.memory_space<hbm>> -> memref<64xi32, #tpu.memory_space<hbm>>
    %dma_start3A_285 = tpu.memref_slice %arg3[%mul3A_283] : memref<328192xi32, #tpu.memory_space<hbm>> -> memref<64xi32, #tpu.memory_space<hbm>>
    tpu.enqueue_dma source(%dma_start3A_285 : memref<64xi32, #tpu.memory_space<hbm>>) target(%arg12 : memref<64xi32, #tpu.memory_space<vmem>>) target_semaphore(%arg31 : memref<!tpu.dma_semaphore, #tpu.memory_space<semaphore_mem>>)
    %dma_start3A_286 = tpu.memref_slice %arg4[%mul3A_283] : memref<328192xi32, #tpu.memory_space<hbm>> -> memref<64xi32, #tpu.memory_space<hbm>>
    %dma_start3A_287 = tpu.memref_slice %arg4[%mul3A_283] : memref<328192xi32, #tpu.memory_space<hbm>> -> memref<64xi32, #tpu.memory_space<hbm>>
    tpu.enqueue_dma source(%dma_start3A_287 : memref<64xi32, #tpu.memory_space<hbm>>) target(%arg13 : memref<64xi32, #tpu.memory_space<vmem>>) target_semaphore(%arg31 : memref<!tpu.dma_semaphore, #tpu.memory_space<semaphore_mem>>)
    %add3A_288 = arith.constant 7 : i32
    %add3A_289 = arith.addi %mul3A_0, %add3A_288 : i32
    %mul3A_290 = arith.constant 64 : i32
    %mul3A_291 = arith.muli %add3A_289, %mul3A_290 : i32
    %dma_wait3A_292 = tpu.memref_slice %arg3[%mul3A_291] : memref<328192xi32, #tpu.memory_space<hbm>> -> memref<64xi32, #tpu.memory_space<hbm>>
    %dma_wait3A_293 = tpu.memref_slice %arg3[%mul3A_291] : memref<328192xi32, #tpu.memory_space<hbm>> -> memref<64xi32, #tpu.memory_space<hbm>>
    tpu.wait_dma2 semaphore(%arg35 : memref<!tpu.dma_semaphore, #tpu.memory_space<semaphore_mem>>) src(%dma_wait3A_293 : memref<64xi32, #tpu.memory_space<hbm>>) dst(%arg20 : memref<64xi32, #tpu.memory_space<vmem>>)
    %dma_wait3A_294 = tpu.memref_slice %arg4[%mul3A_291] : memref<328192xi32, #tpu.memory_space<hbm>> -> memref<64xi32, #tpu.memory_space<hbm>>
    %dma_wait3A_295 = tpu.memref_slice %arg4[%mul3A_291] : memref<328192xi32, #tpu.memory_space<hbm>> -> memref<64xi32, #tpu.memory_space<hbm>>
    tpu.wait_dma2 semaphore(%arg35 : memref<!tpu.dma_semaphore, #tpu.memory_space<semaphore_mem>>) src(%dma_wait3A_295 : memref<64xi32, #tpu.memory_space<hbm>>) dst(%arg21 : memref<64xi32, #tpu.memory_space<vmem>>)
    %dma_start3A_296 = arith.constant 0 : i32
    %dma_start3A_297 = arith.constant 0 : i32
    %dma_start3A_298 = tpu.memref_slice %arg26[%dma_start3A_296, %dma_start3A_297] : memref<10000x80xf32, #tpu.memory_space<vmem_shared>> -> memref<10000x80xf32, #tpu.memory_space<vmem_shared>>
    tpu.enqueue_indirect_dma source(%dma_start3A_298 : memref<10000x80xf32, #tpu.memory_space<vmem_shared>>) target(%arg25 : memref<64x80xf32, #tpu.memory_space<vmem>>) offsets(%arg20 : memref<64xi32, #tpu.memory_space<vmem>>) semaphore(%arg39 : memref<!tpu.dma_semaphore, #tpu.memory_space<semaphore_mem>>)
    %dma_wait3A_299 = arith.constant 0 : i32
    %dma_wait3A_300 = arith.constant 0 : i32
    %dma_wait3A_301 = tpu.memref_slice %arg26[%dma_wait3A_299, %dma_wait3A_300] : memref<10000x80xf32, #tpu.memory_space<vmem_shared>> -> memref<10000x80xf32, #tpu.memory_space<vmem_shared>>
    tpu.wait_indirect_dma semaphore(%arg38 : memref<!tpu.dma_semaphore, #tpu.memory_space<semaphore_mem>>) src(%dma_wait3A_301 : memref<10000x80xf32, #tpu.memory_space<vmem_shared>>) dst(%arg24 : memref<64x80xf32, #tpu.memory_space<vmem>>)
    %dma_start3A_302 = arith.constant 0 : i32
    %dma_start3A_303 = arith.constant 0 : i32
    %dma_start3A_304 = tpu.memref_slice %arg27[%dma_start3A_302, %dma_start3A_303] : memref<10016x80xf32, #tpu.memory_space<vmem_shared>> -> memref<10016x80xf32, #tpu.memory_space<vmem_shared>>
    tpu.enqueue_indirect_dma source(%arg24 : memref<64x80xf32, #tpu.memory_space<vmem>>) target(%dma_start3A_304 : memref<10016x80xf32, #tpu.memory_space<vmem_shared>>) offsets(%arg19 : memref<64xi32, #tpu.memory_space<vmem>>) semaphore(%arg42 : memref<!tpu.dma_semaphore, #tpu.memory_space<semaphore_mem>>) {add = true}
    %dma_wait3A_305 = arith.constant 0 : i32
    %dma_wait3A_306 = arith.constant 0 : i32
    %dma_wait3A_307 = tpu.memref_slice %arg27[%dma_wait3A_305, %dma_wait3A_306] : memref<10016x80xf32, #tpu.memory_space<vmem_shared>> -> memref<10016x80xf32, #tpu.memory_space<vmem_shared>>
    tpu.wait_indirect_dma semaphore(%arg40 : memref<!tpu.dma_semaphore, #tpu.memory_space<semaphore_mem>>) src(%arg22 : memref<64x80xf32, #tpu.memory_space<vmem>>) dst(%dma_wait3A_307 : memref<10016x80xf32, #tpu.memory_space<vmem_shared>>)
    %add3A_308 = arith.constant 12 : i32
    %add3A_309 = arith.addi %mul3A_0, %add3A_308 : i32
    %mul3A_310 = arith.constant 64 : i32
    %mul3A_311 = arith.muli %add3A_309, %mul3A_310 : i32
    %dma_start3A_312 = tpu.memref_slice %arg3[%mul3A_311] : memref<328192xi32, #tpu.memory_space<hbm>> -> memref<64xi32, #tpu.memory_space<hbm>>
    %dma_start3A_313 = tpu.memref_slice %arg3[%mul3A_311] : memref<328192xi32, #tpu.memory_space<hbm>> -> memref<64xi32, #tpu.memory_space<hbm>>
    tpu.enqueue_dma source(%dma_start3A_313 : memref<64xi32, #tpu.memory_space<hbm>>) target(%arg14 : memref<64xi32, #tpu.memory_space<vmem>>) target_semaphore(%arg32 : memref<!tpu.dma_semaphore, #tpu.memory_space<semaphore_mem>>)
    %dma_start3A_314 = tpu.memref_slice %arg4[%mul3A_311] : memref<328192xi32, #tpu.memory_space<hbm>> -> memref<64xi32, #tpu.memory_space<hbm>>
    %dma_start3A_315 = tpu.memref_slice %arg4[%mul3A_311] : memref<328192xi32, #tpu.memory_space<hbm>> -> memref<64xi32, #tpu.memory_space<hbm>>
    tpu.enqueue_dma source(%dma_start3A_315 : memref<64xi32, #tpu.memory_space<hbm>>) target(%arg15 : memref<64xi32, #tpu.memory_space<vmem>>) target_semaphore(%arg32 : memref<!tpu.dma_semaphore, #tpu.memory_space<semaphore_mem>>)
    %add3A_316 = arith.constant 8 : i32
    %add3A_317 = arith.addi %mul3A_0, %add3A_316 : i32
    %mul3A_318 = arith.constant 64 : i32
    %mul3A_319 = arith.muli %add3A_317, %mul3A_318 : i32
    %dma_wait3A_320 = tpu.memref_slice %arg3[%mul3A_319] : memref<328192xi32, #tpu.memory_space<hbm>> -> memref<64xi32, #tpu.memory_space<hbm>>
    %dma_wait3A_321 = tpu.memref_slice %arg3[%mul3A_319] : memref<328192xi32, #tpu.memory_space<hbm>> -> memref<64xi32, #tpu.memory_space<hbm>>
    tpu.wait_dma2 semaphore(%arg28 : memref<!tpu.dma_semaphore, #tpu.memory_space<semaphore_mem>>) src(%dma_wait3A_321 : memref<64xi32, #tpu.memory_space<hbm>>) dst(%arg6 : memref<64xi32, #tpu.memory_space<vmem>>)
    %dma_wait3A_322 = tpu.memref_slice %arg4[%mul3A_319] : memref<328192xi32, #tpu.memory_space<hbm>> -> memref<64xi32, #tpu.memory_space<hbm>>
    %dma_wait3A_323 = tpu.memref_slice %arg4[%mul3A_319] : memref<328192xi32, #tpu.memory_space<hbm>> -> memref<64xi32, #tpu.memory_space<hbm>>
    tpu.wait_dma2 semaphore(%arg28 : memref<!tpu.dma_semaphore, #tpu.memory_space<semaphore_mem>>) src(%dma_wait3A_323 : memref<64xi32, #tpu.memory_space<hbm>>) dst(%arg7 : memref<64xi32, #tpu.memory_space<vmem>>)
    %dma_start3A_324 = arith.constant 0 : i32
    %dma_start3A_325 = arith.constant 0 : i32
    %dma_start3A_326 = tpu.memref_slice %arg26[%dma_start3A_324, %dma_start3A_325] : memref<10000x80xf32, #tpu.memory_space<vmem_shared>> -> memref<10000x80xf32, #tpu.memory_space<vmem_shared>>
    tpu.enqueue_indirect_dma source(%dma_start3A_326 : memref<10000x80xf32, #tpu.memory_space<vmem_shared>>) target(%arg22 : memref<64x80xf32, #tpu.memory_space<vmem>>) offsets(%arg6 : memref<64xi32, #tpu.memory_space<vmem>>) semaphore(%arg36 : memref<!tpu.dma_semaphore, #tpu.memory_space<semaphore_mem>>)
    %dma_wait3A_327 = arith.constant 0 : i32
    %dma_wait3A_328 = arith.constant 0 : i32
    %dma_wait3A_329 = tpu.memref_slice %arg26[%dma_wait3A_327, %dma_wait3A_328] : memref<10000x80xf32, #tpu.memory_space<vmem_shared>> -> memref<10000x80xf32, #tpu.memory_space<vmem_shared>>
    tpu.wait_indirect_dma semaphore(%arg39 : memref<!tpu.dma_semaphore, #tpu.memory_space<semaphore_mem>>) src(%dma_wait3A_329 : memref<10000x80xf32, #tpu.memory_space<vmem_shared>>) dst(%arg25 : memref<64x80xf32, #tpu.memory_space<vmem>>)
    %dma_start3A_330 = arith.constant 0 : i32
    %dma_start3A_331 = arith.constant 0 : i32
    %dma_start3A_332 = tpu.memref_slice %arg27[%dma_start3A_330, %dma_start3A_331] : memref<10016x80xf32, #tpu.memory_space<vmem_shared>> -> memref<10016x80xf32, #tpu.memory_space<vmem_shared>>
    tpu.enqueue_indirect_dma source(%arg25 : memref<64x80xf32, #tpu.memory_space<vmem>>) target(%dma_start3A_332 : memref<10016x80xf32, #tpu.memory_space<vmem_shared>>) offsets(%arg21 : memref<64xi32, #tpu.memory_space<vmem>>) semaphore(%arg43 : memref<!tpu.dma_semaphore, #tpu.memory_space<semaphore_mem>>) {add = true}
    %scan3A_333 = arith.constant 0 : i32
    %scan3A_334 = arith.constant 1 : i32
    %scan3A_335 = arith.constant 39 : i32
    %scan3A_336 = arith.addi %scan3A_334, %scan3A_335 : i32
    %scan3A_337 = arith.constant 1 : i32
    scf.for %scan3A_406 = %scan3A_334 to %scan3A_336 step %scan3A_337  : i32 {
      %mul3A_407 = arith.constant 8 : i32
      %mul3A_408 = arith.muli %mul3A_407, %scan3A_406 : i32
      %add3A_409 = arith.constant 0 : i32
      %add3A_410 = arith.addi %mul3A_408, %add3A_409 : i32
      %dma_wait3A_411 = arith.constant 0 : i32
      %dma_wait3A_412 = arith.constant 0 : i32
      %dma_wait3A_413 = tpu.memref_slice %arg27[%dma_wait3A_411, %dma_wait3A_412] : memref<10016x80xf32, #tpu.memory_space<vmem_shared>> -> memref<10016x80xf32, #tpu.memory_space<vmem_shared>>
      tpu.wait_indirect_dma semaphore(%arg41 : memref<!tpu.dma_semaphore, #tpu.memory_space<semaphore_mem>>) src(%arg23 : memref<64x80xf32, #tpu.memory_space<vmem>>) dst(%dma_wait3A_413 : memref<10016x80xf32, #tpu.memory_space<vmem_shared>>)
      %add3A_414 = arith.constant 1 : i32
      %add3A_415 = arith.addi %add3A_410, %add3A_414 : i32
      %sub3A = arith.constant 4 : i32
      %sub3A_416 = arith.subi %add3A_415, %sub3A : i32
      %add3A_417 = arith.constant 8 : i32
      %add3A_418 = arith.addi %sub3A_416, %add3A_417 : i32
      %add3A_419 = arith.addi %mul3A_0, %add3A_418 : i32
      %mul3A_420 = arith.constant 64 : i32
      %mul3A_421 = arith.muli %add3A_419, %mul3A_420 : i32
      %dma_start3A_422 = tpu.memref_slice %arg3[%mul3A_421] : memref<328192xi32, #tpu.memory_space<hbm>> -> memref<64xi32, #tpu.memory_space<hbm>>
      %dma_start3A_423 = tpu.memref_slice %arg3[%mul3A_421] : memref<328192xi32, #tpu.memory_space<hbm>> -> memref<64xi32, #tpu.memory_space<hbm>>
      tpu.enqueue_dma source(%dma_start3A_423 : memref<64xi32, #tpu.memory_space<hbm>>) target(%arg16 : memref<64xi32, #tpu.memory_space<vmem>>) target_semaphore(%arg33 : memref<!tpu.dma_semaphore, #tpu.memory_space<semaphore_mem>>)
      %dma_start3A_424 = tpu.memref_slice %arg4[%mul3A_421] : memref<328192xi32, #tpu.memory_space<hbm>> -> memref<64xi32, #tpu.memory_space<hbm>>
      %dma_start3A_425 = tpu.memref_slice %arg4[%mul3A_421] : memref<328192xi32, #tpu.memory_space<hbm>> -> memref<64xi32, #tpu.memory_space<hbm>>
      tpu.enqueue_dma source(%dma_start3A_425 : memref<64xi32, #tpu.memory_space<hbm>>) target(%arg17 : memref<64xi32, #tpu.memory_space<vmem>>) target_semaphore(%arg33 : memref<!tpu.dma_semaphore, #tpu.memory_space<semaphore_mem>>)
      %add3A_426 = arith.constant 1 : i32
      %add3A_427 = arith.addi %add3A_410, %add3A_426 : i32
      %add3A_428 = arith.addi %mul3A_0, %add3A_427 : i32
      %mul3A_429 = arith.constant 64 : i32
      %mul3A_430 = arith.muli %add3A_428, %mul3A_429 : i32
      %dma_wait3A_431 = tpu.memref_slice %arg3[%mul3A_430] : memref<328192xi32, #tpu.memory_space<hbm>> -> memref<64xi32, #tpu.memory_space<hbm>>
      %dma_wait3A_432 = tpu.memref_slice %arg3[%mul3A_430] : memref<328192xi32, #tpu.memory_space<hbm>> -> memref<64xi32, #tpu.memory_space<hbm>>
      tpu.wait_dma2 semaphore(%arg29 : memref<!tpu.dma_semaphore, #tpu.memory_space<semaphore_mem>>) src(%dma_wait3A_432 : memref<64xi32, #tpu.memory_space<hbm>>) dst(%arg8 : memref<64xi32, #tpu.memory_space<vmem>>)
      %dma_wait3A_433 = tpu.memref_slice %arg4[%mul3A_430] : memref<328192xi32, #tpu.memory_space<hbm>> -> memref<64xi32, #tpu.memory_space<hbm>>
      %dma_wait3A_434 = tpu.memref_slice %arg4[%mul3A_430] : memref<328192xi32, #tpu.memory_space<hbm>> -> memref<64xi32, #tpu.memory_space<hbm>>
      tpu.wait_dma2 semaphore(%arg29 : memref<!tpu.dma_semaphore, #tpu.memory_space<semaphore_mem>>) src(%dma_wait3A_434 : memref<64xi32, #tpu.memory_space<hbm>>) dst(%arg9 : memref<64xi32, #tpu.memory_space<vmem>>)
      %dma_start3A_435 = arith.constant 0 : i32
      %dma_start3A_436 = arith.constant 0 : i32
      %dma_start3A_437 = tpu.memref_slice %arg26[%dma_start3A_435, %dma_start3A_436] : memref<10000x80xf32, #tpu.memory_space<vmem_shared>> -> memref<10000x80xf32, #tpu.memory_space<vmem_shared>>
      tpu.enqueue_indirect_dma source(%dma_start3A_437 : memref<10000x80xf32, #tpu.memory_space<vmem_shared>>) target(%arg23 : memref<64x80xf32, #tpu.memory_space<vmem>>) offsets(%arg8 : memref<64xi32, #tpu.memory_space<vmem>>) semaphore(%arg37 : memref<!tpu.dma_semaphore, #tpu.memory_space<semaphore_mem>>)
      %dma_wait3A_438 = arith.constant 0 : i32
      %dma_wait3A_439 = arith.constant 0 : i32
      %dma_wait3A_440 = tpu.memref_slice %arg26[%dma_wait3A_438, %dma_wait3A_439] : memref<10000x80xf32, #tpu.memory_space<vmem_shared>> -> memref<10000x80xf32, #tpu.memory_space<vmem_shared>>
      tpu.wait_indirect_dma semaphore(%arg36 : memref<!tpu.dma_semaphore, #tpu.memory_space<semaphore_mem>>) src(%dma_wait3A_440 : memref<10000x80xf32, #tpu.memory_space<vmem_shared>>) dst(%arg22 : memref<64x80xf32, #tpu.memory_space<vmem>>)
      %dma_start3A_441 = arith.constant 0 : i32
      %dma_start3A_442 = arith.constant 0 : i32
      %dma_start3A_443 = tpu.memref_slice %arg27[%dma_start3A_441, %dma_start3A_442] : memref<10016x80xf32, #tpu.memory_space<vmem_shared>> -> memref<10016x80xf32, #tpu.memory_space<vmem_shared>>
      tpu.enqueue_indirect_dma source(%arg22 : memref<64x80xf32, #tpu.memory_space<vmem>>) target(%dma_start3A_443 : memref<10016x80xf32, #tpu.memory_space<vmem_shared>>) offsets(%arg7 : memref<64xi32, #tpu.memory_space<vmem>>) semaphore(%arg40 : memref<!tpu.dma_semaphore, #tpu.memory_space<semaphore_mem>>) {add = true}
      %mul3A_444 = arith.constant 8 : i32
      %mul3A_445 = arith.muli %mul3A_444, %scan3A_406 : i32
      %add3A_446 = arith.constant 1 : i32
      %add3A_447 = arith.addi %mul3A_445, %add3A_446 : i32
      %dma_wait3A_448 = arith.constant 0 : i32
      %dma_wait3A_449 = arith.constant 0 : i32
      %dma_wait3A_450 = tpu.memref_slice %arg27[%dma_wait3A_448, %dma_wait3A_449] : memref<10016x80xf32, #tpu.memory_space<vmem_shared>> -> memref<10016x80xf32, #tpu.memory_space<vmem_shared>>
      tpu.wait_indirect_dma semaphore(%arg42 : memref<!tpu.dma_semaphore, #tpu.memory_space<semaphore_mem>>) src(%arg24 : memref<64x80xf32, #tpu.memory_space<vmem>>) dst(%dma_wait3A_450 : memref<10016x80xf32, #tpu.memory_space<vmem_shared>>)
      %add3A_451 = arith.constant 1 : i32
      %add3A_452 = arith.addi %add3A_447, %add3A_451 : i32
      %sub3A_453 = arith.constant 4 : i32
      %sub3A_454 = arith.subi %add3A_452, %sub3A_453 : i32
      %add3A_455 = arith.constant 8 : i32
      %add3A_456 = arith.addi %sub3A_454, %add3A_455 : i32
      %add3A_457 = arith.addi %mul3A_0, %add3A_456 : i32
      %mul3A_458 = arith.constant 64 : i32
      %mul3A_459 = arith.muli %add3A_457, %mul3A_458 : i32
      %dma_start3A_460 = tpu.memref_slice %arg3[%mul3A_459] : memref<328192xi32, #tpu.memory_space<hbm>> -> memref<64xi32, #tpu.memory_space<hbm>>
      %dma_start3A_461 = tpu.memref_slice %arg3[%mul3A_459] : memref<328192xi32, #tpu.memory_space<hbm>> -> memref<64xi32, #tpu.memory_space<hbm>>
      tpu.enqueue_dma source(%dma_start3A_461 : memref<64xi32, #tpu.memory_space<hbm>>) target(%arg18 : memref<64xi32, #tpu.memory_space<vmem>>) target_semaphore(%arg34 : memref<!tpu.dma_semaphore, #tpu.memory_space<semaphore_mem>>)
      %dma_start3A_462 = tpu.memref_slice %arg4[%mul3A_459] : memref<328192xi32, #tpu.memory_space<hbm>> -> memref<64xi32, #tpu.memory_space<hbm>>
      %dma_start3A_463 = tpu.memref_slice %arg4[%mul3A_459] : memref<328192xi32, #tpu.memory_space<hbm>> -> memref<64xi32, #tpu.memory_space<hbm>>
      tpu.enqueue_dma source(%dma_start3A_463 : memref<64xi32, #tpu.memory_space<hbm>>) target(%arg19 : memref<64xi32, #tpu.memory_space<vmem>>) target_semaphore(%arg34 : memref<!tpu.dma_semaphore, #tpu.memory_space<semaphore_mem>>)
      %add3A_464 = arith.constant 1 : i32
      %add3A_465 = arith.addi %add3A_447, %add3A_464 : i32
      %add3A_466 = arith.addi %mul3A_0, %add3A_465 : i32
      %mul3A_467 = arith.constant 64 : i32
      %mul3A_468 = arith.muli %add3A_466, %mul3A_467 : i32
      %dma_wait3A_469 = tpu.memref_slice %arg3[%mul3A_468] : memref<328192xi32, #tpu.memory_space<hbm>> -> memref<64xi32, #tpu.memory_space<hbm>>
      %dma_wait3A_470 = tpu.memref_slice %arg3[%mul3A_468] : memref<328192xi32, #tpu.memory_space<hbm>> -> memref<64xi32, #tpu.memory_space<hbm>>
      tpu.wait_dma2 semaphore(%arg30 : memref<!tpu.dma_semaphore, #tpu.memory_space<semaphore_mem>>) src(%dma_wait3A_470 : memref<64xi32, #tpu.memory_space<hbm>>) dst(%arg10 : memref<64xi32, #tpu.memory_space<vmem>>)
      %dma_wait3A_471 = tpu.memref_slice %arg4[%mul3A_468] : memref<328192xi32, #tpu.memory_space<hbm>> -> memref<64xi32, #tpu.memory_space<hbm>>
      %dma_wait3A_472 = tpu.memref_slice %arg4[%mul3A_468] : memref<328192xi32, #tpu.memory_space<hbm>> -> memref<64xi32, #tpu.memory_space<hbm>>
      tpu.wait_dma2 semaphore(%arg30 : memref<!tpu.dma_semaphore, #tpu.memory_space<semaphore_mem>>) src(%dma_wait3A_472 : memref<64xi32, #tpu.memory_space<hbm>>) dst(%arg11 : memref<64xi32, #tpu.memory_space<vmem>>)
      %dma_start3A_473 = arith.constant 0 : i32
      %dma_start3A_474 = arith.constant 0 : i32
      %dma_start3A_475 = tpu.memref_slice %arg26[%dma_start3A_473, %dma_start3A_474] : memref<10000x80xf32, #tpu.memory_space<vmem_shared>> -> memref<10000x80xf32, #tpu.memory_space<vmem_shared>>
      tpu.enqueue_indirect_dma source(%dma_start3A_475 : memref<10000x80xf32, #tpu.memory_space<vmem_shared>>) target(%arg24 : memref<64x80xf32, #tpu.memory_space<vmem>>) offsets(%arg10 : memref<64xi32, #tpu.memory_space<vmem>>) semaphore(%arg38 : memref<!tpu.dma_semaphore, #tpu.memory_space<semaphore_mem>>)
      %dma_wait3A_476 = arith.constant 0 : i32
      %dma_wait3A_477 = arith.constant 0 : i32
      %dma_wait3A_478 = tpu.memref_slice %arg26[%dma_wait3A_476, %dma_wait3A_477] : memref<10000x80xf32, #tpu.memory_space<vmem_shared>> -> memref<10000x80xf32, #tpu.memory_space<vmem_shared>>
      tpu.wait_indirect_dma semaphore(%arg37 : memref<!tpu.dma_semaphore, #tpu.memory_space<semaphore_mem>>) src(%dma_wait3A_478 : memref<10000x80xf32, #tpu.memory_space<vmem_shared>>) dst(%arg23 : memref<64x80xf32, #tpu.memory_space<vmem>>)
      %dma_start3A_479 = arith.constant 0 : i32
      %dma_start3A_480 = arith.constant 0 : i32
      %dma_start3A_481 = tpu.memref_slice %arg27[%dma_start3A_479, %dma_start3A_480] : memref<10016x80xf32, #tpu.memory_space<vmem_shared>> -> memref<10016x80xf32, #tpu.memory_space<vmem_shared>>
      tpu.enqueue_indirect_dma source(%arg23 : memref<64x80xf32, #tpu.memory_space<vmem>>) target(%dma_start3A_481 : memref<10016x80xf32, #tpu.memory_space<vmem_shared>>) offsets(%arg9 : memref<64xi32, #tpu.memory_space<vmem>>) semaphore(%arg41 : memref<!tpu.dma_semaphore, #tpu.memory_space<semaphore_mem>>) {add = true}
      %mul3A_482 = arith.constant 8 : i32
      %mul3A_483 = arith.muli %mul3A_482, %scan3A_406 : i32
      %add3A_484 = arith.constant 2 : i32
      %add3A_485 = arith.addi %mul3A_483, %add3A_484 : i32
      %dma_wait3A_486 = arith.constant 0 : i32
      %dma_wait3A_487 = arith.constant 0 : i32
      %dma_wait3A_488 = tpu.memref_slice %arg27[%dma_wait3A_486, %dma_wait3A_487] : memref<10016x80xf32, #tpu.memory_space<vmem_shared>> -> memref<10016x80xf32, #tpu.memory_space<vmem_shared>>
      tpu.wait_indirect_dma semaphore(%arg43 : memref<!tpu.dma_semaphore, #tpu.memory_space<semaphore_mem>>) src(%arg25 : memref<64x80xf32, #tpu.memory_space<vmem>>) dst(%dma_wait3A_488 : memref<10016x80xf32, #tpu.memory_space<vmem_shared>>)
      %add3A_489 = arith.constant 1 : i32
      %add3A_490 = arith.addi %add3A_485, %add3A_489 : i32
      %sub3A_491 = arith.constant 4 : i32
      %sub3A_492 = arith.subi %add3A_490, %sub3A_491 : i32
      %add3A_493 = arith.constant 8 : i32
      %add3A_494 = arith.addi %sub3A_492, %add3A_493 : i32
      %add3A_495 = arith.addi %mul3A_0, %add3A_494 : i32
      %mul3A_496 = arith.constant 64 : i32
      %mul3A_497 = arith.muli %add3A_495, %mul3A_496 : i32
      %dma_start3A_498 = tpu.memref_slice %arg3[%mul3A_497] : memref<328192xi32, #tpu.memory_space<hbm>> -> memref<64xi32, #tpu.memory_space<hbm>>
      %dma_start3A_499 = tpu.memref_slice %arg3[%mul3A_497] : memref<328192xi32, #tpu.memory_space<hbm>> -> memref<64xi32, #tpu.memory_space<hbm>>
      tpu.enqueue_dma source(%dma_start3A_499 : memref<64xi32, #tpu.memory_space<hbm>>) target(%arg20 : memref<64xi32, #tpu.memory_space<vmem>>) target_semaphore(%arg35 : memref<!tpu.dma_semaphore, #tpu.memory_space<semaphore_mem>>)
      %dma_start3A_500 = tpu.memref_slice %arg4[%mul3A_497] : memref<328192xi32, #tpu.memory_space<hbm>> -> memref<64xi32, #tpu.memory_space<hbm>>
      %dma_start3A_501 = tpu.memref_slice %arg4[%mul3A_497] : memref<328192xi32, #tpu.memory_space<hbm>> -> memref<64xi32, #tpu.memory_space<hbm>>
      tpu.enqueue_dma source(%dma_start3A_501 : memref<64xi32, #tpu.memory_space<hbm>>) target(%arg21 : memref<64xi32, #tpu.memory_space<vmem>>) target_semaphore(%arg35 : memref<!tpu.dma_semaphore, #tpu.memory_space<semaphore_mem>>)
      %add3A_502 = arith.constant 1 : i32
      %add3A_503 = arith.addi %add3A_485, %add3A_502 : i32
      %add3A_504 = arith.addi %mul3A_0, %add3A_503 : i32
      %mul3A_505 = arith.constant 64 : i32
      %mul3A_506 = arith.muli %add3A_504, %mul3A_505 : i32
      %dma_wait3A_507 = tpu.memref_slice %arg3[%mul3A_506] : memref<328192xi32, #tpu.memory_space<hbm>> -> memref<64xi32, #tpu.memory_space<hbm>>
      %dma_wait3A_508 = tpu.memref_slice %arg3[%mul3A_506] : memref<328192xi32, #tpu.memory_space<hbm>> -> memref<64xi32, #tpu.memory_space<hbm>>
      tpu.wait_dma2 semaphore(%arg31 : memref<!tpu.dma_semaphore, #tpu.memory_space<semaphore_mem>>) src(%dma_wait3A_508 : memref<64xi32, #tpu.memory_space<hbm>>) dst(%arg12 : memref<64xi32, #tpu.memory_space<vmem>>)
      %dma_wait3A_509 = tpu.memref_slice %arg4[%mul3A_506] : memref<328192xi32, #tpu.memory_space<hbm>> -> memref<64xi32, #tpu.memory_space<hbm>>
      %dma_wait3A_510 = tpu.memref_slice %arg4[%mul3A_506] : memref<328192xi32, #tpu.memory_space<hbm>> -> memref<64xi32, #tpu.memory_space<hbm>>
      tpu.wait_dma2 semaphore(%arg31 : memref<!tpu.dma_semaphore, #tpu.memory_space<semaphore_mem>>) src(%dma_wait3A_510 : memref<64xi32, #tpu.memory_space<hbm>>) dst(%arg13 : memref<64xi32, #tpu.memory_space<vmem>>)
      %dma_start3A_511 = arith.constant 0 : i32
      %dma_start3A_512 = arith.constant 0 : i32
      %dma_start3A_513 = tpu.memref_slice %arg26[%dma_start3A_511, %dma_start3A_512] : memref<10000x80xf32, #tpu.memory_space<vmem_shared>> -> memref<10000x80xf32, #tpu.memory_space<vmem_shared>>
      tpu.enqueue_indirect_dma source(%dma_start3A_513 : memref<10000x80xf32, #tpu.memory_space<vmem_shared>>) target(%arg25 : memref<64x80xf32, #tpu.memory_space<vmem>>) offsets(%arg12 : memref<64xi32, #tpu.memory_space<vmem>>) semaphore(%arg39 : memref<!tpu.dma_semaphore, #tpu.memory_space<semaphore_mem>>)
      %dma_wait3A_514 = arith.constant 0 : i32
      %dma_wait3A_515 = arith.constant 0 : i32
      %dma_wait3A_516 = tpu.memref_slice %arg26[%dma_wait3A_514, %dma_wait3A_515] : memref<10000x80xf32, #tpu.memory_space<vmem_shared>> -> memref<10000x80xf32, #tpu.memory_space<vmem_shared>>
      tpu.wait_indirect_dma semaphore(%arg38 : memref<!tpu.dma_semaphore, #tpu.memory_space<semaphore_mem>>) src(%dma_wait3A_516 : memref<10000x80xf32, #tpu.memory_space<vmem_shared>>) dst(%arg24 : memref<64x80xf32, #tpu.memory_space<vmem>>)
      %dma_start3A_517 = arith.constant 0 : i32
      %dma_start3A_518 = arith.constant 0 : i32
      %dma_start3A_519 = tpu.memref_slice %arg27[%dma_start3A_517, %dma_start3A_518] : memref<10016x80xf32, #tpu.memory_space<vmem_shared>> -> memref<10016x80xf32, #tpu.memory_space<vmem_shared>>
      tpu.enqueue_indirect_dma source(%arg24 : memref<64x80xf32, #tpu.memory_space<vmem>>) target(%dma_start3A_519 : memref<10016x80xf32, #tpu.memory_space<vmem_shared>>) offsets(%arg11 : memref<64xi32, #tpu.memory_space<vmem>>) semaphore(%arg42 : memref<!tpu.dma_semaphore, #tpu.memory_space<semaphore_mem>>) {add = true}
      %mul3A_520 = arith.constant 8 : i32
      %mul3A_521 = arith.muli %mul3A_520, %scan3A_406 : i32
      %add3A_522 = arith.constant 3 : i32
      %add3A_523 = arith.addi %mul3A_521, %add3A_522 : i32
      %dma_wait3A_524 = arith.constant 0 : i32
      %dma_wait3A_525 = arith.constant 0 : i32
      %dma_wait3A_526 = tpu.memref_slice %arg27[%dma_wait3A_524, %dma_wait3A_525] : memref<10016x80xf32, #tpu.memory_space<vmem_shared>> -> memref<10016x80xf32, #tpu.memory_space<vmem_shared>>
      tpu.wait_indirect_dma semaphore(%arg40 : memref<!tpu.dma_semaphore, #tpu.memory_space<semaphore_mem>>) src(%arg22 : memref<64x80xf32, #tpu.memory_space<vmem>>) dst(%dma_wait3A_526 : memref<10016x80xf32, #tpu.memory_space<vmem_shared>>)
      %add3A_527 = arith.constant 1 : i32
      %add3A_528 = arith.addi %add3A_523, %add3A_527 : i32
      %sub3A_529 = arith.constant 4 : i32
      %sub3A_530 = arith.subi %add3A_528, %sub3A_529 : i32
      %add3A_531 = arith.constant 8 : i32
      %add3A_532 = arith.addi %sub3A_530, %add3A_531 : i32
      %add3A_533 = arith.addi %mul3A_0, %add3A_532 : i32
      %mul3A_534 = arith.constant 64 : i32
      %mul3A_535 = arith.muli %add3A_533, %mul3A_534 : i32
      %dma_start3A_536 = tpu.memref_slice %arg3[%mul3A_535] : memref<328192xi32, #tpu.memory_space<hbm>> -> memref<64xi32, #tpu.memory_space<hbm>>
      %dma_start3A_537 = tpu.memref_slice %arg3[%mul3A_535] : memref<328192xi32, #tpu.memory_space<hbm>> -> memref<64xi32, #tpu.memory_space<hbm>>
      tpu.enqueue_dma source(%dma_start3A_537 : memref<64xi32, #tpu.memory_space<hbm>>) target(%arg6 : memref<64xi32, #tpu.memory_space<vmem>>) target_semaphore(%arg28 : memref<!tpu.dma_semaphore, #tpu.memory_space<semaphore_mem>>)
      %dma_start3A_538 = tpu.memref_slice %arg4[%mul3A_535] : memref<328192xi32, #tpu.memory_space<hbm>> -> memref<64xi32, #tpu.memory_space<hbm>>
      %dma_start3A_539 = tpu.memref_slice %arg4[%mul3A_535] : memref<328192xi32, #tpu.memory_space<hbm>> -> memref<64xi32, #tpu.memory_space<hbm>>
      tpu.enqueue_dma source(%dma_start3A_539 : memref<64xi32, #tpu.memory_space<hbm>>) target(%arg7 : memref<64xi32, #tpu.memory_space<vmem>>) target_semaphore(%arg28 : memref<!tpu.dma_semaphore, #tpu.memory_space<semaphore_mem>>)
      %add3A_540 = arith.constant 1 : i32
      %add3A_541 = arith.addi %add3A_523, %add3A_540 : i32
      %add3A_542 = arith.addi %mul3A_0, %add3A_541 : i32
      %mul3A_543 = arith.constant 64 : i32
      %mul3A_544 = arith.muli %add3A_542, %mul3A_543 : i32
      %dma_wait3A_545 = tpu.memref_slice %arg3[%mul3A_544] : memref<328192xi32, #tpu.memory_space<hbm>> -> memref<64xi32, #tpu.memory_space<hbm>>
      %dma_wait3A_546 = tpu.memref_slice %arg3[%mul3A_544] : memref<328192xi32, #tpu.memory_space<hbm>> -> memref<64xi32, #tpu.memory_space<hbm>>
      tpu.wait_dma2 semaphore(%arg32 : memref<!tpu.dma_semaphore, #tpu.memory_space<semaphore_mem>>) src(%dma_wait3A_546 : memref<64xi32, #tpu.memory_space<hbm>>) dst(%arg14 : memref<64xi32, #tpu.memory_space<vmem>>)
      %dma_wait3A_547 = tpu.memref_slice %arg4[%mul3A_544] : memref<328192xi32, #tpu.memory_space<hbm>> -> memref<64xi32, #tpu.memory_space<hbm>>
      %dma_wait3A_548 = tpu.memref_slice %arg4[%mul3A_544] : memref<328192xi32, #tpu.memory_space<hbm>> -> memref<64xi32, #tpu.memory_space<hbm>>
      tpu.wait_dma2 semaphore(%arg32 : memref<!tpu.dma_semaphore, #tpu.memory_space<semaphore_mem>>) src(%dma_wait3A_548 : memref<64xi32, #tpu.memory_space<hbm>>) dst(%arg15 : memref<64xi32, #tpu.memory_space<vmem>>)
      %dma_start3A_549 = arith.constant 0 : i32
      %dma_start3A_550 = arith.constant 0 : i32
      %dma_start3A_551 = tpu.memref_slice %arg26[%dma_start3A_549, %dma_start3A_550] : memref<10000x80xf32, #tpu.memory_space<vmem_shared>> -> memref<10000x80xf32, #tpu.memory_space<vmem_shared>>
      tpu.enqueue_indirect_dma source(%dma_start3A_551 : memref<10000x80xf32, #tpu.memory_space<vmem_shared>>) target(%arg22 : memref<64x80xf32, #tpu.memory_space<vmem>>) offsets(%arg14 : memref<64xi32, #tpu.memory_space<vmem>>) semaphore(%arg36 : memref<!tpu.dma_semaphore, #tpu.memory_space<semaphore_mem>>)
      %dma_wait3A_552 = arith.constant 0 : i32
      %dma_wait3A_553 = arith.constant 0 : i32
      %dma_wait3A_554 = tpu.memref_slice %arg26[%dma_wait3A_552, %dma_wait3A_553] : memref<10000x80xf32, #tpu.memory_space<vmem_shared>> -> memref<10000x80xf32, #tpu.memory_space<vmem_shared>>
      tpu.wait_indirect_dma semaphore(%arg39 : memref<!tpu.dma_semaphore, #tpu.memory_space<semaphore_mem>>) src(%dma_wait3A_554 : memref<10000x80xf32, #tpu.memory_space<vmem_shared>>) dst(%arg25 : memref<64x80xf32, #tpu.memory_space<vmem>>)
      %dma_start3A_555 = arith.constant 0 : i32
      %dma_start3A_556 = arith.constant 0 : i32
      %dma_start3A_557 = tpu.memref_slice %arg27[%dma_start3A_555, %dma_start3A_556] : memref<10016x80xf32, #tpu.memory_space<vmem_shared>> -> memref<10016x80xf32, #tpu.memory_space<vmem_shared>>
      tpu.enqueue_indirect_dma source(%arg25 : memref<64x80xf32, #tpu.memory_space<vmem>>) target(%dma_start3A_557 : memref<10016x80xf32, #tpu.memory_space<vmem_shared>>) offsets(%arg13 : memref<64xi32, #tpu.memory_space<vmem>>) semaphore(%arg43 : memref<!tpu.dma_semaphore, #tpu.memory_space<semaphore_mem>>) {add = true}
      %mul3A_558 = arith.constant 8 : i32
      %mul3A_559 = arith.muli %mul3A_558, %scan3A_406 : i32
      %add3A_560 = arith.constant 4 : i32
      %add3A_561 = arith.addi %mul3A_559, %add3A_560 : i32
      %dma_wait3A_562 = arith.constant 0 : i32
      %dma_wait3A_563 = arith.constant 0 : i32
      %dma_wait3A_564 = tpu.memref_slice %arg27[%dma_wait3A_562, %dma_wait3A_563] : memref<10016x80xf32, #tpu.memory_space<vmem_shared>> -> memref<10016x80xf32, #tpu.memory_space<vmem_shared>>
      tpu.wait_indirect_dma semaphore(%arg41 : memref<!tpu.dma_semaphore, #tpu.memory_space<semaphore_mem>>) src(%arg23 : memref<64x80xf32, #tpu.memory_space<vmem>>) dst(%dma_wait3A_564 : memref<10016x80xf32, #tpu.memory_space<vmem_shared>>)
      %add3A_565 = arith.constant 1 : i32
      %add3A_566 = arith.addi %add3A_561, %add3A_565 : i32
      %sub3A_567 = arith.constant 4 : i32
      %sub3A_568 = arith.subi %add3A_566, %sub3A_567 : i32
      %add3A_569 = arith.constant 8 : i32
      %add3A_570 = arith.addi %sub3A_568, %add3A_569 : i32
      %add3A_571 = arith.addi %mul3A_0, %add3A_570 : i32
      %mul3A_572 = arith.constant 64 : i32
      %mul3A_573 = arith.muli %add3A_571, %mul3A_572 : i32
      %dma_start3A_574 = tpu.memref_slice %arg3[%mul3A_573] : memref<328192xi32, #tpu.memory_space<hbm>> -> memref<64xi32, #tpu.memory_space<hbm>>
      %dma_start3A_575 = tpu.memref_slice %arg3[%mul3A_573] : memref<328192xi32, #tpu.memory_space<hbm>> -> memref<64xi32, #tpu.memory_space<hbm>>
      tpu.enqueue_dma source(%dma_start3A_575 : memref<64xi32, #tpu.memory_space<hbm>>) target(%arg8 : memref<64xi32, #tpu.memory_space<vmem>>) target_semaphore(%arg29 : memref<!tpu.dma_semaphore, #tpu.memory_space<semaphore_mem>>)
      %dma_start3A_576 = tpu.memref_slice %arg4[%mul3A_573] : memref<328192xi32, #tpu.memory_space<hbm>> -> memref<64xi32, #tpu.memory_space<hbm>>
      %dma_start3A_577 = tpu.memref_slice %arg4[%mul3A_573] : memref<328192xi32, #tpu.memory_space<hbm>> -> memref<64xi32, #tpu.memory_space<hbm>>
      tpu.enqueue_dma source(%dma_start3A_577 : memref<64xi32, #tpu.memory_space<hbm>>) target(%arg9 : memref<64xi32, #tpu.memory_space<vmem>>) target_semaphore(%arg29 : memref<!tpu.dma_semaphore, #tpu.memory_space<semaphore_mem>>)
      %add3A_578 = arith.constant 1 : i32
      %add3A_579 = arith.addi %add3A_561, %add3A_578 : i32
      %add3A_580 = arith.addi %mul3A_0, %add3A_579 : i32
      %mul3A_581 = arith.constant 64 : i32
      %mul3A_582 = arith.muli %add3A_580, %mul3A_581 : i32
      %dma_wait3A_583 = tpu.memref_slice %arg3[%mul3A_582] : memref<328192xi32, #tpu.memory_space<hbm>> -> memref<64xi32, #tpu.memory_space<hbm>>
      %dma_wait3A_584 = tpu.memref_slice %arg3[%mul3A_582] : memref<328192xi32, #tpu.memory_space<hbm>> -> memref<64xi32, #tpu.memory_space<hbm>>
      tpu.wait_dma2 semaphore(%arg33 : memref<!tpu.dma_semaphore, #tpu.memory_space<semaphore_mem>>) src(%dma_wait3A_584 : memref<64xi32, #tpu.memory_space<hbm>>) dst(%arg16 : memref<64xi32, #tpu.memory_space<vmem>>)
      %dma_wait3A_585 = tpu.memref_slice %arg4[%mul3A_582] : memref<328192xi32, #tpu.memory_space<hbm>> -> memref<64xi32, #tpu.memory_space<hbm>>
      %dma_wait3A_586 = tpu.memref_slice %arg4[%mul3A_582] : memref<328192xi32, #tpu.memory_space<hbm>> -> memref<64xi32, #tpu.memory_space<hbm>>
      tpu.wait_dma2 semaphore(%arg33 : memref<!tpu.dma_semaphore, #tpu.memory_space<semaphore_mem>>) src(%dma_wait3A_586 : memref<64xi32, #tpu.memory_space<hbm>>) dst(%arg17 : memref<64xi32, #tpu.memory_space<vmem>>)
      %dma_start3A_587 = arith.constant 0 : i32
      %dma_start3A_588 = arith.constant 0 : i32
      %dma_start3A_589 = tpu.memref_slice %arg26[%dma_start3A_587, %dma_start3A_588] : memref<10000x80xf32, #tpu.memory_space<vmem_shared>> -> memref<10000x80xf32, #tpu.memory_space<vmem_shared>>
      tpu.enqueue_indirect_dma source(%dma_start3A_589 : memref<10000x80xf32, #tpu.memory_space<vmem_shared>>) target(%arg23 : memref<64x80xf32, #tpu.memory_space<vmem>>) offsets(%arg16 : memref<64xi32, #tpu.memory_space<vmem>>) semaphore(%arg37 : memref<!tpu.dma_semaphore, #tpu.memory_space<semaphore_mem>>)
      %dma_wait3A_590 = arith.constant 0 : i32
      %dma_wait3A_591 = arith.constant 0 : i32
      %dma_wait3A_592 = tpu.memref_slice %arg26[%dma_wait3A_590, %dma_wait3A_591] : memref<10000x80xf32, #tpu.memory_space<vmem_shared>> -> memref<10000x80xf32, #tpu.memory_space<vmem_shared>>
      tpu.wait_indirect_dma semaphore(%arg36 : memref<!tpu.dma_semaphore, #tpu.memory_space<semaphore_mem>>) src(%dma_wait3A_592 : memref<10000x80xf32, #tpu.memory_space<vmem_shared>>) dst(%arg22 : memref<64x80xf32, #tpu.memory_space<vmem>>)
      %dma_start3A_593 = arith.constant 0 : i32
      %dma_start3A_594 = arith.constant 0 : i32
      %dma_start3A_595 = tpu.memref_slice %arg27[%dma_start3A_593, %dma_start3A_594] : memref<10016x80xf32, #tpu.memory_space<vmem_shared>> -> memref<10016x80xf32, #tpu.memory_space<vmem_shared>>
      tpu.enqueue_indirect_dma source(%arg22 : memref<64x80xf32, #tpu.memory_space<vmem>>) target(%dma_start3A_595 : memref<10016x80xf32, #tpu.memory_space<vmem_shared>>) offsets(%arg15 : memref<64xi32, #tpu.memory_space<vmem>>) semaphore(%arg40 : memref<!tpu.dma_semaphore, #tpu.memory_space<semaphore_mem>>) {add = true}
      %mul3A_596 = arith.constant 8 : i32
      %mul3A_597 = arith.muli %mul3A_596, %scan3A_406 : i32
      %add3A_598 = arith.constant 5 : i32
      %add3A_599 = arith.addi %mul3A_597, %add3A_598 : i32
      %dma_wait3A_600 = arith.constant 0 : i32
      %dma_wait3A_601 = arith.constant 0 : i32
      %dma_wait3A_602 = tpu.memref_slice %arg27[%dma_wait3A_600, %dma_wait3A_601] : memref<10016x80xf32, #tpu.memory_space<vmem_shared>> -> memref<10016x80xf32, #tpu.memory_space<vmem_shared>>
      tpu.wait_indirect_dma semaphore(%arg42 : memref<!tpu.dma_semaphore, #tpu.memory_space<semaphore_mem>>) src(%arg24 : memref<64x80xf32, #tpu.memory_space<vmem>>) dst(%dma_wait3A_602 : memref<10016x80xf32, #tpu.memory_space<vmem_shared>>)
      %add3A_603 = arith.constant 1 : i32
      %add3A_604 = arith.addi %add3A_599, %add3A_603 : i32
      %sub3A_605 = arith.constant 4 : i32
      %sub3A_606 = arith.subi %add3A_604, %sub3A_605 : i32
      %add3A_607 = arith.constant 8 : i32
      %add3A_608 = arith.addi %sub3A_606, %add3A_607 : i32
      %add3A_609 = arith.addi %mul3A_0, %add3A_608 : i32
      %mul3A_610 = arith.constant 64 : i32
      %mul3A_611 = arith.muli %add3A_609, %mul3A_610 : i32
      %dma_start3A_612 = tpu.memref_slice %arg3[%mul3A_611] : memref<328192xi32, #tpu.memory_space<hbm>> -> memref<64xi32, #tpu.memory_space<hbm>>
      %dma_start3A_613 = tpu.memref_slice %arg3[%mul3A_611] : memref<328192xi32, #tpu.memory_space<hbm>> -> memref<64xi32, #tpu.memory_space<hbm>>
      tpu.enqueue_dma source(%dma_start3A_613 : memref<64xi32, #tpu.memory_space<hbm>>) target(%arg10 : memref<64xi32, #tpu.memory_space<vmem>>) target_semaphore(%arg30 : memref<!tpu.dma_semaphore, #tpu.memory_space<semaphore_mem>>)
      %dma_start3A_614 = tpu.memref_slice %arg4[%mul3A_611] : memref<328192xi32, #tpu.memory_space<hbm>> -> memref<64xi32, #tpu.memory_space<hbm>>
      %dma_start3A_615 = tpu.memref_slice %arg4[%mul3A_611] : memref<328192xi32, #tpu.memory_space<hbm>> -> memref<64xi32, #tpu.memory_space<hbm>>
      tpu.enqueue_dma source(%dma_start3A_615 : memref<64xi32, #tpu.memory_space<hbm>>) target(%arg11 : memref<64xi32, #tpu.memory_space<vmem>>) target_semaphore(%arg30 : memref<!tpu.dma_semaphore, #tpu.memory_space<semaphore_mem>>)
      %add3A_616 = arith.constant 1 : i32
      %add3A_617 = arith.addi %add3A_599, %add3A_616 : i32
      %add3A_618 = arith.addi %mul3A_0, %add3A_617 : i32
      %mul3A_619 = arith.constant 64 : i32
      %mul3A_620 = arith.muli %add3A_618, %mul3A_619 : i32
      %dma_wait3A_621 = tpu.memref_slice %arg3[%mul3A_620] : memref<328192xi32, #tpu.memory_space<hbm>> -> memref<64xi32, #tpu.memory_space<hbm>>
      %dma_wait3A_622 = tpu.memref_slice %arg3[%mul3A_620] : memref<328192xi32, #tpu.memory_space<hbm>> -> memref<64xi32, #tpu.memory_space<hbm>>
      tpu.wait_dma2 semaphore(%arg34 : memref<!tpu.dma_semaphore, #tpu.memory_space<semaphore_mem>>) src(%dma_wait3A_622 : memref<64xi32, #tpu.memory_space<hbm>>) dst(%arg18 : memref<64xi32, #tpu.memory_space<vmem>>)
      %dma_wait3A_623 = tpu.memref_slice %arg4[%mul3A_620] : memref<328192xi32, #tpu.memory_space<hbm>> -> memref<64xi32, #tpu.memory_space<hbm>>
      %dma_wait3A_624 = tpu.memref_slice %arg4[%mul3A_620] : memref<328192xi32, #tpu.memory_space<hbm>> -> memref<64xi32, #tpu.memory_space<hbm>>
      tpu.wait_dma2 semaphore(%arg34 : memref<!tpu.dma_semaphore, #tpu.memory_space<semaphore_mem>>) src(%dma_wait3A_624 : memref<64xi32, #tpu.memory_space<hbm>>) dst(%arg19 : memref<64xi32, #tpu.memory_space<vmem>>)
      %dma_start3A_625 = arith.constant 0 : i32
      %dma_start3A_626 = arith.constant 0 : i32
      %dma_start3A_627 = tpu.memref_slice %arg26[%dma_start3A_625, %dma_start3A_626] : memref<10000x80xf32, #tpu.memory_space<vmem_shared>> -> memref<10000x80xf32, #tpu.memory_space<vmem_shared>>
      tpu.enqueue_indirect_dma source(%dma_start3A_627 : memref<10000x80xf32, #tpu.memory_space<vmem_shared>>) target(%arg24 : memref<64x80xf32, #tpu.memory_space<vmem>>) offsets(%arg18 : memref<64xi32, #tpu.memory_space<vmem>>) semaphore(%arg38 : memref<!tpu.dma_semaphore, #tpu.memory_space<semaphore_mem>>)
      %dma_wait3A_628 = arith.constant 0 : i32
      %dma_wait3A_629 = arith.constant 0 : i32
      %dma_wait3A_630 = tpu.memref_slice %arg26[%dma_wait3A_628, %dma_wait3A_629] : memref<10000x80xf32, #tpu.memory_space<vmem_shared>> -> memref<10000x80xf32, #tpu.memory_space<vmem_shared>>
      tpu.wait_indirect_dma semaphore(%arg37 : memref<!tpu.dma_semaphore, #tpu.memory_space<semaphore_mem>>) src(%dma_wait3A_630 : memref<10000x80xf32, #tpu.memory_space<vmem_shared>>) dst(%arg23 : memref<64x80xf32, #tpu.memory_space<vmem>>)
      %dma_start3A_631 = arith.constant 0 : i32
      %dma_start3A_632 = arith.constant 0 : i32
      %dma_start3A_633 = tpu.memref_slice %arg27[%dma_start3A_631, %dma_start3A_632] : memref<10016x80xf32, #tpu.memory_space<vmem_shared>> -> memref<10016x80xf32, #tpu.memory_space<vmem_shared>>
      tpu.enqueue_indirect_dma source(%arg23 : memref<64x80xf32, #tpu.memory_space<vmem>>) target(%dma_start3A_633 : memref<10016x80xf32, #tpu.memory_space<vmem_shared>>) offsets(%arg17 : memref<64xi32, #tpu.memory_space<vmem>>) semaphore(%arg41 : memref<!tpu.dma_semaphore, #tpu.memory_space<semaphore_mem>>) {add = true}
      %mul3A_634 = arith.constant 8 : i32
      %mul3A_635 = arith.muli %mul3A_634, %scan3A_406 : i32
      %add3A_636 = arith.constant 6 : i32
      %add3A_637 = arith.addi %mul3A_635, %add3A_636 : i32
      %dma_wait3A_638 = arith.constant 0 : i32
      %dma_wait3A_639 = arith.constant 0 : i32
      %dma_wait3A_640 = tpu.memref_slice %arg27[%dma_wait3A_638, %dma_wait3A_639] : memref<10016x80xf32, #tpu.memory_space<vmem_shared>> -> memref<10016x80xf32, #tpu.memory_space<vmem_shared>>
      tpu.wait_indirect_dma semaphore(%arg43 : memref<!tpu.dma_semaphore, #tpu.memory_space<semaphore_mem>>) src(%arg25 : memref<64x80xf32, #tpu.memory_space<vmem>>) dst(%dma_wait3A_640 : memref<10016x80xf32, #tpu.memory_space<vmem_shared>>)
      %add3A_641 = arith.constant 1 : i32
      %add3A_642 = arith.addi %add3A_637, %add3A_641 : i32
      %sub3A_643 = arith.constant 4 : i32
      %sub3A_644 = arith.subi %add3A_642, %sub3A_643 : i32
      %add3A_645 = arith.constant 8 : i32
      %add3A_646 = arith.addi %sub3A_644, %add3A_645 : i32
      %add3A_647 = arith.addi %mul3A_0, %add3A_646 : i32
      %mul3A_648 = arith.constant 64 : i32
      %mul3A_649 = arith.muli %add3A_647, %mul3A_648 : i32
      %dma_start3A_650 = tpu.memref_slice %arg3[%mul3A_649] : memref<328192xi32, #tpu.memory_space<hbm>> -> memref<64xi32, #tpu.memory_space<hbm>>
      %dma_start3A_651 = tpu.memref_slice %arg3[%mul3A_649] : memref<328192xi32, #tpu.memory_space<hbm>> -> memref<64xi32, #tpu.memory_space<hbm>>
      tpu.enqueue_dma source(%dma_start3A_651 : memref<64xi32, #tpu.memory_space<hbm>>) target(%arg12 : memref<64xi32, #tpu.memory_space<vmem>>) target_semaphore(%arg31 : memref<!tpu.dma_semaphore, #tpu.memory_space<semaphore_mem>>)
      %dma_start3A_652 = tpu.memref_slice %arg4[%mul3A_649] : memref<328192xi32, #tpu.memory_space<hbm>> -> memref<64xi32, #tpu.memory_space<hbm>>
      %dma_start3A_653 = tpu.memref_slice %arg4[%mul3A_649] : memref<328192xi32, #tpu.memory_space<hbm>> -> memref<64xi32, #tpu.memory_space<hbm>>
      tpu.enqueue_dma source(%dma_start3A_653 : memref<64xi32, #tpu.memory_space<hbm>>) target(%arg13 : memref<64xi32, #tpu.memory_space<vmem>>) target_semaphore(%arg31 : memref<!tpu.dma_semaphore, #tpu.memory_space<semaphore_mem>>)
      %add3A_654 = arith.constant 1 : i32
      %add3A_655 = arith.addi %add3A_637, %add3A_654 : i32
      %add3A_656 = arith.addi %mul3A_0, %add3A_655 : i32
      %mul3A_657 = arith.constant 64 : i32
      %mul3A_658 = arith.muli %add3A_656, %mul3A_657 : i32
      %dma_wait3A_659 = tpu.memref_slice %arg3[%mul3A_658] : memref<328192xi32, #tpu.memory_space<hbm>> -> memref<64xi32, #tpu.memory_space<hbm>>
      %dma_wait3A_660 = tpu.memref_slice %arg3[%mul3A_658] : memref<328192xi32, #tpu.memory_space<hbm>> -> memref<64xi32, #tpu.memory_space<hbm>>
      tpu.wait_dma2 semaphore(%arg35 : memref<!tpu.dma_semaphore, #tpu.memory_space<semaphore_mem>>) src(%dma_wait3A_660 : memref<64xi32, #tpu.memory_space<hbm>>) dst(%arg20 : memref<64xi32, #tpu.memory_space<vmem>>)
      %dma_wait3A_661 = tpu.memref_slice %arg4[%mul3A_658] : memref<328192xi32, #tpu.memory_space<hbm>> -> memref<64xi32, #tpu.memory_space<hbm>>
      %dma_wait3A_662 = tpu.memref_slice %arg4[%mul3A_658] : memref<328192xi32, #tpu.memory_space<hbm>> -> memref<64xi32, #tpu.memory_space<hbm>>
      tpu.wait_dma2 semaphore(%arg35 : memref<!tpu.dma_semaphore, #tpu.memory_space<semaphore_mem>>) src(%dma_wait3A_662 : memref<64xi32, #tpu.memory_space<hbm>>) dst(%arg21 : memref<64xi32, #tpu.memory_space<vmem>>)
      %dma_start3A_663 = arith.constant 0 : i32
      %dma_start3A_664 = arith.constant 0 : i32
      %dma_start3A_665 = tpu.memref_slice %arg26[%dma_start3A_663, %dma_start3A_664] : memref<10000x80xf32, #tpu.memory_space<vmem_shared>> -> memref<10000x80xf32, #tpu.memory_space<vmem_shared>>
      tpu.enqueue_indirect_dma source(%dma_start3A_665 : memref<10000x80xf32, #tpu.memory_space<vmem_shared>>) target(%arg25 : memref<64x80xf32, #tpu.memory_space<vmem>>) offsets(%arg20 : memref<64xi32, #tpu.memory_space<vmem>>) semaphore(%arg39 : memref<!tpu.dma_semaphore, #tpu.memory_space<semaphore_mem>>)
      %dma_wait3A_666 = arith.constant 0 : i32
      %dma_wait3A_667 = arith.constant 0 : i32
      %dma_wait3A_668 = tpu.memref_slice %arg26[%dma_wait3A_666, %dma_wait3A_667] : memref<10000x80xf32, #tpu.memory_space<vmem_shared>> -> memref<10000x80xf32, #tpu.memory_space<vmem_shared>>
      tpu.wait_indirect_dma semaphore(%arg38 : memref<!tpu.dma_semaphore, #tpu.memory_space<semaphore_mem>>) src(%dma_wait3A_668 : memref<10000x80xf32, #tpu.memory_space<vmem_shared>>) dst(%arg24 : memref<64x80xf32, #tpu.memory_space<vmem>>)
      %dma_start3A_669 = arith.constant 0 : i32
      %dma_start3A_670 = arith.constant 0 : i32
      %dma_start3A_671 = tpu.memref_slice %arg27[%dma_start3A_669, %dma_start3A_670] : memref<10016x80xf32, #tpu.memory_space<vmem_shared>> -> memref<10016x80xf32, #tpu.memory_space<vmem_shared>>
      tpu.enqueue_indirect_dma source(%arg24 : memref<64x80xf32, #tpu.memory_space<vmem>>) target(%dma_start3A_671 : memref<10016x80xf32, #tpu.memory_space<vmem_shared>>) offsets(%arg19 : memref<64xi32, #tpu.memory_space<vmem>>) semaphore(%arg42 : memref<!tpu.dma_semaphore, #tpu.memory_space<semaphore_mem>>) {add = true}
      %mul3A_672 = arith.constant 8 : i32
      %mul3A_673 = arith.muli %mul3A_672, %scan3A_406 : i32
      %add3A_674 = arith.constant 7 : i32
      %add3A_675 = arith.addi %mul3A_673, %add3A_674 : i32
      %dma_wait3A_676 = arith.constant 0 : i32
      %dma_wait3A_677 = arith.constant 0 : i32
      %dma_wait3A_678 = tpu.memref_slice %arg27[%dma_wait3A_676, %dma_wait3A_677] : memref<10016x80xf32, #tpu.memory_space<vmem_shared>> -> memref<10016x80xf32, #tpu.memory_space<vmem_shared>>
      tpu.wait_indirect_dma semaphore(%arg40 : memref<!tpu.dma_semaphore, #tpu.memory_space<semaphore_mem>>) src(%arg22 : memref<64x80xf32, #tpu.memory_space<vmem>>) dst(%dma_wait3A_678 : memref<10016x80xf32, #tpu.memory_space<vmem_shared>>)
      %add3A_679 = arith.constant 1 : i32
      %add3A_680 = arith.addi %add3A_675, %add3A_679 : i32
      %sub3A_681 = arith.constant 4 : i32
      %sub3A_682 = arith.subi %add3A_680, %sub3A_681 : i32
      %add3A_683 = arith.constant 8 : i32
      %add3A_684 = arith.addi %sub3A_682, %add3A_683 : i32
      %add3A_685 = arith.addi %mul3A_0, %add3A_684 : i32
      %mul3A_686 = arith.constant 64 : i32
      %mul3A_687 = arith.muli %add3A_685, %mul3A_686 : i32
      %dma_start3A_688 = tpu.memref_slice %arg3[%mul3A_687] : memref<328192xi32, #tpu.memory_space<hbm>> -> memref<64xi32, #tpu.memory_space<hbm>>
      %dma_start3A_689 = tpu.memref_slice %arg3[%mul3A_687] : memref<328192xi32, #tpu.memory_space<hbm>> -> memref<64xi32, #tpu.memory_space<hbm>>
      tpu.enqueue_dma source(%dma_start3A_689 : memref<64xi32, #tpu.memory_space<hbm>>) target(%arg14 : memref<64xi32, #tpu.memory_space<vmem>>) target_semaphore(%arg32 : memref<!tpu.dma_semaphore, #tpu.memory_space<semaphore_mem>>)
      %dma_start3A_690 = tpu.memref_slice %arg4[%mul3A_687] : memref<328192xi32, #tpu.memory_space<hbm>> -> memref<64xi32, #tpu.memory_space<hbm>>
      %dma_start3A_691 = tpu.memref_slice %arg4[%mul3A_687] : memref<328192xi32, #tpu.memory_space<hbm>> -> memref<64xi32, #tpu.memory_space<hbm>>
      tpu.enqueue_dma source(%dma_start3A_691 : memref<64xi32, #tpu.memory_space<hbm>>) target(%arg15 : memref<64xi32, #tpu.memory_space<vmem>>) target_semaphore(%arg32 : memref<!tpu.dma_semaphore, #tpu.memory_space<semaphore_mem>>)
      %add3A_692 = arith.constant 1 : i32
      %add3A_693 = arith.addi %add3A_675, %add3A_692 : i32
      %add3A_694 = arith.addi %mul3A_0, %add3A_693 : i32
      %mul3A_695 = arith.constant 64 : i32
      %mul3A_696 = arith.muli %add3A_694, %mul3A_695 : i32
      %dma_wait3A_697 = tpu.memref_slice %arg3[%mul3A_696] : memref<328192xi32, #tpu.memory_space<hbm>> -> memref<64xi32, #tpu.memory_space<hbm>>
      %dma_wait3A_698 = tpu.memref_slice %arg3[%mul3A_696] : memref<328192xi32, #tpu.memory_space<hbm>> -> memref<64xi32, #tpu.memory_space<hbm>>
      tpu.wait_dma2 semaphore(%arg28 : memref<!tpu.dma_semaphore, #tpu.memory_space<semaphore_mem>>) src(%dma_wait3A_698 : memref<64xi32, #tpu.memory_space<hbm>>) dst(%arg6 : memref<64xi32, #tpu.memory_space<vmem>>)
      %dma_wait3A_699 = tpu.memref_slice %arg4[%mul3A_696] : memref<328192xi32, #tpu.memory_space<hbm>> -> memref<64xi32, #tpu.memory_space<hbm>>
      %dma_wait3A_700 = tpu.memref_slice %arg4[%mul3A_696] : memref<328192xi32, #tpu.memory_space<hbm>> -> memref<64xi32, #tpu.memory_space<hbm>>
      tpu.wait_dma2 semaphore(%arg28 : memref<!tpu.dma_semaphore, #tpu.memory_space<semaphore_mem>>) src(%dma_wait3A_700 : memref<64xi32, #tpu.memory_space<hbm>>) dst(%arg7 : memref<64xi32, #tpu.memory_space<vmem>>)
      %dma_start3A_701 = arith.constant 0 : i32
      %dma_start3A_702 = arith.constant 0 : i32
      %dma_start3A_703 = tpu.memref_slice %arg26[%dma_start3A_701, %dma_start3A_702] : memref<10000x80xf32, #tpu.memory_space<vmem_shared>> -> memref<10000x80xf32, #tpu.memory_space<vmem_shared>>
      tpu.enqueue_indirect_dma source(%dma_start3A_703 : memref<10000x80xf32, #tpu.memory_space<vmem_shared>>) target(%arg22 : memref<64x80xf32, #tpu.memory_space<vmem>>) offsets(%arg6 : memref<64xi32, #tpu.memory_space<vmem>>) semaphore(%arg36 : memref<!tpu.dma_semaphore, #tpu.memory_space<semaphore_mem>>)
      %dma_wait3A_704 = arith.constant 0 : i32
      %dma_wait3A_705 = arith.constant 0 : i32
      %dma_wait3A_706 = tpu.memref_slice %arg26[%dma_wait3A_704, %dma_wait3A_705] : memref<10000x80xf32, #tpu.memory_space<vmem_shared>> -> memref<10000x80xf32, #tpu.memory_space<vmem_shared>>
      tpu.wait_indirect_dma semaphore(%arg39 : memref<!tpu.dma_semaphore, #tpu.memory_space<semaphore_mem>>) src(%dma_wait3A_706 : memref<10000x80xf32, #tpu.memory_space<vmem_shared>>) dst(%arg25 : memref<64x80xf32, #tpu.memory_space<vmem>>)
      %dma_start3A_707 = arith.constant 0 : i32
      %dma_start3A_708 = arith.constant 0 : i32
      %dma_start3A_709 = tpu.memref_slice %arg27[%dma_start3A_707, %dma_start3A_708] : memref<10016x80xf32, #tpu.memory_space<vmem_shared>> -> memref<10016x80xf32, #tpu.memory_space<vmem_shared>>
      tpu.enqueue_indirect_dma source(%arg25 : memref<64x80xf32, #tpu.memory_space<vmem>>) target(%dma_start3A_709 : memref<10016x80xf32, #tpu.memory_space<vmem_shared>>) offsets(%arg21 : memref<64xi32, #tpu.memory_space<vmem>>) semaphore(%arg43 : memref<!tpu.dma_semaphore, #tpu.memory_space<semaphore_mem>>) {add = true}
    }
    %scan3A_338 = arith.constant 39 : i32
    %dma_wait3A_339 = arith.constant 0 : i32
    %dma_wait3A_340 = arith.constant 0 : i32
    %dma_wait3A_341 = tpu.memref_slice %arg27[%dma_wait3A_339, %dma_wait3A_340] : memref<10016x80xf32, #tpu.memory_space<vmem_shared>> -> memref<10016x80xf32, #tpu.memory_space<vmem_shared>>
    tpu.wait_indirect_dma semaphore(%arg41 : memref<!tpu.dma_semaphore, #tpu.memory_space<semaphore_mem>>) src(%arg23 : memref<64x80xf32, #tpu.memory_space<vmem>>) dst(%dma_wait3A_341 : memref<10016x80xf32, #tpu.memory_space<vmem_shared>>)
    %dma_wait3A_342 = arith.constant 0 : i32
    %dma_wait3A_343 = arith.constant 0 : i32
    %dma_wait3A_344 = tpu.memref_slice %arg27[%dma_wait3A_342, %dma_wait3A_343] : memref<10016x80xf32, #tpu.memory_space<vmem_shared>> -> memref<10016x80xf32, #tpu.memory_space<vmem_shared>>
    tpu.wait_indirect_dma semaphore(%arg42 : memref<!tpu.dma_semaphore, #tpu.memory_space<semaphore_mem>>) src(%arg24 : memref<64x80xf32, #tpu.memory_space<vmem>>) dst(%dma_wait3A_344 : memref<10016x80xf32, #tpu.memory_space<vmem_shared>>)
    %dma_wait3A_345 = arith.constant 0 : i32
    %dma_wait3A_346 = arith.constant 0 : i32
    %dma_wait3A_347 = tpu.memref_slice %arg27[%dma_wait3A_345, %dma_wait3A_346] : memref<10016x80xf32, #tpu.memory_space<vmem_shared>> -> memref<10016x80xf32, #tpu.memory_space<vmem_shared>>
    tpu.wait_indirect_dma semaphore(%arg43 : memref<!tpu.dma_semaphore, #tpu.memory_space<semaphore_mem>>) src(%arg25 : memref<64x80xf32, #tpu.memory_space<vmem>>) dst(%dma_wait3A_347 : memref<10016x80xf32, #tpu.memory_space<vmem_shared>>)
    %dma_wait3A_348 = arith.constant 0 : i32
    %dma_wait3A_349 = arith.constant 0 : i32
    %dma_wait3A_350 = tpu.memref_slice %arg26[%dma_wait3A_348, %dma_wait3A_349] : memref<10000x80xf32, #tpu.memory_space<vmem_shared>> -> memref<10000x80xf32, #tpu.memory_space<vmem_shared>>
    tpu.wait_indirect_dma semaphore(%arg36 : memref<!tpu.dma_semaphore, #tpu.memory_space<semaphore_mem>>) src(%dma_wait3A_350 : memref<10000x80xf32, #tpu.memory_space<vmem_shared>>) dst(%arg22 : memref<64x80xf32, #tpu.memory_space<vmem>>)
    %add3A_351 = arith.constant 321 : i32
    %add3A_352 = arith.addi %mul3A_0, %add3A_351 : i32
    %mul3A_353 = arith.constant 64 : i32
    %mul3A_354 = arith.muli %add3A_352, %mul3A_353 : i32
    %dma_wait3A_355 = tpu.memref_slice %arg3[%mul3A_354] : memref<328192xi32, #tpu.memory_space<hbm>> -> memref<64xi32, #tpu.memory_space<hbm>>
    %dma_wait3A_356 = tpu.memref_slice %arg3[%mul3A_354] : memref<328192xi32, #tpu.memory_space<hbm>> -> memref<64xi32, #tpu.memory_space<hbm>>
    tpu.wait_dma2 semaphore(%arg29 : memref<!tpu.dma_semaphore, #tpu.memory_space<semaphore_mem>>) src(%dma_wait3A_356 : memref<64xi32, #tpu.memory_space<hbm>>) dst(%arg8 : memref<64xi32, #tpu.memory_space<vmem>>)
    %dma_wait3A_357 = tpu.memref_slice %arg4[%mul3A_354] : memref<328192xi32, #tpu.memory_space<hbm>> -> memref<64xi32, #tpu.memory_space<hbm>>
    %dma_wait3A_358 = tpu.memref_slice %arg4[%mul3A_354] : memref<328192xi32, #tpu.memory_space<hbm>> -> memref<64xi32, #tpu.memory_space<hbm>>
    tpu.wait_dma2 semaphore(%arg29 : memref<!tpu.dma_semaphore, #tpu.memory_space<semaphore_mem>>) src(%dma_wait3A_358 : memref<64xi32, #tpu.memory_space<hbm>>) dst(%arg9 : memref<64xi32, #tpu.memory_space<vmem>>)
    %add3A_359 = arith.constant 322 : i32
    %add3A_360 = arith.addi %mul3A_0, %add3A_359 : i32
    %mul3A_361 = arith.constant 64 : i32
    %mul3A_362 = arith.muli %add3A_360, %mul3A_361 : i32
    %dma_wait3A_363 = tpu.memref_slice %arg3[%mul3A_362] : memref<328192xi32, #tpu.memory_space<hbm>> -> memref<64xi32, #tpu.memory_space<hbm>>
    %dma_wait3A_364 = tpu.memref_slice %arg3[%mul3A_362] : memref<328192xi32, #tpu.memory_space<hbm>> -> memref<64xi32, #tpu.memory_space<hbm>>
    tpu.wait_dma2 semaphore(%arg30 : memref<!tpu.dma_semaphore, #tpu.memory_space<semaphore_mem>>) src(%dma_wait3A_364 : memref<64xi32, #tpu.memory_space<hbm>>) dst(%arg10 : memref<64xi32, #tpu.memory_space<vmem>>)
    %dma_wait3A_365 = tpu.memref_slice %arg4[%mul3A_362] : memref<328192xi32, #tpu.memory_space<hbm>> -> memref<64xi32, #tpu.memory_space<hbm>>
    %dma_wait3A_366 = tpu.memref_slice %arg4[%mul3A_362] : memref<328192xi32, #tpu.memory_space<hbm>> -> memref<64xi32, #tpu.memory_space<hbm>>
    tpu.wait_dma2 semaphore(%arg30 : memref<!tpu.dma_semaphore, #tpu.memory_space<semaphore_mem>>) src(%dma_wait3A_366 : memref<64xi32, #tpu.memory_space<hbm>>) dst(%arg11 : memref<64xi32, #tpu.memory_space<vmem>>)
    %add3A_367 = arith.constant 323 : i32
    %add3A_368 = arith.addi %mul3A_0, %add3A_367 : i32
    %mul3A_369 = arith.constant 64 : i32
    %mul3A_370 = arith.muli %add3A_368, %mul3A_369 : i32
    %dma_wait3A_371 = tpu.memref_slice %arg3[%mul3A_370] : memref<328192xi32, #tpu.memory_space<hbm>> -> memref<64xi32, #tpu.memory_space<hbm>>
    %dma_wait3A_372 = tpu.memref_slice %arg3[%mul3A_370] : memref<328192xi32, #tpu.memory_space<hbm>> -> memref<64xi32, #tpu.memory_space<hbm>>
    tpu.wait_dma2 semaphore(%arg31 : memref<!tpu.dma_semaphore, #tpu.memory_space<semaphore_mem>>) src(%dma_wait3A_372 : memref<64xi32, #tpu.memory_space<hbm>>) dst(%arg12 : memref<64xi32, #tpu.memory_space<vmem>>)
    %dma_wait3A_373 = tpu.memref_slice %arg4[%mul3A_370] : memref<328192xi32, #tpu.memory_space<hbm>> -> memref<64xi32, #tpu.memory_space<hbm>>
    %dma_wait3A_374 = tpu.memref_slice %arg4[%mul3A_370] : memref<328192xi32, #tpu.memory_space<hbm>> -> memref<64xi32, #tpu.memory_space<hbm>>
    tpu.wait_dma2 semaphore(%arg31 : memref<!tpu.dma_semaphore, #tpu.memory_space<semaphore_mem>>) src(%dma_wait3A_374 : memref<64xi32, #tpu.memory_space<hbm>>) dst(%arg13 : memref<64xi32, #tpu.memory_space<vmem>>)
    %add3A_375 = arith.constant 324 : i32
    %add3A_376 = arith.addi %mul3A_0, %add3A_375 : i32
    %mul3A_377 = arith.constant 64 : i32
    %mul3A_378 = arith.muli %add3A_376, %mul3A_377 : i32
    %dma_wait3A_379 = tpu.memref_slice %arg3[%mul3A_378] : memref<328192xi32, #tpu.memory_space<hbm>> -> memref<64xi32, #tpu.memory_space<hbm>>
    %dma_wait3A_380 = tpu.memref_slice %arg3[%mul3A_378] : memref<328192xi32, #tpu.memory_space<hbm>> -> memref<64xi32, #tpu.memory_space<hbm>>
    tpu.wait_dma2 semaphore(%arg32 : memref<!tpu.dma_semaphore, #tpu.memory_space<semaphore_mem>>) src(%dma_wait3A_380 : memref<64xi32, #tpu.memory_space<hbm>>) dst(%arg14 : memref<64xi32, #tpu.memory_space<vmem>>)
    %dma_wait3A_381 = tpu.memref_slice %arg4[%mul3A_378] : memref<328192xi32, #tpu.memory_space<hbm>> -> memref<64xi32, #tpu.memory_space<hbm>>
    %dma_wait3A_382 = tpu.memref_slice %arg4[%mul3A_378] : memref<328192xi32, #tpu.memory_space<hbm>> -> memref<64xi32, #tpu.memory_space<hbm>>
    tpu.wait_dma2 semaphore(%arg32 : memref<!tpu.dma_semaphore, #tpu.memory_space<semaphore_mem>>) src(%dma_wait3A_382 : memref<64xi32, #tpu.memory_space<hbm>>) dst(%arg15 : memref<64xi32, #tpu.memory_space<vmem>>)
    %barrier3A_383 = arith.constant 0 : index
    tpu.barrier barrier_id(%barrier3A_383)
    %mul3A_384 = arith.constant 626 : i32
    %mul3A_385 = arith.muli %arg1, %mul3A_384 : i32
    "tpu.region"() ({
      %run_scoped3A = tpu.sem_alloc : memref<!tpu.dma_semaphore, #tpu.memory_space<semaphore_mem>>
      %dma_start3A_406 = arith.constant 0 : i32
      %dma_start3A_407 = arith.constant 0 : i32
      %dma_start3A_408 = tpu.memref_slice %arg22[%dma_start3A_406, %dma_start3A_407] : memref<64x80xf32, #tpu.memory_space<vmem>> -> memref<64x80xf32, #tpu.memory_space<vmem>>
      %dma_start3A_409 = arith.constant 0 : i32
      %dma_start3A_410 = tpu.memref_slice %arg27[%mul3A_385, %dma_start3A_409] : memref<10016x80xf32, #tpu.memory_space<vmem_shared>> -> memref<64x80xf32, #tpu.memory_space<vmem_shared>>
      %dma_start3A_411 = arith.constant 0 : i32
      %dma_start3A_412 = arith.constant 0 : i32
      %dma_start3A_413 = tpu.memref_slice %arg22[%dma_start3A_411, %dma_start3A_412] : memref<64x80xf32, #tpu.memory_space<vmem>> -> memref<64x80xf32, #tpu.memory_space<vmem>>
      %dma_start3A_414 = arith.constant 0 : i32
      %dma_start3A_415 = tpu.memref_slice %arg27[%mul3A_385, %dma_start3A_414] : memref<10016x80xf32, #tpu.memory_space<vmem_shared>> -> memref<64x80xf32, #tpu.memory_space<vmem_shared>>
      tpu.enqueue_dma source(%dma_start3A_415 : memref<64x80xf32, #tpu.memory_space<vmem_shared>>) target(%dma_start3A_413 : memref<64x80xf32, #tpu.memory_space<vmem>>) target_semaphore(%run_scoped3A : memref<!tpu.dma_semaphore, #tpu.memory_space<semaphore_mem>>)
      %dma_wait3A_416 = arith.constant 0 : i32
      %dma_wait3A_417 = arith.constant 0 : i32
      %dma_wait3A_418 = tpu.memref_slice %arg22[%dma_wait3A_416, %dma_wait3A_417] : memref<64x80xf32, #tpu.memory_space<vmem>> -> memref<64x80xf32, #tpu.memory_space<vmem>>
      %dma_wait3A_419 = arith.constant 0 : i32
      %dma_wait3A_420 = tpu.memref_slice %arg27[%mul3A_385, %dma_wait3A_419] : memref<10016x80xf32, #tpu.memory_space<vmem_shared>> -> memref<64x80xf32, #tpu.memory_space<vmem_shared>>
      %dma_wait3A_421 = arith.constant 0 : i32
      %dma_wait3A_422 = arith.constant 0 : i32
      %dma_wait3A_423 = tpu.memref_slice %arg22[%dma_wait3A_421, %dma_wait3A_422] : memref<64x80xf32, #tpu.memory_space<vmem>> -> memref<64x80xf32, #tpu.memory_space<vmem>>
      %dma_wait3A_424 = arith.constant 0 : i32
      %dma_wait3A_425 = tpu.memref_slice %arg27[%mul3A_385, %dma_wait3A_424] : memref<10016x80xf32, #tpu.memory_space<vmem_shared>> -> memref<64x80xf32, #tpu.memory_space<vmem_shared>>
      tpu.wait_dma2 semaphore(%run_scoped3A : memref<!tpu.dma_semaphore, #tpu.memory_space<semaphore_mem>>) src(%dma_wait3A_425 : memref<64x80xf32, #tpu.memory_space<vmem_shared>>) dst(%dma_wait3A_423 : memref<64x80xf32, #tpu.memory_space<vmem>>)
      tpu.yield
    }) : () -> ()
    "tpu.region"() ({
      %run_scoped3A = tpu.sem_alloc : memref<!tpu.dma_semaphore, #tpu.memory_space<semaphore_mem>>
      %dma_start3A_406 = arith.constant 0 : i32
      %dma_start3A_407 = arith.constant 0 : i32
      %dma_start3A_408 = tpu.memref_slice %arg22[%dma_start3A_406, %dma_start3A_407] : memref<64x80xf32, #tpu.memory_space<vmem>> -> memref<64x80xf32, #tpu.memory_space<vmem>>
      %dma_start3A_409 = arith.constant 0 : i32
      %dma_start3A_410 = tpu.memref_slice %arg5[%arg0, %mul3A_385, %dma_start3A_409] : memref<2x10016x80xf32, #tpu.memory_space<hbm>> -> memref<1x64x80xf32, #tpu.memory_space<hbm>>
      %dma_start3A_411 = tpu.memref_squeeze %dma_start3A_410 : memref<1x64x80xf32, #tpu.memory_space<hbm>> -> memref<64x80xf32, #tpu.memory_space<hbm>>
      %dma_start3A_412 = arith.constant 0 : i32
      %dma_start3A_413 = tpu.memref_slice %arg5[%arg0, %mul3A_385, %dma_start3A_412] : memref<2x10016x80xf32, #tpu.memory_space<hbm>> -> memref<1x64x80xf32, #tpu.memory_space<hbm>>
      %dma_start3A_414 = tpu.memref_squeeze %dma_start3A_413 : memref<1x64x80xf32, #tpu.memory_space<hbm>> -> memref<64x80xf32, #tpu.memory_space<hbm>>
      %dma_start3A_415 = arith.constant 0 : i32
      %dma_start3A_416 = arith.constant 0 : i32
      %dma_start3A_417 = tpu.memref_slice %arg22[%dma_start3A_415, %dma_start3A_416] : memref<64x80xf32, #tpu.memory_space<vmem>> -> memref<64x80xf32, #tpu.memory_space<vmem>>
      tpu.enqueue_dma source(%dma_start3A_417 : memref<64x80xf32, #tpu.memory_space<vmem>>) target(%dma_start3A_414 : memref<64x80xf32, #tpu.memory_space<hbm>>) target_semaphore(%run_scoped3A : memref<!tpu.dma_semaphore, #tpu.memory_space<semaphore_mem>>)
      %dma_wait3A_418 = arith.constant 0 : i32
      %dma_wait3A_419 = arith.constant 0 : i32
      %dma_wait3A_420 = tpu.memref_slice %arg22[%dma_wait3A_418, %dma_wait3A_419] : memref<64x80xf32, #tpu.memory_space<vmem>> -> memref<64x80xf32, #tpu.memory_space<vmem>>
      %dma_wait3A_421 = arith.constant 0 : i32
      %dma_wait3A_422 = tpu.memref_slice %arg5[%arg0, %mul3A_385, %dma_wait3A_421] : memref<2x10016x80xf32, #tpu.memory_space<hbm>> -> memref<1x64x80xf32, #tpu.memory_space<hbm>>
      %dma_wait3A_423 = tpu.memref_squeeze %dma_wait3A_422 : memref<1x64x80xf32, #tpu.memory_space<hbm>> -> memref<64x80xf32, #tpu.memory_space<hbm>>
      %dma_wait3A_424 = arith.constant 0 : i32
      %dma_wait3A_425 = tpu.memref_slice %arg5[%arg0, %mul3A_385, %dma_wait3A_424] : memref<2x10016x80xf32, #tpu.memory_space<hbm>> -> memref<1x64x80xf32, #tpu.memory_space<hbm>>
      %dma_wait3A_426 = tpu.memref_squeeze %dma_wait3A_425 : memref<1x64x80xf32, #tpu.memory_space<hbm>> -> memref<64x80xf32, #tpu.memory_space<hbm>>
      %dma_wait3A_427 = arith.constant 0 : i32
      %dma_wait3A_428 = arith.constant 0 : i32
      %dma_wait3A_429 = tpu.memref_slice %arg22[%dma_wait3A_427, %dma_wait3A_428] : memref<64x80xf32, #tpu.memory_space<vmem>> -> memref<64x80xf32, #tpu.memory_space<vmem>>
      tpu.wait_dma2 semaphore(%run_scoped3A : memref<!tpu.dma_semaphore, #tpu.memory_space<semaphore_mem>>) src(%dma_wait3A_429 : memref<64x80xf32, #tpu.memory_space<vmem>>) dst(%dma_wait3A_426 : memref<64x80xf32, #tpu.memory_space<hbm>>)
      tpu.yield
    }) : () -> ()
    %add3A_386 = arith.constant 64 : i32
    %add3A_387 = arith.addi %mul3A_385, %add3A_386 : i32
    "tpu.region"() ({
      %run_scoped3A = tpu.sem_alloc : memref<!tpu.dma_semaphore, #tpu.memory_space<semaphore_mem>>
      %dma_start3A_406 = arith.constant 0 : i32
      %dma_start3A_407 = arith.constant 0 : i32
      %dma_start3A_408 = tpu.memref_slice %arg22[%dma_start3A_406, %dma_start3A_407] : memref<64x80xf32, #tpu.memory_space<vmem>> -> memref<64x80xf32, #tpu.memory_space<vmem>>
      %dma_start3A_409 = arith.constant 0 : i32
      %dma_start3A_410 = tpu.memref_slice %arg27[%add3A_387, %dma_start3A_409] : memref<10016x80xf32, #tpu.memory_space<vmem_shared>> -> memref<64x80xf32, #tpu.memory_space<vmem_shared>>
      %dma_start3A_411 = arith.constant 0 : i32
      %dma_start3A_412 = arith.constant 0 : i32
      %dma_start3A_413 = tpu.memref_slice %arg22[%dma_start3A_411, %dma_start3A_412] : memref<64x80xf32, #tpu.memory_space<vmem>> -> memref<64x80xf32, #tpu.memory_space<vmem>>
      %dma_start3A_414 = arith.constant 0 : i32
      %dma_start3A_415 = tpu.memref_slice %arg27[%add3A_387, %dma_start3A_414] : memref<10016x80xf32, #tpu.memory_space<vmem_shared>> -> memref<64x80xf32, #tpu.memory_space<vmem_shared>>
      tpu.enqueue_dma source(%dma_start3A_415 : memref<64x80xf32, #tpu.memory_space<vmem_shared>>) target(%dma_start3A_413 : memref<64x80xf32, #tpu.memory_space<vmem>>) target_semaphore(%run_scoped3A : memref<!tpu.dma_semaphore, #tpu.memory_space<semaphore_mem>>)
      %dma_wait3A_416 = arith.constant 0 : i32
      %dma_wait3A_417 = arith.constant 0 : i32
      %dma_wait3A_418 = tpu.memref_slice %arg22[%dma_wait3A_416, %dma_wait3A_417] : memref<64x80xf32, #tpu.memory_space<vmem>> -> memref<64x80xf32, #tpu.memory_space<vmem>>
      %dma_wait3A_419 = arith.constant 0 : i32
      %dma_wait3A_420 = tpu.memref_slice %arg27[%add3A_387, %dma_wait3A_419] : memref<10016x80xf32, #tpu.memory_space<vmem_shared>> -> memref<64x80xf32, #tpu.memory_space<vmem_shared>>
      %dma_wait3A_421 = arith.constant 0 : i32
      %dma_wait3A_422 = arith.constant 0 : i32
      %dma_wait3A_423 = tpu.memref_slice %arg22[%dma_wait3A_421, %dma_wait3A_422] : memref<64x80xf32, #tpu.memory_space<vmem>> -> memref<64x80xf32, #tpu.memory_space<vmem>>
      %dma_wait3A_424 = arith.constant 0 : i32
      %dma_wait3A_425 = tpu.memref_slice %arg27[%add3A_387, %dma_wait3A_424] : memref<10016x80xf32, #tpu.memory_space<vmem_shared>> -> memref<64x80xf32, #tpu.memory_space<vmem_shared>>
      tpu.wait_dma2 semaphore(%run_scoped3A : memref<!tpu.dma_semaphore, #tpu.memory_space<semaphore_mem>>) src(%dma_wait3A_425 : memref<64x80xf32, #tpu.memory_space<vmem_shared>>) dst(%dma_wait3A_423 : memref<64x80xf32, #tpu.memory_space<vmem>>)
      tpu.yield
    }) : () -> ()
    "tpu.region"() ({
      %run_scoped3A = tpu.sem_alloc : memref<!tpu.dma_semaphore, #tpu.memory_space<semaphore_mem>>
      %dma_start3A_406 = arith.constant 0 : i32
      %dma_start3A_407 = arith.constant 0 : i32
      %dma_start3A_408 = tpu.memref_slice %arg22[%dma_start3A_406, %dma_start3A_407] : memref<64x80xf32, #tpu.memory_space<vmem>> -> memref<64x80xf32, #tpu.memory_space<vmem>>
      %dma_start3A_409 = arith.constant 0 : i32
      %dma_start3A_410 = tpu.memref_slice %arg5[%arg0, %add3A_387, %dma_start3A_409] : memref<2x10016x80xf32, #tpu.memory_space<hbm>> -> memref<1x64x80xf32, #tpu.memory_space<hbm>>
      %dma_start3A_411 = tpu.memref_squeeze %dma_start3A_410 : memref<1x64x80xf32, #tpu.memory_space<hbm>> -> memref<64x80xf32, #tpu.memory_space<hbm>>
      %dma_start3A_412 = arith.constant 0 : i32
      %dma_start3A_413 = tpu.memref_slice %arg5[%arg0, %add3A_387, %dma_start3A_412] : memref<2x10016x80xf32, #tpu.memory_space<hbm>> -> memref<1x64x80xf32, #tpu.memory_space<hbm>>
      %dma_start3A_414 = tpu.memref_squeeze %dma_start3A_413 : memref<1x64x80xf32, #tpu.memory_space<hbm>> -> memref<64x80xf32, #tpu.memory_space<hbm>>
      %dma_start3A_415 = arith.constant 0 : i32
      %dma_start3A_416 = arith.constant 0 : i32
      %dma_start3A_417 = tpu.memref_slice %arg22[%dma_start3A_415, %dma_start3A_416] : memref<64x80xf32, #tpu.memory_space<vmem>> -> memref<64x80xf32, #tpu.memory_space<vmem>>
      tpu.enqueue_dma source(%dma_start3A_417 : memref<64x80xf32, #tpu.memory_space<vmem>>) target(%dma_start3A_414 : memref<64x80xf32, #tpu.memory_space<hbm>>) target_semaphore(%run_scoped3A : memref<!tpu.dma_semaphore, #tpu.memory_space<semaphore_mem>>)
      %dma_wait3A_418 = arith.constant 0 : i32
      %dma_wait3A_419 = arith.constant 0 : i32
      %dma_wait3A_420 = tpu.memref_slice %arg22[%dma_wait3A_418, %dma_wait3A_419] : memref<64x80xf32, #tpu.memory_space<vmem>> -> memref<64x80xf32, #tpu.memory_space<vmem>>
      %dma_wait3A_421 = arith.constant 0 : i32
      %dma_wait3A_422 = tpu.memref_slice %arg5[%arg0, %add3A_387, %dma_wait3A_421] : memref<2x10016x80xf32, #tpu.memory_space<hbm>> -> memref<1x64x80xf32, #tpu.memory_space<hbm>>
      %dma_wait3A_423 = tpu.memref_squeeze %dma_wait3A_422 : memref<1x64x80xf32, #tpu.memory_space<hbm>> -> memref<64x80xf32, #tpu.memory_space<hbm>>
      %dma_wait3A_424 = arith.constant 0 : i32
      %dma_wait3A_425 = tpu.memref_slice %arg5[%arg0, %add3A_387, %dma_wait3A_424] : memref<2x10016x80xf32, #tpu.memory_space<hbm>> -> memref<1x64x80xf32, #tpu.memory_space<hbm>>
      %dma_wait3A_426 = tpu.memref_squeeze %dma_wait3A_425 : memref<1x64x80xf32, #tpu.memory_space<hbm>> -> memref<64x80xf32, #tpu.memory_space<hbm>>
      %dma_wait3A_427 = arith.constant 0 : i32
      %dma_wait3A_428 = arith.constant 0 : i32
      %dma_wait3A_429 = tpu.memref_slice %arg22[%dma_wait3A_427, %dma_wait3A_428] : memref<64x80xf32, #tpu.memory_space<vmem>> -> memref<64x80xf32, #tpu.memory_space<vmem>>
      tpu.wait_dma2 semaphore(%run_scoped3A : memref<!tpu.dma_semaphore, #tpu.memory_space<semaphore_mem>>) src(%dma_wait3A_429 : memref<64x80xf32, #tpu.memory_space<vmem>>) dst(%dma_wait3A_426 : memref<64x80xf32, #tpu.memory_space<hbm>>)
      tpu.yield
    }) : () -> ()
    %add3A_388 = arith.constant 64 : i32
    %add3A_389 = arith.addi %add3A_387, %add3A_388 : i32
    "tpu.region"() ({
      %run_scoped3A = tpu.sem_alloc : memref<!tpu.dma_semaphore, #tpu.memory_space<semaphore_mem>>
      %dma_start3A_406 = arith.constant 0 : i32
      %dma_start3A_407 = arith.constant 0 : i32
      %dma_start3A_408 = tpu.memref_slice %arg22[%dma_start3A_406, %dma_start3A_407] : memref<64x80xf32, #tpu.memory_space<vmem>> -> memref<64x80xf32, #tpu.memory_space<vmem>>
      %dma_start3A_409 = arith.constant 0 : i32
      %dma_start3A_410 = tpu.memref_slice %arg27[%add3A_389, %dma_start3A_409] : memref<10016x80xf32, #tpu.memory_space<vmem_shared>> -> memref<64x80xf32, #tpu.memory_space<vmem_shared>>
      %dma_start3A_411 = arith.constant 0 : i32
      %dma_start3A_412 = arith.constant 0 : i32
      %dma_start3A_413 = tpu.memref_slice %arg22[%dma_start3A_411, %dma_start3A_412] : memref<64x80xf32, #tpu.memory_space<vmem>> -> memref<64x80xf32, #tpu.memory_space<vmem>>
      %dma_start3A_414 = arith.constant 0 : i32
      %dma_start3A_415 = tpu.memref_slice %arg27[%add3A_389, %dma_start3A_414] : memref<10016x80xf32, #tpu.memory_space<vmem_shared>> -> memref<64x80xf32, #tpu.memory_space<vmem_shared>>
      tpu.enqueue_dma source(%dma_start3A_415 : memref<64x80xf32, #tpu.memory_space<vmem_shared>>) target(%dma_start3A_413 : memref<64x80xf32, #tpu.memory_space<vmem>>) target_semaphore(%run_scoped3A : memref<!tpu.dma_semaphore, #tpu.memory_space<semaphore_mem>>)
      %dma_wait3A_416 = arith.constant 0 : i32
      %dma_wait3A_417 = arith.constant 0 : i32
      %dma_wait3A_418 = tpu.memref_slice %arg22[%dma_wait3A_416, %dma_wait3A_417] : memref<64x80xf32, #tpu.memory_space<vmem>> -> memref<64x80xf32, #tpu.memory_space<vmem>>
      %dma_wait3A_419 = arith.constant 0 : i32
      %dma_wait3A_420 = tpu.memref_slice %arg27[%add3A_389, %dma_wait3A_419] : memref<10016x80xf32, #tpu.memory_space<vmem_shared>> -> memref<64x80xf32, #tpu.memory_space<vmem_shared>>
      %dma_wait3A_421 = arith.constant 0 : i32
      %dma_wait3A_422 = arith.constant 0 : i32
      %dma_wait3A_423 = tpu.memref_slice %arg22[%dma_wait3A_421, %dma_wait3A_422] : memref<64x80xf32, #tpu.memory_space<vmem>> -> memref<64x80xf32, #tpu.memory_space<vmem>>
      %dma_wait3A_424 = arith.constant 0 : i32
      %dma_wait3A_425 = tpu.memref_slice %arg27[%add3A_389, %dma_wait3A_424] : memref<10016x80xf32, #tpu.memory_space<vmem_shared>> -> memref<64x80xf32, #tpu.memory_space<vmem_shared>>
      tpu.wait_dma2 semaphore(%run_scoped3A : memref<!tpu.dma_semaphore, #tpu.memory_space<semaphore_mem>>) src(%dma_wait3A_425 : memref<64x80xf32, #tpu.memory_space<vmem_shared>>) dst(%dma_wait3A_423 : memref<64x80xf32, #tpu.memory_space<vmem>>)
      tpu.yield
    }) : () -> ()
    "tpu.region"() ({
      %run_scoped3A = tpu.sem_alloc : memref<!tpu.dma_semaphore, #tpu.memory_space<semaphore_mem>>
      %dma_start3A_406 = arith.constant 0 : i32
      %dma_start3A_407 = arith.constant 0 : i32
      %dma_start3A_408 = tpu.memref_slice %arg22[%dma_start3A_406, %dma_start3A_407] : memref<64x80xf32, #tpu.memory_space<vmem>> -> memref<64x80xf32, #tpu.memory_space<vmem>>
      %dma_start3A_409 = arith.constant 0 : i32
      %dma_start3A_410 = tpu.memref_slice %arg5[%arg0, %add3A_389, %dma_start3A_409] : memref<2x10016x80xf32, #tpu.memory_space<hbm>> -> memref<1x64x80xf32, #tpu.memory_space<hbm>>
      %dma_start3A_411 = tpu.memref_squeeze %dma_start3A_410 : memref<1x64x80xf32, #tpu.memory_space<hbm>> -> memref<64x80xf32, #tpu.memory_space<hbm>>
      %dma_start3A_412 = arith.constant 0 : i32
      %dma_start3A_413 = tpu.memref_slice %arg5[%arg0, %add3A_389, %dma_start3A_412] : memref<2x10016x80xf32, #tpu.memory_space<hbm>> -> memref<1x64x80xf32, #tpu.memory_space<hbm>>
      %dma_start3A_414 = tpu.memref_squeeze %dma_start3A_413 : memref<1x64x80xf32, #tpu.memory_space<hbm>> -> memref<64x80xf32, #tpu.memory_space<hbm>>
      %dma_start3A_415 = arith.constant 0 : i32
      %dma_start3A_416 = arith.constant 0 : i32
      %dma_start3A_417 = tpu.memref_slice %arg22[%dma_start3A_415, %dma_start3A_416] : memref<64x80xf32, #tpu.memory_space<vmem>> -> memref<64x80xf32, #tpu.memory_space<vmem>>
      tpu.enqueue_dma source(%dma_start3A_417 : memref<64x80xf32, #tpu.memory_space<vmem>>) target(%dma_start3A_414 : memref<64x80xf32, #tpu.memory_space<hbm>>) target_semaphore(%run_scoped3A : memref<!tpu.dma_semaphore, #tpu.memory_space<semaphore_mem>>)
      %dma_wait3A_418 = arith.constant 0 : i32
      %dma_wait3A_419 = arith.constant 0 : i32
      %dma_wait3A_420 = tpu.memref_slice %arg22[%dma_wait3A_418, %dma_wait3A_419] : memref<64x80xf32, #tpu.memory_space<vmem>> -> memref<64x80xf32, #tpu.memory_space<vmem>>
      %dma_wait3A_421 = arith.constant 0 : i32
      %dma_wait3A_422 = tpu.memref_slice %arg5[%arg0, %add3A_389, %dma_wait3A_421] : memref<2x10016x80xf32, #tpu.memory_space<hbm>> -> memref<1x64x80xf32, #tpu.memory_space<hbm>>
      %dma_wait3A_423 = tpu.memref_squeeze %dma_wait3A_422 : memref<1x64x80xf32, #tpu.memory_space<hbm>> -> memref<64x80xf32, #tpu.memory_space<hbm>>
      %dma_wait3A_424 = arith.constant 0 : i32
      %dma_wait3A_425 = tpu.memref_slice %arg5[%arg0, %add3A_389, %dma_wait3A_424] : memref<2x10016x80xf32, #tpu.memory_space<hbm>> -> memref<1x64x80xf32, #tpu.memory_space<hbm>>
      %dma_wait3A_426 = tpu.memref_squeeze %dma_wait3A_425 : memref<1x64x80xf32, #tpu.memory_space<hbm>> -> memref<64x80xf32, #tpu.memory_space<hbm>>
      %dma_wait3A_427 = arith.constant 0 : i32
      %dma_wait3A_428 = arith.constant 0 : i32
      %dma_wait3A_429 = tpu.memref_slice %arg22[%dma_wait3A_427, %dma_wait3A_428] : memref<64x80xf32, #tpu.memory_space<vmem>> -> memref<64x80xf32, #tpu.memory_space<vmem>>
      tpu.wait_dma2 semaphore(%run_scoped3A : memref<!tpu.dma_semaphore, #tpu.memory_space<semaphore_mem>>) src(%dma_wait3A_429 : memref<64x80xf32, #tpu.memory_space<vmem>>) dst(%dma_wait3A_426 : memref<64x80xf32, #tpu.memory_space<hbm>>)
      tpu.yield
    }) : () -> ()
    %add3A_390 = arith.constant 64 : i32
    %add3A_391 = arith.addi %add3A_389, %add3A_390 : i32
    "tpu.region"() ({
      %run_scoped3A = tpu.sem_alloc : memref<!tpu.dma_semaphore, #tpu.memory_space<semaphore_mem>>
      %dma_start3A_406 = arith.constant 0 : i32
      %dma_start3A_407 = arith.constant 0 : i32
      %dma_start3A_408 = tpu.memref_slice %arg22[%dma_start3A_406, %dma_start3A_407] : memref<64x80xf32, #tpu.memory_space<vmem>> -> memref<64x80xf32, #tpu.memory_space<vmem>>
      %dma_start3A_409 = arith.constant 0 : i32
      %dma_start3A_410 = tpu.memref_slice %arg27[%add3A_391, %dma_start3A_409] : memref<10016x80xf32, #tpu.memory_space<vmem_shared>> -> memref<64x80xf32, #tpu.memory_space<vmem_shared>>
      %dma_start3A_411 = arith.constant 0 : i32
      %dma_start3A_412 = arith.constant 0 : i32
      %dma_start3A_413 = tpu.memref_slice %arg22[%dma_start3A_411, %dma_start3A_412] : memref<64x80xf32, #tpu.memory_space<vmem>> -> memref<64x80xf32, #tpu.memory_space<vmem>>
      %dma_start3A_414 = arith.constant 0 : i32
      %dma_start3A_415 = tpu.memref_slice %arg27[%add3A_391, %dma_start3A_414] : memref<10016x80xf32, #tpu.memory_space<vmem_shared>> -> memref<64x80xf32, #tpu.memory_space<vmem_shared>>
      tpu.enqueue_dma source(%dma_start3A_415 : memref<64x80xf32, #tpu.memory_space<vmem_shared>>) target(%dma_start3A_413 : memref<64x80xf32, #tpu.memory_space<vmem>>) target_semaphore(%run_scoped3A : memref<!tpu.dma_semaphore, #tpu.memory_space<semaphore_mem>>)
      %dma_wait3A_416 = arith.constant 0 : i32
      %dma_wait3A_417 = arith.constant 0 : i32
      %dma_wait3A_418 = tpu.memref_slice %arg22[%dma_wait3A_416, %dma_wait3A_417] : memref<64x80xf32, #tpu.memory_space<vmem>> -> memref<64x80xf32, #tpu.memory_space<vmem>>
      %dma_wait3A_419 = arith.constant 0 : i32
      %dma_wait3A_420 = tpu.memref_slice %arg27[%add3A_391, %dma_wait3A_419] : memref<10016x80xf32, #tpu.memory_space<vmem_shared>> -> memref<64x80xf32, #tpu.memory_space<vmem_shared>>
      %dma_wait3A_421 = arith.constant 0 : i32
      %dma_wait3A_422 = arith.constant 0 : i32
      %dma_wait3A_423 = tpu.memref_slice %arg22[%dma_wait3A_421, %dma_wait3A_422] : memref<64x80xf32, #tpu.memory_space<vmem>> -> memref<64x80xf32, #tpu.memory_space<vmem>>
      %dma_wait3A_424 = arith.constant 0 : i32
      %dma_wait3A_425 = tpu.memref_slice %arg27[%add3A_391, %dma_wait3A_424] : memref<10016x80xf32, #tpu.memory_space<vmem_shared>> -> memref<64x80xf32, #tpu.memory_space<vmem_shared>>
      tpu.wait_dma2 semaphore(%run_scoped3A : memref<!tpu.dma_semaphore, #tpu.memory_space<semaphore_mem>>) src(%dma_wait3A_425 : memref<64x80xf32, #tpu.memory_space<vmem_shared>>) dst(%dma_wait3A_423 : memref<64x80xf32, #tpu.memory_space<vmem>>)
      tpu.yield
    }) : () -> ()
    "tpu.region"() ({
      %run_scoped3A = tpu.sem_alloc : memref<!tpu.dma_semaphore, #tpu.memory_space<semaphore_mem>>
      %dma_start3A_406 = arith.constant 0 : i32
      %dma_start3A_407 = arith.constant 0 : i32
      %dma_start3A_408 = tpu.memref_slice %arg22[%dma_start3A_406, %dma_start3A_407] : memref<64x80xf32, #tpu.memory_space<vmem>> -> memref<64x80xf32, #tpu.memory_space<vmem>>
      %dma_start3A_409 = arith.constant 0 : i32
      %dma_start3A_410 = tpu.memref_slice %arg5[%arg0, %add3A_391, %dma_start3A_409] : memref<2x10016x80xf32, #tpu.memory_space<hbm>> -> memref<1x64x80xf32, #tpu.memory_space<hbm>>
      %dma_start3A_411 = tpu.memref_squeeze %dma_start3A_410 : memref<1x64x80xf32, #tpu.memory_space<hbm>> -> memref<64x80xf32, #tpu.memory_space<hbm>>
      %dma_start3A_412 = arith.constant 0 : i32
      %dma_start3A_413 = tpu.memref_slice %arg5[%arg0, %add3A_391, %dma_start3A_412] : memref<2x10016x80xf32, #tpu.memory_space<hbm>> -> memref<1x64x80xf32, #tpu.memory_space<hbm>>
      %dma_start3A_414 = tpu.memref_squeeze %dma_start3A_413 : memref<1x64x80xf32, #tpu.memory_space<hbm>> -> memref<64x80xf32, #tpu.memory_space<hbm>>
      %dma_start3A_415 = arith.constant 0 : i32
      %dma_start3A_416 = arith.constant 0 : i32
      %dma_start3A_417 = tpu.memref_slice %arg22[%dma_start3A_415, %dma_start3A_416] : memref<64x80xf32, #tpu.memory_space<vmem>> -> memref<64x80xf32, #tpu.memory_space<vmem>>
      tpu.enqueue_dma source(%dma_start3A_417 : memref<64x80xf32, #tpu.memory_space<vmem>>) target(%dma_start3A_414 : memref<64x80xf32, #tpu.memory_space<hbm>>) target_semaphore(%run_scoped3A : memref<!tpu.dma_semaphore, #tpu.memory_space<semaphore_mem>>)
      %dma_wait3A_418 = arith.constant 0 : i32
      %dma_wait3A_419 = arith.constant 0 : i32
      %dma_wait3A_420 = tpu.memref_slice %arg22[%dma_wait3A_418, %dma_wait3A_419] : memref<64x80xf32, #tpu.memory_space<vmem>> -> memref<64x80xf32, #tpu.memory_space<vmem>>
      %dma_wait3A_421 = arith.constant 0 : i32
      %dma_wait3A_422 = tpu.memref_slice %arg5[%arg0, %add3A_391, %dma_wait3A_421] : memref<2x10016x80xf32, #tpu.memory_space<hbm>> -> memref<1x64x80xf32, #tpu.memory_space<hbm>>
      %dma_wait3A_423 = tpu.memref_squeeze %dma_wait3A_422 : memref<1x64x80xf32, #tpu.memory_space<hbm>> -> memref<64x80xf32, #tpu.memory_space<hbm>>
      %dma_wait3A_424 = arith.constant 0 : i32
      %dma_wait3A_425 = tpu.memref_slice %arg5[%arg0, %add3A_391, %dma_wait3A_424] : memref<2x10016x80xf32, #tpu.memory_space<hbm>> -> memref<1x64x80xf32, #tpu.memory_space<hbm>>
      %dma_wait3A_426 = tpu.memref_squeeze %dma_wait3A_425 : memref<1x64x80xf32, #tpu.memory_space<hbm>> -> memref<64x80xf32, #tpu.memory_space<hbm>>
      %dma_wait3A_427 = arith.constant 0 : i32
      %dma_wait3A_428 = arith.constant 0 : i32
      %dma_wait3A_429 = tpu.memref_slice %arg22[%dma_wait3A_427, %dma_wait3A_428] : memref<64x80xf32, #tpu.memory_space<vmem>> -> memref<64x80xf32, #tpu.memory_space<vmem>>
      tpu.wait_dma2 semaphore(%run_scoped3A : memref<!tpu.dma_semaphore, #tpu.memory_space<semaphore_mem>>) src(%dma_wait3A_429 : memref<64x80xf32, #tpu.memory_space<vmem>>) dst(%dma_wait3A_426 : memref<64x80xf32, #tpu.memory_space<hbm>>)
      tpu.yield
    }) : () -> ()
    %add3A_392 = arith.constant 64 : i32
    %add3A_393 = arith.addi %add3A_391, %add3A_392 : i32
    "tpu.region"() ({
      %run_scoped3A = tpu.sem_alloc : memref<!tpu.dma_semaphore, #tpu.memory_space<semaphore_mem>>
      %dma_start3A_406 = arith.constant 0 : i32
      %dma_start3A_407 = arith.constant 0 : i32
      %dma_start3A_408 = tpu.memref_slice %arg22[%dma_start3A_406, %dma_start3A_407] : memref<64x80xf32, #tpu.memory_space<vmem>> -> memref<64x80xf32, #tpu.memory_space<vmem>>
      %dma_start3A_409 = arith.constant 0 : i32
      %dma_start3A_410 = tpu.memref_slice %arg27[%add3A_393, %dma_start3A_409] : memref<10016x80xf32, #tpu.memory_space<vmem_shared>> -> memref<64x80xf32, #tpu.memory_space<vmem_shared>>
      %dma_start3A_411 = arith.constant 0 : i32
      %dma_start3A_412 = arith.constant 0 : i32
      %dma_start3A_413 = tpu.memref_slice %arg22[%dma_start3A_411, %dma_start3A_412] : memref<64x80xf32, #tpu.memory_space<vmem>> -> memref<64x80xf32, #tpu.memory_space<vmem>>
      %dma_start3A_414 = arith.constant 0 : i32
      %dma_start3A_415 = tpu.memref_slice %arg27[%add3A_393, %dma_start3A_414] : memref<10016x80xf32, #tpu.memory_space<vmem_shared>> -> memref<64x80xf32, #tpu.memory_space<vmem_shared>>
      tpu.enqueue_dma source(%dma_start3A_415 : memref<64x80xf32, #tpu.memory_space<vmem_shared>>) target(%dma_start3A_413 : memref<64x80xf32, #tpu.memory_space<vmem>>) target_semaphore(%run_scoped3A : memref<!tpu.dma_semaphore, #tpu.memory_space<semaphore_mem>>)
      %dma_wait3A_416 = arith.constant 0 : i32
      %dma_wait3A_417 = arith.constant 0 : i32
      %dma_wait3A_418 = tpu.memref_slice %arg22[%dma_wait3A_416, %dma_wait3A_417] : memref<64x80xf32, #tpu.memory_space<vmem>> -> memref<64x80xf32, #tpu.memory_space<vmem>>
      %dma_wait3A_419 = arith.constant 0 : i32
      %dma_wait3A_420 = tpu.memref_slice %arg27[%add3A_393, %dma_wait3A_419] : memref<10016x80xf32, #tpu.memory_space<vmem_shared>> -> memref<64x80xf32, #tpu.memory_space<vmem_shared>>
      %dma_wait3A_421 = arith.constant 0 : i32
      %dma_wait3A_422 = arith.constant 0 : i32
      %dma_wait3A_423 = tpu.memref_slice %arg22[%dma_wait3A_421, %dma_wait3A_422] : memref<64x80xf32, #tpu.memory_space<vmem>> -> memref<64x80xf32, #tpu.memory_space<vmem>>
      %dma_wait3A_424 = arith.constant 0 : i32
      %dma_wait3A_425 = tpu.memref_slice %arg27[%add3A_393, %dma_wait3A_424] : memref<10016x80xf32, #tpu.memory_space<vmem_shared>> -> memref<64x80xf32, #tpu.memory_space<vmem_shared>>
      tpu.wait_dma2 semaphore(%run_scoped3A : memref<!tpu.dma_semaphore, #tpu.memory_space<semaphore_mem>>) src(%dma_wait3A_425 : memref<64x80xf32, #tpu.memory_space<vmem_shared>>) dst(%dma_wait3A_423 : memref<64x80xf32, #tpu.memory_space<vmem>>)
      tpu.yield
    }) : () -> ()
    "tpu.region"() ({
      %run_scoped3A = tpu.sem_alloc : memref<!tpu.dma_semaphore, #tpu.memory_space<semaphore_mem>>
      %dma_start3A_406 = arith.constant 0 : i32
      %dma_start3A_407 = arith.constant 0 : i32
      %dma_start3A_408 = tpu.memref_slice %arg22[%dma_start3A_406, %dma_start3A_407] : memref<64x80xf32, #tpu.memory_space<vmem>> -> memref<64x80xf32, #tpu.memory_space<vmem>>
      %dma_start3A_409 = arith.constant 0 : i32
      %dma_start3A_410 = tpu.memref_slice %arg5[%arg0, %add3A_393, %dma_start3A_409] : memref<2x10016x80xf32, #tpu.memory_space<hbm>> -> memref<1x64x80xf32, #tpu.memory_space<hbm>>
      %dma_start3A_411 = tpu.memref_squeeze %dma_start3A_410 : memref<1x64x80xf32, #tpu.memory_space<hbm>> -> memref<64x80xf32, #tpu.memory_space<hbm>>
      %dma_start3A_412 = arith.constant 0 : i32
      %dma_start3A_413 = tpu.memref_slice %arg5[%arg0, %add3A_393, %dma_start3A_412] : memref<2x10016x80xf32, #tpu.memory_space<hbm>> -> memref<1x64x80xf32, #tpu.memory_space<hbm>>
      %dma_start3A_414 = tpu.memref_squeeze %dma_start3A_413 : memref<1x64x80xf32, #tpu.memory_space<hbm>> -> memref<64x80xf32, #tpu.memory_space<hbm>>
      %dma_start3A_415 = arith.constant 0 : i32
      %dma_start3A_416 = arith.constant 0 : i32
      %dma_start3A_417 = tpu.memref_slice %arg22[%dma_start3A_415, %dma_start3A_416] : memref<64x80xf32, #tpu.memory_space<vmem>> -> memref<64x80xf32, #tpu.memory_space<vmem>>
      tpu.enqueue_dma source(%dma_start3A_417 : memref<64x80xf32, #tpu.memory_space<vmem>>) target(%dma_start3A_414 : memref<64x80xf32, #tpu.memory_space<hbm>>) target_semaphore(%run_scoped3A : memref<!tpu.dma_semaphore, #tpu.memory_space<semaphore_mem>>)
      %dma_wait3A_418 = arith.constant 0 : i32
      %dma_wait3A_419 = arith.constant 0 : i32
      %dma_wait3A_420 = tpu.memref_slice %arg22[%dma_wait3A_418, %dma_wait3A_419] : memref<64x80xf32, #tpu.memory_space<vmem>> -> memref<64x80xf32, #tpu.memory_space<vmem>>
      %dma_wait3A_421 = arith.constant 0 : i32
      %dma_wait3A_422 = tpu.memref_slice %arg5[%arg0, %add3A_393, %dma_wait3A_421] : memref<2x10016x80xf32, #tpu.memory_space<hbm>> -> memref<1x64x80xf32, #tpu.memory_space<hbm>>
      %dma_wait3A_423 = tpu.memref_squeeze %dma_wait3A_422 : memref<1x64x80xf32, #tpu.memory_space<hbm>> -> memref<64x80xf32, #tpu.memory_space<hbm>>
      %dma_wait3A_424 = arith.constant 0 : i32
      %dma_wait3A_425 = tpu.memref_slice %arg5[%arg0, %add3A_393, %dma_wait3A_424] : memref<2x10016x80xf32, #tpu.memory_space<hbm>> -> memref<1x64x80xf32, #tpu.memory_space<hbm>>
      %dma_wait3A_426 = tpu.memref_squeeze %dma_wait3A_425 : memref<1x64x80xf32, #tpu.memory_space<hbm>> -> memref<64x80xf32, #tpu.memory_space<hbm>>
      %dma_wait3A_427 = arith.constant 0 : i32
      %dma_wait3A_428 = arith.constant 0 : i32
      %dma_wait3A_429 = tpu.memref_slice %arg22[%dma_wait3A_427, %dma_wait3A_428] : memref<64x80xf32, #tpu.memory_space<vmem>> -> memref<64x80xf32, #tpu.memory_space<vmem>>
      tpu.wait_dma2 semaphore(%run_scoped3A : memref<!tpu.dma_semaphore, #tpu.memory_space<semaphore_mem>>) src(%dma_wait3A_429 : memref<64x80xf32, #tpu.memory_space<vmem>>) dst(%dma_wait3A_426 : memref<64x80xf32, #tpu.memory_space<hbm>>)
      tpu.yield
    }) : () -> ()
    %add3A_394 = arith.constant 64 : i32
    %add3A_395 = arith.addi %add3A_393, %add3A_394 : i32
    "tpu.region"() ({
      %run_scoped3A = tpu.sem_alloc : memref<!tpu.dma_semaphore, #tpu.memory_space<semaphore_mem>>
      %dma_start3A_406 = arith.constant 0 : i32
      %dma_start3A_407 = arith.constant 0 : i32
      %dma_start3A_408 = tpu.memref_slice %arg22[%dma_start3A_406, %dma_start3A_407] : memref<64x80xf32, #tpu.memory_space<vmem>> -> memref<64x80xf32, #tpu.memory_space<vmem>>
      %dma_start3A_409 = arith.constant 0 : i32
      %dma_start3A_410 = tpu.memref_slice %arg27[%add3A_395, %dma_start3A_409] : memref<10016x80xf32, #tpu.memory_space<vmem_shared>> -> memref<64x80xf32, #tpu.memory_space<vmem_shared>>
      %dma_start3A_411 = arith.constant 0 : i32
      %dma_start3A_412 = arith.constant 0 : i32
      %dma_start3A_413 = tpu.memref_slice %arg22[%dma_start3A_411, %dma_start3A_412] : memref<64x80xf32, #tpu.memory_space<vmem>> -> memref<64x80xf32, #tpu.memory_space<vmem>>
      %dma_start3A_414 = arith.constant 0 : i32
      %dma_start3A_415 = tpu.memref_slice %arg27[%add3A_395, %dma_start3A_414] : memref<10016x80xf32, #tpu.memory_space<vmem_shared>> -> memref<64x80xf32, #tpu.memory_space<vmem_shared>>
      tpu.enqueue_dma source(%dma_start3A_415 : memref<64x80xf32, #tpu.memory_space<vmem_shared>>) target(%dma_start3A_413 : memref<64x80xf32, #tpu.memory_space<vmem>>) target_semaphore(%run_scoped3A : memref<!tpu.dma_semaphore, #tpu.memory_space<semaphore_mem>>)
      %dma_wait3A_416 = arith.constant 0 : i32
      %dma_wait3A_417 = arith.constant 0 : i32
      %dma_wait3A_418 = tpu.memref_slice %arg22[%dma_wait3A_416, %dma_wait3A_417] : memref<64x80xf32, #tpu.memory_space<vmem>> -> memref<64x80xf32, #tpu.memory_space<vmem>>
      %dma_wait3A_419 = arith.constant 0 : i32
      %dma_wait3A_420 = tpu.memref_slice %arg27[%add3A_395, %dma_wait3A_419] : memref<10016x80xf32, #tpu.memory_space<vmem_shared>> -> memref<64x80xf32, #tpu.memory_space<vmem_shared>>
      %dma_wait3A_421 = arith.constant 0 : i32
      %dma_wait3A_422 = arith.constant 0 : i32
      %dma_wait3A_423 = tpu.memref_slice %arg22[%dma_wait3A_421, %dma_wait3A_422] : memref<64x80xf32, #tpu.memory_space<vmem>> -> memref<64x80xf32, #tpu.memory_space<vmem>>
      %dma_wait3A_424 = arith.constant 0 : i32
      %dma_wait3A_425 = tpu.memref_slice %arg27[%add3A_395, %dma_wait3A_424] : memref<10016x80xf32, #tpu.memory_space<vmem_shared>> -> memref<64x80xf32, #tpu.memory_space<vmem_shared>>
      tpu.wait_dma2 semaphore(%run_scoped3A : memref<!tpu.dma_semaphore, #tpu.memory_space<semaphore_mem>>) src(%dma_wait3A_425 : memref<64x80xf32, #tpu.memory_space<vmem_shared>>) dst(%dma_wait3A_423 : memref<64x80xf32, #tpu.memory_space<vmem>>)
      tpu.yield
    }) : () -> ()
    "tpu.region"() ({
      %run_scoped3A = tpu.sem_alloc : memref<!tpu.dma_semaphore, #tpu.memory_space<semaphore_mem>>
      %dma_start3A_406 = arith.constant 0 : i32
      %dma_start3A_407 = arith.constant 0 : i32
      %dma_start3A_408 = tpu.memref_slice %arg22[%dma_start3A_406, %dma_start3A_407] : memref<64x80xf32, #tpu.memory_space<vmem>> -> memref<64x80xf32, #tpu.memory_space<vmem>>
      %dma_start3A_409 = arith.constant 0 : i32
      %dma_start3A_410 = tpu.memref_slice %arg5[%arg0, %add3A_395, %dma_start3A_409] : memref<2x10016x80xf32, #tpu.memory_space<hbm>> -> memref<1x64x80xf32, #tpu.memory_space<hbm>>
      %dma_start3A_411 = tpu.memref_squeeze %dma_start3A_410 : memref<1x64x80xf32, #tpu.memory_space<hbm>> -> memref<64x80xf32, #tpu.memory_space<hbm>>
      %dma_start3A_412 = arith.constant 0 : i32
      %dma_start3A_413 = tpu.memref_slice %arg5[%arg0, %add3A_395, %dma_start3A_412] : memref<2x10016x80xf32, #tpu.memory_space<hbm>> -> memref<1x64x80xf32, #tpu.memory_space<hbm>>
      %dma_start3A_414 = tpu.memref_squeeze %dma_start3A_413 : memref<1x64x80xf32, #tpu.memory_space<hbm>> -> memref<64x80xf32, #tpu.memory_space<hbm>>
      %dma_start3A_415 = arith.constant 0 : i32
      %dma_start3A_416 = arith.constant 0 : i32
      %dma_start3A_417 = tpu.memref_slice %arg22[%dma_start3A_415, %dma_start3A_416] : memref<64x80xf32, #tpu.memory_space<vmem>> -> memref<64x80xf32, #tpu.memory_space<vmem>>
      tpu.enqueue_dma source(%dma_start3A_417 : memref<64x80xf32, #tpu.memory_space<vmem>>) target(%dma_start3A_414 : memref<64x80xf32, #tpu.memory_space<hbm>>) target_semaphore(%run_scoped3A : memref<!tpu.dma_semaphore, #tpu.memory_space<semaphore_mem>>)
      %dma_wait3A_418 = arith.constant 0 : i32
      %dma_wait3A_419 = arith.constant 0 : i32
      %dma_wait3A_420 = tpu.memref_slice %arg22[%dma_wait3A_418, %dma_wait3A_419] : memref<64x80xf32, #tpu.memory_space<vmem>> -> memref<64x80xf32, #tpu.memory_space<vmem>>
      %dma_wait3A_421 = arith.constant 0 : i32
      %dma_wait3A_422 = tpu.memref_slice %arg5[%arg0, %add3A_395, %dma_wait3A_421] : memref<2x10016x80xf32, #tpu.memory_space<hbm>> -> memref<1x64x80xf32, #tpu.memory_space<hbm>>
      %dma_wait3A_423 = tpu.memref_squeeze %dma_wait3A_422 : memref<1x64x80xf32, #tpu.memory_space<hbm>> -> memref<64x80xf32, #tpu.memory_space<hbm>>
      %dma_wait3A_424 = arith.constant 0 : i32
      %dma_wait3A_425 = tpu.memref_slice %arg5[%arg0, %add3A_395, %dma_wait3A_424] : memref<2x10016x80xf32, #tpu.memory_space<hbm>> -> memref<1x64x80xf32, #tpu.memory_space<hbm>>
      %dma_wait3A_426 = tpu.memref_squeeze %dma_wait3A_425 : memref<1x64x80xf32, #tpu.memory_space<hbm>> -> memref<64x80xf32, #tpu.memory_space<hbm>>
      %dma_wait3A_427 = arith.constant 0 : i32
      %dma_wait3A_428 = arith.constant 0 : i32
      %dma_wait3A_429 = tpu.memref_slice %arg22[%dma_wait3A_427, %dma_wait3A_428] : memref<64x80xf32, #tpu.memory_space<vmem>> -> memref<64x80xf32, #tpu.memory_space<vmem>>
      tpu.wait_dma2 semaphore(%run_scoped3A : memref<!tpu.dma_semaphore, #tpu.memory_space<semaphore_mem>>) src(%dma_wait3A_429 : memref<64x80xf32, #tpu.memory_space<vmem>>) dst(%dma_wait3A_426 : memref<64x80xf32, #tpu.memory_space<hbm>>)
      tpu.yield
    }) : () -> ()
    %add3A_396 = arith.constant 64 : i32
    %add3A_397 = arith.addi %add3A_395, %add3A_396 : i32
    "tpu.region"() ({
      %run_scoped3A = tpu.sem_alloc : memref<!tpu.dma_semaphore, #tpu.memory_space<semaphore_mem>>
      %dma_start3A_406 = arith.constant 0 : i32
      %dma_start3A_407 = arith.constant 0 : i32
      %dma_start3A_408 = tpu.memref_slice %arg22[%dma_start3A_406, %dma_start3A_407] : memref<64x80xf32, #tpu.memory_space<vmem>> -> memref<64x80xf32, #tpu.memory_space<vmem>>
      %dma_start3A_409 = arith.constant 0 : i32
      %dma_start3A_410 = tpu.memref_slice %arg27[%add3A_397, %dma_start3A_409] : memref<10016x80xf32, #tpu.memory_space<vmem_shared>> -> memref<64x80xf32, #tpu.memory_space<vmem_shared>>
      %dma_start3A_411 = arith.constant 0 : i32
      %dma_start3A_412 = arith.constant 0 : i32
      %dma_start3A_413 = tpu.memref_slice %arg22[%dma_start3A_411, %dma_start3A_412] : memref<64x80xf32, #tpu.memory_space<vmem>> -> memref<64x80xf32, #tpu.memory_space<vmem>>
      %dma_start3A_414 = arith.constant 0 : i32
      %dma_start3A_415 = tpu.memref_slice %arg27[%add3A_397, %dma_start3A_414] : memref<10016x80xf32, #tpu.memory_space<vmem_shared>> -> memref<64x80xf32, #tpu.memory_space<vmem_shared>>
      tpu.enqueue_dma source(%dma_start3A_415 : memref<64x80xf32, #tpu.memory_space<vmem_shared>>) target(%dma_start3A_413 : memref<64x80xf32, #tpu.memory_space<vmem>>) target_semaphore(%run_scoped3A : memref<!tpu.dma_semaphore, #tpu.memory_space<semaphore_mem>>)
      %dma_wait3A_416 = arith.constant 0 : i32
      %dma_wait3A_417 = arith.constant 0 : i32
      %dma_wait3A_418 = tpu.memref_slice %arg22[%dma_wait3A_416, %dma_wait3A_417] : memref<64x80xf32, #tpu.memory_space<vmem>> -> memref<64x80xf32, #tpu.memory_space<vmem>>
      %dma_wait3A_419 = arith.constant 0 : i32
      %dma_wait3A_420 = tpu.memref_slice %arg27[%add3A_397, %dma_wait3A_419] : memref<10016x80xf32, #tpu.memory_space<vmem_shared>> -> memref<64x80xf32, #tpu.memory_space<vmem_shared>>
      %dma_wait3A_421 = arith.constant 0 : i32
      %dma_wait3A_422 = arith.constant 0 : i32
      %dma_wait3A_423 = tpu.memref_slice %arg22[%dma_wait3A_421, %dma_wait3A_422] : memref<64x80xf32, #tpu.memory_space<vmem>> -> memref<64x80xf32, #tpu.memory_space<vmem>>
      %dma_wait3A_424 = arith.constant 0 : i32
      %dma_wait3A_425 = tpu.memref_slice %arg27[%add3A_397, %dma_wait3A_424] : memref<10016x80xf32, #tpu.memory_space<vmem_shared>> -> memref<64x80xf32, #tpu.memory_space<vmem_shared>>
      tpu.wait_dma2 semaphore(%run_scoped3A : memref<!tpu.dma_semaphore, #tpu.memory_space<semaphore_mem>>) src(%dma_wait3A_425 : memref<64x80xf32, #tpu.memory_space<vmem_shared>>) dst(%dma_wait3A_423 : memref<64x80xf32, #tpu.memory_space<vmem>>)
      tpu.yield
    }) : () -> ()
    "tpu.region"() ({
      %run_scoped3A = tpu.sem_alloc : memref<!tpu.dma_semaphore, #tpu.memory_space<semaphore_mem>>
      %dma_start3A_406 = arith.constant 0 : i32
      %dma_start3A_407 = arith.constant 0 : i32
      %dma_start3A_408 = tpu.memref_slice %arg22[%dma_start3A_406, %dma_start3A_407] : memref<64x80xf32, #tpu.memory_space<vmem>> -> memref<64x80xf32, #tpu.memory_space<vmem>>
      %dma_start3A_409 = arith.constant 0 : i32
      %dma_start3A_410 = tpu.memref_slice %arg5[%arg0, %add3A_397, %dma_start3A_409] : memref<2x10016x80xf32, #tpu.memory_space<hbm>> -> memref<1x64x80xf32, #tpu.memory_space<hbm>>
      %dma_start3A_411 = tpu.memref_squeeze %dma_start3A_410 : memref<1x64x80xf32, #tpu.memory_space<hbm>> -> memref<64x80xf32, #tpu.memory_space<hbm>>
      %dma_start3A_412 = arith.constant 0 : i32
      %dma_start3A_413 = tpu.memref_slice %arg5[%arg0, %add3A_397, %dma_start3A_412] : memref<2x10016x80xf32, #tpu.memory_space<hbm>> -> memref<1x64x80xf32, #tpu.memory_space<hbm>>
      %dma_start3A_414 = tpu.memref_squeeze %dma_start3A_413 : memref<1x64x80xf32, #tpu.memory_space<hbm>> -> memref<64x80xf32, #tpu.memory_space<hbm>>
      %dma_start3A_415 = arith.constant 0 : i32
      %dma_start3A_416 = arith.constant 0 : i32
      %dma_start3A_417 = tpu.memref_slice %arg22[%dma_start3A_415, %dma_start3A_416] : memref<64x80xf32, #tpu.memory_space<vmem>> -> memref<64x80xf32, #tpu.memory_space<vmem>>
      tpu.enqueue_dma source(%dma_start3A_417 : memref<64x80xf32, #tpu.memory_space<vmem>>) target(%dma_start3A_414 : memref<64x80xf32, #tpu.memory_space<hbm>>) target_semaphore(%run_scoped3A : memref<!tpu.dma_semaphore, #tpu.memory_space<semaphore_mem>>)
      %dma_wait3A_418 = arith.constant 0 : i32
      %dma_wait3A_419 = arith.constant 0 : i32
      %dma_wait3A_420 = tpu.memref_slice %arg22[%dma_wait3A_418, %dma_wait3A_419] : memref<64x80xf32, #tpu.memory_space<vmem>> -> memref<64x80xf32, #tpu.memory_space<vmem>>
      %dma_wait3A_421 = arith.constant 0 : i32
      %dma_wait3A_422 = tpu.memref_slice %arg5[%arg0, %add3A_397, %dma_wait3A_421] : memref<2x10016x80xf32, #tpu.memory_space<hbm>> -> memref<1x64x80xf32, #tpu.memory_space<hbm>>
      %dma_wait3A_423 = tpu.memref_squeeze %dma_wait3A_422 : memref<1x64x80xf32, #tpu.memory_space<hbm>> -> memref<64x80xf32, #tpu.memory_space<hbm>>
      %dma_wait3A_424 = arith.constant 0 : i32
      %dma_wait3A_425 = tpu.memref_slice %arg5[%arg0, %add3A_397, %dma_wait3A_424] : memref<2x10016x80xf32, #tpu.memory_space<hbm>> -> memref<1x64x80xf32, #tpu.memory_space<hbm>>
      %dma_wait3A_426 = tpu.memref_squeeze %dma_wait3A_425 : memref<1x64x80xf32, #tpu.memory_space<hbm>> -> memref<64x80xf32, #tpu.memory_space<hbm>>
      %dma_wait3A_427 = arith.constant 0 : i32
      %dma_wait3A_428 = arith.constant 0 : i32
      %dma_wait3A_429 = tpu.memref_slice %arg22[%dma_wait3A_427, %dma_wait3A_428] : memref<64x80xf32, #tpu.memory_space<vmem>> -> memref<64x80xf32, #tpu.memory_space<vmem>>
      tpu.wait_dma2 semaphore(%run_scoped3A : memref<!tpu.dma_semaphore, #tpu.memory_space<semaphore_mem>>) src(%dma_wait3A_429 : memref<64x80xf32, #tpu.memory_space<vmem>>) dst(%dma_wait3A_426 : memref<64x80xf32, #tpu.memory_space<hbm>>)
      tpu.yield
    }) : () -> ()
    %add3A_398 = arith.constant 64 : i32
    %add3A_399 = arith.addi %add3A_397, %add3A_398 : i32
    "tpu.region"() ({
      %run_scoped3A = tpu.sem_alloc : memref<!tpu.dma_semaphore, #tpu.memory_space<semaphore_mem>>
      %dma_start3A_406 = arith.constant 0 : i32
      %dma_start3A_407 = arith.constant 0 : i32
      %dma_start3A_408 = tpu.memref_slice %arg22[%dma_start3A_406, %dma_start3A_407] : memref<64x80xf32, #tpu.memory_space<vmem>> -> memref<64x80xf32, #tpu.memory_space<vmem>>
      %dma_start3A_409 = arith.constant 0 : i32
      %dma_start3A_410 = tpu.memref_slice %arg27[%add3A_399, %dma_start3A_409] : memref<10016x80xf32, #tpu.memory_space<vmem_shared>> -> memref<64x80xf32, #tpu.memory_space<vmem_shared>>
      %dma_start3A_411 = arith.constant 0 : i32
      %dma_start3A_412 = arith.constant 0 : i32
      %dma_start3A_413 = tpu.memref_slice %arg22[%dma_start3A_411, %dma_start3A_412] : memref<64x80xf32, #tpu.memory_space<vmem>> -> memref<64x80xf32, #tpu.memory_space<vmem>>
      %dma_start3A_414 = arith.constant 0 : i32
      %dma_start3A_415 = tpu.memref_slice %arg27[%add3A_399, %dma_start3A_414] : memref<10016x80xf32, #tpu.memory_space<vmem_shared>> -> memref<64x80xf32, #tpu.memory_space<vmem_shared>>
      tpu.enqueue_dma source(%dma_start3A_415 : memref<64x80xf32, #tpu.memory_space<vmem_shared>>) target(%dma_start3A_413 : memref<64x80xf32, #tpu.memory_space<vmem>>) target_semaphore(%run_scoped3A : memref<!tpu.dma_semaphore, #tpu.memory_space<semaphore_mem>>)
      %dma_wait3A_416 = arith.constant 0 : i32
      %dma_wait3A_417 = arith.constant 0 : i32
      %dma_wait3A_418 = tpu.memref_slice %arg22[%dma_wait3A_416, %dma_wait3A_417] : memref<64x80xf32, #tpu.memory_space<vmem>> -> memref<64x80xf32, #tpu.memory_space<vmem>>
      %dma_wait3A_419 = arith.constant 0 : i32
      %dma_wait3A_420 = tpu.memref_slice %arg27[%add3A_399, %dma_wait3A_419] : memref<10016x80xf32, #tpu.memory_space<vmem_shared>> -> memref<64x80xf32, #tpu.memory_space<vmem_shared>>
      %dma_wait3A_421 = arith.constant 0 : i32
      %dma_wait3A_422 = arith.constant 0 : i32
      %dma_wait3A_423 = tpu.memref_slice %arg22[%dma_wait3A_421, %dma_wait3A_422] : memref<64x80xf32, #tpu.memory_space<vmem>> -> memref<64x80xf32, #tpu.memory_space<vmem>>
      %dma_wait3A_424 = arith.constant 0 : i32
      %dma_wait3A_425 = tpu.memref_slice %arg27[%add3A_399, %dma_wait3A_424] : memref<10016x80xf32, #tpu.memory_space<vmem_shared>> -> memref<64x80xf32, #tpu.memory_space<vmem_shared>>
      tpu.wait_dma2 semaphore(%run_scoped3A : memref<!tpu.dma_semaphore, #tpu.memory_space<semaphore_mem>>) src(%dma_wait3A_425 : memref<64x80xf32, #tpu.memory_space<vmem_shared>>) dst(%dma_wait3A_423 : memref<64x80xf32, #tpu.memory_space<vmem>>)
      tpu.yield
    }) : () -> ()
    "tpu.region"() ({
      %run_scoped3A = tpu.sem_alloc : memref<!tpu.dma_semaphore, #tpu.memory_space<semaphore_mem>>
      %dma_start3A_406 = arith.constant 0 : i32
      %dma_start3A_407 = arith.constant 0 : i32
      %dma_start3A_408 = tpu.memref_slice %arg22[%dma_start3A_406, %dma_start3A_407] : memref<64x80xf32, #tpu.memory_space<vmem>> -> memref<64x80xf32, #tpu.memory_space<vmem>>
      %dma_start3A_409 = arith.constant 0 : i32
      %dma_start3A_410 = tpu.memref_slice %arg5[%arg0, %add3A_399, %dma_start3A_409] : memref<2x10016x80xf32, #tpu.memory_space<hbm>> -> memref<1x64x80xf32, #tpu.memory_space<hbm>>
      %dma_start3A_411 = tpu.memref_squeeze %dma_start3A_410 : memref<1x64x80xf32, #tpu.memory_space<hbm>> -> memref<64x80xf32, #tpu.memory_space<hbm>>
      %dma_start3A_412 = arith.constant 0 : i32
      %dma_start3A_413 = tpu.memref_slice %arg5[%arg0, %add3A_399, %dma_start3A_412] : memref<2x10016x80xf32, #tpu.memory_space<hbm>> -> memref<1x64x80xf32, #tpu.memory_space<hbm>>
      %dma_start3A_414 = tpu.memref_squeeze %dma_start3A_413 : memref<1x64x80xf32, #tpu.memory_space<hbm>> -> memref<64x80xf32, #tpu.memory_space<hbm>>
      %dma_start3A_415 = arith.constant 0 : i32
      %dma_start3A_416 = arith.constant 0 : i32
      %dma_start3A_417 = tpu.memref_slice %arg22[%dma_start3A_415, %dma_start3A_416] : memref<64x80xf32, #tpu.memory_space<vmem>> -> memref<64x80xf32, #tpu.memory_space<vmem>>
      tpu.enqueue_dma source(%dma_start3A_417 : memref<64x80xf32, #tpu.memory_space<vmem>>) target(%dma_start3A_414 : memref<64x80xf32, #tpu.memory_space<hbm>>) target_semaphore(%run_scoped3A : memref<!tpu.dma_semaphore, #tpu.memory_space<semaphore_mem>>)
      %dma_wait3A_418 = arith.constant 0 : i32
      %dma_wait3A_419 = arith.constant 0 : i32
      %dma_wait3A_420 = tpu.memref_slice %arg22[%dma_wait3A_418, %dma_wait3A_419] : memref<64x80xf32, #tpu.memory_space<vmem>> -> memref<64x80xf32, #tpu.memory_space<vmem>>
      %dma_wait3A_421 = arith.constant 0 : i32
      %dma_wait3A_422 = tpu.memref_slice %arg5[%arg0, %add3A_399, %dma_wait3A_421] : memref<2x10016x80xf32, #tpu.memory_space<hbm>> -> memref<1x64x80xf32, #tpu.memory_space<hbm>>
      %dma_wait3A_423 = tpu.memref_squeeze %dma_wait3A_422 : memref<1x64x80xf32, #tpu.memory_space<hbm>> -> memref<64x80xf32, #tpu.memory_space<hbm>>
      %dma_wait3A_424 = arith.constant 0 : i32
      %dma_wait3A_425 = tpu.memref_slice %arg5[%arg0, %add3A_399, %dma_wait3A_424] : memref<2x10016x80xf32, #tpu.memory_space<hbm>> -> memref<1x64x80xf32, #tpu.memory_space<hbm>>
      %dma_wait3A_426 = tpu.memref_squeeze %dma_wait3A_425 : memref<1x64x80xf32, #tpu.memory_space<hbm>> -> memref<64x80xf32, #tpu.memory_space<hbm>>
      %dma_wait3A_427 = arith.constant 0 : i32
      %dma_wait3A_428 = arith.constant 0 : i32
      %dma_wait3A_429 = tpu.memref_slice %arg22[%dma_wait3A_427, %dma_wait3A_428] : memref<64x80xf32, #tpu.memory_space<vmem>> -> memref<64x80xf32, #tpu.memory_space<vmem>>
      tpu.wait_dma2 semaphore(%run_scoped3A : memref<!tpu.dma_semaphore, #tpu.memory_space<semaphore_mem>>) src(%dma_wait3A_429 : memref<64x80xf32, #tpu.memory_space<vmem>>) dst(%dma_wait3A_426 : memref<64x80xf32, #tpu.memory_space<hbm>>)
      tpu.yield
    }) : () -> ()
    %add3A_400 = arith.constant 64 : i32
    %add3A_401 = arith.addi %add3A_399, %add3A_400 : i32
    "tpu.region"() ({
      %run_scoped3A = tpu.sem_alloc : memref<!tpu.dma_semaphore, #tpu.memory_space<semaphore_mem>>
      %dma_start3A_406 = arith.constant 0 : i32
      %dma_start3A_407 = arith.constant 0 : i32
      %dma_start3A_408 = tpu.memref_slice %arg22[%dma_start3A_406, %dma_start3A_407] : memref<64x80xf32, #tpu.memory_space<vmem>> -> memref<64x80xf32, #tpu.memory_space<vmem>>
      %dma_start3A_409 = arith.constant 0 : i32
      %dma_start3A_410 = tpu.memref_slice %arg27[%add3A_401, %dma_start3A_409] : memref<10016x80xf32, #tpu.memory_space<vmem_shared>> -> memref<64x80xf32, #tpu.memory_space<vmem_shared>>
      %dma_start3A_411 = arith.constant 0 : i32
      %dma_start3A_412 = arith.constant 0 : i32
      %dma_start3A_413 = tpu.memref_slice %arg22[%dma_start3A_411, %dma_start3A_412] : memref<64x80xf32, #tpu.memory_space<vmem>> -> memref<64x80xf32, #tpu.memory_space<vmem>>
      %dma_start3A_414 = arith.constant 0 : i32
      %dma_start3A_415 = tpu.memref_slice %arg27[%add3A_401, %dma_start3A_414] : memref<10016x80xf32, #tpu.memory_space<vmem_shared>> -> memref<64x80xf32, #tpu.memory_space<vmem_shared>>
      tpu.enqueue_dma source(%dma_start3A_415 : memref<64x80xf32, #tpu.memory_space<vmem_shared>>) target(%dma_start3A_413 : memref<64x80xf32, #tpu.memory_space<vmem>>) target_semaphore(%run_scoped3A : memref<!tpu.dma_semaphore, #tpu.memory_space<semaphore_mem>>)
      %dma_wait3A_416 = arith.constant 0 : i32
      %dma_wait3A_417 = arith.constant 0 : i32
      %dma_wait3A_418 = tpu.memref_slice %arg22[%dma_wait3A_416, %dma_wait3A_417] : memref<64x80xf32, #tpu.memory_space<vmem>> -> memref<64x80xf32, #tpu.memory_space<vmem>>
      %dma_wait3A_419 = arith.constant 0 : i32
      %dma_wait3A_420 = tpu.memref_slice %arg27[%add3A_401, %dma_wait3A_419] : memref<10016x80xf32, #tpu.memory_space<vmem_shared>> -> memref<64x80xf32, #tpu.memory_space<vmem_shared>>
      %dma_wait3A_421 = arith.constant 0 : i32
      %dma_wait3A_422 = arith.constant 0 : i32
      %dma_wait3A_423 = tpu.memref_slice %arg22[%dma_wait3A_421, %dma_wait3A_422] : memref<64x80xf32, #tpu.memory_space<vmem>> -> memref<64x80xf32, #tpu.memory_space<vmem>>
      %dma_wait3A_424 = arith.constant 0 : i32
      %dma_wait3A_425 = tpu.memref_slice %arg27[%add3A_401, %dma_wait3A_424] : memref<10016x80xf32, #tpu.memory_space<vmem_shared>> -> memref<64x80xf32, #tpu.memory_space<vmem_shared>>
      tpu.wait_dma2 semaphore(%run_scoped3A : memref<!tpu.dma_semaphore, #tpu.memory_space<semaphore_mem>>) src(%dma_wait3A_425 : memref<64x80xf32, #tpu.memory_space<vmem_shared>>) dst(%dma_wait3A_423 : memref<64x80xf32, #tpu.memory_space<vmem>>)
      tpu.yield
    }) : () -> ()
    "tpu.region"() ({
      %run_scoped3A = tpu.sem_alloc : memref<!tpu.dma_semaphore, #tpu.memory_space<semaphore_mem>>
      %dma_start3A_406 = arith.constant 0 : i32
      %dma_start3A_407 = arith.constant 0 : i32
      %dma_start3A_408 = tpu.memref_slice %arg22[%dma_start3A_406, %dma_start3A_407] : memref<64x80xf32, #tpu.memory_space<vmem>> -> memref<64x80xf32, #tpu.memory_space<vmem>>
      %dma_start3A_409 = arith.constant 0 : i32
      %dma_start3A_410 = tpu.memref_slice %arg5[%arg0, %add3A_401, %dma_start3A_409] : memref<2x10016x80xf32, #tpu.memory_space<hbm>> -> memref<1x64x80xf32, #tpu.memory_space<hbm>>
      %dma_start3A_411 = tpu.memref_squeeze %dma_start3A_410 : memref<1x64x80xf32, #tpu.memory_space<hbm>> -> memref<64x80xf32, #tpu.memory_space<hbm>>
      %dma_start3A_412 = arith.constant 0 : i32
      %dma_start3A_413 = tpu.memref_slice %arg5[%arg0, %add3A_401, %dma_start3A_412] : memref<2x10016x80xf32, #tpu.memory_space<hbm>> -> memref<1x64x80xf32, #tpu.memory_space<hbm>>
      %dma_start3A_414 = tpu.memref_squeeze %dma_start3A_413 : memref<1x64x80xf32, #tpu.memory_space<hbm>> -> memref<64x80xf32, #tpu.memory_space<hbm>>
      %dma_start3A_415 = arith.constant 0 : i32
      %dma_start3A_416 = arith.constant 0 : i32
      %dma_start3A_417 = tpu.memref_slice %arg22[%dma_start3A_415, %dma_start3A_416] : memref<64x80xf32, #tpu.memory_space<vmem>> -> memref<64x80xf32, #tpu.memory_space<vmem>>
      tpu.enqueue_dma source(%dma_start3A_417 : memref<64x80xf32, #tpu.memory_space<vmem>>) target(%dma_start3A_414 : memref<64x80xf32, #tpu.memory_space<hbm>>) target_semaphore(%run_scoped3A : memref<!tpu.dma_semaphore, #tpu.memory_space<semaphore_mem>>)
      %dma_wait3A_418 = arith.constant 0 : i32
      %dma_wait3A_419 = arith.constant 0 : i32
      %dma_wait3A_420 = tpu.memref_slice %arg22[%dma_wait3A_418, %dma_wait3A_419] : memref<64x80xf32, #tpu.memory_space<vmem>> -> memref<64x80xf32, #tpu.memory_space<vmem>>
      %dma_wait3A_421 = arith.constant 0 : i32
      %dma_wait3A_422 = tpu.memref_slice %arg5[%arg0, %add3A_401, %dma_wait3A_421] : memref<2x10016x80xf32, #tpu.memory_space<hbm>> -> memref<1x64x80xf32, #tpu.memory_space<hbm>>
      %dma_wait3A_423 = tpu.memref_squeeze %dma_wait3A_422 : memref<1x64x80xf32, #tpu.memory_space<hbm>> -> memref<64x80xf32, #tpu.memory_space<hbm>>
      %dma_wait3A_424 = arith.constant 0 : i32
      %dma_wait3A_425 = tpu.memref_slice %arg5[%arg0, %add3A_401, %dma_wait3A_424] : memref<2x10016x80xf32, #tpu.memory_space<hbm>> -> memref<1x64x80xf32, #tpu.memory_space<hbm>>
      %dma_wait3A_426 = tpu.memref_squeeze %dma_wait3A_425 : memref<1x64x80xf32, #tpu.memory_space<hbm>> -> memref<64x80xf32, #tpu.memory_space<hbm>>
      %dma_wait3A_427 = arith.constant 0 : i32
      %dma_wait3A_428 = arith.constant 0 : i32
      %dma_wait3A_429 = tpu.memref_slice %arg22[%dma_wait3A_427, %dma_wait3A_428] : memref<64x80xf32, #tpu.memory_space<vmem>> -> memref<64x80xf32, #tpu.memory_space<vmem>>
      tpu.wait_dma2 semaphore(%run_scoped3A : memref<!tpu.dma_semaphore, #tpu.memory_space<semaphore_mem>>) src(%dma_wait3A_429 : memref<64x80xf32, #tpu.memory_space<vmem>>) dst(%dma_wait3A_426 : memref<64x80xf32, #tpu.memory_space<hbm>>)
      tpu.yield
    }) : () -> ()
    %add3A_402 = arith.constant 64 : i32
    %add3A_403 = arith.addi %add3A_401, %add3A_402 : i32
    "tpu.region"() ({
      %run_scoped3A = tpu.sem_alloc : memref<!tpu.dma_semaphore, #tpu.memory_space<semaphore_mem>>
      %dma_start3A_406 = arith.constant 0 : i32
      %dma_start3A_407 = arith.constant 0 : i32
      %dma_start3A_408 = tpu.memref_slice %arg22[%dma_start3A_406, %dma_start3A_407] : memref<64x80xf32, #tpu.memory_space<vmem>> -> memref<50x80xf32, #tpu.memory_space<vmem>>
      %dma_start3A_409 = arith.constant 0 : i32
      %dma_start3A_410 = tpu.memref_slice %arg27[%add3A_403, %dma_start3A_409] : memref<10016x80xf32, #tpu.memory_space<vmem_shared>> -> memref<50x80xf32, #tpu.memory_space<vmem_shared>>
      %dma_start3A_411 = arith.constant 0 : i32
      %dma_start3A_412 = arith.constant 0 : i32
      %dma_start3A_413 = tpu.memref_slice %arg22[%dma_start3A_411, %dma_start3A_412] : memref<64x80xf32, #tpu.memory_space<vmem>> -> memref<50x80xf32, #tpu.memory_space<vmem>>
      %dma_start3A_414 = arith.constant 0 : i32
      %dma_start3A_415 = tpu.memref_slice %arg27[%add3A_403, %dma_start3A_414] : memref<10016x80xf32, #tpu.memory_space<vmem_shared>> -> memref<50x80xf32, #tpu.memory_space<vmem_shared>>
      tpu.enqueue_dma source(%dma_start3A_415 : memref<50x80xf32, #tpu.memory_space<vmem_shared>>) target(%dma_start3A_413 : memref<50x80xf32, #tpu.memory_space<vmem>>) target_semaphore(%run_scoped3A : memref<!tpu.dma_semaphore, #tpu.memory_space<semaphore_mem>>)
      %dma_wait3A_416 = arith.constant 0 : i32
      %dma_wait3A_417 = arith.constant 0 : i32
      %dma_wait3A_418 = tpu.memref_slice %arg22[%dma_wait3A_416, %dma_wait3A_417] : memref<64x80xf32, #tpu.memory_space<vmem>> -> memref<50x80xf32, #tpu.memory_space<vmem>>
      %dma_wait3A_419 = arith.constant 0 : i32
      %dma_wait3A_420 = tpu.memref_slice %arg27[%add3A_403, %dma_wait3A_419] : memref<10016x80xf32, #tpu.memory_space<vmem_shared>> -> memref<50x80xf32, #tpu.memory_space<vmem_shared>>
      %dma_wait3A_421 = arith.constant 0 : i32
      %dma_wait3A_422 = arith.constant 0 : i32
      %dma_wait3A_423 = tpu.memref_slice %arg22[%dma_wait3A_421, %dma_wait3A_422] : memref<64x80xf32, #tpu.memory_space<vmem>> -> memref<50x80xf32, #tpu.memory_space<vmem>>
      %dma_wait3A_424 = arith.constant 0 : i32
      %dma_wait3A_425 = tpu.memref_slice %arg27[%add3A_403, %dma_wait3A_424] : memref<10016x80xf32, #tpu.memory_space<vmem_shared>> -> memref<50x80xf32, #tpu.memory_space<vmem_shared>>
      tpu.wait_dma2 semaphore(%run_scoped3A : memref<!tpu.dma_semaphore, #tpu.memory_space<semaphore_mem>>) src(%dma_wait3A_425 : memref<50x80xf32, #tpu.memory_space<vmem_shared>>) dst(%dma_wait3A_423 : memref<50x80xf32, #tpu.memory_space<vmem>>)
      tpu.yield
    }) : () -> ()
    "tpu.region"() ({
      %run_scoped3A = tpu.sem_alloc : memref<!tpu.dma_semaphore, #tpu.memory_space<semaphore_mem>>
      %dma_start3A_406 = arith.constant 0 : i32
      %dma_start3A_407 = arith.constant 0 : i32
      %dma_start3A_408 = tpu.memref_slice %arg22[%dma_start3A_406, %dma_start3A_407] : memref<64x80xf32, #tpu.memory_space<vmem>> -> memref<50x80xf32, #tpu.memory_space<vmem>>
      %dma_start3A_409 = arith.constant 0 : i32
      %dma_start3A_410 = tpu.memref_slice %arg5[%arg0, %add3A_403, %dma_start3A_409] : memref<2x10016x80xf32, #tpu.memory_space<hbm>> -> memref<1x50x80xf32, #tpu.memory_space<hbm>>
      %dma_start3A_411 = tpu.memref_squeeze %dma_start3A_410 : memref<1x50x80xf32, #tpu.memory_space<hbm>> -> memref<50x80xf32, #tpu.memory_space<hbm>>
      %dma_start3A_412 = arith.constant 0 : i32
      %dma_start3A_413 = tpu.memref_slice %arg5[%arg0, %add3A_403, %dma_start3A_412] : memref<2x10016x80xf32, #tpu.memory_space<hbm>> -> memref<1x50x80xf32, #tpu.memory_space<hbm>>
      %dma_start3A_414 = tpu.memref_squeeze %dma_start3A_413 : memref<1x50x80xf32, #tpu.memory_space<hbm>> -> memref<50x80xf32, #tpu.memory_space<hbm>>
      %dma_start3A_415 = arith.constant 0 : i32
      %dma_start3A_416 = arith.constant 0 : i32
      %dma_start3A_417 = tpu.memref_slice %arg22[%dma_start3A_415, %dma_start3A_416] : memref<64x80xf32, #tpu.memory_space<vmem>> -> memref<50x80xf32, #tpu.memory_space<vmem>>
      tpu.enqueue_dma source(%dma_start3A_417 : memref<50x80xf32, #tpu.memory_space<vmem>>) target(%dma_start3A_414 : memref<50x80xf32, #tpu.memory_space<hbm>>) target_semaphore(%run_scoped3A : memref<!tpu.dma_semaphore, #tpu.memory_space<semaphore_mem>>)
      %dma_wait3A_418 = arith.constant 0 : i32
      %dma_wait3A_419 = arith.constant 0 : i32
      %dma_wait3A_420 = tpu.memref_slice %arg22[%dma_wait3A_418, %dma_wait3A_419] : memref<64x80xf32, #tpu.memory_space<vmem>> -> memref<50x80xf32, #tpu.memory_space<vmem>>
      %dma_wait3A_421 = arith.constant 0 : i32
      %dma_wait3A_422 = tpu.memref_slice %arg5[%arg0, %add3A_403, %dma_wait3A_421] : memref<2x10016x80xf32, #tpu.memory_space<hbm>> -> memref<1x50x80xf32, #tpu.memory_space<hbm>>
      %dma_wait3A_423 = tpu.memref_squeeze %dma_wait3A_422 : memref<1x50x80xf32, #tpu.memory_space<hbm>> -> memref<50x80xf32, #tpu.memory_space<hbm>>
      %dma_wait3A_424 = arith.constant 0 : i32
      %dma_wait3A_425 = tpu.memref_slice %arg5[%arg0, %add3A_403, %dma_wait3A_424] : memref<2x10016x80xf32, #tpu.memory_space<hbm>> -> memref<1x50x80xf32, #tpu.memory_space<hbm>>
      %dma_wait3A_426 = tpu.memref_squeeze %dma_wait3A_425 : memref<1x50x80xf32, #tpu.memory_space<hbm>> -> memref<50x80xf32, #tpu.memory_space<hbm>>
      %dma_wait3A_427 = arith.constant 0 : i32
      %dma_wait3A_428 = arith.constant 0 : i32
      %dma_wait3A_429 = tpu.memref_slice %arg22[%dma_wait3A_427, %dma_wait3A_428] : memref<64x80xf32, #tpu.memory_space<vmem>> -> memref<50x80xf32, #tpu.memory_space<vmem>>
      tpu.wait_dma2 semaphore(%run_scoped3A : memref<!tpu.dma_semaphore, #tpu.memory_space<semaphore_mem>>) src(%dma_wait3A_429 : memref<50x80xf32, #tpu.memory_space<vmem>>) dst(%dma_wait3A_426 : memref<50x80xf32, #tpu.memory_space<hbm>>)
      tpu.yield
    }) : () -> ()
    %add3A_404 = arith.constant 50 : i32
    %add3A_405 = arith.addi %add3A_403, %add3A_404 : i32
    return
  }
}

module attributes {stable_mosaic.version = 14 : i64} {
  func.func @body(%arg0: i32, %arg1: memref<2000x128xf32, #tpu.memory_space<vmem>>, %arg2: memref<2x2000x80xf32, #tpu.memory_space<vmem>>, %arg3: memref<128x128xf32, #tpu.memory_space<vmem>>, %arg4: memref<1x128xf32, #tpu.memory_space<vmem>>, %arg5: memref<2000x128xf32, #tpu.memory_space<vmem>>) attributes {dimension_semantics = [#tpu.dimension_semantics<arbitrary>], iteration_bounds = array<i64: 5>, scalar_prefetch = 0 : i64, scratch_operands = 0 : i64, tpu.core_type = #tpu.core_type<tc>, window_params = [{transform_indices = @transform_0, window_bounds = array<i64: 2000, 128>}, {transform_indices = @transform_1, window_bounds = array<i64: 2, 2000, 80>}, {pipeline_mode = #tpu.pipeline_mode<synchronous>, transform_indices = @transform_2, window_bounds = array<i64: 128, 128>}, {pipeline_mode = #tpu.pipeline_mode<synchronous>, transform_indices = @transform_3, window_bounds = array<i64: 1, 128>}, {transform_indices = @transform_4, window_bounds = array<i64: 2000, 128>}]} {
    %get3A = arith.constant 0 : index
    %get3A_0 = arith.constant 0 : index
    %get3A_1 = arith.constant 0 : index
    %get3A_2 = vector.load %arg2[%get3A, %get3A_0, %get3A_1] : memref<2x2000x80xf32, #tpu.memory_space<vmem>>, vector<1x2000x80xf32>
    %get3A_3 = vector.shape_cast %get3A_2 : vector<1x2000x80xf32> to vector<2000x80xf32>
    %get3A_4 = arith.constant 1 : index
    %get3A_5 = arith.constant 0 : index
    %get3A_6 = arith.constant 0 : index
    %get3A_7 = vector.load %arg2[%get3A_4, %get3A_5, %get3A_6] : memref<2x2000x80xf32, #tpu.memory_space<vmem>>, vector<1x2000x80xf32>
    %get3A_8 = vector.shape_cast %get3A_7 : vector<1x2000x80xf32> to vector<2000x80xf32>
    %slice3A = vector.extract_strided_slice %get3A_3 {offsets = [0, 64], sizes = [2000, 1], strides = [1, 1]} : vector<2000x80xf32> to vector<2000x1xf32>
    %slice3A_9 = vector.extract_strided_slice %get3A_3 {offsets = [0, 0], sizes = [2000, 64], strides = [1, 1]} : vector<2000x80xf32> to vector<2000x64xf32>
    %slice3A_10 = vector.extract_strided_slice %get3A_8 {offsets = [0, 0], sizes = [2000, 64], strides = [1, 1]} : vector<2000x80xf32> to vector<2000x64xf32>
    %concatenate3A = tpu.concatenate %slice3A_9, %slice3A_10 in 1 : vector<2000x64xf32>, vector<2000x64xf32> -> vector<2000x128xf32>
    %add3A = arith.constant 9.99999993E-9 : f32
    %add3A_11 = vector.broadcast %add3A : f32 to vector<2000x1xf32>
    %add3A_12 = arith.addf %slice3A, %add3A_11 : vector<2000x1xf32>
    %div3A = vector.broadcast %add3A_12 : vector<2000x1xf32> to vector<2000x128xf32>
    %div3A_13 = arith.divf %concatenate3A, %div3A : vector<2000x128xf32>
    %get3A_14 = arith.constant 0 : index
    %get3A_15 = arith.constant 0 : index
    %get3A_16 = vector.load %arg1[%get3A_14, %get3A_15] : memref<2000x128xf32, #tpu.memory_space<vmem>>, vector<2000x128xf32>
    %add3A_17 = arith.addf %get3A_16, %div3A_13 : vector<2000x128xf32>
    %get3A_18 = arith.constant 0 : index
    %get3A_19 = arith.constant 0 : index
    %get3A_20 = vector.load %arg3[%get3A_18, %get3A_19] : memref<128x128xf32, #tpu.memory_space<vmem>>, vector<128x128xf32>
    %dot_general3A = arith.constant dense<0.000000e+00> : vector<2000x128xf32>
    %dot_general3A_21 = tpu.matmul %add3A_17, %get3A_20, %dot_general3A {dimension_numbers = #tpu.dot_dimension_numbers<[1], [1], [0], [0], [0, 0, 1, 0], [], []>, transpose_lhs_hint = false} : vector<2000x128xf32>, vector<128x128xf32>, vector<2000x128xf32> -> vector<2000x128xf32>
    %get3A_22 = arith.constant 0 : index
    %get3A_23 = arith.constant 0 : index
    %get3A_24 = vector.load %arg4[%get3A_22, %get3A_23] : memref<1x128xf32, #tpu.memory_space<vmem>>, vector<1x128xf32>
    %add3A_25 = vector.broadcast %get3A_24 : vector<1x128xf32> to vector<2000x128xf32>
    %add3A_26 = arith.addf %dot_general3A_21, %add3A_25 : vector<2000x128xf32>
    %swap3A = arith.constant 0 : index
    %swap3A_27 = arith.constant 0 : index
    %swap3A_28 = vector.load %arg5[%swap3A, %swap3A_27] : memref<2000x128xf32, #tpu.memory_space<vmem>>, vector<2000x128xf32>
    tpu.vector_store %arg5[%swap3A, %swap3A_27], %add3A_26 {strides = array<i32>} : memref<2000x128xf32, #tpu.memory_space<vmem>>, vector<2000x128xf32>,
    return
  }
  func.func @transform_0(%arg0: i32) -> (i32, i32) {
    %c0_i32 = arith.constant 0 : i32
    %c0_i32_0 = arith.constant 0 : i32
    return %arg0, %c0_i32 : i32, i32
  }
  func.func @transform_1(%arg0: i32) -> (i32, i32, i32) {
    %c0_i32 = arith.constant 0 : i32
    %c0_i32_0 = arith.constant 0 : i32
    %c0_i32_1 = arith.constant 0 : i32
    return %c0_i32, %arg0, %c0_i32_0 : i32, i32, i32
  }
  func.func @transform_2(%arg0: i32) -> (i32, i32) {
    %c0_i32 = arith.constant 0 : i32
    %c0_i32_0 = arith.constant 0 : i32
    %c0_i32_1 = arith.constant 0 : i32
    return %c0_i32, %c0_i32_0 : i32, i32
  }
  func.func @transform_3(%arg0: i32) -> (i32, i32) {
    %c0_i32 = arith.constant 0 : i32
    %c0_i32_0 = arith.constant 0 : i32
    %c0_i32_1 = arith.constant 0 : i32
    return %c0_i32, %c0_i32_0 : i32, i32
  }
  func.func @transform_4(%arg0: i32) -> (i32, i32) {
    %c0_i32 = arith.constant 0 : i32
    %c0_i32_0 = arith.constant 0 : i32
    return %arg0, %c0_i32 : i32, i32
  }
}

</mosaic_0001>

<sc_bundles>
// kernel: kernel.4.cloned.1.call-start
scs
__scs_entry_jumppad:
0x0: {  	(pc) =	sbr.rel $0x88, $3  }
0x1: {  	(tag) =	ssettag $0x0;
	lr =	simm.s32 $0x1  }
0x2: {  	[smem:$0x3F9D] =	sst lr;
	_ =	strace $0xD0000000  }
0x3: {  	_ = 	snop  }
0x4: {  	_ = 	snop  }
0x5: {  	_ = 	snop  }
0x6: {  	_ = 	snop  }
0x7: {  	_ = 	snop  }
__scs_overlays_trampoline_lowered:
0x8: {  	[smem:$0x3FAC] =	sst s0  }
0x9: {  	[smem:$0x3FAD] =	sst s1  }
0xa: {  	[smem:$0x3FAE] =	sst s2  }
0xb: {  	[smem:$0x3FAF] =	sst s3  }
0xc: {  	[smem:$0x3FB0] =	sst s4  }
0xd: {  	[smem:$0x3FB1] =	sst s5  }
0xe: {  	[smem:$0x3FB2] =	sst s6  }
0xf: {  	[smem:$0x3FB3] =	sst s7  }
0x10: {  	[smem:$0x3FB4] =	sst s8  }
0x11: {  	[smem:$0x3FB5] =	sst s9;
	s0 =	simm.s32 @!p0 $0x0  }
0x12: {  	s1 =	sld [smem:$0x3F9B];
	s0 =	simm.s32 @p0 $0x1  }
0x13: {  	[smem:$0x3FB6] =	sst s0;
	s0 =	simm.s32 @!p1 $0x0  }
0x14: {  	s2 =	sld [smem:$0x3F9A];
	s0 =	simm.s32 @p1 $0x1  }
0x15: {  	[smem:$0x3FB7] =	sst s0;
	s0 =	simm.s32 @!p2 $0x0  }
0x16: {  	s3 =	sld [smem:$0x3FDB];
	s0 =	simm.s32 @p2 $0x1  }
0x17: {  	s4 =	simm.s32 $0x1BF5;
	[smem:$0x3FB9] =	sst s0  }
0x18: {  	s0 =	sld [smem:$0x3F9C];
	_ =	swait.ge [sflag:s4], $0x0  }
0x19: {  	s7 =	sld [smem:$0x3F9D]  }
0x1a: {  	s8 =	sadd.s32 $0xFFFFE003, lr  }
0x1b: {  	s9 =	sadd.s32 $0xFFFFFEF7, lr;
	s5 =	simm.s32 $0xFFFFFFFF;
	p2 =	slt.u32 s8, $0xFFFFF086  }
0x1c: {  	p1 =	slt.u32 s9, $0xF7A;
	s5 =	simm.s32 @!p2 $0x0  }
0x1d: {  	s5 =	simm.s32 @p1 $0x1;
	p0 =	seq.s32 s7, s2  }
0x1e: {  	s7 =	smul.u32 @!p0 $0xF7A, s2;
	p2 =	seq.s32 @!p0 s5, $0x0  }
0x1f: {  	s9 =	smul.u32 $0xF7A, s1;
	s8 =	simm.s32 @!p0 $0x1BF5;
	p2 =	por !p2, p0  }
0x20: {  	[sflag:s8] =	ssyncset.s32 @!p0 $0xFFFFF086;
	s6 =	sadd.s32 @!p0 s3, s7;
	s7 =	simm.s32 @!p0 $0x108  }
0x21: {  	s3 =	sadd.s32 s3, s9;
	s6 =	sadd.s32 @!p0 $0x88, s6;
	s7 =	simm.s32 @p2 $0x1082  }
0x22: {  	[simem:s7], [sflag:s8] =	dma.local @!p0 [hbm:s6], $0xF7A  }
0x23: {  	s9 =	sor.u32 $0xD0000000, s2;
	s6 =	simm.s32 $0x108;
	_ =	swait.ge @!p0 [sflag:s8], $0x0  }
0x24: {  	s3 =	sadd.s32 $0x88, s3;
	s6 =	simm.s32 @!p1 $0x1082;
	[sflag:s4] =	ssyncset.s32 $0xFFFFF086  }
0x25: {  	[simem:s6], [sflag:s4] =	dma.local [hbm:s3], $0xF7A  }
0x26: {  	[smem:$0x3F9D] =	sst s1;
	(tag) =	ssettag s2;
	_ =	strace s9  }
0x27: {  	s1 =	sld [smem:$0x3FAD]  }
0x28: {  	s2 =	sld [smem:$0x3FAE]  }
0x29: {  	s4 =	sld [smem:$0x3FB0]  }
0x2a: {  	p0 =	seq.s32 s5, $0x0;
	s5 =	sld [smem:$0x3FB1]  }
0x2b: {  	s6 =	sld [smem:$0x3FB2]  }
0x2c: {  	s7 =	sld [smem:$0x3FB3]  }
0x2d: {  	s3 =	simm.s32 $0x108;
	s8 =	sld [smem:$0x3FB4]  }
0x2e: {  	s3 =	simm.s32 @!p0 $0x1082;
	s9 =	sld [smem:$0x3FB5]  }
0x2f: {  	lr =	sadd.s32 s0, s3;
	s0 =	sld [smem:$0x3FAC]  }
0x30: {  	s3 =	sld [smem:$0x3FAF]  }
0x31: {  	[smem:$0x3FB8] =	sst s10  }
0x32: {  	s10 =	sld [smem:$0x3FB6];
	_ =	sdelay $0x3  }
0x33: {  	p0 =	seq.s32 s10, $0x1;
	s10 =	sld [smem:$0x3FB8];
	_ =	sdelay $0x3  }
0x34: {  	[smem:$0x3FB8] =	sst s10  }
0x35: {  	s10 =	sld [smem:$0x3FB7];
	_ =	sdelay $0x3  }
0x36: {  	p1 =	seq.s32 s10, $0x1;
	s10 =	sld [smem:$0x3FB8];
	_ =	sdelay $0x3  }
0x37: {  	[smem:$0x3FB8] =	sst s10  }
0x38: {  	s10 =	sld [smem:$0x3FB9]  }
0x39: {  	_ = 	snop;
	(pc) =	sbr.ind lr, $3  }
0x3a: {  	_ = 	snop  }
0x3b: {  	_ = 	snop  }
0x3c: {  	p2 =	seq.s32 s10, $0x1;
	s10 =	sld [smem:$0x3FB8]  }
0x3d: {  	_ =	shalt  }
0x3e: {  	_ =	shalt  }
0x3f: {  	_ =	shalt  }
0x40: {  	_ =	shalt  }
0x41: {  	_ =	shalt  }
0x42: {  	_ =	shalt  }
0x43: {  	_ =	shalt  }
0x44: {  	_ =	shalt  }
0x45: {  	_ =	shalt  }
0x46: {  	_ =	shalt  }
0x47: {  	_ =	shalt  }
0x48: {  	_ =	shalt  }
0x49: {  	_ =	shalt  }
0x4a: {  	_ =	shalt  }
0x4b: {  	_ =	shalt  }
0x4c: {  	_ =	shalt  }
0x4d: {  	_ =	shalt  }
0x4e: {  	_ =	shalt  }
0x4f: {  	_ =	shalt  }
0x50: {  	_ =	shalt  }
0x51: {  	_ =	shalt  }
0x52: {  	_ =	shalt  }
0x53: {  	_ =	shalt  }
0x54: {  	_ =	shalt  }
0x55: {  	_ =	shalt  }
0x56: {  	_ =	shalt  }
0x57: {  	_ =	shalt  }
0x58: {  	_ =	shalt  }
0x59: {  	_ =	shalt  }
0x5a: {  	_ =	shalt  }
0x5b: {  	_ =	shalt  }
0x5c: {  	_ =	shalt  }
0x5d: {  	_ =	shalt  }
0x5e: {  	_ =	shalt  }
0x5f: {  	_ =	shalt  }
0x60: {  	_ =	shalt  }
0x61: {  	_ =	shalt  }
0x62: {  	_ =	shalt  }
0x63: {  	_ =	shalt  }
0x64: {  	_ =	shalt  }
0x65: {  	_ =	shalt  }
0x66: {  	_ =	shalt  }
0x67: {  	_ =	shalt  }
0x68: {  	_ =	shalt  }
0x69: {  	_ =	shalt  }
0x6a: {  	_ =	shalt  }
0x6b: {  	_ =	shalt  }
0x6c: {  	_ =	shalt  }
0x6d: {  	_ =	shalt  }
0x6e: {  	_ =	shalt  }
0x6f: {  	_ =	shalt  }
0x70: {  	_ =	shalt  }
0x71: {  	_ =	shalt  }
0x72: {  	_ =	shalt  }
0x73: {  	_ =	shalt  }
0x74: {  	_ =	shalt  }
0x75: {  	_ =	shalt  }
0x76: {  	_ =	shalt  }
0x77: {  	_ =	shalt  }
0x78: {  	_ =	shalt  }
0x79: {  	_ =	shalt  }
0x7a: {  	_ =	shalt  }
0x7b: {  	_ =	shalt  }
0x7c: {  	_ =	shalt  }
0x7d: {  	_ =	shalt  }
0x7e: {  	_ =	shalt  }
0x7f: {  	_ =	shalt  }
0x80: {  	_ =	shalt  }
0x81: {  	_ =	shalt  }
0x82: {  	_ =	shalt  }
0x83: {  	_ =	shalt  }
0x84: {  	_ =	shalt  }
0x85: {  	_ =	shalt  }
0x86: {  	_ =	shalt  }
0x87: {  	_ =	shalt  }
.Lfunc_end0:
.L_simem_size_0:
called_computation_lowered:
.L_overlay_start_0:
0x88: {  	s2 =	sld [smem:$0x3FD9]  }
0x89: {  	s3 =	sld [smem:$0x3FFE];
	_ =	sdelay $0x1  }
0x8a: {  	s1 =	srdreg.scid  }
0x8b: {  	s0 =	sand.u32 $0x1, s1  }
0x8c: {  	s17 =	sshll.u32 s0, $0xA;
	s2 =	sadd.s32 s3, s2  }
0x8d: {  	s2 =	sadd.s32 s2, s17  }
0x8e: {  	[smem:$0x3FC4] =	sst s2  }
0x8f: {  	_ = 	snop  }
0x90: {  	s2 =	sld [smem:$0x3FC9]  }
0x91: {  	s18 =	sld [smem:$0x3FD0];
	(tm) =	ssettm $0x1  }
0x92: {  	s4 =	sld [smem:$0x3FFB];
	_ =	sdelay $0x3  }
0x93: {  	_ =	strace s4  }
0x94: {  	s4 =	sld [smem:$0x3FFC];
	_ =	sdelay $0x3  }
0x95: {  	_ =	strace s4  }
0x96: {  	s4 =	sld [smem:$0x3FFD];
	_ =	sdelay $0x3  }
0x97: {  	_ =	strace s4  }
0x98: {  	_ =	strace $0x8FFFFFFF  }
0x99: {  	s19 =	sld [smem:$0x3FDB];
	_ =	sdelay $0x1  }
0x9a: {  	s5 =	simm.s32 $_scs_section_size  }
0x9b: {  	s6 =	simm.s32 $_size__tile_overlayer_lowered;
	s7 =	simm.s32 $_tile_overlayer_lowered  }
0x9c: {  	s22 =	simm.s32 $0x1BFF;
	s21 =	sshll.u32 s7, $0x1;
	s4 =	sadd.s32 s5, s19  }
0x9d: {  	s8 =	simm.s32 $0x0;
	s20 =	sshll.u32 s6, $0x1;
	s6 =	sadd.s32 s21, s4  }
0x9e: {  	[timem:s8], [sflag:s22] =	dma.local [hbm:s6], s20  }
0x9f: {  	_ =	swait.ge [sflag:s22], s20  }
0xa0: {  	s5 =	ssub.s32 $0x0, s20;
	[sflag:s22] =	ssyncset.done $0x0  }
0xa1: {  	[sflag:s22] =	ssyncadd.s32 s5;
	_ =	sdelay $0x1  }
0xa2: {  	s23 =	simm.s32 $0x1B8B  }
0xa3: {  	_ =	swait.ge [sflag:s23], $0x1  }
0xa4: {  	[sflag:s23] =	ssyncset.done $0x0  }
0xa5: {  	s25 =	simm.s32 $0x1B8E;
	s24 =	sld [smem:$0x3FFE];
	[sflag:s23] =	ssyncadd.s32 $0xFFFFFFFF  }
0xa6: {  	s26 =	simm.s32 $execute0_lowered;
	[smem:$0x3FD2] =	sst s25  }
0xa7: {  	s6 =	sshll.u32 s26, $0x1;
	_ =	strace $0x80000046;
	[dreg:$0x1] =	wrdreg $0xFFFFFFFF  }
0xa8: {  	s28 =	simm.s32 $_size_execute0_lowered;
	s4 =	sadd.s32 s4, s6;
	[dreg:$0x0] =	wrdreg $0x0  }
0xa9: {  	s6 =	sshll.u32 s28, $0x1;
	[dreg:$0x2] =	wrdreg s4  }
0xaa: {  	[dreg:$0x3] =	wrdreg s6  }
0xab: {  	[dreg:$0x4] =	wrdreg $0xC0  }
0xac: {  	_ =	task [dreg:s8], $0x5FFFF  }
0xad: {  	[dreg:$0x1] =	wrdreg $0xFFFFFFFF  }
0xae: {  	[dreg:$0x0] =	wrdreg $0x60  }
0xaf: {  	[dreg:$0x2] =	wrdreg s2  }
0xb0: {  	[dreg:$0x3] =	wrdreg s24  }
0xb1: {  	[dreg:$0x4] =	wrdreg s18  }
0xb2: {  	[dreg:$0x5] =	wrdreg $0x117500  }
0xb3: {  	[dreg:$0x6] =	wrdreg $0x54000  }
0xb4: {  	[dreg:$0x7] =	wrdreg $0x9  }
0xb5: {  	_ =	task.clear_ibuf [dreg:s8], $0x8FFFF;
	_ =	strace $0x90000046  }
0xb6: {  	s29 =	simm.s32 $0x9;
	_ =	strace $0x80000048  }
0xb7: {  	_ =	swait.ge [sflag:s29], $0x1  }
0xb8: {  	[sflag:s29] =	ssyncadd.s32 $0xFFFFFFFF  }
0xb9: {  	_ =	strace $0x90000048  }
0xba: {  	_ =	sfence  }
0xbb: {  	s30 =	sld [smem:$0x0];
	_ =	sdelay $0x2  }
0xbc: {  	s31 =	sshll.u32 s1, $0xD;
	s1 =	sshrl.u32 s1, $0x2  }
0xbd: {  	s3 =	sand.u32 $0x4000, s31;
	s1 =	sadd.s32 s1, s30  }
0xbe: {  	s0 =	sor.u32 s3, s0;
	s1 =	sshll.u32 s1, $0x11  }
0xbf: {  	s0 =	sor.u32 s1, s0  }
0xc0: {  	s0 =	sadd.s32 $0x8F2B, s0  }
0xc1: {  	[sflag:s0] =	ssyncadd.remote.s32 $0x1  }
0xc2: {  	_ =	sfence.sel $0xFFFF  }
0xc3: {  	[dreg:$0x0] =	wrdreg $0xFFFFFFFF;
	(pc) =	sbr.abs _section_cstart, $3  }
0xc4: {  	[dreg:$0x1] =	wrdreg $0xFFFFFFFF  }
0xc5: {  	_ =	task.clear_ibuf [dreg:s8], $0x2FFFF;
	_ =	strace $0x9FFFFFFF  }
0xc6: {  	(tm) =	ssettm $0x7FFFFFFF  }
0xc7: {  	_ =	shalt  }
tec
execute0_lowered:
.L_overlay_start_1:
0x0: {  	(tag) =	ssettag $0x1  }
0x1: {  	s6 =	rddreg [dreg:$0x0];
	s0 =	srdreg.scid  }
0x2: {  	s2 =	rddreg [dreg:$0x1];
	s15 =	stileid.u32  }
0x3: {  	s3 =	rddreg [dreg:$0x2];
	s4 =	sand.u32 $0x1, s0;
	s8 =	smul.u32 $0x13880, s15  }
0x4: {  	s7 =	smul.u32 $0x271, s15;
	s0 =	ssub.s32 $0x2, s4;
	s9 =	sshll.u32 s4, $0x6  }
0x5: {  	s5 =	sadd.s32 $0xA00, s2;
	s1 =	sshrl.u32 s0, $0x1;
	s8 =	sor.u32 s9, s8  }
0x6: {  	s0 =	ssub.s32 s0, s1;
	s1 =	sadd.s32 $0x40, s7;
	s8 =	sshrl.u32 s8, $0x3  }
0x7: {  	s7 =	sshll.u32 s7, $0x7;
	s10 =	sshll.u32 s1, $0x7;
	s8 =	sadd.s32 s6, s8  }
0x8: {  	s7 =	sor.u32 s9, s7;
	s10 =	sor.u32 s9, s10;
	[dreg:$0x8] =	wrdreg s8  }
0x9: {  	s9 =	sadd.s32 $0x4000, s7;
	s16 =	sadd.s32 $0x6000, s7;
	s18 =	sadd.s32 $0x8000, s7  }
0xa: {  	s20 =	sadd.s32 $0xA000, s7;
	s22 =	sadd.s32 $0xC000, s7;
	s13 =	sshrl.u32 s10, $0x3  }
0xb: {  	s14 =	sshrl.u32 s9, $0x3;
	s9 =	smul.u32 $0xA00, s15;
	s8 =	sadd.s32 s6, s13  }
0xc: {  	s17 =	sshrl.u32 s16, $0x3;
	[dreg:$0x9] =	wrdreg s8;
	s8 =	sadd.s32 s6, s14  }
0xd: {  	s31 =	sor.u32 $0x8, s9;
	[dreg:$0xa] =	wrdreg s8;
	s8 =	sadd.s32 s6, s17  }
0xe: {  	s19 =	sshrl.u32 s18, $0x3;
	s11 =	sadd.s32 s5, s31;
	[dreg:$0xb] =	wrdreg s8  }
0xf: {  	s13 =	sor.u32 $0x10, s9;
	s12 =	sadd.s32 s3, s31;
	[dreg:$0x12] =	wrdreg s11  }
0x10: {  	s14 =	sor.u32 $0x18, s9;
	s16 =	sadd.s32 s5, s13;
	[dreg:$0x13] =	wrdreg s12  }
0x11: {  	s21 =	sshrl.u32 s20, $0x3;
	s17 =	sadd.s32 s5, s14;
	[dreg:$0x14] =	wrdreg s16  }
0x12: {  	s20 =	sor.u32 $0x28, s9;
	s18 =	sadd.s32 s3, s14;
	[dreg:$0x16] =	wrdreg s17  }
0x13: {  	s23 =	sshrl.u32 s22, $0x3;
	s22 =	sadd.s32 s5, s20;
	[dreg:$0x17] =	wrdreg s18  }
0x14: {  	s10 =	sor.u32 $0x40, s9;
	s8 =	sadd.s32 s6, s19;
	[dreg:$0x1a] =	wrdreg s22  }
0x15: {  	s12 =	sadd.s32 s5, s10;
	[dreg:$0xc] =	wrdreg s8  }
0x16: {  	s19 =	sor.u32 $0x20, s9;
	s8 =	sadd.s32 s6, s21;
	[smem:$0x7D5] =	sst s12  }
0x17: {  	s11 =	sor.u32 $0x48, s9;
	s21 =	sadd.s32 s5, s19;
	[dreg:$0xd] =	wrdreg s8  }
0x18: {  	s16 =	sor.u32 $0x50, s9;
	s14 =	sadd.s32 s3, s11;
	[dreg:$0x18] =	wrdreg s21  }
0x19: {  	s24 =	sadd.s32 $0xE000, s7;
	s18 =	sadd.s32 s5, s16;
	[smem:$0x7D8] =	sst s14  }
0x1a: {  	s26 =	sadd.s32 $0x10000, s7;
	s8 =	sadd.s32 s6, s23;
	[smem:$0x7D9] =	sst s18  }
0x1b: {  	s17 =	sor.u32 $0x58, s9;
	s23 =	sadd.s32 s3, s20;
	[dreg:$0xe] =	wrdreg s8  }
0x1c: {  	s25 =	sshrl.u32 s24, $0x3;
	s20 =	sadd.s32 s3, s17;
	[dreg:$0x1b] =	wrdreg s23  }
0x1d: {  	s24 =	sor.u32 $0x30, s9;
	s21 =	sadd.s32 s3, s9;
	[smem:$0x7DC] =	sst s20  }
0x1e: {  	s8 =	sadd.s32 s6, s25;
	s25 =	sor.u32 $0x38, s9;
	[dreg:$0x6] =	wrdreg s21  }
0x1f: {  	[dreg:$0xf] =	wrdreg s8;
	s8 =	sshrl.u32 s26, $0x3;
	s26 =	sadd.s32 s5, s24  }
0x20: {  	s7 =	sadd.s32 $0x12000, s7;
	s31 =	sadd.s32 s5, s25;
	[dreg:$0x1c] =	wrdreg s26  }
0x21: {  	s7 =	sshrl.u32 s7, $0x3;
	s8 =	sadd.s32 s6, s8;
	[dreg:$0x1e] =	wrdreg s31  }
0x22: {  	s6 =	sadd.s32 s6, s7;
	[dreg:$0x10] =	wrdreg s8  }
0x23: {  	[dreg:$0x11] =	wrdreg s6;
	s6 =	sadd.s32 s3, s13  }
0x24: {  	s30 =	simm.s32 $0x40;
	s8 =	sadd.s32 s3, s25;
	[dreg:$0x15] =	wrdreg s6  }
0x25: {  	s28 =	simm.s32 $0x6;
	s13 =	sadd.s32 s5, s11;
	[dreg:$0x1f] =	wrdreg s8  }
0x26: {  	s29 =	simm.s32 $0x8;
	s6 =	sadd.s32 s3, s19;
	[smem:$0x7D7] =	sst s13  }
0x27: {  	s2 =	sadd.s32 $0xAC00, s2;
	s19 =	sadd.s32 s5, s17;
	[dreg:$0x19] =	wrdreg s6  }
0x28: {  	s22 =	sor.u32 $0x60, s9;
	s6 =	sadd.s32 s3, s24;
	[smem:$0x7DB] =	sst s19  }
0x29: {  	s19 =	sadd.s32 s5, s9;
	s5 =	sadd.s32 s5, s22;
	[dreg:$0x1d] =	wrdreg s6  }
0x2a: {  	s4 =	smul.u32 $0xC3A00, s4;
	s6 =	sadd.s32 s3, s10;
	[smem:$0x7DD] =	sst s5  }
0x2b: {  	s1 =	smul.u32 $0x140, s1;
	[smem:$0x7D6] =	sst s6;
	s6 =	sadd.s32 s3, s16  }
0x2c: {  	s3 =	sadd.s32 s3, s22;
	[smem:$0x7DA] =	sst s6;
	s6 =	smul.u32 $0xC3A0, s15  }
0x2d: {  	s0 =	smax.u32 s0, $0x1;
	s16 =	simm.s32 $0x0;
	[smem:$0x7DE] =	sst s3  }
0x2e: {  	s1 =	sshrl.u32 s1, $0x2;
	[smem:$0x7FF] =	sst s16;
	s23 =	sadd.s32 $0x1400, s6  }
0x2f: {  	s25 =	sadd.s32 s6, s4;
	s8 =	sadd.s32 $0x3C00, s6;
	s24 =	sadd.s32 $0x5000, s6  }
0x30: {  	s17 =	sadd.s32 $0xA000, s6;
	s18 =	sadd.s32 $0xB400, s6;
	s26 =	sadd.s32 s4, s23  }
0x31: {  	s5 =	sshrl.u32 s25, $0x3;
	s11 =	sadd.s32 s4, s24;
	s20 =	sadd.s32 s4, s17  }
0x32: {  	s25 =	rddreg [dreg:$0x4];
	s7 =	sshrl.u32 s26, $0x3;
	s5 =	sadd.s32 s2, s5  }
0x33: {  	s11 =	sshrl.u32 s11, $0x3;
	[smem:$0x7DF] =	sst s5;
	s31 =	sadd.s32 s2, s7  }
0x34: {  	s7 =	sadd.s32 $0x2800, s6;
	s12 =	sadd.s32 s2, s11;
	s11 =	sadd.s32 $0x8C00, s6  }
0x35: {  	[smem:$0x7E0] =	sst s31;
	s26 =	sadd.s32 s4, s7;
	s31 =	sadd.s32 s4, s8  }
0x36: {  	[smem:$0x7E3] =	sst s12;
	s14 =	sadd.s32 s4, s11;
	s9 =	sshrl.u32 s26, $0x3  }
0x37: {  	s10 =	sshrl.u32 s31, $0x3;
	s26 =	rddreg [dreg:$0x3];
	s9 =	sadd.s32 s2, s9  }
0x38: {  	s14 =	sshrl.u32 s14, $0x3;
	s10 =	sadd.s32 s2, s10;
	[smem:$0x7E1] =	sst s9  }
0x39: {  	s1 =	sadd.s32 s1, s25;
	s14 =	sadd.s32 s2, s14;
	[smem:$0x7E2] =	sst s10  }
0x3a: {  	s9 =	sadd.s32 $0x6400, s6;
	s10 =	sadd.s32 $0x7800, s6;
	[smem:$0x7E6] =	sst s14  }
0x3b: {  	s14 =	sshrl.u32 s20, $0x3;
	s12 =	sadd.s32 s4, s9;
	s13 =	sadd.s32 s4, s10  }
0x3c: {  	s4 =	sadd.s32 s4, s18;
	s14 =	sadd.s32 s2, s14;
	s12 =	sshrl.u32 s12, $0x3  }
0x3d: {  	s13 =	sshrl.u32 s13, $0x3;
	[smem:$0x7E7] =	sst s14;
	s12 =	sadd.s32 s2, s12  }
0x3e: {  	s4 =	sshrl.u32 s4, $0x3;
	s13 =	sadd.s32 s2, s13;
	[smem:$0x7E4] =	sst s12  }
0x3f: {  	s31 =	smul.u32 $0x30D40, s15;
	s2 =	sadd.s32 s2, s4;
	[smem:$0x7E5] =	sst s13  }
0x40: {  	s21 =	sadd.s32 s6, s26;
	s22 =	sadd.s32 s23, s26;
	[smem:$0x7E8] =	sst s2  }
0x41: {  	s23 =	sadd.s32 s7, s26;
	_ =	strace $0x80000047;
	[smem:$0x7E9] =	sst s21  }
0x42: {  	s24 =	sadd.s32 s24, s26;
	s7 =	sadd.s32 s17, s26;
	[smem:$0x7EA] =	sst s22  }
0x43: {  	s6 =	sadd.s32 s11, s26;
	s11 =	sadd.s32 $0xF000, s31;
	[smem:$0x7EB] =	sst s23  }
0x44: {  	s15 =	sadd.s32 $0x19000, s31;
	s4 =	sadd.s32 s9, s26;
	[smem:$0x7EC] =	sst s24  }
0x45: {  	s17 =	sadd.s32 $0x1E000, s31;
	s5 =	sadd.s32 s10, s26;
	[smem:$0x7ED] =	sst s4  }
0x46: {  	s10 =	sadd.s32 $0xA000, s31;
	s20 =	sshrl.u32 s17, $0x2;
	[smem:$0x7EE] =	sst s5  }
0x47: {  	s17 =	simm.s32 $0x1;
	s14 =	sadd.s32 $0x14000, s31;
	[smem:$0x7EF] =	sst s6  }
0x48: {  	s9 =	sadd.s32 s18, s26;
	s13 =	sshrl.u32 s11, $0x2;
	[smem:$0x7F0] =	sst s7  }
0x49: {  	s2 =	sadd.s32 $0x2D000, s31;
	s23 =	sadd.s32 s8, s26;
	[smem:$0x7F1] =	sst s9  }
0x4a: {  	s8 =	sshrl.u32 s31, $0x2;
	[smem:$0x7F3] =	sst s1;
	s1 =	sadd.s32 s13, s25  }
0x4b: {  	s21 =	sadd.s32 $0x23000, s31;
	s22 =	sadd.s32 $0x28000, s31;
	[smem:$0x7FC] =	sst s0  }
0x4c: {  	s31 =	sshrl.u32 s2, $0x2;
	s4 =	simm.s32 $0x2C00;
	[dreg:$0x7] =	wrdreg s19  }
0x4d: {  	s5 =	simm.s32 $0x4;
	s0 =	simm.s32 $0x7;
	[smem:$0x7F5] =	sst s1  }
0x4e: {  	s3 =	sadd.s32 s8, s25;
	s1 =	sshrl.u32 s14, $0x2;
	[smem:$0x7FD] =	sst s23  }
0x4f: {  	[smem:$0x7F2] =	sst s3;
	s3 =	sshrl.u32 s10, $0x2;
	s1 =	sadd.s32 s1, s25  }
0x50: {  	s6 =	simm.s32 $0x0;
	s12 =	sadd.s32 s3, s25;
	[smem:$0x7F6] =	sst s1  }
0x51: {  	s3 =	sshrl.u32 s15, $0x2;
	s1 =	sadd.s32 s20, s25;
	[smem:$0x7F4] =	sst s12  }
0x52: {  	s18 =	sadd.s32 s3, s25;
	[smem:$0x7F8] =	sst s1;
	s1 =	sshrl.u32 s21, $0x2  }
0x53: {  	s3 =	sshrl.u32 s22, $0x2;
	[smem:$0x7F7] =	sst s18;
	s1 =	sadd.s32 s1, s25  }
0x54: {  	s10 =	simm.s32 $0x5;
	s24 =	sadd.s32 s3, s25;
	[smem:$0x7F9] =	sst s1  }
0x55: {  	s20 =	simm.s32 $0x2;
	[smem:$0x7FA] =	sst s24;
	s1 =	sadd.s32 s31, s25  }
0x56: {  	v0 =	vimm.f32 $0.0e+00;
	v1 =	vimm.f32 $1.000000000e+00;
	s22 =	simm.s32 $0x1800;
	s21 =	simm.s32 $0x3;
	[smem:$0x7FB] =	sst s1  }
.LBB2_1:
0x57: {  	s15 =	simm.s32 $0x0  }
0x58: {  	[tilespmem:s15+$0x1840] =	vst v1  }
0x59: {  	[tilespmem:s15+$0x400] =	vst v0  }
0x5a: {  	[tilespmem:s15+$0x410] =	vst v0  }
0x5b: {  	[tilespmem:s15+$0x420] =	vst v0  }
0x5c: {  	s18 =	simm.s32 $0x140;
	[tilespmem:s15+$0x430] =	vst v0  }
.LBB2_2:
0x5d: {  	p0 =	sne.s32 s18, $0x4EC0;
	[tilespmem:s15+$0x440] =	vst v0;
	s15 =	sshra.s32 s18, $0x2;
	s18 =	sadd.s32 $0x140, s18  }
.Ltmp0:
0x5e: {  	[tilespmem:s15+$0x1840] =	vst v1;
	(pc) =	sbr.rel @p0 .LBB2_2-.Ltmp0, $4  }
0x5f: {  	[tilespmem:s15+$0x400] =	vst v0  }
0x60: {  	[tilespmem:s15+$0x410] =	vst v0  }
0x61: {  	[tilespmem:s15+$0x420] =	vst v0  }
0x62: {  	[tilespmem:s15+$0x430] =	vst v0  }
0x63: {  	s1 =	sld [smem:$0x7E9];
	_ =	sdelay $0x1  }
0x64: {  	[tilespmem:s15+$0x440] =	vst v0;
	s7 =	simm.s32 $0x400;
	s2 =	simm.s32 $0x11  }
0x65: {  	[spmem:s1] =	stream.linear.scatter [tilespmem:s7], [sflag:$0x11], $0x1400, $0x38;
	[tilespmem:$0x1DAF0] =	vst v63  }
0x66: {  	_ =	swait.ge [sflag:s2], $0x1400  }
0x67: {  	s13 =	sld [smem:$0x7EA]  }
0x68: {  	[sflag:s2] =	ssyncset.done $0x0  }
0x69: {  	[sflag:s2] =	ssyncadd.s32 $0xFFFFEC00  }
0x6a: {  	[spmem:s13] =	stream.linear.scatter [tilespmem:s7], [sflag:$0x11], $0x1400, $0x38;
	[tilespmem:$0x1DAF0] =	vst v63  }
0x6b: {  	_ =	swait.ge [sflag:s2], $0x1400  }
0x6c: {  	s14 =	sld [smem:$0x7EB]  }
0x6d: {  	[sflag:s2] =	ssyncset.done $0x0  }
0x6e: {  	[sflag:s2] =	ssyncadd.s32 $0xFFFFEC00  }
0x6f: {  	[spmem:s14] =	stream.linear.scatter [tilespmem:s7], [sflag:$0x11], $0x1400, $0x38;
	[tilespmem:$0x1DAF0] =	vst v63  }
0x70: {  	_ =	swait.ge [sflag:s2], $0x1400  }
0x71: {  	[sflag:s2] =	ssyncset.done $0x0  }
0x72: {  	[sflag:s2] =	ssyncadd.s32 $0xFFFFEC00  }
0x73: {  	[spmem:s23] =	stream.linear.scatter [tilespmem:s7], [sflag:$0x11], $0x1400, $0x38;
	[tilespmem:$0x1DAF0] =	vst v63  }
0x74: {  	_ =	swait.ge [sflag:s2], $0x1400  }
0x75: {  	s15 =	sld [smem:$0x7EC]  }
0x76: {  	[sflag:s2] =	ssyncset.done $0x0  }
0x77: {  	[sflag:s2] =	ssyncadd.s32 $0xFFFFEC00  }
0x78: {  	[spmem:s15] =	stream.linear.scatter [tilespmem:s7], [sflag:$0x11], $0x1400, $0x38;
	[tilespmem:$0x1DAF0] =	vst v63  }
0x79: {  	_ =	swait.ge [sflag:s2], $0x1400  }
0x7a: {  	s18 =	sld [smem:$0x7ED]  }
0x7b: {  	[sflag:s2] =	ssyncset.done $0x0  }
0x7c: {  	[sflag:s2] =	ssyncadd.s32 $0xFFFFEC00  }
0x7d: {  	[spmem:s18] =	stream.linear.scatter [tilespmem:s7], [sflag:$0x11], $0x1400, $0x38;
	[tilespmem:$0x1DAF0] =	vst v63  }
0x7e: {  	_ =	swait.ge [sflag:s2], $0x1400  }
0x7f: {  	s19 =	sld [smem:$0x7EE]  }
0x80: {  	[sflag:s2] =	ssyncset.done $0x0  }
0x81: {  	[sflag:s2] =	ssyncadd.s32 $0xFFFFEC00  }
0x82: {  	[spmem:s19] =	stream.linear.scatter [tilespmem:s7], [sflag:$0x11], $0x1400, $0x38;
	[tilespmem:$0x1DAF0] =	vst v63  }
0x83: {  	_ =	swait.ge [sflag:s2], $0x1400  }
0x84: {  	s23 =	sld [smem:$0x7EF]  }
0x85: {  	[sflag:s2] =	ssyncset.done $0x0  }
0x86: {  	[sflag:s2] =	ssyncadd.s32 $0xFFFFEC00  }
0x87: {  	[spmem:s23] =	stream.linear.scatter [tilespmem:s7], [sflag:$0x11], $0x1400, $0x38;
	[tilespmem:$0x1DAF0] =	vst v63  }
0x88: {  	_ =	swait.ge [sflag:s2], $0x1400  }
0x89: {  	s24 =	sld [smem:$0x7F0]  }
0x8a: {  	[sflag:s2] =	ssyncset.done $0x0  }
0x8b: {  	[sflag:s2] =	ssyncadd.s32 $0xFFFFEC00  }
0x8c: {  	[spmem:s24] =	stream.linear.scatter [tilespmem:s7], [sflag:$0x11], $0x1400, $0x38;
	[tilespmem:$0x1DAF0] =	vst v63  }
0x8d: {  	_ =	swait.ge [sflag:s2], $0x1400  }
0x8e: {  	s31 =	sld [smem:$0x7F1]  }
0x8f: {  	[sflag:s2] =	ssyncset.done $0x0  }
0x90: {  	[sflag:s2] =	ssyncadd.s32 $0xFFFFEC00  }
0x91: {  	[spmem:s31] =	stream.linear.scatter [tilespmem:s7], [sflag:$0x11], $0xFA0, $0x38;
	[tilespmem:$0x1DAF0] =	vst v63  }
0x92: {  	_ =	swait.ge [sflag:s2], $0xFA0  }
0x93: {  	[sflag:s2] =	ssyncset.done $0x0  }
0x94: {  	s15 =	simm.s32 $0x1800;
	[sflag:s2] =	ssyncadd.s32 $0xFFFFF060;
	s2 =	rddreg [dreg:$0x8]  }
0x95: {  	s18 =	simm.s32 $0x10;
	s19 =	simm.s32 $0x1850;
	s1 =	sadd.s32 $0x0, s2  }
.LBB2_4:
0x96: {  	[tilespmem:s15], [sflag:$0x11] =	stream.linear.gather [hbm4b:s1+s16], $0x40, $0x38;
	[tilespmem:$0x1DAF0] =	vst v63  }
0x97: {  	s1 =	smov.u32 s18;
	s15 =	smov.u32 s19;
	p0 =	sne.s32 s18, $0x3F0  }
.Ltmp1:
0x98: {  	s18 =	sadd.s32 $0x10, s18;
	(pc) =	sbr.rel @p0 .LBB2_4-.Ltmp1, $2  }
0x99: {  	_ =	sdelay $0x2  }
0x9a: {  	s19 =	sadd.s32 $0x50, s19;
	s1 =	sadd.s32 s1, s2  }
0x9b: {  	[tilespmem:s15], [sflag:$0x11] =	stream.linear.gather [hbm4b:s1+s16], $0x40, $0x38;
	[tilespmem:$0x1DAF0] =	vst v63  }
0x9c: {  	s2 =	simm.s32 $0x11  }
0x9d: {  	_ =	swait.ge [sflag:s2], $0x1000  }
0x9e: {  	s31 =	sld [smem:$0x7F2]  }
0x9f: {  	[sflag:s2] =	ssyncset.done $0x0  }
0xa0: {  	s15 =	simm.s32 $0x1800;
	[sflag:s2] =	ssyncadd.s32 $0xFFFFF000  }
0xa1: {  	[spmem:s31] =	stream.linear.scatter [tilespmem:s15], [sflag:$0x11], $0x1400, $0x38;
	[tilespmem:$0x1DAF0] =	vst v63  }
0xa2: {  	_ =	swait.ge [sflag:s2], $0x1400  }
0xa3: {  	[sflag:s2] =	ssyncset.done $0x0  }
0xa4: {  	[sflag:s2] =	ssyncadd.s32 $0xFFFFEC00;
	s2 =	rddreg [dreg:$0x9]  }
0xa5: {  	s18 =	simm.s32 $0x10;
	s19 =	simm.s32 $0x1850;
	s1 =	sadd.s32 $0x0, s2  }
.LBB2_6:
0xa6: {  	[tilespmem:s15], [sflag:$0x11] =	stream.linear.gather [hbm4b:s1+s16], $0x40, $0x38;
	[tilespmem:$0x1DAF0] =	vst v63  }
0xa7: {  	s1 =	smov.u32 s18;
	s15 =	smov.u32 s19;
	p0 =	sne.s32 s18, $0x3F0  }
.Ltmp2:
0xa8: {  	s18 =	sadd.s32 $0x10, s18;
	(pc) =	sbr.rel @p0 .LBB2_6-.Ltmp2, $2  }
0xa9: {  	_ =	sdelay $0x2  }
0xaa: {  	s19 =	sadd.s32 $0x50, s19;
	s1 =	sadd.s32 s1, s2  }
0xab: {  	[tilespmem:s15], [sflag:$0x11] =	stream.linear.gather [hbm4b:s1+s16], $0x40, $0x38;
	[tilespmem:$0x1DAF0] =	vst v63  }
0xac: {  	s2 =	simm.s32 $0x11  }
0xad: {  	_ =	swait.ge [sflag:s2], $0x1000  }
0xae: {  	s31 =	sld [smem:$0x7F3]  }
0xaf: {  	[sflag:s2] =	ssyncset.done $0x0  }
0xb0: {  	s15 =	simm.s32 $0x1800;
	[sflag:s2] =	ssyncadd.s32 $0xFFFFF000  }
0xb1: {  	[spmem:s31] =	stream.linear.scatter [tilespmem:s15], [sflag:$0x11], $0x1400, $0x38;
	[tilespmem:$0x1DAF0] =	vst v63  }
0xb2: {  	_ =	swait.ge [sflag:s2], $0x1400  }
0xb3: {  	[sflag:s2] =	ssyncset.done $0x0  }
0xb4: {  	[sflag:s2] =	ssyncadd.s32 $0xFFFFEC00;
	s2 =	rddreg [dreg:$0xa]  }
0xb5: {  	s18 =	simm.s32 $0x10;
	s19 =	simm.s32 $0x1850;
	s1 =	sadd.s32 $0x0, s2  }
.LBB2_8:
0xb6: {  	[tilespmem:s15], [sflag:$0x11] =	stream.linear.gather [hbm4b:s1+s16], $0x40, $0x38;
	[tilespmem:$0x1DAF0] =	vst v63  }
0xb7: {  	s1 =	smov.u32 s18;
	s15 =	smov.u32 s19;
	p0 =	sne.s32 s18, $0x3F0  }
.Ltmp3:
0xb8: {  	s18 =	sadd.s32 $0x10, s18;
	(pc) =	sbr.rel @p0 .LBB2_8-.Ltmp3, $2  }
0xb9: {  	_ =	sdelay $0x2  }
0xba: {  	s19 =	sadd.s32 $0x50, s19;
	s1 =	sadd.s32 s1, s2  }
0xbb: {  	[tilespmem:s15], [sflag:$0x11] =	stream.linear.gather [hbm4b:s1+s16], $0x40, $0x38;
	[tilespmem:$0x1DAF0] =	vst v63  }
0xbc: {  	s2 =	simm.s32 $0x11  }
0xbd: {  	_ =	swait.ge [sflag:s2], $0x1000  }
0xbe: {  	s31 =	sld [smem:$0x7F4]  }
0xbf: {  	[sflag:s2] =	ssyncset.done $0x0  }
0xc0: {  	s15 =	simm.s32 $0x1800;
	[sflag:s2] =	ssyncadd.s32 $0xFFFFF000  }
0xc1: {  	[spmem:s31] =	stream.linear.scatter [tilespmem:s15], [sflag:$0x11], $0x1400, $0x38;
	[tilespmem:$0x1DAF0] =	vst v63  }
0xc2: {  	_ =	swait.ge [sflag:s2], $0x1400  }
0xc3: {  	[sflag:s2] =	ssyncset.done $0x0  }
0xc4: {  	[sflag:s2] =	ssyncadd.s32 $0xFFFFEC00;
	s2 =	rddreg [dreg:$0xb]  }
0xc5: {  	s18 =	simm.s32 $0x10;
	s19 =	simm.s32 $0x1850;
	s1 =	sadd.s32 $0x0, s2  }
.LBB2_10:
0xc6: {  	[tilespmem:s15], [sflag:$0x11] =	stream.linear.gather [hbm4b:s1+s16], $0x40, $0x38;
	[tilespmem:$0x1DAF0] =	vst v63  }
0xc7: {  	s1 =	smov.u32 s18;
	s15 =	smov.u32 s19;
	p0 =	sne.s32 s18, $0x3F0  }
.Ltmp4:
0xc8: {  	s18 =	sadd.s32 $0x10, s18;
	(pc) =	sbr.rel @p0 .LBB2_10-.Ltmp4, $2  }
0xc9: {  	_ =	sdelay $0x2  }
0xca: {  	s19 =	sadd.s32 $0x50, s19;
	s1 =	sadd.s32 s1, s2  }
0xcb: {  	[tilespmem:s15], [sflag:$0x11] =	stream.linear.gather [hbm4b:s1+s16], $0x40, $0x38;
	[tilespmem:$0x1DAF0] =	vst v63  }
0xcc: {  	s2 =	simm.s32 $0x11  }
0xcd: {  	_ =	swait.ge [sflag:s2], $0x1000  }
0xce: {  	s31 =	sld [smem:$0x7F5]  }
0xcf: {  	[sflag:s2] =	ssyncset.done $0x0  }
0xd0: {  	s15 =	simm.s32 $0x1800;
	[sflag:s2] =	ssyncadd.s32 $0xFFFFF000  }
0xd1: {  	[spmem:s31] =	stream.linear.scatter [tilespmem:s15], [sflag:$0x11], $0x1400, $0x38;
	[tilespmem:$0x1DAF0] =	vst v63  }
0xd2: {  	_ =	swait.ge [sflag:s2], $0x1400  }
0xd3: {  	[sflag:s2] =	ssyncset.done $0x0  }
0xd4: {  	[sflag:s2] =	ssyncadd.s32 $0xFFFFEC00;
	s2 =	rddreg [dreg:$0xc]  }
0xd5: {  	s18 =	simm.s32 $0x10;
	s19 =	simm.s32 $0x1850;
	s1 =	sadd.s32 $0x0, s2  }
.LBB2_12:
0xd6: {  	[tilespmem:s15], [sflag:$0x11] =	stream.linear.gather [hbm4b:s1+s16], $0x40, $0x38;
	[tilespmem:$0x1DAF0] =	vst v63  }
0xd7: {  	s1 =	smov.u32 s18;
	s15 =	smov.u32 s19;
	p0 =	sne.s32 s18, $0x3F0  }
.Ltmp5:
0xd8: {  	s18 =	sadd.s32 $0x10, s18;
	(pc) =	sbr.rel @p0 .LBB2_12-.Ltmp5, $2  }
0xd9: {  	_ =	sdelay $0x2  }
0xda: {  	s19 =	sadd.s32 $0x50, s19;
	s1 =	sadd.s32 s1, s2  }
0xdb: {  	[tilespmem:s15], [sflag:$0x11] =	stream.linear.gather [hbm4b:s1+s16], $0x40, $0x38;
	[tilespmem:$0x1DAF0] =	vst v63  }
0xdc: {  	s2 =	simm.s32 $0x11  }
0xdd: {  	_ =	swait.ge [sflag:s2], $0x1000  }
0xde: {  	s31 =	sld [smem:$0x7F6]  }
0xdf: {  	[sflag:s2] =	ssyncset.done $0x0  }
0xe0: {  	s15 =	simm.s32 $0x1800;
	[sflag:s2] =	ssyncadd.s32 $0xFFFFF000  }
0xe1: {  	[spmem:s31] =	stream.linear.scatter [tilespmem:s15], [sflag:$0x11], $0x1400, $0x38;
	[tilespmem:$0x1DAF0] =	vst v63  }
0xe2: {  	_ =	swait.ge [sflag:s2], $0x1400  }
0xe3: {  	[sflag:s2] =	ssyncset.done $0x0  }
0xe4: {  	[sflag:s2] =	ssyncadd.s32 $0xFFFFEC00;
	s2 =	rddreg [dreg:$0xd]  }
0xe5: {  	s18 =	simm.s32 $0x10;
	s19 =	simm.s32 $0x1850;
	s1 =	sadd.s32 $0x0, s2  }
.LBB2_14:
0xe6: {  	[tilespmem:s15], [sflag:$0x11] =	stream.linear.gather [hbm4b:s1+s16], $0x40, $0x38;
	[tilespmem:$0x1DAF0] =	vst v63  }
0xe7: {  	s1 =	smov.u32 s18;
	s15 =	smov.u32 s19;
	p0 =	sne.s32 s18, $0x3F0  }
.Ltmp6:
0xe8: {  	s18 =	sadd.s32 $0x10, s18;
	(pc) =	sbr.rel @p0 .LBB2_14-.Ltmp6, $2  }
0xe9: {  	_ =	sdelay $0x2  }
0xea: {  	s19 =	sadd.s32 $0x50, s19;
	s1 =	sadd.s32 s1, s2  }
0xeb: {  	[tilespmem:s15], [sflag:$0x11] =	stream.linear.gather [hbm4b:s1+s16], $0x40, $0x38;
	[tilespmem:$0x1DAF0] =	vst v63  }
0xec: {  	s2 =	simm.s32 $0x11  }
0xed: {  	_ =	swait.ge [sflag:s2], $0x1000  }
0xee: {  	s31 =	sld [smem:$0x7F7]  }
0xef: {  	[sflag:s2] =	ssyncset.done $0x0  }
0xf0: {  	s15 =	simm.s32 $0x1800;
	[sflag:s2] =	ssyncadd.s32 $0xFFFFF000  }
0xf1: {  	[spmem:s31] =	stream.linear.scatter [tilespmem:s15], [sflag:$0x11], $0x1400, $0x38;
	[tilespmem:$0x1DAF0] =	vst v63  }
0xf2: {  	_ =	swait.ge [sflag:s2], $0x1400  }
0xf3: {  	[sflag:s2] =	ssyncset.done $0x0  }
0xf4: {  	[sflag:s2] =	ssyncadd.s32 $0xFFFFEC00;
	s2 =	rddreg [dreg:$0xe]  }
0xf5: {  	s18 =	simm.s32 $0x10;
	s19 =	simm.s32 $0x1850;
	s1 =	sadd.s32 $0x0, s2  }
.LBB2_16:
0xf6: {  	[tilespmem:s15], [sflag:$0x11] =	stream.linear.gather [hbm4b:s1+s16], $0x40, $0x38;
	[tilespmem:$0x1DAF0] =	vst v63  }
0xf7: {  	s1 =	smov.u32 s18;
	s15 =	smov.u32 s19;
	p0 =	sne.s32 s18, $0x3F0  }
.Ltmp7:
0xf8: {  	s18 =	sadd.s32 $0x10, s18;
	(pc) =	sbr.rel @p0 .LBB2_16-.Ltmp7, $2  }
0xf9: {  	_ =	sdelay $0x2  }
0xfa: {  	s19 =	sadd.s32 $0x50, s19;
	s1 =	sadd.s32 s1, s2  }
0xfb: {  	[tilespmem:s15], [sflag:$0x11] =	stream.linear.gather [hbm4b:s1+s16], $0x40, $0x38;
	[tilespmem:$0x1DAF0] =	vst v63  }
0xfc: {  	s2 =	simm.s32 $0x11  }
0xfd: {  	_ =	swait.ge [sflag:s2], $0x1000  }
0xfe: {  	s31 =	sld [smem:$0x7F8]  }
0xff: {  	[sflag:s2] =	ssyncset.done $0x0  }
0x100: {  	s15 =	simm.s32 $0x1800;
	[sflag:s2] =	ssyncadd.s32 $0xFFFFF000  }
0x101: {  	[spmem:s31] =	stream.linear.scatter [tilespmem:s15], [sflag:$0x11], $0x1400, $0x38;
	[tilespmem:$0x1DAF0] =	vst v63  }
0x102: {  	_ =	swait.ge [sflag:s2], $0x1400  }
0x103: {  	[sflag:s2] =	ssyncset.done $0x0  }
0x104: {  	[sflag:s2] =	ssyncadd.s32 $0xFFFFEC00;
	s2 =	rddreg [dreg:$0xf]  }
0x105: {  	s18 =	simm.s32 $0x10;
	s19 =	simm.s32 $0x1850;
	s1 =	sadd.s32 $0x0, s2  }
.LBB2_18:
0x106: {  	[tilespmem:s15], [sflag:$0x11] =	stream.linear.gather [hbm4b:s1+s16], $0x40, $0x38;
	[tilespmem:$0x1DAF0] =	vst v63  }
0x107: {  	s1 =	smov.u32 s18;
	s15 =	smov.u32 s19;
	p0 =	sne.s32 s18, $0x3F0  }
.Ltmp8:
0x108: {  	s18 =	sadd.s32 $0x10, s18;
	(pc) =	sbr.rel @p0 .LBB2_18-.Ltmp8, $2  }
0x109: {  	_ =	sdelay $0x2  }
0x10a: {  	s19 =	sadd.s32 $0x50, s19;
	s1 =	sadd.s32 s1, s2  }
0x10b: {  	[tilespmem:s15], [sflag:$0x11] =	stream.linear.gather [hbm4b:s1+s16], $0x40, $0x38;
	[tilespmem:$0x1DAF0] =	vst v63  }
0x10c: {  	s2 =	simm.s32 $0x11  }
0x10d: {  	_ =	swait.ge [sflag:s2], $0x1000  }
0x10e: {  	s31 =	sld [smem:$0x7F9]  }
0x10f: {  	[sflag:s2] =	ssyncset.done $0x0  }
0x110: {  	s15 =	simm.s32 $0x1800;
	[sflag:s2] =	ssyncadd.s32 $0xFFFFF000  }
0x111: {  	[spmem:s31] =	stream.linear.scatter [tilespmem:s15], [sflag:$0x11], $0x1400, $0x38;
	[tilespmem:$0x1DAF0] =	vst v63  }
0x112: {  	_ =	swait.ge [sflag:s2], $0x1400  }
0x113: {  	[sflag:s2] =	ssyncset.done $0x0  }
0x114: {  	[sflag:s2] =	ssyncadd.s32 $0xFFFFEC00;
	s2 =	rddreg [dreg:$0x10]  }
0x115: {  	s18 =	simm.s32 $0x10;
	s19 =	simm.s32 $0x1850;
	s1 =	sadd.s32 $0x0, s2  }
.LBB2_20:
0x116: {  	[tilespmem:s15], [sflag:$0x11] =	stream.linear.gather [hbm4b:s1+s16], $0x40, $0x38;
	[tilespmem:$0x1DAF0] =	vst v63  }
0x117: {  	s1 =	smov.u32 s18;
	s15 =	smov.u32 s19;
	p0 =	sne.s32 s18, $0x3F0  }
.Ltmp9:
0x118: {  	s18 =	sadd.s32 $0x10, s18;
	(pc) =	sbr.rel @p0 .LBB2_20-.Ltmp9, $2  }
0x119: {  	_ =	sdelay $0x2  }
0x11a: {  	s19 =	sadd.s32 $0x50, s19;
	s1 =	sadd.s32 s1, s2  }
0x11b: {  	[tilespmem:s15], [sflag:$0x11] =	stream.linear.gather [hbm4b:s1+s16], $0x40, $0x38;
	[tilespmem:$0x1DAF0] =	vst v63  }
0x11c: {  	[smem:$0x7D4] =	sst s6;
	s2 =	simm.s32 $0x11  }
0x11d: {  	_ =	swait.ge [sflag:s2], $0x1000  }
0x11e: {  	s31 =	sld [smem:$0x7FA]  }
0x11f: {  	[sflag:s2] =	ssyncset.done $0x0  }
0x120: {  	s15 =	simm.s32 $0x1800;
	[sflag:s2] =	ssyncadd.s32 $0xFFFFF000  }
0x121: {  	[spmem:s31] =	stream.linear.scatter [tilespmem:s15], [sflag:$0x11], $0x1400, $0x38;
	[tilespmem:$0x1DAF0] =	vst v63  }
0x122: {  	_ =	swait.ge [sflag:s2], $0x1400  }
0x123: {  	[sflag:s2] =	ssyncset.done $0x0  }
0x124: {  	[sflag:s2] =	ssyncadd.s32 $0xFFFFEC00;
	s2 =	rddreg [dreg:$0x11]  }
0x125: {  	s18 =	simm.s32 $0x10;
	s19 =	simm.s32 $0x1850;
	s1 =	sadd.s32 $0x0, s2  }
.LBB2_22:
0x126: {  	[tilespmem:s15], [sflag:$0x11] =	stream.linear.gather [hbm4b:s1+s16], $0x40, $0x38;
	[tilespmem:$0x1DAF0] =	vst v63  }
0x127: {  	s1 =	smov.u32 s18;
	s15 =	smov.u32 s19;
	p0 =	sne.s32 s18, $0x300  }
.Ltmp10:
0x128: {  	s18 =	sadd.s32 $0x10, s18;
	(pc) =	sbr.rel @p0 .LBB2_22-.Ltmp10, $2  }
0x129: {  	_ =	sdelay $0x2  }
0x12a: {  	s19 =	sadd.s32 $0x50, s19;
	s1 =	sadd.s32 s1, s2  }
0x12b: {  	[tilespmem:s15], [sflag:$0x11] =	stream.linear.gather [hbm4b:s1+s16], $0x40, $0x38;
	[tilespmem:$0x1DAF0] =	vst v63  }
0x12c: {  	s2 =	simm.s32 $0x11  }
0x12d: {  	_ =	swait.ge [sflag:s2], $0xC40  }
0x12e: {  	s24 =	sld [smem:$0x7FB]  }
0x12f: {  	[sflag:s2] =	ssyncset.done $0x0  }
0x130: {  	[sflag:s2] =	ssyncadd.s32 $0xFFFFF3C0  }
0x131: {  	[spmem:s24] =	stream.linear.scatter [tilespmem:s22], [sflag:$0x11], $0xF50, $0x38;
	[tilespmem:$0x1DAF0] =	vst v63  }
0x132: {  	_ =	swait.ge [sflag:s2], $0xF50  }
0x133: {  	[sflag:s2] =	ssyncset.done $0x0  }
0x134: {  	[sflag:s2] =	ssyncadd.s32 $0xFFFFF0B0  }
0x135: {  	[bflag:$0x0] =	sbarrier.arrive $0xFFFF  }
0x136: {  	s15 =	simm.s32 $0x0;
	s19 =	rddreg [dreg:$0x7]  }
0x137: {  	[tilespmem:s15], [sflag:$0x1] =	stream.linear.gather [hbm4b:s19+s15], $0x40, $0x38;
	[tilespmem:$0x1DAF0] =	vst v63  }
0x138: {  	s18 =	rddreg [dreg:$0x6]  }
0x139: {  	[tilespmem:s30], [sflag:$0x1] =	stream.linear.gather [hbm4b:s18+s15], $0x40, $0x38;
	[tilespmem:$0x1DAF0] =	vst v63  }
0x13a: {  	s6 =	simm.s32 $0x80;
	s3 =	rddreg [dreg:$0x12]  }
0x13b: {  	[tilespmem:s6], [sflag:$0x2] =	stream.linear.gather [hbm4b:s3+s15], $0x40, $0x38;
	[tilespmem:$0x1DAF0] =	vst v63  }
0x13c: {  	s8 =	simm.s32 $0xC0;
	s7 =	rddreg [dreg:$0x13]  }
0x13d: {  	[tilespmem:s8], [sflag:$0x2] =	stream.linear.gather [hbm4b:s7+s15], $0x40, $0x38;
	[tilespmem:$0x1DAF0] =	vst v63  }
0x13e: {  	s11 =	simm.s32 $0x100;
	s9 =	rddreg [dreg:$0x14]  }
0x13f: {  	[tilespmem:s11], [sflag:$0x3] =	stream.linear.gather [hbm4b:s9+s15], $0x40, $0x38;
	[tilespmem:$0x1DAF0] =	vst v63  }
0x140: {  	s14 =	simm.s32 $0x140;
	s13 =	rddreg [dreg:$0x15]  }
0x141: {  	[tilespmem:s14], [sflag:$0x3] =	stream.linear.gather [hbm4b:s13+s15], $0x40, $0x38;
	[tilespmem:$0x1DAF0] =	vst v63  }
0x142: {  	s24 =	simm.s32 $0x180;
	s23 =	rddreg [dreg:$0x16]  }
0x143: {  	[tilespmem:s24], [sflag:$0x4] =	stream.linear.gather [hbm4b:s23+s15], $0x40, $0x38;
	[tilespmem:$0x1DAF0] =	vst v63  }
0x144: {  	s2 =	rddreg [dreg:$0x17];
	s7 =	simm.s32 $0x1C0  }
0x145: {  	[tilespmem:s7], [sflag:$0x4] =	stream.linear.gather [hbm4b:s2+s15], $0x40, $0x38;
	[tilespmem:$0x1DAF0] =	vst v63  }
0x146: {  	s8 =	rddreg [dreg:$0x18];
	s14 =	simm.s32 $0x200  }
0x147: {  	[tilespmem:s14], [sflag:$0x5] =	stream.linear.gather [hbm4b:s8+s15], $0x40, $0x38;
	[tilespmem:$0x1DAF0] =	vst v63  }
0x148: {  	s23 =	rddreg [dreg:$0x19];
	s24 =	simm.s32 $0x240  }
0x149: {  	[tilespmem:s24], [sflag:$0x5] =	stream.linear.gather [hbm4b:s23+s15], $0x40, $0x38;
	[tilespmem:$0x1DAF0] =	vst v63  }
0x14a: {  	_ =	swait.ge [sflag:s17], $0x40  }
0x14b: {  	[sflag:s17] =	ssyncset.done $0x0  }
0x14c: {  	[sflag:s17] =	ssyncadd.s32 $0xFFFFFFC0  }
0x14d: {  	_ =	swait.ge [sflag:s17], $0x40  }
0x14e: {  	[sflag:s17] =	ssyncset.done $0x0  }
0x14f: {  	s7 =	simm.s32 $0x400;
	[sflag:s17] =	ssyncadd.s32 $0xFFFFFFC0  }
0x150: {  	[tilespmem:s7], [sflag:$0x9] =	stream.indirect.gather [spmem:s25], $0x50, s15, s30, $0xb8;
	[tilespmem:$0x1DAF0] =	vst v63  }
0x151: {  	s24 =	simm.s32 $0x280;
	s14 =	rddreg [dreg:$0x1a]  }
0x152: {  	[tilespmem:s24], [sflag:$0x6] =	stream.linear.gather [hbm4b:s14+s15], $0x40, $0x38;
	[tilespmem:$0x1DAF0] =	vst v63  }
0x153: {  	s7 =	rddreg [dreg:$0x1b];
	s14 =	simm.s32 $0x2C0  }
0x154: {  	[tilespmem:s14], [sflag:$0x6] =	stream.linear.gather [hbm4b:s7+s15], $0x40, $0x38;
	[tilespmem:$0x1DAF0] =	vst v63  }
0x155: {  	_ =	swait.ge [sflag:s20], $0x40  }
0x156: {  	[sflag:s20] =	ssyncset.done $0x0  }
0x157: {  	[sflag:s20] =	ssyncadd.s32 $0xFFFFFFC0  }
0x158: {  	_ =	swait.ge [sflag:s20], $0x40  }
0x159: {  	[sflag:s20] =	ssyncset.done $0x0  }
0x15a: {  	s3 =	simm.s32 $0x80;
	s7 =	simm.s32 $0x9;
	[sflag:s20] =	ssyncadd.s32 $0xFFFFFFC0  }
0x15b: {  	[tilespmem:s22], [sflag:$0xA] =	stream.indirect.gather [spmem:s25], $0x50, s3, s30, $0xb8;
	[tilespmem:$0x1DAF0] =	vst v63  }
0x15c: {  	_ =	swait.ge [sflag:s7], $0x1400  }
0x15d: {  	[sflag:s7] =	ssyncset.done $0x0  }
0x15e: {  	s23 =	simm.s32 $0x400;
	[sflag:s7] =	ssyncadd.s32 $0xFFFFEC00  }
0x15f: {  	[spmem:s26] =	stream.indirect.scatter.add.f32 [tilespmem:s23], [sflag:$0xD], $0x50, s30, s30, $0xb8;
	[tilespmem:$0x1DAF0] =	vst v63  }
0x160: {  	s24 =	simm.s32 $0x300;
	s23 =	rddreg [dreg:$0x1c]  }
0x161: {  	[tilespmem:s24], [sflag:$0x7] =	stream.linear.gather [hbm4b:s23+s15], $0x40, $0x38;
	[tilespmem:$0x1DAF0] =	vst v63  }
0x162: {  	s3 =	simm.s32 $0x340;
	s2 =	rddreg [dreg:$0x1d]  }
0x163: {  	[tilespmem:s3], [sflag:$0x7] =	stream.linear.gather [hbm4b:s2+s15], $0x40, $0x38;
	[tilespmem:$0x1DAF0] =	vst v63  }
0x164: {  	_ =	swait.ge [sflag:s21], $0x40  }
0x165: {  	[sflag:s21] =	ssyncset.done $0x0  }
0x166: {  	[sflag:s21] =	ssyncadd.s32 $0xFFFFFFC0  }
0x167: {  	_ =	swait.ge [sflag:s21], $0x40  }
0x168: {  	[sflag:s21] =	ssyncset.done $0x0  }
0x169: {  	s6 =	simm.s32 $0x100;
	s23 =	simm.s32 $0xA;
	[sflag:s21] =	ssyncadd.s32 $0xFFFFFFC0  }
0x16a: {  	[tilespmem:s4], [sflag:$0xB] =	stream.indirect.gather [spmem:s25], $0x50, s6, s30, $0xb8;
	[tilespmem:$0x1DAF0] =	vst v63  }
0x16b: {  	_ =	swait.ge [sflag:s23], $0x1400  }
0x16c: {  	[sflag:s23] =	ssyncset.done $0x0  }
0x16d: {  	s12 =	simm.s32 $0xC0;
	[sflag:s23] =	ssyncadd.s32 $0xFFFFEC00  }
0x16e: {  	[spmem:s26] =	stream.indirect.scatter.add.f32 [tilespmem:s22], [sflag:$0xE], $0x50, s12, s30, $0xb8;
	[tilespmem:$0x1DAF0] =	vst v63  }
0x16f: {  	s24 =	simm.s32 $0x380;
	s12 =	rddreg [dreg:$0x1e]  }
0x170: {  	[tilespmem:s24], [sflag:$0x8] =	stream.linear.gather [hbm4b:s12+s15], $0x40, $0x38;
	[tilespmem:$0x1DAF0] =	vst v63  }
0x171: {  	s2 =	simm.s32 $0x3C0;
	s3 =	rddreg [dreg:$0x1f]  }
0x172: {  	[tilespmem:s2], [sflag:$0x8] =	stream.linear.gather [hbm4b:s3+s15], $0x40, $0x38;
	[tilespmem:$0x1DAF0] =	vst v63  }
0x173: {  	_ =	swait.ge [sflag:s5], $0x40  }
0x174: {  	[sflag:s5] =	ssyncset.done $0x0  }
0x175: {  	[sflag:s5] =	ssyncadd.s32 $0xFFFFFFC0  }
0x176: {  	_ =	swait.ge [sflag:s5], $0x40  }
0x177: {  	[sflag:s5] =	ssyncset.done $0x0  }
0x178: {  	s11 =	simm.s32 $0x180;
	s12 =	simm.s32 $0x4000;
	[sflag:s5] =	ssyncadd.s32 $0xFFFFFFC0  }
0x179: {  	[tilespmem:s12], [sflag:$0xC] =	stream.indirect.gather [spmem:s25], $0x50, s11, s30, $0xb8;
	[tilespmem:$0x1DAF0] =	vst v63  }
0x17a: {  	s11 =	simm.s32 $0xB  }
0x17b: {  	_ =	swait.ge [sflag:s11], $0x1400  }
0x17c: {  	[sflag:s11] =	ssyncset.done $0x0  }
0x17d: {  	s13 =	simm.s32 $0x140;
	s24 =	simm.s32 $0xD;
	[sflag:s11] =	ssyncadd.s32 $0xFFFFEC00  }
0x17e: {  	[spmem:s26] =	stream.indirect.scatter.add.f32 [tilespmem:s4], [sflag:$0xF], $0x50, s13, s30, $0xb8;
	[tilespmem:$0x1DAF0] =	vst v63  }
0x17f: {  	_ =	swait.ge [sflag:s24], $0x1400  }
0x180: {  	s13 =	sld [smem:$0x7D5]  }
0x181: {  	[sflag:s24] =	ssyncset.done $0x0  }
0x182: {  	[sflag:s24] =	ssyncadd.s32 $0xFFFFEC00  }
0x183: {  	[tilespmem:s15], [sflag:$0x1] =	stream.linear.gather [hbm4b:s13+s15], $0x40, $0x38;
	[tilespmem:$0x1DAF0] =	vst v63  }
0x184: {  	s13 =	sld [smem:$0x7D6];
	_ =	sdelay $0x2  }
0x185: {  	[tilespmem:s30], [sflag:$0x1] =	stream.linear.gather [hbm4b:s13+s15], $0x40, $0x38;
	[tilespmem:$0x1DAF0] =	vst v63  }
0x186: {  	_ =	swait.ge [sflag:s10], $0x40  }
0x187: {  	[sflag:s10] =	ssyncset.done $0x0  }
0x188: {  	[sflag:s10] =	ssyncadd.s32 $0xFFFFFFC0  }
0x189: {  	_ =	swait.ge [sflag:s10], $0x40  }
0x18a: {  	s8 =	simm.s32 $0x200;
	[sflag:s10] =	ssyncset.done $0x0  }
0x18b: {  	s14 =	simm.s32 $0x400;
	s13 =	simm.s32 $0xC;
	[sflag:s10] =	ssyncadd.s32 $0xFFFFFFC0  }
0x18c: {  	[tilespmem:s14], [sflag:$0x9] =	stream.indirect.gather [spmem:s25], $0x50, s8, s30, $0xb8;
	[tilespmem:$0x1DAF0] =	vst v63  }
0x18d: {  	_ =	swait.ge [sflag:s13], $0x1400  }
0x18e: {  	s9 =	simm.s32 $0x1C0;
	[sflag:s13] =	ssyncset.done $0x0  }
0x18f: {  	s3 =	simm.s32 $0x4000;
	s8 =	simm.s32 $0xE;
	[sflag:s13] =	ssyncadd.s32 $0xFFFFEC00  }
0x190: {  	[spmem:s26] =	stream.indirect.scatter.add.f32 [tilespmem:s3], [sflag:$0x10], $0x50, s9, s30, $0xb8;
	[tilespmem:$0x1DAF0] =	vst v63  }
0x191: {  	_ =	swait.ge [sflag:s8], $0x1400  }
0x192: {  	s1 =	sld [smem:$0x7D7]  }
0x193: {  	[sflag:s8] =	ssyncset.done $0x0  }
0x194: {  	s9 =	simm.s32 $0x80;
	[sflag:s8] =	ssyncadd.s32 $0xFFFFEC00  }
0x195: {  	[tilespmem:s9], [sflag:$0x2] =	stream.linear.gather [hbm4b:s1+s15], $0x40, $0x38;
	[tilespmem:$0x1DAF0] =	vst v63  }
0x196: {  	s9 =	sld [smem:$0x7D8];
	_ =	sdelay $0x1  }
0x197: {  	s6 =	simm.s32 $0xC0  }
0x198: {  	[tilespmem:s6], [sflag:$0x2] =	stream.linear.gather [hbm4b:s9+s15], $0x40, $0x38;
	[tilespmem:$0x1DAF0] =	vst v63  }
0x199: {  	_ =	swait.ge [sflag:s28], $0x40  }
0x19a: {  	[sflag:s28] =	ssyncset.done $0x0  }
0x19b: {  	[sflag:s28] =	ssyncadd.s32 $0xFFFFFFC0  }
0x19c: {  	_ =	swait.ge [sflag:s28], $0x40  }
0x19d: {  	[sflag:s28] =	ssyncset.done $0x0  }
0x19e: {  	[sflag:s28] =	ssyncadd.s32 $0xFFFFFFC0;
	s28 =	simm.s32 $0x280  }
0x19f: {  	[tilespmem:s22], [sflag:$0xA] =	stream.indirect.gather [spmem:s25], $0x50, s28, s30, $0xb8;
	[tilespmem:$0x1DAF0] =	vst v63  }
0x1a0: {  	_ =	swait.ge [sflag:s7], $0x1400  }
0x1a1: {  	[sflag:s7] =	ssyncset.done $0x0  }
0x1a2: {  	s9 =	simm.s32 $0x240;
	[sflag:s7] =	ssyncadd.s32 $0xFFFFEC00  }
0x1a3: {  	[spmem:s26] =	stream.indirect.scatter.add.f32 [tilespmem:s14], [sflag:$0xD], $0x50, s9, s30, $0xb8;
	[tilespmem:$0x1DAF0] =	vst v63  }
0x1a4: {  	s14 =	simm.s32 $0xF  }
0x1a5: {  	_ =	swait.ge [sflag:s14], $0x1400  }
0x1a6: {  	s1 =	sld [smem:$0x7D9]  }
0x1a7: {  	[sflag:s14] =	ssyncset.done $0x0  }
0x1a8: {  	s6 =	simm.s32 $0x100;
	[sflag:s14] =	ssyncadd.s32 $0xFFFFEC00  }
0x1a9: {  	[tilespmem:s6], [sflag:$0x3] =	stream.linear.gather [hbm4b:s1+s15], $0x40, $0x38;
	[tilespmem:$0x1DAF0] =	vst v63  }
0x1aa: {  	s6 =	sld [smem:$0x7DA];
	_ =	sdelay $0x1  }
0x1ab: {  	s12 =	simm.s32 $0x140  }
0x1ac: {  	[tilespmem:s12], [sflag:$0x3] =	stream.linear.gather [hbm4b:s6+s15], $0x40, $0x38;
	[tilespmem:$0x1DAF0] =	vst v63  }
0x1ad: {  	_ =	swait.ge [sflag:s0], $0x40  }
0x1ae: {  	[sflag:s0] =	ssyncset.done $0x0  }
0x1af: {  	[sflag:s0] =	ssyncadd.s32 $0xFFFFFFC0  }
0x1b0: {  	_ =	swait.ge [sflag:s0], $0x40  }
0x1b1: {  	[sflag:s0] =	ssyncset.done $0x0  }
0x1b2: {  	s31 =	simm.s32 $0x300;
	[sflag:s0] =	ssyncadd.s32 $0xFFFFFFC0  }
0x1b3: {  	[tilespmem:s4], [sflag:$0xB] =	stream.indirect.gather [spmem:s25], $0x50, s31, s30, $0xb8;
	[tilespmem:$0x1DAF0] =	vst v63  }
0x1b4: {  	_ =	swait.ge [sflag:s23], $0x1400  }
0x1b5: {  	[sflag:s23] =	ssyncset.done $0x0  }
0x1b6: {  	s12 =	simm.s32 $0x2C0;
	s31 =	simm.s32 $0x10;
	[sflag:s23] =	ssyncadd.s32 $0xFFFFEC00  }
0x1b7: {  	[spmem:s26] =	stream.indirect.scatter.add.f32 [tilespmem:s22], [sflag:$0xE], $0x50, s12, s30, $0xb8;
	[tilespmem:$0x1DAF0] =	vst v63  }
0x1b8: {  	_ =	swait.ge [sflag:s31], $0x1400  }
0x1b9: {  	s0 =	sld [smem:$0x7DB]  }
0x1ba: {  	[sflag:s31] =	ssyncset.done $0x0  }
0x1bb: {  	s6 =	simm.s32 $0x180;
	[sflag:s31] =	ssyncadd.s32 $0xFFFFEC00  }
0x1bc: {  	[tilespmem:s6], [sflag:$0x4] =	stream.linear.gather [hbm4b:s0+s15], $0x40, $0x38;
	[tilespmem:$0x1DAF0] =	vst v63  }
0x1bd: {  	s0 =	sld [smem:$0x7DC];
	_ =	sdelay $0x1  }
0x1be: {  	s6 =	simm.s32 $0x1C0  }
0x1bf: {  	[tilespmem:s6], [sflag:$0x4] =	stream.linear.gather [hbm4b:s0+s15], $0x40, $0x38;
	[tilespmem:$0x1DAF0] =	vst v63  }
0x1c0: {  	_ =	swait.ge [sflag:s29], $0x40  }
0x1c1: {  	[sflag:s29] =	ssyncset.done $0x0  }
0x1c2: {  	[sflag:s29] =	ssyncadd.s32 $0xFFFFFFC0  }
0x1c3: {  	_ =	swait.ge [sflag:s29], $0x40  }
0x1c4: {  	[sflag:s29] =	ssyncset.done $0x0  }
0x1c5: {  	[sflag:s29] =	ssyncadd.s32 $0xFFFFFFC0;
	s29 =	simm.s32 $0x380  }
0x1c6: {  	[tilespmem:s3], [sflag:$0xC] =	stream.indirect.gather [spmem:s25], $0x50, s29, s30, $0xb8;
	[tilespmem:$0x1DAF0] =	vst v63  }
0x1c7: {  	_ =	swait.ge [sflag:s11], $0x1400  }
0x1c8: {  	[sflag:s11] =	ssyncset.done $0x0  }
0x1c9: {  	s6 =	simm.s32 $0x340;
	[sflag:s11] =	ssyncadd.s32 $0xFFFFEC00  }
0x1ca: {  	[spmem:s26] =	stream.indirect.scatter.add.f32 [tilespmem:s4], [sflag:$0xF], $0x50, s6, s30, $0xb8;
	[tilespmem:$0x1DAF0] =	vst v63  }
0x1cb: {  	_ =	swait.ge [sflag:s24], $0x1400  }
0x1cc: {  	s0 =	sld [smem:$0x7DD]  }
0x1cd: {  	[sflag:s24] =	ssyncset.done $0x0  }
0x1ce: {  	s29 =	simm.s32 $0x200;
	[sflag:s24] =	ssyncadd.s32 $0xFFFFEC00  }
0x1cf: {  	[tilespmem:s29], [sflag:$0x5] =	stream.linear.gather [hbm4b:s0+s15], $0x40, $0x38;
	[tilespmem:$0x1DAF0] =	vst v63  }
0x1d0: {  	s29 =	sld [smem:$0x7DE];
	_ =	sdelay $0x2  }
0x1d1: {  	[tilespmem:s9], [sflag:$0x5] =	stream.linear.gather [hbm4b:s29+s15], $0x40, $0x38;
	[tilespmem:$0x1DAF0] =	vst v63  }
0x1d2: {  	_ =	swait.ge [sflag:s17], $0x40  }
0x1d3: {  	[sflag:s17] =	ssyncset.done $0x0  }
0x1d4: {  	[sflag:s17] =	ssyncadd.s32 $0xFFFFFFC0  }
0x1d5: {  	_ =	swait.ge [sflag:s17], $0x40  }
0x1d6: {  	[sflag:s17] =	ssyncset.done $0x0  }
0x1d7: {  	s28 =	simm.s32 $0x400;
	[sflag:s17] =	ssyncadd.s32 $0xFFFFFFC0  }
0x1d8: {  	[tilespmem:s28], [sflag:$0x9] =	stream.indirect.gather [spmem:s25], $0x50, s15, s30, $0xb8;
	[tilespmem:$0x1DAF0] =	vst v63  }
0x1d9: {  	_ =	swait.ge [sflag:s13], $0x1400  }
0x1da: {  	[sflag:s13] =	ssyncset.done $0x0  }
0x1db: {  	[sflag:s13] =	ssyncadd.s32 $0xFFFFEC00  }
0x1dc: {  	[spmem:s26] =	stream.indirect.scatter.add.f32 [tilespmem:s3], [sflag:$0x10], $0x50, s2, s30, $0xb8;
	[tilespmem:$0x1DAF0] =	vst v63  }
0x1dd: {  	_ =	swait.ge [sflag:s8], $0x1400  }
0x1de: {  	s18 =	sadd.s32 $0x0, s18;
	s15 =	sadd.s32 $0x0, s19;
	[sflag:s8] =	ssyncset.done $0x0  }
0x1df: {  	s0 =	sadd.s32 $0x68, s15;
	s3 =	simm.s32 $0x280;
	[sflag:s8] =	ssyncadd.s32 $0xFFFFEC00  }
0x1e0: {  	[tilespmem:s3], [sflag:$0x6] =	stream.linear.gather [hbm4b:s0+s16], $0x40, $0x38;
	[tilespmem:$0x1DAF0] =	vst v63  }
0x1e1: {  	s9 =	sadd.s32 $0x68, s18  }
0x1e2: {  	[tilespmem:s12], [sflag:$0x6] =	stream.linear.gather [hbm4b:s9+s16], $0x40, $0x38;
	[tilespmem:$0x1DAF0] =	vst v63  }
0x1e3: {  	_ =	swait.ge [sflag:s20], $0x40  }
0x1e4: {  	[sflag:s20] =	ssyncset.done $0x0  }
0x1e5: {  	[sflag:s20] =	ssyncadd.s32 $0xFFFFFFC0  }
0x1e6: {  	_ =	swait.ge [sflag:s20], $0x40  }
0x1e7: {  	[sflag:s20] =	ssyncset.done $0x0  }
0x1e8: {  	s29 =	simm.s32 $0x80;
	[sflag:s20] =	ssyncadd.s32 $0xFFFFFFC0  }
0x1e9: {  	[tilespmem:s22], [sflag:$0xA] =	stream.indirect.gather [spmem:s25], $0x50, s29, s30, $0xb8;
	[tilespmem:$0x1DAF0] =	vst v63  }
0x1ea: {  	_ =	swait.ge [sflag:s7], $0x1400  }
0x1eb: {  	[sflag:s7] =	ssyncset.done $0x0  }
0x1ec: {  	[sflag:s7] =	ssyncadd.s32 $0xFFFFEC00  }
0x1ed: {  	[spmem:s26] =	stream.indirect.scatter.add.f32 [tilespmem:s28], [sflag:$0xD], $0x50, s30, s30, $0xb8;
	[tilespmem:$0x1DAF0] =	vst v63  }
0x1ee: {  	_ =	swait.ge [sflag:s14], $0x1400  }
0x1ef: {  	[sflag:s14] =	ssyncset.done $0x0  }
0x1f0: {  	s0 =	sadd.s32 $0x70, s15;
	s3 =	simm.s32 $0x300;
	[sflag:s14] =	ssyncadd.s32 $0xFFFFEC00  }
0x1f1: {  	[tilespmem:s3], [sflag:$0x7] =	stream.linear.gather [hbm4b:s0+s16], $0x40, $0x38;
	[tilespmem:$0x1DAF0] =	vst v63  }
0x1f2: {  	s9 =	sadd.s32 $0x70, s18  }
0x1f3: {  	[tilespmem:s6], [sflag:$0x7] =	stream.linear.gather [hbm4b:s9+s16], $0x40, $0x38;
	[tilespmem:$0x1DAF0] =	vst v63  }
0x1f4: {  	_ =	swait.ge [sflag:s21], $0x40  }
0x1f5: {  	[sflag:s21] =	ssyncset.done $0x0  }
0x1f6: {  	[sflag:s21] =	ssyncadd.s32 $0xFFFFFFC0  }
0x1f7: {  	_ =	swait.ge [sflag:s21], $0x40  }
0x1f8: {  	[sflag:s21] =	ssyncset.done $0x0  }
0x1f9: {  	s12 =	simm.s32 $0x100;
	[sflag:s21] =	ssyncadd.s32 $0xFFFFFFC0  }
0x1fa: {  	[tilespmem:s4], [sflag:$0xB] =	stream.indirect.gather [spmem:s25], $0x50, s12, s30, $0xb8;
	[tilespmem:$0x1DAF0] =	vst v63  }
0x1fb: {  	_ =	swait.ge [sflag:s23], $0x1400  }
0x1fc: {  	[sflag:s23] =	ssyncset.done $0x0  }
0x1fd: {  	s14 =	simm.s32 $0xC0;
	[sflag:s23] =	ssyncadd.s32 $0xFFFFEC00  }
0x1fe: {  	[spmem:s26] =	stream.indirect.scatter.add.f32 [tilespmem:s22], [sflag:$0xE], $0x50, s14, s30, $0xb8;
	[tilespmem:$0x1DAF0] =	vst v63  }
0x1ff: {  	_ =	swait.ge [sflag:s31], $0x1400  }
0x200: {  	[sflag:s31] =	ssyncset.done $0x0  }
0x201: {  	s29 =	simm.s32 $0x380;
	s28 =	sadd.s32 $0x78, s15;
	[sflag:s31] =	ssyncadd.s32 $0xFFFFEC00  }
0x202: {  	[tilespmem:s29], [sflag:$0x8] =	stream.linear.gather [hbm4b:s28+s16], $0x40, $0x38;
	[tilespmem:$0x1DAF0] =	vst v63  }
0x203: {  	s0 =	sadd.s32 $0x78, s18  }
0x204: {  	[tilespmem:s2], [sflag:$0x8] =	stream.linear.gather [hbm4b:s0+s16], $0x40, $0x38;
	[tilespmem:$0x1DAF0] =	vst v63  }
0x205: {  	_ =	swait.ge [sflag:s5], $0x40  }
0x206: {  	[sflag:s5] =	ssyncset.done $0x0  }
0x207: {  	[sflag:s5] =	ssyncadd.s32 $0xFFFFFFC0  }
0x208: {  	_ =	swait.ge [sflag:s5], $0x40  }
0x209: {  	[sflag:s5] =	ssyncset.done $0x0  }
0x20a: {  	s1 =	simm.s32 $0x180;
	s29 =	simm.s32 $0x4000;
	[sflag:s5] =	ssyncadd.s32 $0xFFFFFFC0  }
0x20b: {  	[tilespmem:s29], [sflag:$0xC] =	stream.indirect.gather [spmem:s25], $0x50, s1, s30, $0xb8;
	[tilespmem:$0x1DAF0] =	vst v63  }
0x20c: {  	_ =	swait.ge [sflag:s11], $0x1400  }
0x20d: {  	[sflag:s11] =	ssyncset.done $0x0  }
0x20e: {  	s12 =	simm.s32 $0x140;
	[sflag:s11] =	ssyncadd.s32 $0xFFFFEC00  }
0x20f: {  	[spmem:s26] =	stream.indirect.scatter.add.f32 [tilespmem:s4], [sflag:$0xF], $0x50, s12, s30, $0xb8;
	[tilespmem:$0x1DAF0] =	vst v63  }
0x210: {  	_ =	swait.ge [sflag:s24], $0x1400  }
0x211: {  	[sflag:s24] =	ssyncset.done $0x0  }
0x212: {  	s3 =	sadd.s32 $0x80, s15;
	[sflag:s24] =	ssyncadd.s32 $0xFFFFEC00  }
0x213: {  	[tilespmem:s16], [sflag:$0x1] =	stream.linear.gather [hbm4b:s3+s16], $0x40, $0x38;
	[tilespmem:$0x1DAF0] =	vst v63  }
0x214: {  	s6 =	sadd.s32 $0x80, s18  }
0x215: {  	[tilespmem:s30], [sflag:$0x1] =	stream.linear.gather [hbm4b:s6+s16], $0x40, $0x38;
	[tilespmem:$0x1DAF0] =	vst v63  }
0x216: {  	_ =	swait.ge [sflag:s10], $0x40  }
0x217: {  	[sflag:s10] =	ssyncset.done $0x0  }
0x218: {  	[sflag:s10] =	ssyncadd.s32 $0xFFFFFFC0  }
0x219: {  	_ =	swait.ge [sflag:s10], $0x40  }
0x21a: {  	[sflag:s10] =	ssyncset.done $0x0  }
0x21b: {  	s9 =	simm.s32 $0x400;
	[sflag:s10] =	ssyncadd.s32 $0xFFFFFFC0;
	s10 =	simm.s32 $0x200  }
0x21c: {  	[tilespmem:s9], [sflag:$0x9] =	stream.indirect.gather [spmem:s25], $0x50, s10, s30, $0xb8;
	[tilespmem:$0x1DAF0] =	vst v63  }
0x21d: {  	_ =	swait.ge [sflag:s13], $0x1400  }
0x21e: {  	[sflag:s13] =	ssyncset.done $0x0  }
0x21f: {  	s6 =	simm.s32 $0x1C0;
	[sflag:s13] =	ssyncadd.s32 $0xFFFFEC00  }
0x220: {  	[spmem:s26] =	stream.indirect.scatter.add.f32 [tilespmem:s29], [sflag:$0x10], $0x50, s6, s30, $0xb8;
	[tilespmem:$0x1DAF0] =	vst v63  }
0x221: {  	_ =	swait.ge [sflag:s8], $0x1400  }
0x222: {  	[sflag:s8] =	ssyncset.done $0x0  }
0x223: {  	s1 =	sadd.s32 $0x88, s15;
	[sflag:s8] =	ssyncadd.s32 $0xFFFFEC00;
	s8 =	simm.s32 $0x80  }
0x224: {  	[tilespmem:s8], [sflag:$0x2] =	stream.linear.gather [hbm4b:s1+s16], $0x40, $0x38;
	[tilespmem:$0x1DAF0] =	vst v63  }
0x225: {  	s0 =	simm.s32 $0x6;
	s1 =	sadd.s32 $0x88, s18;
	s8 =	simm.s32 $0xC0  }
0x226: {  	[tilespmem:s8], [sflag:$0x2] =	stream.linear.gather [hbm4b:s1+s16], $0x40, $0x38;
	[tilespmem:$0x1DAF0] =	vst v63  }
0x227: {  	_ =	swait.ge [sflag:s0], $0x40  }
0x228: {  	[sflag:s0] =	ssyncset.done $0x0  }
0x229: {  	[sflag:s0] =	ssyncadd.s32 $0xFFFFFFC0  }
0x22a: {  	_ =	swait.ge [sflag:s0], $0x40  }
0x22b: {  	[sflag:s0] =	ssyncset.done $0x0  }
0x22c: {  	s8 =	simm.s32 $0x280;
	[sflag:s0] =	ssyncadd.s32 $0xFFFFFFC0  }
0x22d: {  	[tilespmem:s22], [sflag:$0xA] =	stream.indirect.gather [spmem:s25], $0x50, s8, s30, $0xb8;
	[tilespmem:$0x1DAF0] =	vst v63  }
0x22e: {  	_ =	swait.ge [sflag:s7], $0x1400  }
0x22f: {  	[sflag:s7] =	ssyncset.done $0x0  }
0x230: {  	s14 =	simm.s32 $0xF;
	[sflag:s7] =	ssyncadd.s32 $0xFFFFEC00;
	s7 =	simm.s32 $0x240  }
0x231: {  	[spmem:s26] =	stream.indirect.scatter.add.f32 [tilespmem:s9], [sflag:$0xD], $0x50, s7, s30, $0xb8;
	[tilespmem:$0x1DAF0] =	vst v63  }
0x232: {  	_ =	swait.ge [sflag:s14], $0x1400  }
0x233: {  	[sflag:s14] =	ssyncset.done $0x0  }
0x234: {  	s0 =	sadd.s32 $0x90, s15;
	s9 =	simm.s32 $0x100;
	[sflag:s14] =	ssyncadd.s32 $0xFFFFEC00  }
0x235: {  	[tilespmem:s9], [sflag:$0x3] =	stream.linear.gather [hbm4b:s0+s16], $0x40, $0x38;
	[tilespmem:$0x1DAF0] =	vst v63  }
0x236: {  	s28 =	simm.s32 $0x7;
	s14 =	sadd.s32 $0x90, s18  }
0x237: {  	[tilespmem:s12], [sflag:$0x3] =	stream.linear.gather [hbm4b:s14+s16], $0x40, $0x38;
	[tilespmem:$0x1DAF0] =	vst v63  }
0x238: {  	_ =	swait.ge [sflag:s28], $0x40  }
0x239: {  	[sflag:s28] =	ssyncset.done $0x0  }
0x23a: {  	[sflag:s28] =	ssyncadd.s32 $0xFFFFFFC0  }
0x23b: {  	_ =	swait.ge [sflag:s28], $0x40  }
0x23c: {  	[sflag:s28] =	ssyncset.done $0x0  }
0x23d: {  	[sflag:s28] =	ssyncadd.s32 $0xFFFFFFC0;
	s28 =	simm.s32 $0x300  }
0x23e: {  	[tilespmem:s4], [sflag:$0xB] =	stream.indirect.gather [spmem:s25], $0x50, s28, s30, $0xb8;
	[tilespmem:$0x1DAF0] =	vst v63  }
0x23f: {  	_ =	swait.ge [sflag:s23], $0x1400  }
0x240: {  	[sflag:s23] =	ssyncset.done $0x0  }
0x241: {  	s31 =	simm.s32 $0x10;
	s1 =	simm.s32 $0x2C0;
	[sflag:s23] =	ssyncadd.s32 $0xFFFFEC00  }
0x242: {  	[spmem:s26] =	stream.indirect.scatter.add.f32 [tilespmem:s22], [sflag:$0xE], $0x50, s1, s30, $0xb8;
	[tilespmem:$0x1DAF0] =	vst v63  }
0x243: {  	_ =	swait.ge [sflag:s31], $0x1400  }
0x244: {  	[sflag:s31] =	ssyncset.done $0x0  }
0x245: {  	s9 =	sadd.s32 $0x98, s15;
	s12 =	simm.s32 $0x180;
	[sflag:s31] =	ssyncadd.s32 $0xFFFFEC00  }
0x246: {  	[tilespmem:s12], [sflag:$0x4] =	stream.linear.gather [hbm4b:s9+s16], $0x40, $0x38;
	[tilespmem:$0x1DAF0] =	vst v63  }
0x247: {  	s3 =	simm.s32 $0x8;
	s14 =	sadd.s32 $0x98, s18  }
0x248: {  	[tilespmem:s6], [sflag:$0x4] =	stream.linear.gather [hbm4b:s14+s16], $0x40, $0x38;
	[tilespmem:$0x1DAF0] =	vst v63  }
0x249: {  	_ =	swait.ge [sflag:s3], $0x40  }
0x24a: {  	[sflag:s3] =	ssyncset.done $0x0  }
0x24b: {  	[sflag:s3] =	ssyncadd.s32 $0xFFFFFFC0  }
0x24c: {  	_ =	swait.ge [sflag:s3], $0x40  }
0x24d: {  	[sflag:s3] =	ssyncset.done $0x0  }
0x24e: {  	s29 =	simm.s32 $0x4000;
	s22 =	simm.s32 $0x380;
	[sflag:s3] =	ssyncadd.s32 $0xFFFFFFC0  }
0x24f: {  	[tilespmem:s29], [sflag:$0xC] =	stream.indirect.gather [spmem:s25], $0x50, s22, s30, $0xb8;
	[tilespmem:$0x1DAF0] =	vst v63  }
0x250: {  	_ =	swait.ge [sflag:s11], $0x1400  }
0x251: {  	[sflag:s11] =	ssyncset.done $0x0  }
0x252: {  	s23 =	simm.s32 $0x340;
	[sflag:s11] =	ssyncadd.s32 $0xFFFFEC00  }
0x253: {  	[spmem:s26] =	stream.indirect.scatter.add.f32 [tilespmem:s4], [sflag:$0xF], $0x50, s23, s30, $0xb8;
	[tilespmem:$0x1DAF0] =	vst v63  }
0x254: {  	_ =	swait.ge [sflag:s24], $0x1400  }
0x255: {  	[sflag:s24] =	ssyncset.done $0x0  }
0x256: {  	s28 =	sadd.s32 $0xA0, s15;
	[sflag:s24] =	ssyncadd.s32 $0xFFFFEC00  }
0x257: {  	[tilespmem:s10], [sflag:$0x5] =	stream.linear.gather [hbm4b:s28+s16], $0x40, $0x38;
	[tilespmem:$0x1DAF0] =	vst v63  }
0x258: {  	s29 =	sadd.s32 $0xA0, s18  }
0x259: {  	[tilespmem:s7], [sflag:$0x5] =	stream.linear.gather [hbm4b:s29+s16], $0x40, $0x38;
	[tilespmem:$0x1DAF0] =	vst v63  }
0x25a: {  	_ =	swait.ge [sflag:s17], $0x40  }
0x25b: {  	[sflag:s17] =	ssyncset.done $0x0  }
0x25c: {  	[sflag:s17] =	ssyncadd.s32 $0xFFFFFFC0  }
0x25d: {  	_ =	swait.ge [sflag:s17], $0x40  }
0x25e: {  	s8 =	simm.s32 $0x400;
	[sflag:s17] =	ssyncset.done $0x0  }
0x25f: {  	s0 =	simm.s32 $0xF;
	s15 =	simm.s32 $0x40;
	[sflag:s17] =	ssyncadd.s32 $0xFFFFFFC0  }
0x260: {  	[tilespmem:s8], [sflag:$0x9] =	stream.indirect.gather [spmem:s25], $0x50, s16, s30, $0xb8;
	[tilespmem:$0x1DAF0] =	vst v63  }
0x261: {  	s31 =	simm.s32 $0x6;
	s6 =	simm.s32 $0x4000;
	_ =	swait.ge [sflag:s13], $0x1400  }
0x262: {  	s14 =	simm.s32 $0x10;
	s11 =	simm.s32 $0x7;
	[sflag:s13] =	ssyncset.done $0x0  }
0x263: {  	s24 =	simm.s32 $0x5;
	s7 =	simm.s32 $0x8;
	[sflag:s13] =	ssyncadd.s32 $0xFFFFEC00  }
.LBB2_24:
0x264: {  	[spmem:s26] =	stream.indirect.scatter.add.f32 [tilespmem:s6], [sflag:$0x10], $0x50, s2, s30, $0xb8;
	[tilespmem:$0x1DAF0] =	vst v63  }
0x265: {  	s10 =	simm.s32 $0xE  }
0x266: {  	s1 =	smov.u32 s15;
	s9 =	simm.s32 $0x280;
	_ =	swait.ge [sflag:s10], $0x1400  }
0x267: {  	s18 =	sadd.s32 s1, s19;
	[sflag:s10] =	ssyncset.done $0x0;
	s8 =	rddreg [dreg:$0x6]  }
0x268: {  	s3 =	sadd.s32 $0x68, s18;
	[sflag:s10] =	ssyncadd.s32 $0xFFFFEC00;
	s19 =	sadd.s32 s1, s8  }
0x269: {  	[tilespmem:s9], [sflag:$0x6] =	stream.linear.gather [hbm4b:s3+s16], $0x40, $0x38;
	[tilespmem:$0x1DAF0] =	vst v63  }
0x26a: {  	s12 =	sadd.s32 $0x68, s19;
	s3 =	simm.s32 $0x2C0  }
0x26b: {  	[tilespmem:s3], [sflag:$0x6] =	stream.linear.gather [hbm4b:s12+s16], $0x40, $0x38;
	[tilespmem:$0x1DAF0] =	vst v63  }
0x26c: {  	_ =	swait.ge [sflag:s20], $0x40  }
0x26d: {  	[sflag:s20] =	ssyncset.done $0x0  }
0x26e: {  	[sflag:s20] =	ssyncadd.s32 $0xFFFFFFC0  }
0x26f: {  	_ =	swait.ge [sflag:s20], $0x40  }
0x270: {  	s29 =	simm.s32 $0x1800;
	[sflag:s20] =	ssyncset.done $0x0  }
0x271: {  	s22 =	simm.s32 $0x80;
	s8 =	simm.s32 $0x9;
	[sflag:s20] =	ssyncadd.s32 $0xFFFFFFC0  }
0x272: {  	[tilespmem:s29], [sflag:$0xA] =	stream.indirect.gather [spmem:s25], $0x50, s22, s30, $0xb8;
	[tilespmem:$0x1DAF0] =	vst v63  }
0x273: {  	_ =	swait.ge [sflag:s8], $0x1400  }
0x274: {  	[sflag:s8] =	ssyncset.done $0x0  }
0x275: {  	s3 =	simm.s32 $0x400;
	[sflag:s8] =	ssyncadd.s32 $0xFFFFEC00  }
0x276: {  	[spmem:s26] =	stream.indirect.scatter.add.f32 [tilespmem:s3], [sflag:$0xD], $0x50, s30, s30, $0xb8;
	[tilespmem:$0x1DAF0] =	vst v63  }
0x277: {  	_ =	swait.ge [sflag:s0], $0x1400  }
0x278: {  	[sflag:s0] =	ssyncset.done $0x0  }
0x279: {  	s17 =	simm.s32 $0x300;
	s13 =	sadd.s32 $0x70, s18;
	[sflag:s0] =	ssyncadd.s32 $0xFFFFEC00  }
0x27a: {  	[tilespmem:s17], [sflag:$0x7] =	stream.linear.gather [hbm4b:s13+s16], $0x40, $0x38;
	[tilespmem:$0x1DAF0] =	vst v63  }
0x27b: {  	s23 =	simm.s32 $0x340;
	s20 =	sadd.s32 $0x70, s19  }
0x27c: {  	[tilespmem:s23], [sflag:$0x7] =	stream.linear.gather [hbm4b:s20+s16], $0x40, $0x38;
	[tilespmem:$0x1DAF0] =	vst v63  }
0x27d: {  	_ =	swait.ge [sflag:s21], $0x40  }
0x27e: {  	[sflag:s21] =	ssyncset.done $0x0  }
0x27f: {  	[sflag:s21] =	ssyncadd.s32 $0xFFFFFFC0  }
0x280: {  	_ =	swait.ge [sflag:s21], $0x40  }
0x281: {  	[sflag:s21] =	ssyncset.done $0x0  }
0x282: {  	s17 =	simm.s32 $0x100;
	s13 =	simm.s32 $0xA;
	[sflag:s21] =	ssyncadd.s32 $0xFFFFFFC0  }
0x283: {  	[tilespmem:s4], [sflag:$0xB] =	stream.indirect.gather [spmem:s25], $0x50, s17, s30, $0xb8;
	[tilespmem:$0x1DAF0] =	vst v63  }
0x284: {  	_ =	swait.ge [sflag:s13], $0x1400  }
0x285: {  	[sflag:s13] =	ssyncset.done $0x0  }
0x286: {  	s4 =	simm.s32 $0xC0;
	[sflag:s13] =	ssyncadd.s32 $0xFFFFEC00  }
0x287: {  	[spmem:s26] =	stream.indirect.scatter.add.f32 [tilespmem:s29], [sflag:$0xE], $0x50, s4, s30, $0xb8;
	[tilespmem:$0x1DAF0] =	vst v63  }
0x288: {  	_ =	swait.ge [sflag:s14], $0x1400  }
0x289: {  	[sflag:s14] =	ssyncset.done $0x0  }
0x28a: {  	s12 =	simm.s32 $0x380;
	s29 =	sadd.s32 $0x78, s18;
	[sflag:s14] =	ssyncadd.s32 $0xFFFFEC00  }
0x28b: {  	[tilespmem:s12], [sflag:$0x8] =	stream.linear.gather [hbm4b:s29+s16], $0x40, $0x38;
	[tilespmem:$0x1DAF0] =	vst v63  }
0x28c: {  	s2 =	simm.s32 $0x3C0;
	s12 =	sadd.s32 $0x78, s19  }
0x28d: {  	[tilespmem:s2], [sflag:$0x8] =	stream.linear.gather [hbm4b:s12+s16], $0x40, $0x38;
	[tilespmem:$0x1DAF0] =	vst v63  }
0x28e: {  	_ =	swait.ge [sflag:s5], $0x40  }
0x28f: {  	[sflag:s5] =	ssyncset.done $0x0  }
0x290: {  	[sflag:s5] =	ssyncadd.s32 $0xFFFFFFC0  }
0x291: {  	_ =	swait.ge [sflag:s5], $0x40  }
0x292: {  	s28 =	simm.s32 $0x4000;
	[sflag:s5] =	ssyncset.done $0x0  }
0x293: {  	s23 =	simm.s32 $0xB;
	s29 =	simm.s32 $0x180;
	[sflag:s5] =	ssyncadd.s32 $0xFFFFFFC0  }
0x294: {  	[tilespmem:s28], [sflag:$0xC] =	stream.indirect.gather [spmem:s25], $0x50, s29, s30, $0xb8;
	[tilespmem:$0x1DAF0] =	vst v63  }
0x295: {  	_ =	swait.ge [sflag:s23], $0x1400  }
0x296: {  	[sflag:s23] =	ssyncset.done $0x0  }
0x297: {  	s6 =	simm.s32 $0x140;
	s9 =	simm.s32 $0x2C00;
	[sflag:s23] =	ssyncadd.s32 $0xFFFFEC00  }
0x298: {  	[spmem:s26] =	stream.indirect.scatter.add.f32 [tilespmem:s9], [sflag:$0xF], $0x50, s6, s30, $0xb8;
	[tilespmem:$0x1DAF0] =	vst v63  }
0x299: {  	s9 =	simm.s32 $0xD  }
0x29a: {  	_ =	swait.ge [sflag:s9], $0x1400  }
0x29b: {  	[sflag:s9] =	ssyncset.done $0x0  }
0x29c: {  	s20 =	sadd.s32 $0x80, s18;
	[sflag:s9] =	ssyncadd.s32 $0xFFFFEC00  }
0x29d: {  	[tilespmem:s16], [sflag:$0x1] =	stream.linear.gather [hbm4b:s20+s16], $0x40, $0x38;
	[tilespmem:$0x1DAF0] =	vst v63  }
0x29e: {  	s21 =	sadd.s32 $0x80, s19;
	s28 =	simm.s32 $0x40  }
0x29f: {  	[tilespmem:s28], [sflag:$0x1] =	stream.linear.gather [hbm4b:s21+s16], $0x40, $0x38;
	[tilespmem:$0x1DAF0] =	vst v63  }
0x2a0: {  	_ =	swait.ge [sflag:s24], $0x40  }
0x2a1: {  	[sflag:s24] =	ssyncset.done $0x0  }
0x2a2: {  	[sflag:s24] =	ssyncadd.s32 $0xFFFFFFC0  }
0x2a3: {  	_ =	swait.ge [sflag:s24], $0x40  }
0x2a4: {  	[sflag:s24] =	ssyncset.done $0x0  }
0x2a5: {  	s12 =	simm.s32 $0xC;
	s21 =	simm.s32 $0x200;
	[sflag:s24] =	ssyncadd.s32 $0xFFFFFFC0  }
0x2a6: {  	[tilespmem:s3], [sflag:$0x9] =	stream.indirect.gather [spmem:s25], $0x50, s21, s28, $0xb8;
	[tilespmem:$0x1DAF0] =	vst v63  }
0x2a7: {  	_ =	swait.ge [sflag:s12], $0x1400  }
0x2a8: {  	[sflag:s12] =	ssyncset.done $0x0  }
0x2a9: {  	s30 =	simm.s32 $0x4000;
	s20 =	simm.s32 $0x1C0;
	[sflag:s12] =	ssyncadd.s32 $0xFFFFEC00  }
0x2aa: {  	[spmem:s26] =	stream.indirect.scatter.add.f32 [tilespmem:s30], [sflag:$0x10], $0x50, s20, s28, $0xb8;
	[tilespmem:$0x1DAF0] =	vst v63  }
0x2ab: {  	_ =	swait.ge [sflag:s10], $0x1400  }
0x2ac: {  	[sflag:s10] =	ssyncset.done $0x0  }
0x2ad: {  	s5 =	sadd.s32 $0x88, s18;
	[sflag:s10] =	ssyncadd.s32 $0xFFFFEC00  }
0x2ae: {  	[tilespmem:s22], [sflag:$0x2] =	stream.linear.gather [hbm4b:s5+s16], $0x40, $0x38;
	[tilespmem:$0x1DAF0] =	vst v63  }
0x2af: {  	s10 =	sadd.s32 $0x88, s19  }
0x2b0: {  	[tilespmem:s4], [sflag:$0x2] =	stream.linear.gather [hbm4b:s10+s16], $0x40, $0x38;
	[tilespmem:$0x1DAF0] =	vst v63  }
0x2b1: {  	_ =	swait.ge [sflag:s31], $0x40  }
0x2b2: {  	[sflag:s31] =	ssyncset.done $0x0  }
0x2b3: {  	[sflag:s31] =	ssyncadd.s32 $0xFFFFFFC0  }
0x2b4: {  	_ =	swait.ge [sflag:s31], $0x40  }
0x2b5: {  	[sflag:s31] =	ssyncset.done $0x0  }
0x2b6: {  	s22 =	simm.s32 $0x1800;
	s5 =	simm.s32 $0x280;
	[sflag:s31] =	ssyncadd.s32 $0xFFFFFFC0  }
0x2b7: {  	[tilespmem:s22], [sflag:$0xA] =	stream.indirect.gather [spmem:s25], $0x50, s5, s28, $0xb8;
	[tilespmem:$0x1DAF0] =	vst v63  }
0x2b8: {  	_ =	swait.ge [sflag:s8], $0x1400  }
0x2b9: {  	[sflag:s8] =	ssyncset.done $0x0  }
0x2ba: {  	s5 =	simm.s32 $0x240;
	[sflag:s8] =	ssyncadd.s32 $0xFFFFEC00  }
0x2bb: {  	[spmem:s26] =	stream.indirect.scatter.add.f32 [tilespmem:s3], [sflag:$0xD], $0x50, s5, s28, $0xb8;
	[tilespmem:$0x1DAF0] =	vst v63  }
0x2bc: {  	_ =	swait.ge [sflag:s0], $0x1400  }
0x2bd: {  	[sflag:s0] =	ssyncset.done $0x0  }
0x2be: {  	s10 =	sadd.s32 $0x90, s18;
	[sflag:s0] =	ssyncadd.s32 $0xFFFFEC00  }
0x2bf: {  	[tilespmem:s17], [sflag:$0x3] =	stream.linear.gather [hbm4b:s10+s16], $0x40, $0x38;
	[tilespmem:$0x1DAF0] =	vst v63  }
0x2c0: {  	s8 =	sadd.s32 $0x90, s19  }
0x2c1: {  	[tilespmem:s6], [sflag:$0x3] =	stream.linear.gather [hbm4b:s8+s16], $0x40, $0x38;
	[tilespmem:$0x1DAF0] =	vst v63  }
0x2c2: {  	_ =	swait.ge [sflag:s11], $0x40  }
0x2c3: {  	[sflag:s11] =	ssyncset.done $0x0  }
0x2c4: {  	[sflag:s11] =	ssyncadd.s32 $0xFFFFFFC0  }
0x2c5: {  	_ =	swait.ge [sflag:s11], $0x40  }
0x2c6: {  	[sflag:s11] =	ssyncset.done $0x0  }
0x2c7: {  	s4 =	simm.s32 $0x2C00;
	s10 =	simm.s32 $0x300;
	[sflag:s11] =	ssyncadd.s32 $0xFFFFFFC0  }
0x2c8: {  	[tilespmem:s4], [sflag:$0xB] =	stream.indirect.gather [spmem:s25], $0x50, s10, s28, $0xb8;
	[tilespmem:$0x1DAF0] =	vst v63  }
0x2c9: {  	_ =	swait.ge [sflag:s13], $0x1400  }
0x2ca: {  	[sflag:s13] =	ssyncset.done $0x0  }
0x2cb: {  	s6 =	simm.s32 $0x2C0;
	[sflag:s13] =	ssyncadd.s32 $0xFFFFEC00  }
0x2cc: {  	[spmem:s26] =	stream.indirect.scatter.add.f32 [tilespmem:s22], [sflag:$0xE], $0x50, s6, s28, $0xb8;
	[tilespmem:$0x1DAF0] =	vst v63  }
0x2cd: {  	_ =	swait.ge [sflag:s14], $0x1400  }
0x2ce: {  	[sflag:s14] =	ssyncset.done $0x0  }
0x2cf: {  	s8 =	sadd.s32 $0x98, s18;
	[sflag:s14] =	ssyncadd.s32 $0xFFFFEC00  }
0x2d0: {  	[tilespmem:s29], [sflag:$0x4] =	stream.linear.gather [hbm4b:s8+s16], $0x40, $0x38;
	[tilespmem:$0x1DAF0] =	vst v63  }
0x2d1: {  	s10 =	sadd.s32 $0x98, s19  }
0x2d2: {  	[tilespmem:s20], [sflag:$0x4] =	stream.linear.gather [hbm4b:s10+s16], $0x40, $0x38;
	[tilespmem:$0x1DAF0] =	vst v63  }
0x2d3: {  	_ =	swait.ge [sflag:s7], $0x40  }
0x2d4: {  	[sflag:s7] =	ssyncset.done $0x0  }
0x2d5: {  	[sflag:s7] =	ssyncadd.s32 $0xFFFFFFC0  }
0x2d6: {  	_ =	swait.ge [sflag:s7], $0x40  }
0x2d7: {  	[sflag:s7] =	ssyncset.done $0x0  }
0x2d8: {  	s13 =	simm.s32 $0x380;
	[sflag:s7] =	ssyncadd.s32 $0xFFFFFFC0  }
0x2d9: {  	[tilespmem:s30], [sflag:$0xC] =	stream.indirect.gather [spmem:s25], $0x50, s13, s28, $0xb8;
	[tilespmem:$0x1DAF0] =	vst v63  }
0x2da: {  	_ =	swait.ge [sflag:s23], $0x1400  }
0x2db: {  	[sflag:s23] =	ssyncset.done $0x0  }
0x2dc: {  	s30 =	simm.s32 $0x40;
	[sflag:s23] =	ssyncadd.s32 $0xFFFFEC00;
	s23 =	simm.s32 $0x340  }
0x2dd: {  	[spmem:s26] =	stream.indirect.scatter.add.f32 [tilespmem:s4], [sflag:$0xF], $0x50, s23, s30, $0xb8;
	[tilespmem:$0x1DAF0] =	vst v63  }
0x2de: {  	_ =	swait.ge [sflag:s9], $0x1400  }
0x2df: {  	[sflag:s9] =	ssyncset.done $0x0  }
0x2e0: {  	s28 =	sadd.s32 $0xA0, s18;
	[sflag:s9] =	ssyncadd.s32 $0xFFFFEC00  }
0x2e1: {  	[tilespmem:s21], [sflag:$0x5] =	stream.linear.gather [hbm4b:s28+s16], $0x40, $0x38;
	[tilespmem:$0x1DAF0] =	vst v63  }
0x2e2: {  	s17 =	simm.s32 $0x1;
	s29 =	sadd.s32 $0xA0, s19  }
0x2e3: {  	[tilespmem:s5], [sflag:$0x5] =	stream.linear.gather [hbm4b:s29+s16], $0x40, $0x38;
	[tilespmem:$0x1DAF0] =	vst v63  }
0x2e4: {  	s19 =	rddreg [dreg:$0x7];
	_ =	swait.ge [sflag:s17], $0x40  }
0x2e5: {  	[sflag:s17] =	ssyncset.done $0x0  }
0x2e6: {  	[sflag:s17] =	ssyncadd.s32 $0xFFFFFFC0  }
0x2e7: {  	_ =	swait.ge [sflag:s17], $0x40  }
0x2e8: {  	p0 =	sne.s32 s15, $0x980;
	[sflag:s17] =	ssyncset.done $0x0  }
.Ltmp11:
0x2e9: {  	[sflag:s17] =	ssyncadd.s32 $0xFFFFFFC0;
	(pc) =	sbr.rel @p0 .LBB2_24-.Ltmp11, $4  }
0x2ea: {  	[tilespmem:s3], [sflag:$0x9] =	stream.indirect.gather [spmem:s25], $0x50, s16, s30, $0xb8;
	[tilespmem:$0x1DAF0] =	vst v63  }
0x2eb: {  	s15 =	sadd.s32 $0x40, s15;
	_ =	swait.ge [sflag:s12], $0x1400  }
0x2ec: {  	s6 =	simm.s32 $0x4000;
	s20 =	simm.s32 $0x2;
	[sflag:s12] =	ssyncset.done $0x0  }
0x2ed: {  	s21 =	simm.s32 $0x3;
	s5 =	simm.s32 $0x4;
	[sflag:s12] =	ssyncadd.s32 $0xFFFFEC00  }
0x2ee: {  	[spmem:s26] =	stream.indirect.scatter.add.f32 [tilespmem:s6], [sflag:$0x10], $0x50, s2, s30, $0xb8;
	[tilespmem:$0x1DAF0] =	vst v63  }
0x2ef: {  	s1 =	simm.s32 $0xE  }
0x2f0: {  	_ =	swait.ge [sflag:s1], $0x1400  }
0x2f1: {  	[sflag:s1] =	ssyncset.done $0x0  }
0x2f2: {  	[sflag:s1] =	ssyncadd.s32 $0xFFFFEC00  }
0x2f3: {  	_ =	swait.ge [sflag:s0], $0x1400  }
0x2f4: {  	[sflag:s0] =	ssyncset.done $0x0  }
0x2f5: {  	[sflag:s0] =	ssyncadd.s32 $0xFFFFEC00  }
0x2f6: {  	_ =	swait.ge [sflag:s14], $0x1400  }
0x2f7: {  	[sflag:s14] =	ssyncset.done $0x0  }
0x2f8: {  	[sflag:s14] =	ssyncadd.s32 $0xFFFFEC00;
	s14 =	simm.s32 $0x9  }
0x2f9: {  	_ =	swait.ge [sflag:s14], $0x1400  }
0x2fa: {  	[sflag:s14] =	ssyncset.done $0x0  }
0x2fb: {  	[sflag:s14] =	ssyncadd.s32 $0xFFFFEC00  }
0x2fc: {  	_ =	swait.ge [sflag:s20], $0x40  }
0x2fd: {  	[sflag:s20] =	ssyncset.done $0x0  }
0x2fe: {  	[sflag:s20] =	ssyncadd.s32 $0xFFFFFFC0  }
0x2ff: {  	_ =	swait.ge [sflag:s20], $0x40  }
0x300: {  	[sflag:s20] =	ssyncset.done $0x0  }
0x301: {  	[sflag:s20] =	ssyncadd.s32 $0xFFFFFFC0  }
0x302: {  	_ =	swait.ge [sflag:s21], $0x40  }
0x303: {  	[sflag:s21] =	ssyncset.done $0x0  }
0x304: {  	[sflag:s21] =	ssyncadd.s32 $0xFFFFFFC0  }
0x305: {  	_ =	swait.ge [sflag:s21], $0x40  }
0x306: {  	[sflag:s21] =	ssyncset.done $0x0  }
0x307: {  	[sflag:s21] =	ssyncadd.s32 $0xFFFFFFC0  }
0x308: {  	_ =	swait.ge [sflag:s5], $0x40  }
0x309: {  	[sflag:s5] =	ssyncset.done $0x0  }
0x30a: {  	[sflag:s5] =	ssyncadd.s32 $0xFFFFFFC0  }
0x30b: {  	_ =	swait.ge [sflag:s5], $0x40  }
0x30c: {  	[sflag:s5] =	ssyncset.done $0x0  }
0x30d: {  	[sflag:s5] =	ssyncadd.s32 $0xFFFFFFC0  }
0x30e: {  	_ =	swait.ge [sflag:s24], $0x40  }
0x30f: {  	[sflag:s24] =	ssyncset.done $0x0  }
0x310: {  	[sflag:s24] =	ssyncadd.s32 $0xFFFFFFC0  }
0x311: {  	_ =	swait.ge [sflag:s24], $0x40  }
0x312: {  	[sflag:s24] =	ssyncset.done $0x0  }
0x313: {  	[sflag:s24] =	ssyncadd.s32 $0xFFFFFFC0  }
0x314: {  	[bflag:$0x0] =	sbarrier.arrive $0xFFFF  }
0x315: {  	s15 =	sld [smem:$0x7E9];
	_ =	sdelay $0x1  }
0x316: {  	s2 =	simm.s32 $0x11;
	s0 =	simm.s32 $0x400  }
0x317: {  	[tilespmem:s0], [sflag:$0x11] =	stream.linear.gather [spmem:s15], $0x1400, $0x38;
	[tilespmem:$0x1DAF0] =	vst v63  }
0x318: {  	_ =	swait.ge [sflag:s2], $0x1400  }
0x319: {  	s18 =	sld [smem:$0x7DF]  }
0x31a: {  	[sflag:s2] =	ssyncset.done $0x0  }
0x31b: {  	[sflag:s2] =	ssyncadd.s32 $0xFFFFEC00  }
0x31c: {  	[hbm4b:s18+s16] =	stream.linear.scatter [tilespmem:s0], [sflag:$0x11], $0x1400, $0x38;
	[tilespmem:$0x1DAF0] =	vst v63  }
0x31d: {  	_ =	swait.ge [sflag:s2], $0x1400  }
0x31e: {  	s19 =	sld [smem:$0x7EA]  }
0x31f: {  	[sflag:s2] =	ssyncset.done $0x0  }
0x320: {  	[sflag:s2] =	ssyncadd.s32 $0xFFFFEC00  }
0x321: {  	[tilespmem:s0], [sflag:$0x11] =	stream.linear.gather [spmem:s19], $0x1400, $0x38;
	[tilespmem:$0x1DAF0] =	vst v63  }
0x322: {  	_ =	swait.ge [sflag:s2], $0x1400  }
0x323: {  	s23 =	sld [smem:$0x7E0]  }
0x324: {  	[sflag:s2] =	ssyncset.done $0x0  }
0x325: {  	[sflag:s2] =	ssyncadd.s32 $0xFFFFEC00  }
0x326: {  	[hbm4b:s23+s16] =	stream.linear.scatter [tilespmem:s0], [sflag:$0x11], $0x1400, $0x38;
	[tilespmem:$0x1DAF0] =	vst v63  }
0x327: {  	_ =	swait.ge [sflag:s2], $0x1400  }
0x328: {  	s24 =	sld [smem:$0x7EB]  }
0x329: {  	[sflag:s2] =	ssyncset.done $0x0  }
0x32a: {  	[sflag:s2] =	ssyncadd.s32 $0xFFFFEC00  }
0x32b: {  	[tilespmem:s0], [sflag:$0x11] =	stream.linear.gather [spmem:s24], $0x1400, $0x38;
	[tilespmem:$0x1DAF0] =	vst v63  }
0x32c: {  	_ =	swait.ge [sflag:s2], $0x1400  }
0x32d: {  	s31 =	sld [smem:$0x7E1]  }
0x32e: {  	[sflag:s2] =	ssyncset.done $0x0  }
0x32f: {  	[sflag:s2] =	ssyncadd.s32 $0xFFFFEC00  }
0x330: {  	[hbm4b:s31+s16] =	stream.linear.scatter [tilespmem:s0], [sflag:$0x11], $0x1400, $0x38;
	[tilespmem:$0x1DAF0] =	vst v63  }
0x331: {  	_ =	swait.ge [sflag:s2], $0x1400  }
0x332: {  	s23 =	sld [smem:$0x7FD]  }
0x333: {  	[sflag:s2] =	ssyncset.done $0x0  }
0x334: {  	[sflag:s2] =	ssyncadd.s32 $0xFFFFEC00  }
0x335: {  	[tilespmem:s0], [sflag:$0x11] =	stream.linear.gather [spmem:s23], $0x1400, $0x38;
	[tilespmem:$0x1DAF0] =	vst v63  }
0x336: {  	_ =	swait.ge [sflag:s2], $0x1400  }
0x337: {  	s3 =	sld [smem:$0x7E2]  }
0x338: {  	[sflag:s2] =	ssyncset.done $0x0  }
0x339: {  	[sflag:s2] =	ssyncadd.s32 $0xFFFFEC00  }
0x33a: {  	[hbm4b:s3+s16] =	stream.linear.scatter [tilespmem:s0], [sflag:$0x11], $0x1400, $0x38;
	[tilespmem:$0x1DAF0] =	vst v63  }
0x33b: {  	_ =	swait.ge [sflag:s2], $0x1400  }
0x33c: {  	s6 =	sld [smem:$0x7EC]  }
0x33d: {  	[sflag:s2] =	ssyncset.done $0x0  }
0x33e: {  	[sflag:s2] =	ssyncadd.s32 $0xFFFFEC00  }
0x33f: {  	[tilespmem:s0], [sflag:$0x11] =	stream.linear.gather [spmem:s6], $0x1400, $0x38;
	[tilespmem:$0x1DAF0] =	vst v63  }
0x340: {  	_ =	swait.ge [sflag:s2], $0x1400  }
0x341: {  	s7 =	sld [smem:$0x7E3]  }
0x342: {  	[sflag:s2] =	ssyncset.done $0x0  }
0x343: {  	[sflag:s2] =	ssyncadd.s32 $0xFFFFEC00  }
0x344: {  	[hbm4b:s7+s16] =	stream.linear.scatter [tilespmem:s0], [sflag:$0x11], $0x1400, $0x38;
	[tilespmem:$0x1DAF0] =	vst v63  }
0x345: {  	_ =	swait.ge [sflag:s2], $0x1400  }
0x346: {  	s8 =	sld [smem:$0x7ED]  }
0x347: {  	[sflag:s2] =	ssyncset.done $0x0  }
0x348: {  	[sflag:s2] =	ssyncadd.s32 $0xFFFFEC00  }
0x349: {  	[tilespmem:s0], [sflag:$0x11] =	stream.linear.gather [spmem:s8], $0x1400, $0x38;
	[tilespmem:$0x1DAF0] =	vst v63  }
0x34a: {  	_ =	swait.ge [sflag:s2], $0x1400  }
0x34b: {  	s9 =	sld [smem:$0x7E4]  }
0x34c: {  	[sflag:s2] =	ssyncset.done $0x0  }
0x34d: {  	[sflag:s2] =	ssyncadd.s32 $0xFFFFEC00  }
0x34e: {  	[hbm4b:s9+s16] =	stream.linear.scatter [tilespmem:s0], [sflag:$0x11], $0x1400, $0x38;
	[tilespmem:$0x1DAF0] =	vst v63  }
0x34f: {  	_ =	swait.ge [sflag:s2], $0x1400  }
0x350: {  	s10 =	sld [smem:$0x7EE]  }
0x351: {  	[sflag:s2] =	ssyncset.done $0x0  }
0x352: {  	[sflag:s2] =	ssyncadd.s32 $0xFFFFEC00  }
0x353: {  	[tilespmem:s0], [sflag:$0x11] =	stream.linear.gather [spmem:s10], $0x1400, $0x38;
	[tilespmem:$0x1DAF0] =	vst v63  }
0x354: {  	_ =	swait.ge [sflag:s2], $0x1400  }
0x355: {  	s11 =	sld [smem:$0x7E5]  }
0x356: {  	[sflag:s2] =	ssyncset.done $0x0  }
0x357: {  	[sflag:s2] =	ssyncadd.s32 $0xFFFFEC00  }
0x358: {  	[hbm4b:s11+s16] =	stream.linear.scatter [tilespmem:s0], [sflag:$0x11], $0x1400, $0x38;
	[tilespmem:$0x1DAF0] =	vst v63  }
0x359: {  	_ =	swait.ge [sflag:s2], $0x1400  }
0x35a: {  	s12 =	sld [smem:$0x7EF]  }
0x35b: {  	[sflag:s2] =	ssyncset.done $0x0  }
0x35c: {  	[sflag:s2] =	ssyncadd.s32 $0xFFFFEC00  }
0x35d: {  	[tilespmem:s0], [sflag:$0x11] =	stream.linear.gather [spmem:s12], $0x1400, $0x38;
	[tilespmem:$0x1DAF0] =	vst v63  }
0x35e: {  	_ =	swait.ge [sflag:s2], $0x1400  }
0x35f: {  	s13 =	sld [smem:$0x7E6]  }
0x360: {  	[sflag:s2] =	ssyncset.done $0x0  }
0x361: {  	[sflag:s2] =	ssyncadd.s32 $0xFFFFEC00  }
0x362: {  	[hbm4b:s13+s16] =	stream.linear.scatter [tilespmem:s0], [sflag:$0x11], $0x1400, $0x38;
	[tilespmem:$0x1DAF0] =	vst v63  }
0x363: {  	_ =	swait.ge [sflag:s2], $0x1400  }
0x364: {  	s14 =	sld [smem:$0x7F0]  }
0x365: {  	[sflag:s2] =	ssyncset.done $0x0  }
0x366: {  	[sflag:s2] =	ssyncadd.s32 $0xFFFFEC00  }
0x367: {  	[tilespmem:s0], [sflag:$0x11] =	stream.linear.gather [spmem:s14], $0x1400, $0x38;
	[tilespmem:$0x1DAF0] =	vst v63  }
0x368: {  	_ =	swait.ge [sflag:s2], $0x1400  }
0x369: {  	s15 =	sld [smem:$0x7E7]  }
0x36a: {  	[sflag:s2] =	ssyncset.done $0x0  }
0x36b: {  	[sflag:s2] =	ssyncadd.s32 $0xFFFFEC00  }
0x36c: {  	[hbm4b:s15+s16] =	stream.linear.scatter [tilespmem:s0], [sflag:$0x11], $0x1400, $0x38;
	[tilespmem:$0x1DAF0] =	vst v63  }
0x36d: {  	_ =	swait.ge [sflag:s2], $0x1400  }
0x36e: {  	s18 =	sld [smem:$0x7F1]  }
0x36f: {  	[sflag:s2] =	ssyncset.done $0x0  }
0x370: {  	[sflag:s2] =	ssyncadd.s32 $0xFFFFEC00  }
0x371: {  	[tilespmem:s0], [sflag:$0x11] =	stream.linear.gather [spmem:s18], $0xFA0, $0x38;
	[tilespmem:$0x1DAF0] =	vst v63  }
0x372: {  	_ =	swait.ge [sflag:s2], $0xFA0  }
0x373: {  	s19 =	sld [smem:$0x7E8]  }
0x374: {  	[sflag:s2] =	ssyncset.done $0x0  }
0x375: {  	[sflag:s2] =	ssyncadd.s32 $0xFFFFF060  }
0x376: {  	[hbm4b:s19+s16] =	stream.linear.scatter [tilespmem:s0], [sflag:$0x11], $0xFA0, $0x38;
	[tilespmem:$0x1DAF0] =	vst v63  }
0x377: {  	_ =	swait.ge [sflag:s2], $0xFA0  }
0x378: {  	s24 =	sld [smem:$0x7D4]  }
0x379: {  	s31 =	sld [smem:$0x7FC];
	_ =	sdelay $0x1  }
0x37a: {  	s6 =	sadd.s32 $0x1, s24  }
0x37b: {  	p0 =	sne.s32 s6, s31  }
.Ltmp12:
0x37c: {  	_ = 	snop;
	(pc) =	sbr.rel @p0 .LBB2_1-.Ltmp12, $3  }
0x37d: {  	_ =	sdelay $0x1  }
0x37e: {  	s28 =	simm.s32 $0x6;
	s29 =	simm.s32 $0x8;
	[sflag:s2] =	ssyncset.done $0x0  }
0x37f: {  	s10 =	simm.s32 $0x5;
	s0 =	simm.s32 $0x7;
	[sflag:s2] =	ssyncadd.s32 $0xFFFFF060  }
0x380: {  	_ =	sfence.sel $0x180000  }
0x381: {  	[bflag:$0x0] =	sbarrier.arrive $0xFFFF  }
0x382: {  	_ =	strace $0x90000047  }
0x383: {  	s0 =	stileid.u32;
	[bflag:$0x2] =	sbarrier.arrive $0xFFFF  }
0x384: {  	p0 =	sne.s32 s0, $0x0;
	s0 =	rddreg [dreg:$0x5]  }
0x385: {  	s0 =	sadd.s32 @!p0 $0x100000, s0  }
0x386: {  	[sflag:s0] =	ssyncadd.tile.s32 @!p0 $0x1;
	_ =	shalt  }
.Lfunc_end2:
_tile_overlayer_lowered:
.L_overlay_start_2:
0x387: {  	(tag) =	ssettag $0x2  }
0x388: {  	s0 =	rddreg [dreg:$0x0];
	s2 =	stileid.u32  }
0x389: {  	s1 =	rddreg [dreg:$0x1];
	p0 =	sne.s32 s2, $0x0  }
0x38a: {  	s3 =	rddreg [dreg:$0x2];
	[bflag:$0x3] =	sbarrier.arrive $0xFFFF;
	s2 =	simm.s32 @!p0 $0x1C11  }
0x38b: {  	[timem:s3], [sflag:s2] =	dma.local @!p0 [hbm:s0], s1  }
0x38c: {  	s0 =	simm.s32 @!p0 $0x11  }
0x38d: {  	_ =	swait.ge @!p0 [sflag:s0], s1  }
0x38e: {  	s1 =	ssub.s32 @!p0 $0x0, s1;
	[sflag:s0] =	ssyncset.done @!p0 $0x0  }
0x38f: {  	[sflag:s0] =	ssyncadd.s32 @!p0 s1  }
0x390: {  	[bflag:$0x3] =	sbarrier.arrive $0xFFFF  }
0x391: {  	_ =	shalt  }

</sc_bundles>
